<compile_context>
chip_gen: v7x
topology: tpu7x:2x2x1
jax: 0.10.2.dev20260603
libtpu: 0.0.44.dev20260713+nightly
codegen_flags: <defaults>
</compile_context>

<pallas_src>
import functools

import jax
import jax.numpy as jnp
from jax import lax
from jax.experimental import pallas as pl
from jax.experimental.pallas import tpu as pltpu
from jax.experimental.pallas import tpu_sc as plsc

_E = 16
_K = 64
_R = 768
_A = 16
_ARITY = 3
_TILE = 1024
_N = 32768

_NC = 2
_NS = 16
_NW = _NC * _NS
_PER_W = _N // _NW
_CHUNK = 64
_NCHUNK = _PER_W // _CHUNK


def _centroid_body(atoms_ref, cw_ref, cl_ref, out_ref):
    iota_a = jax.lax.broadcasted_iota(jnp.int32, (_K, _A), 1)
    ab = jnp.sign(atoms_ref[0])
    acc = jnp.zeros((_K, _R), jnp.float32)
    for b in range(_ARITY):
        lg = cl_ref[0, :, b, :]
        z = lg - jnp.max(lg, axis=-1, keepdims=True)
        ez = jnp.exp(z)
        soft = ez / jnp.sum(ez, axis=-1, keepdims=True)
        m = jnp.max(soft, axis=-1, keepdims=True)
        idx = jnp.min(jnp.where(soft == m, iota_a, _A), axis=-1,
                      keepdims=True)
        onehot = (iota_a == idx).astype(jnp.float32)
        sel = jax.lax.dot_general(
            onehot, ab, (((1,), (0,)), ((), ())),
            preferred_element_type=jnp.float32)
        acc = acc + sel * cw_ref[0, :, b:b + 1]
    cw = jnp.sign(acc)
    out_ref[0] = jnp.sum(cw, axis=0, keepdims=True) * (1.0 / _K)


def _router_body(x_ref, w_ref, e0_ref, e1_ref, g0_ref, g1_ref, aux_ref):
    step = pl.program_id(0)
    xt = x_ref[...]
    logits = jax.lax.dot_general(
        xt, w_ref[...], (((1,), (1,)), ((), ())),
        preferred_element_type=jnp.float32)
    lt = jnp.transpose(logits)

    z = lt - jnp.max(lt, axis=0, keepdims=True)
    ez = jnp.exp(z)
    probs = ez / jnp.sum(ez, axis=0, keepdims=True)

    iota_e = jax.lax.broadcasted_iota(jnp.int32, (_E, _TILE), 0)
    m0 = jnp.max(probs, axis=0, keepdims=True)
    i0 = jnp.min(jnp.where(probs == m0, iota_e, _E), axis=0, keepdims=True)
    masked = jnp.where(iota_e == i0, -1.0, probs)
    m1 = jnp.max(masked, axis=0, keepdims=True)
    i1 = jnp.min(jnp.where(masked == m1, iota_e, _E), axis=0, keepdims=True)
    inv = 1.0 / (m0 + m1)
    e0_ref[...] = i0[0]
    e1_ref[...] = i1[0]
    g0_ref[...] = (m0 * inv)[0]
    g1_ref[...] = (m1 * inv)[0]

    col0 = jnp.sum(probs, axis=1, keepdims=True)
    col1 = jnp.sum((probs > 0).astype(jnp.float32), axis=1, keepdims=True)
    aux_val = jnp.concatenate([col0, col1], axis=1)

    @pl.when(step == 0)
    def _():
        aux_ref[...] = jnp.zeros_like(aux_ref)

    aux_ref[...] += aux_val


def _combine_body(e0_hbm, e1_hbm, g0_hbm, g1_hbm, cent_hbm, out_hbm,
                  cent_v, outa_v, outb_v, e0_v, e1_v, g0_v, g1_v, sem):
    wid = lax.axis_index("s") * _NC + lax.axis_index("c")
    tok0 = wid * _PER_W
    pltpu.sync_copy(cent_hbm, cent_v)
    pltpu.sync_copy(e0_hbm.at[pl.ds(tok0, _PER_W)],
                    e0_v.at[pl.ds(0, _PER_W)])
    pltpu.sync_copy(e1_hbm.at[pl.ds(tok0, _PER_W)],
                    e1_v.at[pl.ds(0, _PER_W)])
    pltpu.sync_copy(g0_hbm.at[pl.ds(tok0, _PER_W)],
                    g0_v.at[pl.ds(0, _PER_W)])
    pltpu.sync_copy(g1_hbm.at[pl.ds(tok0, _PER_W)],
                    g1_v.at[pl.ds(0, _PER_W)])

    def process(buf, base):
        @plsc.parallel_loop(0, _CHUNK, 1, unroll=4)
        def _(t):
            tok = base + t
            e0 = e0_v[pl.ds(tok, 16)][0]
            e1 = e1_v[pl.ds(tok, 16)][0]
            g0 = g0_v[pl.ds(tok, 16)][0]
            g1 = g1_v[pl.ds(tok, 16)][0]
            for j in range(_R // 16):
                c0 = cent_v[e0, pl.ds(j * 16, 16)]
                c1 = cent_v[e1, pl.ds(j * 16, 16)]
                buf[t, pl.ds(j * 16, 16)] = c0 * g0 + c1 * g1

    def outer(ch2, carry):
        base = ch2 * (2 * _CHUNK)

        @pl.when(ch2 > 0)
        def _():
            pltpu.make_async_copy(
                outa_v, out_hbm.at[pl.ds(tok0, _CHUNK)], sem).wait()

        process(outa_v, base)
        pltpu.async_copy(
            outa_v, out_hbm.at[pl.ds(tok0 + base, _CHUNK)], sem)

        @pl.when(ch2 > 0)
        def _():
            pltpu.make_async_copy(
                outb_v, out_hbm.at[pl.ds(tok0, _CHUNK)], sem).wait()

        process(outb_v, base + _CHUNK)
        pltpu.async_copy(
            outb_v, out_hbm.at[pl.ds(tok0 + base + _CHUNK, _CHUNK)], sem)
        return carry

    lax.fori_loop(0, _NCHUNK // 2, outer, 0)
    pltpu.make_async_copy(outa_v, out_hbm.at[pl.ds(tok0, _CHUNK)],
                          sem).wait()
    pltpu.make_async_copy(outb_v, out_hbm.at[pl.ds(tok0, _CHUNK)],
                          sem).wait()


@functools.lru_cache(maxsize=1)
def _make_combine():
    return pl.kernel(
        _combine_body,
        out_type=jax.ShapeDtypeStruct((_N, _R), jnp.float32),
        mesh=plsc.VectorSubcoreMesh(core_axis_name="c",
                                    subcore_axis_name="s"),
        scratch_types=[
            pltpu.VMEM((_E, _R), jnp.float32),
            pltpu.VMEM((_CHUNK, _R), jnp.float32),
            pltpu.VMEM((_CHUNK, _R), jnp.float32),
            pltpu.VMEM((_PER_W + 16,), jnp.int32),
            pltpu.VMEM((_PER_W + 16,), jnp.int32),
            pltpu.VMEM((_PER_W + 16,), jnp.float32),
            pltpu.VMEM((_PER_W + 16,), jnp.float32),
            pltpu.SemaphoreType.DMA,
        ],
    )


@jax.jit
def kernel(x_latent, W_router, atoms, combo_weights, combo_logits):
    B, S, R = x_latent.shape
    N = B * S
    x2 = x_latent.reshape(N, R)

    centroids = pl.pallas_call(
        _centroid_body,
        grid=(_E,),
        in_specs=[
            pl.BlockSpec((1, _A, _R), lambda e: (e, 0, 0)),
            pl.BlockSpec((1, _K, _ARITY), lambda e: (e, 0, 0)),
            pl.BlockSpec((1, _K, _ARITY, _A), lambda e: (e, 0, 0, 0)),
        ],
        out_specs=pl.BlockSpec((1, 1, _R), lambda e: (e, 0, 0)),
        out_shape=jax.ShapeDtypeStruct((_E, 1, _R), jnp.float32),
    )(atoms, combo_weights, combo_logits)
    centroids = centroids.reshape(_E, _R)

    grid = N // _TILE
    e0a, e1a, g0a, g1a, aux = pl.pallas_call(
        _router_body,
        grid=(grid,),
        in_specs=[
            pl.BlockSpec((_TILE, R), lambda i: (i, 0)),
            pl.BlockSpec((_E, R), lambda i: (0, 0)),
        ],
        out_specs=[
            pl.BlockSpec((_TILE,), lambda i: (i,)),
            pl.BlockSpec((_TILE,), lambda i: (i,)),
            pl.BlockSpec((_TILE,), lambda i: (i,)),
            pl.BlockSpec((_TILE,), lambda i: (i,)),
            pl.BlockSpec((_E, 2), lambda i: (0, 0)),
        ],
        out_shape=[
            jax.ShapeDtypeStruct((N,), jnp.int32),
            jax.ShapeDtypeStruct((N,), jnp.int32),
            jax.ShapeDtypeStruct((N,), jnp.float32),
            jax.ShapeDtypeStruct((N,), jnp.float32),
            jax.ShapeDtypeStruct((_E, 2), jnp.float32),
        ],
        compiler_params=pltpu.CompilerParams(
            dimension_semantics=("arbitrary",)),
    )(x2, W_router)

    combined = _make_combine()(e0a, e1a, g0a, g1a, centroids)

    inv_n = 1.0 / N
    aux_loss = _E * jnp.sum((aux[:, 0] * inv_n) * (aux[:, 1] * inv_n))
    return combined.reshape(B, S, R), aux_loss

# --- scband reference (transcript-rebuilt; emitter-appended) ---
"""Pipeline reference for scband-mo-ecodebook-31147102830874 (READ-ONLY COPY).

The authoritative reference and input builder live on the scoring server;
editing this copy changes nothing except your own understanding.
"""

import jax, jax.numpy as jnp
import numpy as np

E = 16
K = 64
R = 768
NUM_ATOMS = 16
ARITY = 3
TOPK = 2
B = 4
S = 8192


def setup_inputs(seed: int = 0) -> dict:
    key = jax.random.key(seed)
    ks = jax.random.split(key, 5)
    x_latent = jax.random.normal(ks[0], (B, S, R), dtype=jnp.float32)
    W_router = jax.random.normal(ks[1], (E, R), dtype=jnp.float32) / np.sqrt(R)
    atoms = jax.random.normal(ks[2], (E, NUM_ATOMS, R), dtype=jnp.float32) * 0.01
    combo_weights = jax.random.uniform(ks[3], (E, K, ARITY), dtype=jnp.float32) * 0.5 + 0.25
    combo_logits = jax.random.normal(ks[4], (E, K, ARITY, NUM_ATOMS), dtype=jnp.float32) * 0.01
    return {
        "x_latent": x_latent,
        "W_router": W_router,
        "atoms": atoms,
        "combo_weights": combo_weights,
        "combo_logits": combo_logits,
    }


def _get_codewords(atoms, combo_weights, combo_logits, temperature=1.0):
    # Vectorized over experts. Mirrors CodebookExpert.get_codewords (hard path).
    t = max(temperature, 0.1)
    atoms_binary = jnp.sign(atoms)  # [E, A, R]
    combo_soft = jax.nn.softmax(combo_logits / t, axis=-1)  # [E, K, ARITY, A]
    combo_hard_idx = jnp.argmax(combo_soft, axis=-1)  # [E, K, ARITY]
    combo_hard = jax.nn.one_hot(combo_hard_idx, NUM_ATOMS, dtype=jnp.float32)
    selected = jnp.einsum('ekba,ear->ekbr', combo_hard, atoms_binary)  # [E, K, ARITY, R]
    weighted = selected * combo_weights[..., None]
    combined = weighted.sum(axis=2)  # [E, K, R]
    return jnp.sign(combined)


def reference(x_latent, W_router, atoms, combo_weights, combo_logits):
    temperature = 1.0
    t = max(temperature, 0.1)
    # router: nn.Linear(r, num_experts, bias=False) -> x @ W.T
    router_logits = jnp.einsum('bsr,er->bse', x_latent, W_router)  # [B, S, E]
    probs_t = jax.nn.softmax(router_logits / t, axis=-1)
    gates, expert_ids = jax.lax.top_k(probs_t, TOPK)  # [B, S, TOPK]
    gates = gates / gates.sum(axis=-1, keepdims=True)
    expert_codebooks = _get_codewords(atoms, combo_weights, combo_logits, temperature)  # [E, K, R]
    router_prob = jax.nn.softmax(router_logits, axis=-1)
    aux_loss = E * (router_prob.mean(axis=(0, 1)) * (router_prob > 0).astype(jnp.float32).mean(axis=(0, 1))).sum()
    centroids = expert_codebooks.mean(axis=1)  # [E, R]
    # expert_gate[b,s,e] = gates[...,0]*(ids[...,0]==e) + gates[...,1]*(ids[...,1]==e)
    eg = (gates[..., 0, None] * jax.nn.one_hot(expert_ids[..., 0], E, dtype=jnp.float32)
          + gates[..., 1, None] * jax.nn.one_hot(expert_ids[..., 1], E, dtype=jnp.float32))  # [B, S, E]
    combined = jnp.einsum('bse,er->bsr', eg, centroids)  # [B, S, R]
    return combined, aux_loss

if __name__ == "__main__":
    import jax
    _d = setup_inputs()
    print(jax.jit(kernel)(*tuple(_d.values())))

</pallas_src>

<mosaic_0001>
#map = affine_map<(d0, d1) -> (0)>
#map1 = affine_map<(d0, d1) -> (0, 0)>
module attributes {stable_mosaic.version = 14 : i64} {
  func.func @_combine_body(%arg0: i32, %arg1: i32, %arg2: memref<32768xi32, #tpu.memory_space<hbm>>, %arg3: memref<32768xi32, #tpu.memory_space<hbm>>, %arg4: memref<32768xf32, #tpu.memory_space<hbm>>, %arg5: memref<32768xf32, #tpu.memory_space<hbm>>, %arg6: memref<16x768xf32, #tpu.memory_space<hbm>>, %arg7: memref<32768x768xf32, #tpu.memory_space<hbm>>, %arg8: memref<16x768xf32, #tpu.memory_space<vmem>>, %arg9: memref<64x768xf32, #tpu.memory_space<vmem>>, %arg10: memref<64x768xf32, #tpu.memory_space<vmem>>, %arg11: memref<1040xi32, #tpu.memory_space<vmem>>, %arg12: memref<1040xi32, #tpu.memory_space<vmem>>, %arg13: memref<1040xf32, #tpu.memory_space<vmem>>, %arg14: memref<1040xf32, #tpu.memory_space<vmem>>, %arg15: memref<!tpu.dma_semaphore, #tpu.memory_space<semaphore_mem>>) attributes {dimension_semantics = [#tpu.dimension_semantics<core_parallel>, #tpu.dimension_semantics<subcore_parallel>], iteration_bounds = array<i64: 2, 16>, scalar_prefetch = 0 : i64, scratch_operands = 8 : i64, tpu.core_type = #tpu.core_type<sc_vector_subcore>, window_params = [{transform_indices = #map}, {transform_indices = #map}, {transform_indices = #map}, {transform_indices = #map}, {transform_indices = #map1}, {transform_indices = #map1}]} {
    %mul3A = arith.constant 2 : i32
    %mul3A_0 = arith.muli %arg1, %mul3A : i32
    %add3A = arith.addi %mul3A_0, %arg0 : i32
    %mul3A_1 = arith.constant 1024 : i32
    %mul3A_2 = arith.muli %add3A, %mul3A_1 : i32
    "tpu.region"() ({
      %run_scoped3A = tpu.sem_alloc : memref<!tpu.dma_semaphore, #tpu.memory_space<semaphore_mem>>
      tpu.enqueue_dma source(%arg6 : memref<16x768xf32, #tpu.memory_space<hbm>>) target(%arg8 : memref<16x768xf32, #tpu.memory_space<vmem>>) target_semaphore(%run_scoped3A : memref<!tpu.dma_semaphore, #tpu.memory_space<semaphore_mem>>)
      tpu.wait_dma2 semaphore(%run_scoped3A : memref<!tpu.dma_semaphore, #tpu.memory_space<semaphore_mem>>) src(%arg6 : memref<16x768xf32, #tpu.memory_space<hbm>>) dst(%arg8 : memref<16x768xf32, #tpu.memory_space<vmem>>)
      tpu.yield
    }) : () -> ()
    "tpu.region"() ({
      %run_scoped3A = tpu.sem_alloc : memref<!tpu.dma_semaphore, #tpu.memory_space<semaphore_mem>>
      %dma_start3A = arith.constant 0 : i32
      %dma_start3A_15 = tpu.memref_slice %arg11[%dma_start3A] : memref<1040xi32, #tpu.memory_space<vmem>> -> memref<1024xi32, #tpu.memory_space<vmem>>
      %dma_start3A_16 = tpu.memref_slice %arg2[%mul3A_2] : memref<32768xi32, #tpu.memory_space<hbm>> -> memref<1024xi32, #tpu.memory_space<hbm>>
      %dma_start3A_17 = arith.constant 0 : i32
      %dma_start3A_18 = tpu.memref_slice %arg11[%dma_start3A_17] : memref<1040xi32, #tpu.memory_space<vmem>> -> memref<1024xi32, #tpu.memory_space<vmem>>
      %dma_start3A_19 = tpu.memref_slice %arg2[%mul3A_2] : memref<32768xi32, #tpu.memory_space<hbm>> -> memref<1024xi32, #tpu.memory_space<hbm>>
      tpu.enqueue_dma source(%dma_start3A_19 : memref<1024xi32, #tpu.memory_space<hbm>>) target(%dma_start3A_18 : memref<1024xi32, #tpu.memory_space<vmem>>) target_semaphore(%run_scoped3A : memref<!tpu.dma_semaphore, #tpu.memory_space<semaphore_mem>>)
      %dma_wait3A_20 = arith.constant 0 : i32
      %dma_wait3A_21 = tpu.memref_slice %arg11[%dma_wait3A_20] : memref<1040xi32, #tpu.memory_space<vmem>> -> memref<1024xi32, #tpu.memory_space<vmem>>
      %dma_wait3A_22 = tpu.memref_slice %arg2[%mul3A_2] : memref<32768xi32, #tpu.memory_space<hbm>> -> memref<1024xi32, #tpu.memory_space<hbm>>
      %dma_wait3A_23 = arith.constant 0 : i32
      %dma_wait3A_24 = tpu.memref_slice %arg11[%dma_wait3A_23] : memref<1040xi32, #tpu.memory_space<vmem>> -> memref<1024xi32, #tpu.memory_space<vmem>>
      %dma_wait3A_25 = tpu.memref_slice %arg2[%mul3A_2] : memref<32768xi32, #tpu.memory_space<hbm>> -> memref<1024xi32, #tpu.memory_space<hbm>>
      tpu.wait_dma2 semaphore(%run_scoped3A : memref<!tpu.dma_semaphore, #tpu.memory_space<semaphore_mem>>) src(%dma_wait3A_25 : memref<1024xi32, #tpu.memory_space<hbm>>) dst(%dma_wait3A_24 : memref<1024xi32, #tpu.memory_space<vmem>>)
      tpu.yield
    }) : () -> ()
    "tpu.region"() ({
      %run_scoped3A = tpu.sem_alloc : memref<!tpu.dma_semaphore, #tpu.memory_space<semaphore_mem>>
      %dma_start3A = arith.constant 0 : i32
      %dma_start3A_15 = tpu.memref_slice %arg12[%dma_start3A] : memref<1040xi32, #tpu.memory_space<vmem>> -> memref<1024xi32, #tpu.memory_space<vmem>>
      %dma_start3A_16 = tpu.memref_slice %arg3[%mul3A_2] : memref<32768xi32, #tpu.memory_space<hbm>> -> memref<1024xi32, #tpu.memory_space<hbm>>
      %dma_start3A_17 = arith.constant 0 : i32
      %dma_start3A_18 = tpu.memref_slice %arg12[%dma_start3A_17] : memref<1040xi32, #tpu.memory_space<vmem>> -> memref<1024xi32, #tpu.memory_space<vmem>>
      %dma_start3A_19 = tpu.memref_slice %arg3[%mul3A_2] : memref<32768xi32, #tpu.memory_space<hbm>> -> memref<1024xi32, #tpu.memory_space<hbm>>
      tpu.enqueue_dma source(%dma_start3A_19 : memref<1024xi32, #tpu.memory_space<hbm>>) target(%dma_start3A_18 : memref<1024xi32, #tpu.memory_space<vmem>>) target_semaphore(%run_scoped3A : memref<!tpu.dma_semaphore, #tpu.memory_space<semaphore_mem>>)
      %dma_wait3A_20 = arith.constant 0 : i32
      %dma_wait3A_21 = tpu.memref_slice %arg12[%dma_wait3A_20] : memref<1040xi32, #tpu.memory_space<vmem>> -> memref<1024xi32, #tpu.memory_space<vmem>>
      %dma_wait3A_22 = tpu.memref_slice %arg3[%mul3A_2] : memref<32768xi32, #tpu.memory_space<hbm>> -> memref<1024xi32, #tpu.memory_space<hbm>>
      %dma_wait3A_23 = arith.constant 0 : i32
      %dma_wait3A_24 = tpu.memref_slice %arg12[%dma_wait3A_23] : memref<1040xi32, #tpu.memory_space<vmem>> -> memref<1024xi32, #tpu.memory_space<vmem>>
      %dma_wait3A_25 = tpu.memref_slice %arg3[%mul3A_2] : memref<32768xi32, #tpu.memory_space<hbm>> -> memref<1024xi32, #tpu.memory_space<hbm>>
      tpu.wait_dma2 semaphore(%run_scoped3A : memref<!tpu.dma_semaphore, #tpu.memory_space<semaphore_mem>>) src(%dma_wait3A_25 : memref<1024xi32, #tpu.memory_space<hbm>>) dst(%dma_wait3A_24 : memref<1024xi32, #tpu.memory_space<vmem>>)
      tpu.yield
    }) : () -> ()
    "tpu.region"() ({
      %run_scoped3A = tpu.sem_alloc : memref<!tpu.dma_semaphore, #tpu.memory_space<semaphore_mem>>
      %dma_start3A = arith.constant 0 : i32
      %dma_start3A_15 = tpu.memref_slice %arg13[%dma_start3A] : memref<1040xf32, #tpu.memory_space<vmem>> -> memref<1024xf32, #tpu.memory_space<vmem>>
      %dma_start3A_16 = tpu.memref_slice %arg4[%mul3A_2] : memref<32768xf32, #tpu.memory_space<hbm>> -> memref<1024xf32, #tpu.memory_space<hbm>>
      %dma_start3A_17 = arith.constant 0 : i32
      %dma_start3A_18 = tpu.memref_slice %arg13[%dma_start3A_17] : memref<1040xf32, #tpu.memory_space<vmem>> -> memref<1024xf32, #tpu.memory_space<vmem>>
      %dma_start3A_19 = tpu.memref_slice %arg4[%mul3A_2] : memref<32768xf32, #tpu.memory_space<hbm>> -> memref<1024xf32, #tpu.memory_space<hbm>>
      tpu.enqueue_dma source(%dma_start3A_19 : memref<1024xf32, #tpu.memory_space<hbm>>) target(%dma_start3A_18 : memref<1024xf32, #tpu.memory_space<vmem>>) target_semaphore(%run_scoped3A : memref<!tpu.dma_semaphore, #tpu.memory_space<semaphore_mem>>)
      %dma_wait3A_20 = arith.constant 0 : i32
      %dma_wait3A_21 = tpu.memref_slice %arg13[%dma_wait3A_20] : memref<1040xf32, #tpu.memory_space<vmem>> -> memref<1024xf32, #tpu.memory_space<vmem>>
      %dma_wait3A_22 = tpu.memref_slice %arg4[%mul3A_2] : memref<32768xf32, #tpu.memory_space<hbm>> -> memref<1024xf32, #tpu.memory_space<hbm>>
      %dma_wait3A_23 = arith.constant 0 : i32
      %dma_wait3A_24 = tpu.memref_slice %arg13[%dma_wait3A_23] : memref<1040xf32, #tpu.memory_space<vmem>> -> memref<1024xf32, #tpu.memory_space<vmem>>
      %dma_wait3A_25 = tpu.memref_slice %arg4[%mul3A_2] : memref<32768xf32, #tpu.memory_space<hbm>> -> memref<1024xf32, #tpu.memory_space<hbm>>
      tpu.wait_dma2 semaphore(%run_scoped3A : memref<!tpu.dma_semaphore, #tpu.memory_space<semaphore_mem>>) src(%dma_wait3A_25 : memref<1024xf32, #tpu.memory_space<hbm>>) dst(%dma_wait3A_24 : memref<1024xf32, #tpu.memory_space<vmem>>)
      tpu.yield
    }) : () -> ()
    "tpu.region"() ({
      %run_scoped3A = tpu.sem_alloc : memref<!tpu.dma_semaphore, #tpu.memory_space<semaphore_mem>>
      %dma_start3A = arith.constant 0 : i32
      %dma_start3A_15 = tpu.memref_slice %arg14[%dma_start3A] : memref<1040xf32, #tpu.memory_space<vmem>> -> memref<1024xf32, #tpu.memory_space<vmem>>
      %dma_start3A_16 = tpu.memref_slice %arg5[%mul3A_2] : memref<32768xf32, #tpu.memory_space<hbm>> -> memref<1024xf32, #tpu.memory_space<hbm>>
      %dma_start3A_17 = arith.constant 0 : i32
      %dma_start3A_18 = tpu.memref_slice %arg14[%dma_start3A_17] : memref<1040xf32, #tpu.memory_space<vmem>> -> memref<1024xf32, #tpu.memory_space<vmem>>
      %dma_start3A_19 = tpu.memref_slice %arg5[%mul3A_2] : memref<32768xf32, #tpu.memory_space<hbm>> -> memref<1024xf32, #tpu.memory_space<hbm>>
      tpu.enqueue_dma source(%dma_start3A_19 : memref<1024xf32, #tpu.memory_space<hbm>>) target(%dma_start3A_18 : memref<1024xf32, #tpu.memory_space<vmem>>) target_semaphore(%run_scoped3A : memref<!tpu.dma_semaphore, #tpu.memory_space<semaphore_mem>>)
      %dma_wait3A_20 = arith.constant 0 : i32
      %dma_wait3A_21 = tpu.memref_slice %arg14[%dma_wait3A_20] : memref<1040xf32, #tpu.memory_space<vmem>> -> memref<1024xf32, #tpu.memory_space<vmem>>
      %dma_wait3A_22 = tpu.memref_slice %arg5[%mul3A_2] : memref<32768xf32, #tpu.memory_space<hbm>> -> memref<1024xf32, #tpu.memory_space<hbm>>
      %dma_wait3A_23 = arith.constant 0 : i32
      %dma_wait3A_24 = tpu.memref_slice %arg14[%dma_wait3A_23] : memref<1040xf32, #tpu.memory_space<vmem>> -> memref<1024xf32, #tpu.memory_space<vmem>>
      %dma_wait3A_25 = tpu.memref_slice %arg5[%mul3A_2] : memref<32768xf32, #tpu.memory_space<hbm>> -> memref<1024xf32, #tpu.memory_space<hbm>>
      tpu.wait_dma2 semaphore(%run_scoped3A : memref<!tpu.dma_semaphore, #tpu.memory_space<semaphore_mem>>) src(%dma_wait3A_25 : memref<1024xf32, #tpu.memory_space<hbm>>) dst(%dma_wait3A_24 : memref<1024xf32, #tpu.memory_space<vmem>>)
      tpu.yield
    }) : () -> ()
    %scan3A = arith.constant 0 : i32
    %scan3A_3 = arith.constant 0 : i32
    %scan3A_4 = arith.constant 8 : i32
    %scan3A_5 = arith.addi %scan3A_3, %scan3A_4 : i32
    %scan3A_6 = arith.constant 1 : i32
    scf.for %scan3A_15 = %scan3A_3 to %scan3A_5 step %scan3A_6  : i32 {
      %mul3A_16 = arith.constant 128 : i32
      %mul3A_17 = arith.muli %scan3A_15, %mul3A_16 : i32
      %gt3A = arith.constant 0 : i32
      %gt3A_18 = arith.cmpi sgt, %scan3A_15, %gt3A : i32
      %convert_element_type3A = arith.extui %gt3A_18 : i1 to i32
      %cond3A = arith.constant 0 : i32
      %cond3A_19 = arith.cmpi ne, %convert_element_type3A, %cond3A : i32
      scf.if %cond3A_19 {
        %dma_wait3A_43 = arith.constant 0 : i32
        %dma_wait3A_44 = tpu.memref_slice %arg7[%mul3A_2, %dma_wait3A_43] : memref<32768x768xf32, #tpu.memory_space<hbm>> -> memref<64x768xf32, #tpu.memory_space<hbm>>
        %dma_wait3A_45 = arith.constant 0 : i32
        %dma_wait3A_46 = tpu.memref_slice %arg7[%mul3A_2, %dma_wait3A_45] : memref<32768x768xf32, #tpu.memory_space<hbm>> -> memref<64x768xf32, #tpu.memory_space<hbm>>
        tpu.wait_dma2 semaphore(%arg15 : memref<!tpu.dma_semaphore, #tpu.memory_space<semaphore_mem>>) src(%arg9 : memref<64x768xf32, #tpu.memory_space<vmem>>) dst(%dma_wait3A_46 : memref<64x768xf32, #tpu.memory_space<hbm>>)
      } else {
      }
      %parallel_loop3A = arith.constant 0 : i32
      %parallel_loop3A_20 = arith.constant 64 : i32
      %parallel_loop3A_21 = arith.constant 1 : i32
      scf.for %parallel_loop3A_43 = %parallel_loop3A to %parallel_loop3A_20 step %parallel_loop3A_21  : i32 {
        %parallel_loop3A_44 = arith.addi %mul3A_17, %parallel_loop3A_43 : i32
        %parallel_loop3A_45 = arith.index_cast %parallel_loop3A_44 : i32 to index
        %parallel_loop3A_46 = tpu.vector_load %arg11[%parallel_loop3A_45] {strides = array<i32>} : memref<1040xi32, #tpu.memory_space<vmem>>, vector<16xi32>,
        %parallel_loop3A_47 = vector.shape_cast %parallel_loop3A_46 : vector<16xi32> to vector<16xi32>
        %parallel_loop3A_48 = vector.extract_strided_slice %parallel_loop3A_47 {offsets = [0], sizes = [1], strides = [1]} : vector<16xi32> to vector<1xi32>
        %parallel_loop3A_49 = vector.extract %parallel_loop3A_48[0] : i32 from vector<1xi32>
        %parallel_loop3A_50 = arith.index_cast %parallel_loop3A_44 : i32 to index
        %parallel_loop3A_51 = tpu.vector_load %arg12[%parallel_loop3A_50] {strides = array<i32>} : memref<1040xi32, #tpu.memory_space<vmem>>, vector<16xi32>,
        %parallel_loop3A_52 = vector.shape_cast %parallel_loop3A_51 : vector<16xi32> to vector<16xi32>
        %parallel_loop3A_53 = vector.extract_strided_slice %parallel_loop3A_52 {offsets = [0], sizes = [1], strides = [1]} : vector<16xi32> to vector<1xi32>
        %parallel_loop3A_54 = vector.extract %parallel_loop3A_53[0] : i32 from vector<1xi32>
        %parallel_loop3A_55 = arith.index_cast %parallel_loop3A_44 : i32 to index
        %parallel_loop3A_56 = tpu.vector_load %arg13[%parallel_loop3A_55] {strides = array<i32>} : memref<1040xf32, #tpu.memory_space<vmem>>, vector<16xf32>,
        %parallel_loop3A_57 = vector.shape_cast %parallel_loop3A_56 : vector<16xf32> to vector<16xf32>
        %parallel_loop3A_58 = vector.extract_strided_slice %parallel_loop3A_57 {offsets = [0], sizes = [1], strides = [1]} : vector<16xf32> to vector<1xf32>
        %parallel_loop3A_59 = vector.extract %parallel_loop3A_58[0] : f32 from vector<1xf32>
        %parallel_loop3A_60 = arith.index_cast %parallel_loop3A_44 : i32 to index
        %parallel_loop3A_61 = tpu.vector_load %arg14[%parallel_loop3A_60] {strides = array<i32>} : memref<1040xf32, #tpu.memory_space<vmem>>, vector<16xf32>,
        %parallel_loop3A_62 = vector.shape_cast %parallel_loop3A_61 : vector<16xf32> to vector<16xf32>
        %parallel_loop3A_63 = vector.extract_strided_slice %parallel_loop3A_62 {offsets = [0], sizes = [1], strides = [1]} : vector<16xf32> to vector<1xf32>
        %parallel_loop3A_64 = vector.extract %parallel_loop3A_63[0] : f32 from vector<1xf32>
        %parallel_loop3A_65 = arith.index_cast %parallel_loop3A_49 : i32 to index
        %parallel_loop3A_66 = arith.constant 0 : index
        %parallel_loop3A_67 = tpu.vector_load %arg8[%parallel_loop3A_65, %parallel_loop3A_66] {strides = array<i32>} : memref<16x768xf32, #tpu.memory_space<vmem>>, vector<1x16xf32>,
        %parallel_loop3A_68 = vector.shape_cast %parallel_loop3A_67 : vector<1x16xf32> to vector<16xf32>
        %parallel_loop3A_69 = arith.index_cast %parallel_loop3A_54 : i32 to index
        %parallel_loop3A_70 = arith.constant 0 : index
        %parallel_loop3A_71 = tpu.vector_load %arg8[%parallel_loop3A_69, %parallel_loop3A_70] {strides = array<i32>} : memref<16x768xf32, #tpu.memory_space<vmem>>, vector<1x16xf32>,
        %parallel_loop3A_72 = vector.shape_cast %parallel_loop3A_71 : vector<1x16xf32> to vector<16xf32>
        %parallel_loop3A_73 = vector.broadcast %parallel_loop3A_59 : f32 to vector<16xf32>
        %parallel_loop3A_74 = arith.mulf %parallel_loop3A_68, %parallel_loop3A_73 : vector<16xf32>
        %parallel_loop3A_75 = vector.broadcast %parallel_loop3A_64 : f32 to vector<16xf32>
        %parallel_loop3A_76 = arith.mulf %parallel_loop3A_72, %parallel_loop3A_75 : vector<16xf32>
        %parallel_loop3A_77 = arith.addf %parallel_loop3A_74, %parallel_loop3A_76 : vector<16xf32>
        %parallel_loop3A_78 = arith.index_cast %parallel_loop3A_43 : i32 to index
        %parallel_loop3A_79 = arith.constant 0 : index
        %parallel_loop3A_80 = tpu.vector_load %arg9[%parallel_loop3A_78, %parallel_loop3A_79] {strides = array<i32>} : memref<64x768xf32, #tpu.memory_space<vmem>>, vector<1x16xf32>,
        %parallel_loop3A_81 = vector.shape_cast %parallel_loop3A_80 : vector<1x16xf32> to vector<16xf32>
        %parallel_loop3A_82 = vector.shape_cast %parallel_loop3A_77 : vector<16xf32> to vector<1x16xf32>
        tpu.vector_store %arg9[%parallel_loop3A_78, %parallel_loop3A_79], %parallel_loop3A_82 {strides = array<i32>} : memref<64x768xf32, #tpu.memory_space<vmem>>, vector<1x16xf32>,
        %parallel_loop3A_83 = arith.index_cast %parallel_loop3A_49 : i32 to index
        %parallel_loop3A_84 = arith.constant 16 : index
        %parallel_loop3A_85 = tpu.vector_load %arg8[%parallel_loop3A_83, %parallel_loop3A_84] {strides = array<i32>} : memref<16x768xf32, #tpu.memory_space<vmem>>, vector<1x16xf32>,
        %parallel_loop3A_86 = vector.shape_cast %parallel_loop3A_85 : vector<1x16xf32> to vector<16xf32>
        %parallel_loop3A_87 = arith.index_cast %parallel_loop3A_54 : i32 to index
        %parallel_loop3A_88 = arith.constant 16 : index
        %parallel_loop3A_89 = tpu.vector_load %arg8[%parallel_loop3A_87, %parallel_loop3A_88] {strides = array<i32>} : memref<16x768xf32, #tpu.memory_space<vmem>>, vector<1x16xf32>,
        %parallel_loop3A_90 = vector.shape_cast %parallel_loop3A_89 : vector<1x16xf32> to vector<16xf32>
        %parallel_loop3A_91 = vector.broadcast %parallel_loop3A_59 : f32 to vector<16xf32>
        %parallel_loop3A_92 = arith.mulf %parallel_loop3A_86, %parallel_loop3A_91 : vector<16xf32>
        %parallel_loop3A_93 = vector.broadcast %parallel_loop3A_64 : f32 to vector<16xf32>
        %parallel_loop3A_94 = arith.mulf %parallel_loop3A_90, %parallel_loop3A_93 : vector<16xf32>
        %parallel_loop3A_95 = arith.addf %parallel_loop3A_92, %parallel_loop3A_94 : vector<16xf32>
        %parallel_loop3A_96 = arith.index_cast %parallel_loop3A_43 : i32 to index
        %parallel_loop3A_97 = arith.constant 16 : index
        %parallel_loop3A_98 = tpu.vector_load %arg9[%parallel_loop3A_96, %parallel_loop3A_97] {strides = array<i32>} : memref<64x768xf32, #tpu.memory_space<vmem>>, vector<1x16xf32>,
        %parallel_loop3A_99 = vector.shape_cast %parallel_loop3A_98 : vector<1x16xf32> to vector<16xf32>
        %parallel_loop3A_100 = vector.shape_cast %parallel_loop3A_95 : vector<16xf32> to vector<1x16xf32>
        tpu.vector_store %arg9[%parallel_loop3A_96, %parallel_loop3A_97], %parallel_loop3A_100 {strides = array<i32>} : memref<64x768xf32, #tpu.memory_space<vmem>>, vector<1x16xf32>,
        %parallel_loop3A_101 = arith.index_cast %parallel_loop3A_49 : i32 to index
        %parallel_loop3A_102 = arith.constant 32 : index
        %parallel_loop3A_103 = tpu.vector_load %arg8[%parallel_loop3A_101, %parallel_loop3A_102] {strides = array<i32>} : memref<16x768xf32, #tpu.memory_space<vmem>>, vector<1x16xf32>,
        %parallel_loop3A_104 = vector.shape_cast %parallel_loop3A_103 : vector<1x16xf32> to vector<16xf32>
        %parallel_loop3A_105 = arith.index_cast %parallel_loop3A_54 : i32 to index
        %parallel_loop3A_106 = arith.constant 32 : index
        %parallel_loop3A_107 = tpu.vector_load %arg8[%parallel_loop3A_105, %parallel_loop3A_106] {strides = array<i32>} : memref<16x768xf32, #tpu.memory_space<vmem>>, vector<1x16xf32>,
        %parallel_loop3A_108 = vector.shape_cast %parallel_loop3A_107 : vector<1x16xf32> to vector<16xf32>
        %parallel_loop3A_109 = vector.broadcast %parallel_loop3A_59 : f32 to vector<16xf32>
        %parallel_loop3A_110 = arith.mulf %parallel_loop3A_104, %parallel_loop3A_109 : vector<16xf32>
        %parallel_loop3A_111 = vector.broadcast %parallel_loop3A_64 : f32 to vector<16xf32>
        %parallel_loop3A_112 = arith.mulf %parallel_loop3A_108, %parallel_loop3A_111 : vector<16xf32>
        %parallel_loop3A_113 = arith.addf %parallel_loop3A_110, %parallel_loop3A_112 : vector<16xf32>
        %parallel_loop3A_114 = arith.index_cast %parallel_loop3A_43 : i32 to index
        %parallel_loop3A_115 = arith.constant 32 : index
        %parallel_loop3A_116 = tpu.vector_load %arg9[%parallel_loop3A_114, %parallel_loop3A_115] {strides = array<i32>} : memref<64x768xf32, #tpu.memory_space<vmem>>, vector<1x16xf32>,
        %parallel_loop3A_117 = vector.shape_cast %parallel_loop3A_116 : vector<1x16xf32> to vector<16xf32>
        %parallel_loop3A_118 = vector.shape_cast %parallel_loop3A_113 : vector<16xf32> to vector<1x16xf32>
        tpu.vector_store %arg9[%parallel_loop3A_114, %parallel_loop3A_115], %parallel_loop3A_118 {strides = array<i32>} : memref<64x768xf32, #tpu.memory_space<vmem>>, vector<1x16xf32>,
        %parallel_loop3A_119 = arith.index_cast %parallel_loop3A_49 : i32 to index
        %parallel_loop3A_120 = arith.constant 48 : index
        %parallel_loop3A_121 = tpu.vector_load %arg8[%parallel_loop3A_119, %parallel_loop3A_120] {strides = array<i32>} : memref<16x768xf32, #tpu.memory_space<vmem>>, vector<1x16xf32>,
        %parallel_loop3A_122 = vector.shape_cast %parallel_loop3A_121 : vector<1x16xf32> to vector<16xf32>
        %parallel_loop3A_123 = arith.index_cast %parallel_loop3A_54 : i32 to index
        %parallel_loop3A_124 = arith.constant 48 : index
        %parallel_loop3A_125 = tpu.vector_load %arg8[%parallel_loop3A_123, %parallel_loop3A_124] {strides = array<i32>} : memref<16x768xf32, #tpu.memory_space<vmem>>, vector<1x16xf32>,
        %parallel_loop3A_126 = vector.shape_cast %parallel_loop3A_125 : vector<1x16xf32> to vector<16xf32>
        %parallel_loop3A_127 = vector.broadcast %parallel_loop3A_59 : f32 to vector<16xf32>
        %parallel_loop3A_128 = arith.mulf %parallel_loop3A_122, %parallel_loop3A_127 : vector<16xf32>
        %parallel_loop3A_129 = vector.broadcast %parallel_loop3A_64 : f32 to vector<16xf32>
        %parallel_loop3A_130 = arith.mulf %parallel_loop3A_126, %parallel_loop3A_129 : vector<16xf32>
        %parallel_loop3A_131 = arith.addf %parallel_loop3A_128, %parallel_loop3A_130 : vector<16xf32>
        %parallel_loop3A_132 = arith.index_cast %parallel_loop3A_43 : i32 to index
        %parallel_loop3A_133 = arith.constant 48 : index
        %parallel_loop3A_134 = tpu.vector_load %arg9[%parallel_loop3A_132, %parallel_loop3A_133] {strides = array<i32>} : memref<64x768xf32, #tpu.memory_space<vmem>>, vector<1x16xf32>,
        %parallel_loop3A_135 = vector.shape_cast %parallel_loop3A_134 : vector<1x16xf32> to vector<16xf32>
        %parallel_loop3A_136 = vector.shape_cast %parallel_loop3A_131 : vector<16xf32> to vector<1x16xf32>
        tpu.vector_store %arg9[%parallel_loop3A_132, %parallel_loop3A_133], %parallel_loop3A_136 {strides = array<i32>} : memref<64x768xf32, #tpu.memory_space<vmem>>, vector<1x16xf32>,
        %parallel_loop3A_137 = arith.index_cast %parallel_loop3A_49 : i32 to index
        %parallel_loop3A_138 = arith.constant 64 : index
        %parallel_loop3A_139 = tpu.vector_load %arg8[%parallel_loop3A_137, %parallel_loop3A_138] {strides = array<i32>} : memref<16x768xf32, #tpu.memory_space<vmem>>, vector<1x16xf32>,
        %parallel_loop3A_140 = vector.shape_cast %parallel_loop3A_139 : vector<1x16xf32> to vector<16xf32>
        %parallel_loop3A_141 = arith.index_cast %parallel_loop3A_54 : i32 to index
        %parallel_loop3A_142 = arith.constant 64 : index
        %parallel_loop3A_143 = tpu.vector_load %arg8[%parallel_loop3A_141, %parallel_loop3A_142] {strides = array<i32>} : memref<16x768xf32, #tpu.memory_space<vmem>>, vector<1x16xf32>,
        %parallel_loop3A_144 = vector.shape_cast %parallel_loop3A_143 : vector<1x16xf32> to vector<16xf32>
        %parallel_loop3A_145 = vector.broadcast %parallel_loop3A_59 : f32 to vector<16xf32>
        %parallel_loop3A_146 = arith.mulf %parallel_loop3A_140, %parallel_loop3A_145 : vector<16xf32>
        %parallel_loop3A_147 = vector.broadcast %parallel_loop3A_64 : f32 to vector<16xf32>
        %parallel_loop3A_148 = arith.mulf %parallel_loop3A_144, %parallel_loop3A_147 : vector<16xf32>
        %parallel_loop3A_149 = arith.addf %parallel_loop3A_146, %parallel_loop3A_148 : vector<16xf32>
        %parallel_loop3A_150 = arith.index_cast %parallel_loop3A_43 : i32 to index
        %parallel_loop3A_151 = arith.constant 64 : index
        %parallel_loop3A_152 = tpu.vector_load %arg9[%parallel_loop3A_150, %parallel_loop3A_151] {strides = array<i32>} : memref<64x768xf32, #tpu.memory_space<vmem>>, vector<1x16xf32>,
        %parallel_loop3A_153 = vector.shape_cast %parallel_loop3A_152 : vector<1x16xf32> to vector<16xf32>
        %parallel_loop3A_154 = vector.shape_cast %parallel_loop3A_149 : vector<16xf32> to vector<1x16xf32>
        tpu.vector_store %arg9[%parallel_loop3A_150, %parallel_loop3A_151], %parallel_loop3A_154 {strides = array<i32>} : memref<64x768xf32, #tpu.memory_space<vmem>>, vector<1x16xf32>,
        %parallel_loop3A_155 = arith.index_cast %parallel_loop3A_49 : i32 to index
        %parallel_loop3A_156 = arith.constant 80 : index
        %parallel_loop3A_157 = tpu.vector_load %arg8[%parallel_loop3A_155, %parallel_loop3A_156] {strides = array<i32>} : memref<16x768xf32, #tpu.memory_space<vmem>>, vector<1x16xf32>,
        %parallel_loop3A_158 = vector.shape_cast %parallel_loop3A_157 : vector<1x16xf32> to vector<16xf32>
        %parallel_loop3A_159 = arith.index_cast %parallel_loop3A_54 : i32 to index
        %parallel_loop3A_160 = arith.constant 80 : index
        %parallel_loop3A_161 = tpu.vector_load %arg8[%parallel_loop3A_159, %parallel_loop3A_160] {strides = array<i32>} : memref<16x768xf32, #tpu.memory_space<vmem>>, vector<1x16xf32>,
        %parallel_loop3A_162 = vector.shape_cast %parallel_loop3A_161 : vector<1x16xf32> to vector<16xf32>
        %parallel_loop3A_163 = vector.broadcast %parallel_loop3A_59 : f32 to vector<16xf32>
        %parallel_loop3A_164 = arith.mulf %parallel_loop3A_158, %parallel_loop3A_163 : vector<16xf32>
        %parallel_loop3A_165 = vector.broadcast %parallel_loop3A_64 : f32 to vector<16xf32>
        %parallel_loop3A_166 = arith.mulf %parallel_loop3A_162, %parallel_loop3A_165 : vector<16xf32>
        %parallel_loop3A_167 = arith.addf %parallel_loop3A_164, %parallel_loop3A_166 : vector<16xf32>
        %parallel_loop3A_168 = arith.index_cast %parallel_loop3A_43 : i32 to index
        %parallel_loop3A_169 = arith.constant 80 : index
        %parallel_loop3A_170 = tpu.vector_load %arg9[%parallel_loop3A_168, %parallel_loop3A_169] {strides = array<i32>} : memref<64x768xf32, #tpu.memory_space<vmem>>, vector<1x16xf32>,
        %parallel_loop3A_171 = vector.shape_cast %parallel_loop3A_170 : vector<1x16xf32> to vector<16xf32>
        %parallel_loop3A_172 = vector.shape_cast %parallel_loop3A_167 : vector<16xf32> to vector<1x16xf32>
        tpu.vector_store %arg9[%parallel_loop3A_168, %parallel_loop3A_169], %parallel_loop3A_172 {strides = array<i32>} : memref<64x768xf32, #tpu.memory_space<vmem>>, vector<1x16xf32>,
        %parallel_loop3A_173 = arith.index_cast %parallel_loop3A_49 : i32 to index
        %parallel_loop3A_174 = arith.constant 96 : index
        %parallel_loop3A_175 = tpu.vector_load %arg8[%parallel_loop3A_173, %parallel_loop3A_174] {strides = array<i32>} : memref<16x768xf32, #tpu.memory_space<vmem>>, vector<1x16xf32>,
        %parallel_loop3A_176 = vector.shape_cast %parallel_loop3A_175 : vector<1x16xf32> to vector<16xf32>
        %parallel_loop3A_177 = arith.index_cast %parallel_loop3A_54 : i32 to index
        %parallel_loop3A_178 = arith.constant 96 : index
        %parallel_loop3A_179 = tpu.vector_load %arg8[%parallel_loop3A_177, %parallel_loop3A_178] {strides = array<i32>} : memref<16x768xf32, #tpu.memory_space<vmem>>, vector<1x16xf32>,
        %parallel_loop3A_180 = vector.shape_cast %parallel_loop3A_179 : vector<1x16xf32> to vector<16xf32>
        %parallel_loop3A_181 = vector.broadcast %parallel_loop3A_59 : f32 to vector<16xf32>
        %parallel_loop3A_182 = arith.mulf %parallel_loop3A_176, %parallel_loop3A_181 : vector<16xf32>
        %parallel_loop3A_183 = vector.broadcast %parallel_loop3A_64 : f32 to vector<16xf32>
        %parallel_loop3A_184 = arith.mulf %parallel_loop3A_180, %parallel_loop3A_183 : vector<16xf32>
        %parallel_loop3A_185 = arith.addf %parallel_loop3A_182, %parallel_loop3A_184 : vector<16xf32>
        %parallel_loop3A_186 = arith.index_cast %parallel_loop3A_43 : i32 to index
        %parallel_loop3A_187 = arith.constant 96 : index
        %parallel_loop3A_188 = tpu.vector_load %arg9[%parallel_loop3A_186, %parallel_loop3A_187] {strides = array<i32>} : memref<64x768xf32, #tpu.memory_space<vmem>>, vector<1x16xf32>,
        %parallel_loop3A_189 = vector.shape_cast %parallel_loop3A_188 : vector<1x16xf32> to vector<16xf32>
        %parallel_loop3A_190 = vector.shape_cast %parallel_loop3A_185 : vector<16xf32> to vector<1x16xf32>
        tpu.vector_store %arg9[%parallel_loop3A_186, %parallel_loop3A_187], %parallel_loop3A_190 {strides = array<i32>} : memref<64x768xf32, #tpu.memory_space<vmem>>, vector<1x16xf32>,
        %parallel_loop3A_191 = arith.index_cast %parallel_loop3A_49 : i32 to index
        %parallel_loop3A_192 = arith.constant 112 : index
        %parallel_loop3A_193 = tpu.vector_load %arg8[%parallel_loop3A_191, %parallel_loop3A_192] {strides = array<i32>} : memref<16x768xf32, #tpu.memory_space<vmem>>, vector<1x16xf32>,
        %parallel_loop3A_194 = vector.shape_cast %parallel_loop3A_193 : vector<1x16xf32> to vector<16xf32>
        %parallel_loop3A_195 = arith.index_cast %parallel_loop3A_54 : i32 to index
        %parallel_loop3A_196 = arith.constant 112 : index
        %parallel_loop3A_197 = tpu.vector_load %arg8[%parallel_loop3A_195, %parallel_loop3A_196] {strides = array<i32>} : memref<16x768xf32, #tpu.memory_space<vmem>>, vector<1x16xf32>,
        %parallel_loop3A_198 = vector.shape_cast %parallel_loop3A_197 : vector<1x16xf32> to vector<16xf32>
        %parallel_loop3A_199 = vector.broadcast %parallel_loop3A_59 : f32 to vector<16xf32>
        %parallel_loop3A_200 = arith.mulf %parallel_loop3A_194, %parallel_loop3A_199 : vector<16xf32>
        %parallel_loop3A_201 = vector.broadcast %parallel_loop3A_64 : f32 to vector<16xf32>
        %parallel_loop3A_202 = arith.mulf %parallel_loop3A_198, %parallel_loop3A_201 : vector<16xf32>
        %parallel_loop3A_203 = arith.addf %parallel_loop3A_200, %parallel_loop3A_202 : vector<16xf32>
        %parallel_loop3A_204 = arith.index_cast %parallel_loop3A_43 : i32 to index
        %parallel_loop3A_205 = arith.constant 112 : index
        %parallel_loop3A_206 = tpu.vector_load %arg9[%parallel_loop3A_204, %parallel_loop3A_205] {strides = array<i32>} : memref<64x768xf32, #tpu.memory_space<vmem>>, vector<1x16xf32>,
        %parallel_loop3A_207 = vector.shape_cast %parallel_loop3A_206 : vector<1x16xf32> to vector<16xf32>
        %parallel_loop3A_208 = vector.shape_cast %parallel_loop3A_203 : vector<16xf32> to vector<1x16xf32>
        tpu.vector_store %arg9[%parallel_loop3A_204, %parallel_loop3A_205], %parallel_loop3A_208 {strides = array<i32>} : memref<64x768xf32, #tpu.memory_space<vmem>>, vector<1x16xf32>,
        %parallel_loop3A_209 = arith.index_cast %parallel_loop3A_49 : i32 to index
        %parallel_loop3A_210 = arith.constant 128 : index
        %parallel_loop3A_211 = tpu.vector_load %arg8[%parallel_loop3A_209, %parallel_loop3A_210] {strides = array<i32>} : memref<16x768xf32, #tpu.memory_space<vmem>>, vector<1x16xf32>,
        %parallel_loop3A_212 = vector.shape_cast %parallel_loop3A_211 : vector<1x16xf32> to vector<16xf32>
        %parallel_loop3A_213 = arith.index_cast %parallel_loop3A_54 : i32 to index
        %parallel_loop3A_214 = arith.constant 128 : index
        %parallel_loop3A_215 = tpu.vector_load %arg8[%parallel_loop3A_213, %parallel_loop3A_214] {strides = array<i32>} : memref<16x768xf32, #tpu.memory_space<vmem>>, vector<1x16xf32>,
        %parallel_loop3A_216 = vector.shape_cast %parallel_loop3A_215 : vector<1x16xf32> to vector<16xf32>
        %parallel_loop3A_217 = vector.broadcast %parallel_loop3A_59 : f32 to vector<16xf32>
        %parallel_loop3A_218 = arith.mulf %parallel_loop3A_212, %parallel_loop3A_217 : vector<16xf32>
        %parallel_loop3A_219 = vector.broadcast %parallel_loop3A_64 : f32 to vector<16xf32>
        %parallel_loop3A_220 = arith.mulf %parallel_loop3A_216, %parallel_loop3A_219 : vector<16xf32>
        %parallel_loop3A_221 = arith.addf %parallel_loop3A_218, %parallel_loop3A_220 : vector<16xf32>
        %parallel_loop3A_222 = arith.index_cast %parallel_loop3A_43 : i32 to index
        %parallel_loop3A_223 = arith.constant 128 : index
        %parallel_loop3A_224 = tpu.vector_load %arg9[%parallel_loop3A_222, %parallel_loop3A_223] {strides = array<i32>} : memref<64x768xf32, #tpu.memory_space<vmem>>, vector<1x16xf32>,
        %parallel_loop3A_225 = vector.shape_cast %parallel_loop3A_224 : vector<1x16xf32> to vector<16xf32>
        %parallel_loop3A_226 = vector.shape_cast %parallel_loop3A_221 : vector<16xf32> to vector<1x16xf32>
        tpu.vector_store %arg9[%parallel_loop3A_222, %parallel_loop3A_223], %parallel_loop3A_226 {strides = array<i32>} : memref<64x768xf32, #tpu.memory_space<vmem>>, vector<1x16xf32>,
        %parallel_loop3A_227 = arith.index_cast %parallel_loop3A_49 : i32 to index
        %parallel_loop3A_228 = arith.constant 144 : index
        %parallel_loop3A_229 = tpu.vector_load %arg8[%parallel_loop3A_227, %parallel_loop3A_228] {strides = array<i32>} : memref<16x768xf32, #tpu.memory_space<vmem>>, vector<1x16xf32>,
        %parallel_loop3A_230 = vector.shape_cast %parallel_loop3A_229 : vector<1x16xf32> to vector<16xf32>
        %parallel_loop3A_231 = arith.index_cast %parallel_loop3A_54 : i32 to index
        %parallel_loop3A_232 = arith.constant 144 : index
        %parallel_loop3A_233 = tpu.vector_load %arg8[%parallel_loop3A_231, %parallel_loop3A_232] {strides = array<i32>} : memref<16x768xf32, #tpu.memory_space<vmem>>, vector<1x16xf32>,
        %parallel_loop3A_234 = vector.shape_cast %parallel_loop3A_233 : vector<1x16xf32> to vector<16xf32>
        %parallel_loop3A_235 = vector.broadcast %parallel_loop3A_59 : f32 to vector<16xf32>
        %parallel_loop3A_236 = arith.mulf %parallel_loop3A_230, %parallel_loop3A_235 : vector<16xf32>
        %parallel_loop3A_237 = vector.broadcast %parallel_loop3A_64 : f32 to vector<16xf32>
        %parallel_loop3A_238 = arith.mulf %parallel_loop3A_234, %parallel_loop3A_237 : vector<16xf32>
        %parallel_loop3A_239 = arith.addf %parallel_loop3A_236, %parallel_loop3A_238 : vector<16xf32>
        %parallel_loop3A_240 = arith.index_cast %parallel_loop3A_43 : i32 to index
        %parallel_loop3A_241 = arith.constant 144 : index
        %parallel_loop3A_242 = tpu.vector_load %arg9[%parallel_loop3A_240, %parallel_loop3A_241] {strides = array<i32>} : memref<64x768xf32, #tpu.memory_space<vmem>>, vector<1x16xf32>,
        %parallel_loop3A_243 = vector.shape_cast %parallel_loop3A_242 : vector<1x16xf32> to vector<16xf32>
        %parallel_loop3A_244 = vector.shape_cast %parallel_loop3A_239 : vector<16xf32> to vector<1x16xf32>
        tpu.vector_store %arg9[%parallel_loop3A_240, %parallel_loop3A_241], %parallel_loop3A_244 {strides = array<i32>} : memref<64x768xf32, #tpu.memory_space<vmem>>, vector<1x16xf32>,
        %parallel_loop3A_245 = arith.index_cast %parallel_loop3A_49 : i32 to index
        %parallel_loop3A_246 = arith.constant 160 : index
        %parallel_loop3A_247 = tpu.vector_load %arg8[%parallel_loop3A_245, %parallel_loop3A_246] {strides = array<i32>} : memref<16x768xf32, #tpu.memory_space<vmem>>, vector<1x16xf32>,
        %parallel_loop3A_248 = vector.shape_cast %parallel_loop3A_247 : vector<1x16xf32> to vector<16xf32>
        %parallel_loop3A_249 = arith.index_cast %parallel_loop3A_54 : i32 to index
        %parallel_loop3A_250 = arith.constant 160 : index
        %parallel_loop3A_251 = tpu.vector_load %arg8[%parallel_loop3A_249, %parallel_loop3A_250] {strides = array<i32>} : memref<16x768xf32, #tpu.memory_space<vmem>>, vector<1x16xf32>,
        %parallel_loop3A_252 = vector.shape_cast %parallel_loop3A_251 : vector<1x16xf32> to vector<16xf32>
        %parallel_loop3A_253 = vector.broadcast %parallel_loop3A_59 : f32 to vector<16xf32>
        %parallel_loop3A_254 = arith.mulf %parallel_loop3A_248, %parallel_loop3A_253 : vector<16xf32>
        %parallel_loop3A_255 = vector.broadcast %parallel_loop3A_64 : f32 to vector<16xf32>
        %parallel_loop3A_256 = arith.mulf %parallel_loop3A_252, %parallel_loop3A_255 : vector<16xf32>
        %parallel_loop3A_257 = arith.addf %parallel_loop3A_254, %parallel_loop3A_256 : vector<16xf32>
        %parallel_loop3A_258 = arith.index_cast %parallel_loop3A_43 : i32 to index
        %parallel_loop3A_259 = arith.constant 160 : index
        %parallel_loop3A_260 = tpu.vector_load %arg9[%parallel_loop3A_258, %parallel_loop3A_259] {strides = array<i32>} : memref<64x768xf32, #tpu.memory_space<vmem>>, vector<1x16xf32>,
        %parallel_loop3A_261 = vector.shape_cast %parallel_loop3A_260 : vector<1x16xf32> to vector<16xf32>
        %parallel_loop3A_262 = vector.shape_cast %parallel_loop3A_257 : vector<16xf32> to vector<1x16xf32>
        tpu.vector_store %arg9[%parallel_loop3A_258, %parallel_loop3A_259], %parallel_loop3A_262 {strides = array<i32>} : memref<64x768xf32, #tpu.memory_space<vmem>>, vector<1x16xf32>,
        %parallel_loop3A_263 = arith.index_cast %parallel_loop3A_49 : i32 to index
        %parallel_loop3A_264 = arith.constant 176 : index
        %parallel_loop3A_265 = tpu.vector_load %arg8[%parallel_loop3A_263, %parallel_loop3A_264] {strides = array<i32>} : memref<16x768xf32, #tpu.memory_space<vmem>>, vector<1x16xf32>,
        %parallel_loop3A_266 = vector.shape_cast %parallel_loop3A_265 : vector<1x16xf32> to vector<16xf32>
        %parallel_loop3A_267 = arith.index_cast %parallel_loop3A_54 : i32 to index
        %parallel_loop3A_268 = arith.constant 176 : index
        %parallel_loop3A_269 = tpu.vector_load %arg8[%parallel_loop3A_267, %parallel_loop3A_268] {strides = array<i32>} : memref<16x768xf32, #tpu.memory_space<vmem>>, vector<1x16xf32>,
        %parallel_loop3A_270 = vector.shape_cast %parallel_loop3A_269 : vector<1x16xf32> to vector<16xf32>
        %parallel_loop3A_271 = vector.broadcast %parallel_loop3A_59 : f32 to vector<16xf32>
        %parallel_loop3A_272 = arith.mulf %parallel_loop3A_266, %parallel_loop3A_271 : vector<16xf32>
        %parallel_loop3A_273 = vector.broadcast %parallel_loop3A_64 : f32 to vector<16xf32>
        %parallel_loop3A_274 = arith.mulf %parallel_loop3A_270, %parallel_loop3A_273 : vector<16xf32>
        %parallel_loop3A_275 = arith.addf %parallel_loop3A_272, %parallel_loop3A_274 : vector<16xf32>
        %parallel_loop3A_276 = arith.index_cast %parallel_loop3A_43 : i32 to index
        %parallel_loop3A_277 = arith.constant 176 : index
        %parallel_loop3A_278 = tpu.vector_load %arg9[%parallel_loop3A_276, %parallel_loop3A_277] {strides = array<i32>} : memref<64x768xf32, #tpu.memory_space<vmem>>, vector<1x16xf32>,
        %parallel_loop3A_279 = vector.shape_cast %parallel_loop3A_278 : vector<1x16xf32> to vector<16xf32>
        %parallel_loop3A_280 = vector.shape_cast %parallel_loop3A_275 : vector<16xf32> to vector<1x16xf32>
        tpu.vector_store %arg9[%parallel_loop3A_276, %parallel_loop3A_277], %parallel_loop3A_280 {strides = array<i32>} : memref<64x768xf32, #tpu.memory_space<vmem>>, vector<1x16xf32>,
        %parallel_loop3A_281 = arith.index_cast %parallel_loop3A_49 : i32 to index
        %parallel_loop3A_282 = arith.constant 192 : index
        %parallel_loop3A_283 = tpu.vector_load %arg8[%parallel_loop3A_281, %parallel_loop3A_282] {strides = array<i32>} : memref<16x768xf32, #tpu.memory_space<vmem>>, vector<1x16xf32>,
        %parallel_loop3A_284 = vector.shape_cast %parallel_loop3A_283 : vector<1x16xf32> to vector<16xf32>
        %parallel_loop3A_285 = arith.index_cast %parallel_loop3A_54 : i32 to index
        %parallel_loop3A_286 = arith.constant 192 : index
        %parallel_loop3A_287 = tpu.vector_load %arg8[%parallel_loop3A_285, %parallel_loop3A_286] {strides = array<i32>} : memref<16x768xf32, #tpu.memory_space<vmem>>, vector<1x16xf32>,
        %parallel_loop3A_288 = vector.shape_cast %parallel_loop3A_287 : vector<1x16xf32> to vector<16xf32>
        %parallel_loop3A_289 = vector.broadcast %parallel_loop3A_59 : f32 to vector<16xf32>
        %parallel_loop3A_290 = arith.mulf %parallel_loop3A_284, %parallel_loop3A_289 : vector<16xf32>
        %parallel_loop3A_291 = vector.broadcast %parallel_loop3A_64 : f32 to vector<16xf32>
        %parallel_loop3A_292 = arith.mulf %parallel_loop3A_288, %parallel_loop3A_291 : vector<16xf32>
        %parallel_loop3A_293 = arith.addf %parallel_loop3A_290, %parallel_loop3A_292 : vector<16xf32>
        %parallel_loop3A_294 = arith.index_cast %parallel_loop3A_43 : i32 to index
        %parallel_loop3A_295 = arith.constant 192 : index
        %parallel_loop3A_296 = tpu.vector_load %arg9[%parallel_loop3A_294, %parallel_loop3A_295] {strides = array<i32>} : memref<64x768xf32, #tpu.memory_space<vmem>>, vector<1x16xf32>,
        %parallel_loop3A_297 = vector.shape_cast %parallel_loop3A_296 : vector<1x16xf32> to vector<16xf32>
        %parallel_loop3A_298 = vector.shape_cast %parallel_loop3A_293 : vector<16xf32> to vector<1x16xf32>
        tpu.vector_store %arg9[%parallel_loop3A_294, %parallel_loop3A_295], %parallel_loop3A_298 {strides = array<i32>} : memref<64x768xf32, #tpu.memory_space<vmem>>, vector<1x16xf32>,
        %parallel_loop3A_299 = arith.index_cast %parallel_loop3A_49 : i32 to index
        %parallel_loop3A_300 = arith.constant 208 : index
        %parallel_loop3A_301 = tpu.vector_load %arg8[%parallel_loop3A_299, %parallel_loop3A_300] {strides = array<i32>} : memref<16x768xf32, #tpu.memory_space<vmem>>, vector<1x16xf32>,
        %parallel_loop3A_302 = vector.shape_cast %parallel_loop3A_301 : vector<1x16xf32> to vector<16xf32>
        %parallel_loop3A_303 = arith.index_cast %parallel_loop3A_54 : i32 to index
        %parallel_loop3A_304 = arith.constant 208 : index
        %parallel_loop3A_305 = tpu.vector_load %arg8[%parallel_loop3A_303, %parallel_loop3A_304] {strides = array<i32>} : memref<16x768xf32, #tpu.memory_space<vmem>>, vector<1x16xf32>,
        %parallel_loop3A_306 = vector.shape_cast %parallel_loop3A_305 : vector<1x16xf32> to vector<16xf32>
        %parallel_loop3A_307 = vector.broadcast %parallel_loop3A_59 : f32 to vector<16xf32>
        %parallel_loop3A_308 = arith.mulf %parallel_loop3A_302, %parallel_loop3A_307 : vector<16xf32>
        %parallel_loop3A_309 = vector.broadcast %parallel_loop3A_64 : f32 to vector<16xf32>
        %parallel_loop3A_310 = arith.mulf %parallel_loop3A_306, %parallel_loop3A_309 : vector<16xf32>
        %parallel_loop3A_311 = arith.addf %parallel_loop3A_308, %parallel_loop3A_310 : vector<16xf32>
        %parallel_loop3A_312 = arith.index_cast %parallel_loop3A_43 : i32 to index
        %parallel_loop3A_313 = arith.constant 208 : index
        %parallel_loop3A_314 = tpu.vector_load %arg9[%parallel_loop3A_312, %parallel_loop3A_313] {strides = array<i32>} : memref<64x768xf32, #tpu.memory_space<vmem>>, vector<1x16xf32>,
        %parallel_loop3A_315 = vector.shape_cast %parallel_loop3A_314 : vector<1x16xf32> to vector<16xf32>
        %parallel_loop3A_316 = vector.shape_cast %parallel_loop3A_311 : vector<16xf32> to vector<1x16xf32>
        tpu.vector_store %arg9[%parallel_loop3A_312, %parallel_loop3A_313], %parallel_loop3A_316 {strides = array<i32>} : memref<64x768xf32, #tpu.memory_space<vmem>>, vector<1x16xf32>,
        %parallel_loop3A_317 = arith.index_cast %parallel_loop3A_49 : i32 to index
        %parallel_loop3A_318 = arith.constant 224 : index
        %parallel_loop3A_319 = tpu.vector_load %arg8[%parallel_loop3A_317, %parallel_loop3A_318] {strides = array<i32>} : memref<16x768xf32, #tpu.memory_space<vmem>>, vector<1x16xf32>,
        %parallel_loop3A_320 = vector.shape_cast %parallel_loop3A_319 : vector<1x16xf32> to vector<16xf32>
        %parallel_loop3A_321 = arith.index_cast %parallel_loop3A_54 : i32 to index
        %parallel_loop3A_322 = arith.constant 224 : index
        %parallel_loop3A_323 = tpu.vector_load %arg8[%parallel_loop3A_321, %parallel_loop3A_322] {strides = array<i32>} : memref<16x768xf32, #tpu.memory_space<vmem>>, vector<1x16xf32>,
        %parallel_loop3A_324 = vector.shape_cast %parallel_loop3A_323 : vector<1x16xf32> to vector<16xf32>
        %parallel_loop3A_325 = vector.broadcast %parallel_loop3A_59 : f32 to vector<16xf32>
        %parallel_loop3A_326 = arith.mulf %parallel_loop3A_320, %parallel_loop3A_325 : vector<16xf32>
        %parallel_loop3A_327 = vector.broadcast %parallel_loop3A_64 : f32 to vector<16xf32>
        %parallel_loop3A_328 = arith.mulf %parallel_loop3A_324, %parallel_loop3A_327 : vector<16xf32>
        %parallel_loop3A_329 = arith.addf %parallel_loop3A_326, %parallel_loop3A_328 : vector<16xf32>
        %parallel_loop3A_330 = arith.index_cast %parallel_loop3A_43 : i32 to index
        %parallel_loop3A_331 = arith.constant 224 : index
        %parallel_loop3A_332 = tpu.vector_load %arg9[%parallel_loop3A_330, %parallel_loop3A_331] {strides = array<i32>} : memref<64x768xf32, #tpu.memory_space<vmem>>, vector<1x16xf32>,
        %parallel_loop3A_333 = vector.shape_cast %parallel_loop3A_332 : vector<1x16xf32> to vector<16xf32>
        %parallel_loop3A_334 = vector.shape_cast %parallel_loop3A_329 : vector<16xf32> to vector<1x16xf32>
        tpu.vector_store %arg9[%parallel_loop3A_330, %parallel_loop3A_331], %parallel_loop3A_334 {strides = array<i32>} : memref<64x768xf32, #tpu.memory_space<vmem>>, vector<1x16xf32>,
        %parallel_loop3A_335 = arith.index_cast %parallel_loop3A_49 : i32 to index
        %parallel_loop3A_336 = arith.constant 240 : index
        %parallel_loop3A_337 = tpu.vector_load %arg8[%parallel_loop3A_335, %parallel_loop3A_336] {strides = array<i32>} : memref<16x768xf32, #tpu.memory_space<vmem>>, vector<1x16xf32>,
        %parallel_loop3A_338 = vector.shape_cast %parallel_loop3A_337 : vector<1x16xf32> to vector<16xf32>
        %parallel_loop3A_339 = arith.index_cast %parallel_loop3A_54 : i32 to index
        %parallel_loop3A_340 = arith.constant 240 : index
        %parallel_loop3A_341 = tpu.vector_load %arg8[%parallel_loop3A_339, %parallel_loop3A_340] {strides = array<i32>} : memref<16x768xf32, #tpu.memory_space<vmem>>, vector<1x16xf32>,
        %parallel_loop3A_342 = vector.shape_cast %parallel_loop3A_341 : vector<1x16xf32> to vector<16xf32>
        %parallel_loop3A_343 = vector.broadcast %parallel_loop3A_59 : f32 to vector<16xf32>
        %parallel_loop3A_344 = arith.mulf %parallel_loop3A_338, %parallel_loop3A_343 : vector<16xf32>
        %parallel_loop3A_345 = vector.broadcast %parallel_loop3A_64 : f32 to vector<16xf32>
        %parallel_loop3A_346 = arith.mulf %parallel_loop3A_342, %parallel_loop3A_345 : vector<16xf32>
        %parallel_loop3A_347 = arith.addf %parallel_loop3A_344, %parallel_loop3A_346 : vector<16xf32>
        %parallel_loop3A_348 = arith.index_cast %parallel_loop3A_43 : i32 to index
        %parallel_loop3A_349 = arith.constant 240 : index
        %parallel_loop3A_350 = tpu.vector_load %arg9[%parallel_loop3A_348, %parallel_loop3A_349] {strides = array<i32>} : memref<64x768xf32, #tpu.memory_space<vmem>>, vector<1x16xf32>,
        %parallel_loop3A_351 = vector.shape_cast %parallel_loop3A_350 : vector<1x16xf32> to vector<16xf32>
        %parallel_loop3A_352 = vector.shape_cast %parallel_loop3A_347 : vector<16xf32> to vector<1x16xf32>
        tpu.vector_store %arg9[%parallel_loop3A_348, %parallel_loop3A_349], %parallel_loop3A_352 {strides = array<i32>} : memref<64x768xf32, #tpu.memory_space<vmem>>, vector<1x16xf32>,
        %parallel_loop3A_353 = arith.index_cast %parallel_loop3A_49 : i32 to index
        %parallel_loop3A_354 = arith.constant 256 : index
        %parallel_loop3A_355 = tpu.vector_load %arg8[%parallel_loop3A_353, %parallel_loop3A_354] {strides = array<i32>} : memref<16x768xf32, #tpu.memory_space<vmem>>, vector<1x16xf32>,
        %parallel_loop3A_356 = vector.shape_cast %parallel_loop3A_355 : vector<1x16xf32> to vector<16xf32>
        %parallel_loop3A_357 = arith.index_cast %parallel_loop3A_54 : i32 to index
        %parallel_loop3A_358 = arith.constant 256 : index
        %parallel_loop3A_359 = tpu.vector_load %arg8[%parallel_loop3A_357, %parallel_loop3A_358] {strides = array<i32>} : memref<16x768xf32, #tpu.memory_space<vmem>>, vector<1x16xf32>,
        %parallel_loop3A_360 = vector.shape_cast %parallel_loop3A_359 : vector<1x16xf32> to vector<16xf32>
        %parallel_loop3A_361 = vector.broadcast %parallel_loop3A_59 : f32 to vector<16xf32>
        %parallel_loop3A_362 = arith.mulf %parallel_loop3A_356, %parallel_loop3A_361 : vector<16xf32>
        %parallel_loop3A_363 = vector.broadcast %parallel_loop3A_64 : f32 to vector<16xf32>
        %parallel_loop3A_364 = arith.mulf %parallel_loop3A_360, %parallel_loop3A_363 : vector<16xf32>
        %parallel_loop3A_365 = arith.addf %parallel_loop3A_362, %parallel_loop3A_364 : vector<16xf32>
        %parallel_loop3A_366 = arith.index_cast %parallel_loop3A_43 : i32 to index
        %parallel_loop3A_367 = arith.constant 256 : index
        %parallel_loop3A_368 = tpu.vector_load %arg9[%parallel_loop3A_366, %parallel_loop3A_367] {strides = array<i32>} : memref<64x768xf32, #tpu.memory_space<vmem>>, vector<1x16xf32>,
        %parallel_loop3A_369 = vector.shape_cast %parallel_loop3A_368 : vector<1x16xf32> to vector<16xf32>
        %parallel_loop3A_370 = vector.shape_cast %parallel_loop3A_365 : vector<16xf32> to vector<1x16xf32>
        tpu.vector_store %arg9[%parallel_loop3A_366, %parallel_loop3A_367], %parallel_loop3A_370 {strides = array<i32>} : memref<64x768xf32, #tpu.memory_space<vmem>>, vector<1x16xf32>,
        %parallel_loop3A_371 = arith.index_cast %parallel_loop3A_49 : i32 to index
        %parallel_loop3A_372 = arith.constant 272 : index
        %parallel_loop3A_373 = tpu.vector_load %arg8[%parallel_loop3A_371, %parallel_loop3A_372] {strides = array<i32>} : memref<16x768xf32, #tpu.memory_space<vmem>>, vector<1x16xf32>,
        %parallel_loop3A_374 = vector.shape_cast %parallel_loop3A_373 : vector<1x16xf32> to vector<16xf32>
        %parallel_loop3A_375 = arith.index_cast %parallel_loop3A_54 : i32 to index
        %parallel_loop3A_376 = arith.constant 272 : index
        %parallel_loop3A_377 = tpu.vector_load %arg8[%parallel_loop3A_375, %parallel_loop3A_376] {strides = array<i32>} : memref<16x768xf32, #tpu.memory_space<vmem>>, vector<1x16xf32>,
        %parallel_loop3A_378 = vector.shape_cast %parallel_loop3A_377 : vector<1x16xf32> to vector<16xf32>
        %parallel_loop3A_379 = vector.broadcast %parallel_loop3A_59 : f32 to vector<16xf32>
        %parallel_loop3A_380 = arith.mulf %parallel_loop3A_374, %parallel_loop3A_379 : vector<16xf32>
        %parallel_loop3A_381 = vector.broadcast %parallel_loop3A_64 : f32 to vector<16xf32>
        %parallel_loop3A_382 = arith.mulf %parallel_loop3A_378, %parallel_loop3A_381 : vector<16xf32>
        %parallel_loop3A_383 = arith.addf %parallel_loop3A_380, %parallel_loop3A_382 : vector<16xf32>
        %parallel_loop3A_384 = arith.index_cast %parallel_loop3A_43 : i32 to index
        %parallel_loop3A_385 = arith.constant 272 : index
        %parallel_loop3A_386 = tpu.vector_load %arg9[%parallel_loop3A_384, %parallel_loop3A_385] {strides = array<i32>} : memref<64x768xf32, #tpu.memory_space<vmem>>, vector<1x16xf32>,
        %parallel_loop3A_387 = vector.shape_cast %parallel_loop3A_386 : vector<1x16xf32> to vector<16xf32>
        %parallel_loop3A_388 = vector.shape_cast %parallel_loop3A_383 : vector<16xf32> to vector<1x16xf32>
        tpu.vector_store %arg9[%parallel_loop3A_384, %parallel_loop3A_385], %parallel_loop3A_388 {strides = array<i32>} : memref<64x768xf32, #tpu.memory_space<vmem>>, vector<1x16xf32>,
        %parallel_loop3A_389 = arith.index_cast %parallel_loop3A_49 : i32 to index
        %parallel_loop3A_390 = arith.constant 288 : index
        %parallel_loop3A_391 = tpu.vector_load %arg8[%parallel_loop3A_389, %parallel_loop3A_390] {strides = array<i32>} : memref<16x768xf32, #tpu.memory_space<vmem>>, vector<1x16xf32>,
        %parallel_loop3A_392 = vector.shape_cast %parallel_loop3A_391 : vector<1x16xf32> to vector<16xf32>
        %parallel_loop3A_393 = arith.index_cast %parallel_loop3A_54 : i32 to index
        %parallel_loop3A_394 = arith.constant 288 : index
        %parallel_loop3A_395 = tpu.vector_load %arg8[%parallel_loop3A_393, %parallel_loop3A_394] {strides = array<i32>} : memref<16x768xf32, #tpu.memory_space<vmem>>, vector<1x16xf32>,
        %parallel_loop3A_396 = vector.shape_cast %parallel_loop3A_395 : vector<1x16xf32> to vector<16xf32>
        %parallel_loop3A_397 = vector.broadcast %parallel_loop3A_59 : f32 to vector<16xf32>
        %parallel_loop3A_398 = arith.mulf %parallel_loop3A_392, %parallel_loop3A_397 : vector<16xf32>
        %parallel_loop3A_399 = vector.broadcast %parallel_loop3A_64 : f32 to vector<16xf32>
        %parallel_loop3A_400 = arith.mulf %parallel_loop3A_396, %parallel_loop3A_399 : vector<16xf32>
        %parallel_loop3A_401 = arith.addf %parallel_loop3A_398, %parallel_loop3A_400 : vector<16xf32>
        %parallel_loop3A_402 = arith.index_cast %parallel_loop3A_43 : i32 to index
        %parallel_loop3A_403 = arith.constant 288 : index
        %parallel_loop3A_404 = tpu.vector_load %arg9[%parallel_loop3A_402, %parallel_loop3A_403] {strides = array<i32>} : memref<64x768xf32, #tpu.memory_space<vmem>>, vector<1x16xf32>,
        %parallel_loop3A_405 = vector.shape_cast %parallel_loop3A_404 : vector<1x16xf32> to vector<16xf32>
        %parallel_loop3A_406 = vector.shape_cast %parallel_loop3A_401 : vector<16xf32> to vector<1x16xf32>
        tpu.vector_store %arg9[%parallel_loop3A_402, %parallel_loop3A_403], %parallel_loop3A_406 {strides = array<i32>} : memref<64x768xf32, #tpu.memory_space<vmem>>, vector<1x16xf32>,
        %parallel_loop3A_407 = arith.index_cast %parallel_loop3A_49 : i32 to index
        %parallel_loop3A_408 = arith.constant 304 : index
        %parallel_loop3A_409 = tpu.vector_load %arg8[%parallel_loop3A_407, %parallel_loop3A_408] {strides = array<i32>} : memref<16x768xf32, #tpu.memory_space<vmem>>, vector<1x16xf32>,
        %parallel_loop3A_410 = vector.shape_cast %parallel_loop3A_409 : vector<1x16xf32> to vector<16xf32>
        %parallel_loop3A_411 = arith.index_cast %parallel_loop3A_54 : i32 to index
        %parallel_loop3A_412 = arith.constant 304 : index
        %parallel_loop3A_413 = tpu.vector_load %arg8[%parallel_loop3A_411, %parallel_loop3A_412] {strides = array<i32>} : memref<16x768xf32, #tpu.memory_space<vmem>>, vector<1x16xf32>,
        %parallel_loop3A_414 = vector.shape_cast %parallel_loop3A_413 : vector<1x16xf32> to vector<16xf32>
        %parallel_loop3A_415 = vector.broadcast %parallel_loop3A_59 : f32 to vector<16xf32>
        %parallel_loop3A_416 = arith.mulf %parallel_loop3A_410, %parallel_loop3A_415 : vector<16xf32>
        %parallel_loop3A_417 = vector.broadcast %parallel_loop3A_64 : f32 to vector<16xf32>
        %parallel_loop3A_418 = arith.mulf %parallel_loop3A_414, %parallel_loop3A_417 : vector<16xf32>
        %parallel_loop3A_419 = arith.addf %parallel_loop3A_416, %parallel_loop3A_418 : vector<16xf32>
        %parallel_loop3A_420 = arith.index_cast %parallel_loop3A_43 : i32 to index
        %parallel_loop3A_421 = arith.constant 304 : index
        %parallel_loop3A_422 = tpu.vector_load %arg9[%parallel_loop3A_420, %parallel_loop3A_421] {strides = array<i32>} : memref<64x768xf32, #tpu.memory_space<vmem>>, vector<1x16xf32>,
        %parallel_loop3A_423 = vector.shape_cast %parallel_loop3A_422 : vector<1x16xf32> to vector<16xf32>
        %parallel_loop3A_424 = vector.shape_cast %parallel_loop3A_419 : vector<16xf32> to vector<1x16xf32>
        tpu.vector_store %arg9[%parallel_loop3A_420, %parallel_loop3A_421], %parallel_loop3A_424 {strides = array<i32>} : memref<64x768xf32, #tpu.memory_space<vmem>>, vector<1x16xf32>,
        %parallel_loop3A_425 = arith.index_cast %parallel_loop3A_49 : i32 to index
        %parallel_loop3A_426 = arith.constant 320 : index
        %parallel_loop3A_427 = tpu.vector_load %arg8[%parallel_loop3A_425, %parallel_loop3A_426] {strides = array<i32>} : memref<16x768xf32, #tpu.memory_space<vmem>>, vector<1x16xf32>,
        %parallel_loop3A_428 = vector.shape_cast %parallel_loop3A_427 : vector<1x16xf32> to vector<16xf32>
        %parallel_loop3A_429 = arith.index_cast %parallel_loop3A_54 : i32 to index
        %parallel_loop3A_430 = arith.constant 320 : index
        %parallel_loop3A_431 = tpu.vector_load %arg8[%parallel_loop3A_429, %parallel_loop3A_430] {strides = array<i32>} : memref<16x768xf32, #tpu.memory_space<vmem>>, vector<1x16xf32>,
        %parallel_loop3A_432 = vector.shape_cast %parallel_loop3A_431 : vector<1x16xf32> to vector<16xf32>
        %parallel_loop3A_433 = vector.broadcast %parallel_loop3A_59 : f32 to vector<16xf32>
        %parallel_loop3A_434 = arith.mulf %parallel_loop3A_428, %parallel_loop3A_433 : vector<16xf32>
        %parallel_loop3A_435 = vector.broadcast %parallel_loop3A_64 : f32 to vector<16xf32>
        %parallel_loop3A_436 = arith.mulf %parallel_loop3A_432, %parallel_loop3A_435 : vector<16xf32>
        %parallel_loop3A_437 = arith.addf %parallel_loop3A_434, %parallel_loop3A_436 : vector<16xf32>
        %parallel_loop3A_438 = arith.index_cast %parallel_loop3A_43 : i32 to index
        %parallel_loop3A_439 = arith.constant 320 : index
        %parallel_loop3A_440 = tpu.vector_load %arg9[%parallel_loop3A_438, %parallel_loop3A_439] {strides = array<i32>} : memref<64x768xf32, #tpu.memory_space<vmem>>, vector<1x16xf32>,
        %parallel_loop3A_441 = vector.shape_cast %parallel_loop3A_440 : vector<1x16xf32> to vector<16xf32>
        %parallel_loop3A_442 = vector.shape_cast %parallel_loop3A_437 : vector<16xf32> to vector<1x16xf32>
        tpu.vector_store %arg9[%parallel_loop3A_438, %parallel_loop3A_439], %parallel_loop3A_442 {strides = array<i32>} : memref<64x768xf32, #tpu.memory_space<vmem>>, vector<1x16xf32>,
        %parallel_loop3A_443 = arith.index_cast %parallel_loop3A_49 : i32 to index
        %parallel_loop3A_444 = arith.constant 336 : index
        %parallel_loop3A_445 = tpu.vector_load %arg8[%parallel_loop3A_443, %parallel_loop3A_444] {strides = array<i32>} : memref<16x768xf32, #tpu.memory_space<vmem>>, vector<1x16xf32>,
        %parallel_loop3A_446 = vector.shape_cast %parallel_loop3A_445 : vector<1x16xf32> to vector<16xf32>
        %parallel_loop3A_447 = arith.index_cast %parallel_loop3A_54 : i32 to index
        %parallel_loop3A_448 = arith.constant 336 : index
        %parallel_loop3A_449 = tpu.vector_load %arg8[%parallel_loop3A_447, %parallel_loop3A_448] {strides = array<i32>} : memref<16x768xf32, #tpu.memory_space<vmem>>, vector<1x16xf32>,
        %parallel_loop3A_450 = vector.shape_cast %parallel_loop3A_449 : vector<1x16xf32> to vector<16xf32>
        %parallel_loop3A_451 = vector.broadcast %parallel_loop3A_59 : f32 to vector<16xf32>
        %parallel_loop3A_452 = arith.mulf %parallel_loop3A_446, %parallel_loop3A_451 : vector<16xf32>
        %parallel_loop3A_453 = vector.broadcast %parallel_loop3A_64 : f32 to vector<16xf32>
        %parallel_loop3A_454 = arith.mulf %parallel_loop3A_450, %parallel_loop3A_453 : vector<16xf32>
        %parallel_loop3A_455 = arith.addf %parallel_loop3A_452, %parallel_loop3A_454 : vector<16xf32>
        %parallel_loop3A_456 = arith.index_cast %parallel_loop3A_43 : i32 to index
        %parallel_loop3A_457 = arith.constant 336 : index
        %parallel_loop3A_458 = tpu.vector_load %arg9[%parallel_loop3A_456, %parallel_loop3A_457] {strides = array<i32>} : memref<64x768xf32, #tpu.memory_space<vmem>>, vector<1x16xf32>,
        %parallel_loop3A_459 = vector.shape_cast %parallel_loop3A_458 : vector<1x16xf32> to vector<16xf32>
        %parallel_loop3A_460 = vector.shape_cast %parallel_loop3A_455 : vector<16xf32> to vector<1x16xf32>
        tpu.vector_store %arg9[%parallel_loop3A_456, %parallel_loop3A_457], %parallel_loop3A_460 {strides = array<i32>} : memref<64x768xf32, #tpu.memory_space<vmem>>, vector<1x16xf32>,
        %parallel_loop3A_461 = arith.index_cast %parallel_loop3A_49 : i32 to index
        %parallel_loop3A_462 = arith.constant 352 : index
        %parallel_loop3A_463 = tpu.vector_load %arg8[%parallel_loop3A_461, %parallel_loop3A_462] {strides = array<i32>} : memref<16x768xf32, #tpu.memory_space<vmem>>, vector<1x16xf32>,
        %parallel_loop3A_464 = vector.shape_cast %parallel_loop3A_463 : vector<1x16xf32> to vector<16xf32>
        %parallel_loop3A_465 = arith.index_cast %parallel_loop3A_54 : i32 to index
        %parallel_loop3A_466 = arith.constant 352 : index
        %parallel_loop3A_467 = tpu.vector_load %arg8[%parallel_loop3A_465, %parallel_loop3A_466] {strides = array<i32>} : memref<16x768xf32, #tpu.memory_space<vmem>>, vector<1x16xf32>,
        %parallel_loop3A_468 = vector.shape_cast %parallel_loop3A_467 : vector<1x16xf32> to vector<16xf32>
        %parallel_loop3A_469 = vector.broadcast %parallel_loop3A_59 : f32 to vector<16xf32>
        %parallel_loop3A_470 = arith.mulf %parallel_loop3A_464, %parallel_loop3A_469 : vector<16xf32>
        %parallel_loop3A_471 = vector.broadcast %parallel_loop3A_64 : f32 to vector<16xf32>
        %parallel_loop3A_472 = arith.mulf %parallel_loop3A_468, %parallel_loop3A_471 : vector<16xf32>
        %parallel_loop3A_473 = arith.addf %parallel_loop3A_470, %parallel_loop3A_472 : vector<16xf32>
        %parallel_loop3A_474 = arith.index_cast %parallel_loop3A_43 : i32 to index
        %parallel_loop3A_475 = arith.constant 352 : index
        %parallel_loop3A_476 = tpu.vector_load %arg9[%parallel_loop3A_474, %parallel_loop3A_475] {strides = array<i32>} : memref<64x768xf32, #tpu.memory_space<vmem>>, vector<1x16xf32>,
        %parallel_loop3A_477 = vector.shape_cast %parallel_loop3A_476 : vector<1x16xf32> to vector<16xf32>
        %parallel_loop3A_478 = vector.shape_cast %parallel_loop3A_473 : vector<16xf32> to vector<1x16xf32>
        tpu.vector_store %arg9[%parallel_loop3A_474, %parallel_loop3A_475], %parallel_loop3A_478 {strides = array<i32>} : memref<64x768xf32, #tpu.memory_space<vmem>>, vector<1x16xf32>,
        %parallel_loop3A_479 = arith.index_cast %parallel_loop3A_49 : i32 to index
        %parallel_loop3A_480 = arith.constant 368 : index
        %parallel_loop3A_481 = tpu.vector_load %arg8[%parallel_loop3A_479, %parallel_loop3A_480] {strides = array<i32>} : memref<16x768xf32, #tpu.memory_space<vmem>>, vector<1x16xf32>,
        %parallel_loop3A_482 = vector.shape_cast %parallel_loop3A_481 : vector<1x16xf32> to vector<16xf32>
        %parallel_loop3A_483 = arith.index_cast %parallel_loop3A_54 : i32 to index
        %parallel_loop3A_484 = arith.constant 368 : index
        %parallel_loop3A_485 = tpu.vector_load %arg8[%parallel_loop3A_483, %parallel_loop3A_484] {strides = array<i32>} : memref<16x768xf32, #tpu.memory_space<vmem>>, vector<1x16xf32>,
        %parallel_loop3A_486 = vector.shape_cast %parallel_loop3A_485 : vector<1x16xf32> to vector<16xf32>
        %parallel_loop3A_487 = vector.broadcast %parallel_loop3A_59 : f32 to vector<16xf32>
        %parallel_loop3A_488 = arith.mulf %parallel_loop3A_482, %parallel_loop3A_487 : vector<16xf32>
        %parallel_loop3A_489 = vector.broadcast %parallel_loop3A_64 : f32 to vector<16xf32>
        %parallel_loop3A_490 = arith.mulf %parallel_loop3A_486, %parallel_loop3A_489 : vector<16xf32>
        %parallel_loop3A_491 = arith.addf %parallel_loop3A_488, %parallel_loop3A_490 : vector<16xf32>
        %parallel_loop3A_492 = arith.index_cast %parallel_loop3A_43 : i32 to index
        %parallel_loop3A_493 = arith.constant 368 : index
        %parallel_loop3A_494 = tpu.vector_load %arg9[%parallel_loop3A_492, %parallel_loop3A_493] {strides = array<i32>} : memref<64x768xf32, #tpu.memory_space<vmem>>, vector<1x16xf32>,
        %parallel_loop3A_495 = vector.shape_cast %parallel_loop3A_494 : vector<1x16xf32> to vector<16xf32>
        %parallel_loop3A_496 = vector.shape_cast %parallel_loop3A_491 : vector<16xf32> to vector<1x16xf32>
        tpu.vector_store %arg9[%parallel_loop3A_492, %parallel_loop3A_493], %parallel_loop3A_496 {strides = array<i32>} : memref<64x768xf32, #tpu.memory_space<vmem>>, vector<1x16xf32>,
        %parallel_loop3A_497 = arith.index_cast %parallel_loop3A_49 : i32 to index
        %parallel_loop3A_498 = arith.constant 384 : index
        %parallel_loop3A_499 = tpu.vector_load %arg8[%parallel_loop3A_497, %parallel_loop3A_498] {strides = array<i32>} : memref<16x768xf32, #tpu.memory_space<vmem>>, vector<1x16xf32>,
        %parallel_loop3A_500 = vector.shape_cast %parallel_loop3A_499 : vector<1x16xf32> to vector<16xf32>
        %parallel_loop3A_501 = arith.index_cast %parallel_loop3A_54 : i32 to index
        %parallel_loop3A_502 = arith.constant 384 : index
        %parallel_loop3A_503 = tpu.vector_load %arg8[%parallel_loop3A_501, %parallel_loop3A_502] {strides = array<i32>} : memref<16x768xf32, #tpu.memory_space<vmem>>, vector<1x16xf32>,
        %parallel_loop3A_504 = vector.shape_cast %parallel_loop3A_503 : vector<1x16xf32> to vector<16xf32>
        %parallel_loop3A_505 = vector.broadcast %parallel_loop3A_59 : f32 to vector<16xf32>
        %parallel_loop3A_506 = arith.mulf %parallel_loop3A_500, %parallel_loop3A_505 : vector<16xf32>
        %parallel_loop3A_507 = vector.broadcast %parallel_loop3A_64 : f32 to vector<16xf32>
        %parallel_loop3A_508 = arith.mulf %parallel_loop3A_504, %parallel_loop3A_507 : vector<16xf32>
        %parallel_loop3A_509 = arith.addf %parallel_loop3A_506, %parallel_loop3A_508 : vector<16xf32>
        %parallel_loop3A_510 = arith.index_cast %parallel_loop3A_43 : i32 to index
        %parallel_loop3A_511 = arith.constant 384 : index
        %parallel_loop3A_512 = tpu.vector_load %arg9[%parallel_loop3A_510, %parallel_loop3A_511] {strides = array<i32>} : memref<64x768xf32, #tpu.memory_space<vmem>>, vector<1x16xf32>,
        %parallel_loop3A_513 = vector.shape_cast %parallel_loop3A_512 : vector<1x16xf32> to vector<16xf32>
        %parallel_loop3A_514 = vector.shape_cast %parallel_loop3A_509 : vector<16xf32> to vector<1x16xf32>
        tpu.vector_store %arg9[%parallel_loop3A_510, %parallel_loop3A_511], %parallel_loop3A_514 {strides = array<i32>} : memref<64x768xf32, #tpu.memory_space<vmem>>, vector<1x16xf32>,
        %parallel_loop3A_515 = arith.index_cast %parallel_loop3A_49 : i32 to index
        %parallel_loop3A_516 = arith.constant 400 : index
        %parallel_loop3A_517 = tpu.vector_load %arg8[%parallel_loop3A_515, %parallel_loop3A_516] {strides = array<i32>} : memref<16x768xf32, #tpu.memory_space<vmem>>, vector<1x16xf32>,
        %parallel_loop3A_518 = vector.shape_cast %parallel_loop3A_517 : vector<1x16xf32> to vector<16xf32>
        %parallel_loop3A_519 = arith.index_cast %parallel_loop3A_54 : i32 to index
        %parallel_loop3A_520 = arith.constant 400 : index
        %parallel_loop3A_521 = tpu.vector_load %arg8[%parallel_loop3A_519, %parallel_loop3A_520] {strides = array<i32>} : memref<16x768xf32, #tpu.memory_space<vmem>>, vector<1x16xf32>,
        %parallel_loop3A_522 = vector.shape_cast %parallel_loop3A_521 : vector<1x16xf32> to vector<16xf32>
        %parallel_loop3A_523 = vector.broadcast %parallel_loop3A_59 : f32 to vector<16xf32>
        %parallel_loop3A_524 = arith.mulf %parallel_loop3A_518, %parallel_loop3A_523 : vector<16xf32>
        %parallel_loop3A_525 = vector.broadcast %parallel_loop3A_64 : f32 to vector<16xf32>
        %parallel_loop3A_526 = arith.mulf %parallel_loop3A_522, %parallel_loop3A_525 : vector<16xf32>
        %parallel_loop3A_527 = arith.addf %parallel_loop3A_524, %parallel_loop3A_526 : vector<16xf32>
        %parallel_loop3A_528 = arith.index_cast %parallel_loop3A_43 : i32 to index
        %parallel_loop3A_529 = arith.constant 400 : index
        %parallel_loop3A_530 = tpu.vector_load %arg9[%parallel_loop3A_528, %parallel_loop3A_529] {strides = array<i32>} : memref<64x768xf32, #tpu.memory_space<vmem>>, vector<1x16xf32>,
        %parallel_loop3A_531 = vector.shape_cast %parallel_loop3A_530 : vector<1x16xf32> to vector<16xf32>
        %parallel_loop3A_532 = vector.shape_cast %parallel_loop3A_527 : vector<16xf32> to vector<1x16xf32>
        tpu.vector_store %arg9[%parallel_loop3A_528, %parallel_loop3A_529], %parallel_loop3A_532 {strides = array<i32>} : memref<64x768xf32, #tpu.memory_space<vmem>>, vector<1x16xf32>,
        %parallel_loop3A_533 = arith.index_cast %parallel_loop3A_49 : i32 to index
        %parallel_loop3A_534 = arith.constant 416 : index
        %parallel_loop3A_535 = tpu.vector_load %arg8[%parallel_loop3A_533, %parallel_loop3A_534] {strides = array<i32>} : memref<16x768xf32, #tpu.memory_space<vmem>>, vector<1x16xf32>,
        %parallel_loop3A_536 = vector.shape_cast %parallel_loop3A_535 : vector<1x16xf32> to vector<16xf32>
        %parallel_loop3A_537 = arith.index_cast %parallel_loop3A_54 : i32 to index
        %parallel_loop3A_538 = arith.constant 416 : index
        %parallel_loop3A_539 = tpu.vector_load %arg8[%parallel_loop3A_537, %parallel_loop3A_538] {strides = array<i32>} : memref<16x768xf32, #tpu.memory_space<vmem>>, vector<1x16xf32>,
        %parallel_loop3A_540 = vector.shape_cast %parallel_loop3A_539 : vector<1x16xf32> to vector<16xf32>
        %parallel_loop3A_541 = vector.broadcast %parallel_loop3A_59 : f32 to vector<16xf32>
        %parallel_loop3A_542 = arith.mulf %parallel_loop3A_536, %parallel_loop3A_541 : vector<16xf32>
        %parallel_loop3A_543 = vector.broadcast %parallel_loop3A_64 : f32 to vector<16xf32>
        %parallel_loop3A_544 = arith.mulf %parallel_loop3A_540, %parallel_loop3A_543 : vector<16xf32>
        %parallel_loop3A_545 = arith.addf %parallel_loop3A_542, %parallel_loop3A_544 : vector<16xf32>
        %parallel_loop3A_546 = arith.index_cast %parallel_loop3A_43 : i32 to index
        %parallel_loop3A_547 = arith.constant 416 : index
        %parallel_loop3A_548 = tpu.vector_load %arg9[%parallel_loop3A_546, %parallel_loop3A_547] {strides = array<i32>} : memref<64x768xf32, #tpu.memory_space<vmem>>, vector<1x16xf32>,
        %parallel_loop3A_549 = vector.shape_cast %parallel_loop3A_548 : vector<1x16xf32> to vector<16xf32>
        %parallel_loop3A_550 = vector.shape_cast %parallel_loop3A_545 : vector<16xf32> to vector<1x16xf32>
        tpu.vector_store %arg9[%parallel_loop3A_546, %parallel_loop3A_547], %parallel_loop3A_550 {strides = array<i32>} : memref<64x768xf32, #tpu.memory_space<vmem>>, vector<1x16xf32>,
        %parallel_loop3A_551 = arith.index_cast %parallel_loop3A_49 : i32 to index
        %parallel_loop3A_552 = arith.constant 432 : index
        %parallel_loop3A_553 = tpu.vector_load %arg8[%parallel_loop3A_551, %parallel_loop3A_552] {strides = array<i32>} : memref<16x768xf32, #tpu.memory_space<vmem>>, vector<1x16xf32>,
        %parallel_loop3A_554 = vector.shape_cast %parallel_loop3A_553 : vector<1x16xf32> to vector<16xf32>
        %parallel_loop3A_555 = arith.index_cast %parallel_loop3A_54 : i32 to index
        %parallel_loop3A_556 = arith.constant 432 : index
        %parallel_loop3A_557 = tpu.vector_load %arg8[%parallel_loop3A_555, %parallel_loop3A_556] {strides = array<i32>} : memref<16x768xf32, #tpu.memory_space<vmem>>, vector<1x16xf32>,
        %parallel_loop3A_558 = vector.shape_cast %parallel_loop3A_557 : vector<1x16xf32> to vector<16xf32>
        %parallel_loop3A_559 = vector.broadcast %parallel_loop3A_59 : f32 to vector<16xf32>
        %parallel_loop3A_560 = arith.mulf %parallel_loop3A_554, %parallel_loop3A_559 : vector<16xf32>
        %parallel_loop3A_561 = vector.broadcast %parallel_loop3A_64 : f32 to vector<16xf32>
        %parallel_loop3A_562 = arith.mulf %parallel_loop3A_558, %parallel_loop3A_561 : vector<16xf32>
        %parallel_loop3A_563 = arith.addf %parallel_loop3A_560, %parallel_loop3A_562 : vector<16xf32>
        %parallel_loop3A_564 = arith.index_cast %parallel_loop3A_43 : i32 to index
        %parallel_loop3A_565 = arith.constant 432 : index
        %parallel_loop3A_566 = tpu.vector_load %arg9[%parallel_loop3A_564, %parallel_loop3A_565] {strides = array<i32>} : memref<64x768xf32, #tpu.memory_space<vmem>>, vector<1x16xf32>,
        %parallel_loop3A_567 = vector.shape_cast %parallel_loop3A_566 : vector<1x16xf32> to vector<16xf32>
        %parallel_loop3A_568 = vector.shape_cast %parallel_loop3A_563 : vector<16xf32> to vector<1x16xf32>
        tpu.vector_store %arg9[%parallel_loop3A_564, %parallel_loop3A_565], %parallel_loop3A_568 {strides = array<i32>} : memref<64x768xf32, #tpu.memory_space<vmem>>, vector<1x16xf32>,
        %parallel_loop3A_569 = arith.index_cast %parallel_loop3A_49 : i32 to index
        %parallel_loop3A_570 = arith.constant 448 : index
        %parallel_loop3A_571 = tpu.vector_load %arg8[%parallel_loop3A_569, %parallel_loop3A_570] {strides = array<i32>} : memref<16x768xf32, #tpu.memory_space<vmem>>, vector<1x16xf32>,
        %parallel_loop3A_572 = vector.shape_cast %parallel_loop3A_571 : vector<1x16xf32> to vector<16xf32>
        %parallel_loop3A_573 = arith.index_cast %parallel_loop3A_54 : i32 to index
        %parallel_loop3A_574 = arith.constant 448 : index
        %parallel_loop3A_575 = tpu.vector_load %arg8[%parallel_loop3A_573, %parallel_loop3A_574] {strides = array<i32>} : memref<16x768xf32, #tpu.memory_space<vmem>>, vector<1x16xf32>,
        %parallel_loop3A_576 = vector.shape_cast %parallel_loop3A_575 : vector<1x16xf32> to vector<16xf32>
        %parallel_loop3A_577 = vector.broadcast %parallel_loop3A_59 : f32 to vector<16xf32>
        %parallel_loop3A_578 = arith.mulf %parallel_loop3A_572, %parallel_loop3A_577 : vector<16xf32>
        %parallel_loop3A_579 = vector.broadcast %parallel_loop3A_64 : f32 to vector<16xf32>
        %parallel_loop3A_580 = arith.mulf %parallel_loop3A_576, %parallel_loop3A_579 : vector<16xf32>
        %parallel_loop3A_581 = arith.addf %parallel_loop3A_578, %parallel_loop3A_580 : vector<16xf32>
        %parallel_loop3A_582 = arith.index_cast %parallel_loop3A_43 : i32 to index
        %parallel_loop3A_583 = arith.constant 448 : index
        %parallel_loop3A_584 = tpu.vector_load %arg9[%parallel_loop3A_582, %parallel_loop3A_583] {strides = array<i32>} : memref<64x768xf32, #tpu.memory_space<vmem>>, vector<1x16xf32>,
        %parallel_loop3A_585 = vector.shape_cast %parallel_loop3A_584 : vector<1x16xf32> to vector<16xf32>
        %parallel_loop3A_586 = vector.shape_cast %parallel_loop3A_581 : vector<16xf32> to vector<1x16xf32>
        tpu.vector_store %arg9[%parallel_loop3A_582, %parallel_loop3A_583], %parallel_loop3A_586 {strides = array<i32>} : memref<64x768xf32, #tpu.memory_space<vmem>>, vector<1x16xf32>,
        %parallel_loop3A_587 = arith.index_cast %parallel_loop3A_49 : i32 to index
        %parallel_loop3A_588 = arith.constant 464 : index
        %parallel_loop3A_589 = tpu.vector_load %arg8[%parallel_loop3A_587, %parallel_loop3A_588] {strides = array<i32>} : memref<16x768xf32, #tpu.memory_space<vmem>>, vector<1x16xf32>,
        %parallel_loop3A_590 = vector.shape_cast %parallel_loop3A_589 : vector<1x16xf32> to vector<16xf32>
        %parallel_loop3A_591 = arith.index_cast %parallel_loop3A_54 : i32 to index
        %parallel_loop3A_592 = arith.constant 464 : index
        %parallel_loop3A_593 = tpu.vector_load %arg8[%parallel_loop3A_591, %parallel_loop3A_592] {strides = array<i32>} : memref<16x768xf32, #tpu.memory_space<vmem>>, vector<1x16xf32>,
        %parallel_loop3A_594 = vector.shape_cast %parallel_loop3A_593 : vector<1x16xf32> to vector<16xf32>
        %parallel_loop3A_595 = vector.broadcast %parallel_loop3A_59 : f32 to vector<16xf32>
        %parallel_loop3A_596 = arith.mulf %parallel_loop3A_590, %parallel_loop3A_595 : vector<16xf32>
        %parallel_loop3A_597 = vector.broadcast %parallel_loop3A_64 : f32 to vector<16xf32>
        %parallel_loop3A_598 = arith.mulf %parallel_loop3A_594, %parallel_loop3A_597 : vector<16xf32>
        %parallel_loop3A_599 = arith.addf %parallel_loop3A_596, %parallel_loop3A_598 : vector<16xf32>
        %parallel_loop3A_600 = arith.index_cast %parallel_loop3A_43 : i32 to index
        %parallel_loop3A_601 = arith.constant 464 : index
        %parallel_loop3A_602 = tpu.vector_load %arg9[%parallel_loop3A_600, %parallel_loop3A_601] {strides = array<i32>} : memref<64x768xf32, #tpu.memory_space<vmem>>, vector<1x16xf32>,
        %parallel_loop3A_603 = vector.shape_cast %parallel_loop3A_602 : vector<1x16xf32> to vector<16xf32>
        %parallel_loop3A_604 = vector.shape_cast %parallel_loop3A_599 : vector<16xf32> to vector<1x16xf32>
        tpu.vector_store %arg9[%parallel_loop3A_600, %parallel_loop3A_601], %parallel_loop3A_604 {strides = array<i32>} : memref<64x768xf32, #tpu.memory_space<vmem>>, vector<1x16xf32>,
        %parallel_loop3A_605 = arith.index_cast %parallel_loop3A_49 : i32 to index
        %parallel_loop3A_606 = arith.constant 480 : index
        %parallel_loop3A_607 = tpu.vector_load %arg8[%parallel_loop3A_605, %parallel_loop3A_606] {strides = array<i32>} : memref<16x768xf32, #tpu.memory_space<vmem>>, vector<1x16xf32>,
        %parallel_loop3A_608 = vector.shape_cast %parallel_loop3A_607 : vector<1x16xf32> to vector<16xf32>
        %parallel_loop3A_609 = arith.index_cast %parallel_loop3A_54 : i32 to index
        %parallel_loop3A_610 = arith.constant 480 : index
        %parallel_loop3A_611 = tpu.vector_load %arg8[%parallel_loop3A_609, %parallel_loop3A_610] {strides = array<i32>} : memref<16x768xf32, #tpu.memory_space<vmem>>, vector<1x16xf32>,
        %parallel_loop3A_612 = vector.shape_cast %parallel_loop3A_611 : vector<1x16xf32> to vector<16xf32>
        %parallel_loop3A_613 = vector.broadcast %parallel_loop3A_59 : f32 to vector<16xf32>
        %parallel_loop3A_614 = arith.mulf %parallel_loop3A_608, %parallel_loop3A_613 : vector<16xf32>
        %parallel_loop3A_615 = vector.broadcast %parallel_loop3A_64 : f32 to vector<16xf32>
        %parallel_loop3A_616 = arith.mulf %parallel_loop3A_612, %parallel_loop3A_615 : vector<16xf32>
        %parallel_loop3A_617 = arith.addf %parallel_loop3A_614, %parallel_loop3A_616 : vector<16xf32>
        %parallel_loop3A_618 = arith.index_cast %parallel_loop3A_43 : i32 to index
        %parallel_loop3A_619 = arith.constant 480 : index
        %parallel_loop3A_620 = tpu.vector_load %arg9[%parallel_loop3A_618, %parallel_loop3A_619] {strides = array<i32>} : memref<64x768xf32, #tpu.memory_space<vmem>>, vector<1x16xf32>,
        %parallel_loop3A_621 = vector.shape_cast %parallel_loop3A_620 : vector<1x16xf32> to vector<16xf32>
        %parallel_loop3A_622 = vector.shape_cast %parallel_loop3A_617 : vector<16xf32> to vector<1x16xf32>
        tpu.vector_store %arg9[%parallel_loop3A_618, %parallel_loop3A_619], %parallel_loop3A_622 {strides = array<i32>} : memref<64x768xf32, #tpu.memory_space<vmem>>, vector<1x16xf32>,
        %parallel_loop3A_623 = arith.index_cast %parallel_loop3A_49 : i32 to index
        %parallel_loop3A_624 = arith.constant 496 : index
        %parallel_loop3A_625 = tpu.vector_load %arg8[%parallel_loop3A_623, %parallel_loop3A_624] {strides = array<i32>} : memref<16x768xf32, #tpu.memory_space<vmem>>, vector<1x16xf32>,
        %parallel_loop3A_626 = vector.shape_cast %parallel_loop3A_625 : vector<1x16xf32> to vector<16xf32>
        %parallel_loop3A_627 = arith.index_cast %parallel_loop3A_54 : i32 to index
        %parallel_loop3A_628 = arith.constant 496 : index
        %parallel_loop3A_629 = tpu.vector_load %arg8[%parallel_loop3A_627, %parallel_loop3A_628] {strides = array<i32>} : memref<16x768xf32, #tpu.memory_space<vmem>>, vector<1x16xf32>,
        %parallel_loop3A_630 = vector.shape_cast %parallel_loop3A_629 : vector<1x16xf32> to vector<16xf32>
        %parallel_loop3A_631 = vector.broadcast %parallel_loop3A_59 : f32 to vector<16xf32>
        %parallel_loop3A_632 = arith.mulf %parallel_loop3A_626, %parallel_loop3A_631 : vector<16xf32>
        %parallel_loop3A_633 = vector.broadcast %parallel_loop3A_64 : f32 to vector<16xf32>
        %parallel_loop3A_634 = arith.mulf %parallel_loop3A_630, %parallel_loop3A_633 : vector<16xf32>
        %parallel_loop3A_635 = arith.addf %parallel_loop3A_632, %parallel_loop3A_634 : vector<16xf32>
        %parallel_loop3A_636 = arith.index_cast %parallel_loop3A_43 : i32 to index
        %parallel_loop3A_637 = arith.constant 496 : index
        %parallel_loop3A_638 = tpu.vector_load %arg9[%parallel_loop3A_636, %parallel_loop3A_637] {strides = array<i32>} : memref<64x768xf32, #tpu.memory_space<vmem>>, vector<1x16xf32>,
        %parallel_loop3A_639 = vector.shape_cast %parallel_loop3A_638 : vector<1x16xf32> to vector<16xf32>
        %parallel_loop3A_640 = vector.shape_cast %parallel_loop3A_635 : vector<16xf32> to vector<1x16xf32>
        tpu.vector_store %arg9[%parallel_loop3A_636, %parallel_loop3A_637], %parallel_loop3A_640 {strides = array<i32>} : memref<64x768xf32, #tpu.memory_space<vmem>>, vector<1x16xf32>,
        %parallel_loop3A_641 = arith.index_cast %parallel_loop3A_49 : i32 to index
        %parallel_loop3A_642 = arith.constant 512 : index
        %parallel_loop3A_643 = tpu.vector_load %arg8[%parallel_loop3A_641, %parallel_loop3A_642] {strides = array<i32>} : memref<16x768xf32, #tpu.memory_space<vmem>>, vector<1x16xf32>,
        %parallel_loop3A_644 = vector.shape_cast %parallel_loop3A_643 : vector<1x16xf32> to vector<16xf32>
        %parallel_loop3A_645 = arith.index_cast %parallel_loop3A_54 : i32 to index
        %parallel_loop3A_646 = arith.constant 512 : index
        %parallel_loop3A_647 = tpu.vector_load %arg8[%parallel_loop3A_645, %parallel_loop3A_646] {strides = array<i32>} : memref<16x768xf32, #tpu.memory_space<vmem>>, vector<1x16xf32>,
        %parallel_loop3A_648 = vector.shape_cast %parallel_loop3A_647 : vector<1x16xf32> to vector<16xf32>
        %parallel_loop3A_649 = vector.broadcast %parallel_loop3A_59 : f32 to vector<16xf32>
        %parallel_loop3A_650 = arith.mulf %parallel_loop3A_644, %parallel_loop3A_649 : vector<16xf32>
        %parallel_loop3A_651 = vector.broadcast %parallel_loop3A_64 : f32 to vector<16xf32>
        %parallel_loop3A_652 = arith.mulf %parallel_loop3A_648, %parallel_loop3A_651 : vector<16xf32>
        %parallel_loop3A_653 = arith.addf %parallel_loop3A_650, %parallel_loop3A_652 : vector<16xf32>
        %parallel_loop3A_654 = arith.index_cast %parallel_loop3A_43 : i32 to index
        %parallel_loop3A_655 = arith.constant 512 : index
        %parallel_loop3A_656 = tpu.vector_load %arg9[%parallel_loop3A_654, %parallel_loop3A_655] {strides = array<i32>} : memref<64x768xf32, #tpu.memory_space<vmem>>, vector<1x16xf32>,
        %parallel_loop3A_657 = vector.shape_cast %parallel_loop3A_656 : vector<1x16xf32> to vector<16xf32>
        %parallel_loop3A_658 = vector.shape_cast %parallel_loop3A_653 : vector<16xf32> to vector<1x16xf32>
        tpu.vector_store %arg9[%parallel_loop3A_654, %parallel_loop3A_655], %parallel_loop3A_658 {strides = array<i32>} : memref<64x768xf32, #tpu.memory_space<vmem>>, vector<1x16xf32>,
        %parallel_loop3A_659 = arith.index_cast %parallel_loop3A_49 : i32 to index
        %parallel_loop3A_660 = arith.constant 528 : index
        %parallel_loop3A_661 = tpu.vector_load %arg8[%parallel_loop3A_659, %parallel_loop3A_660] {strides = array<i32>} : memref<16x768xf32, #tpu.memory_space<vmem>>, vector<1x16xf32>,
        %parallel_loop3A_662 = vector.shape_cast %parallel_loop3A_661 : vector<1x16xf32> to vector<16xf32>
        %parallel_loop3A_663 = arith.index_cast %parallel_loop3A_54 : i32 to index
        %parallel_loop3A_664 = arith.constant 528 : index
        %parallel_loop3A_665 = tpu.vector_load %arg8[%parallel_loop3A_663, %parallel_loop3A_664] {strides = array<i32>} : memref<16x768xf32, #tpu.memory_space<vmem>>, vector<1x16xf32>,
        %parallel_loop3A_666 = vector.shape_cast %parallel_loop3A_665 : vector<1x16xf32> to vector<16xf32>
        %parallel_loop3A_667 = vector.broadcast %parallel_loop3A_59 : f32 to vector<16xf32>
        %parallel_loop3A_668 = arith.mulf %parallel_loop3A_662, %parallel_loop3A_667 : vector<16xf32>
        %parallel_loop3A_669 = vector.broadcast %parallel_loop3A_64 : f32 to vector<16xf32>
        %parallel_loop3A_670 = arith.mulf %parallel_loop3A_666, %parallel_loop3A_669 : vector<16xf32>
        %parallel_loop3A_671 = arith.addf %parallel_loop3A_668, %parallel_loop3A_670 : vector<16xf32>
        %parallel_loop3A_672 = arith.index_cast %parallel_loop3A_43 : i32 to index
        %parallel_loop3A_673 = arith.constant 528 : index
        %parallel_loop3A_674 = tpu.vector_load %arg9[%parallel_loop3A_672, %parallel_loop3A_673] {strides = array<i32>} : memref<64x768xf32, #tpu.memory_space<vmem>>, vector<1x16xf32>,
        %parallel_loop3A_675 = vector.shape_cast %parallel_loop3A_674 : vector<1x16xf32> to vector<16xf32>
        %parallel_loop3A_676 = vector.shape_cast %parallel_loop3A_671 : vector<16xf32> to vector<1x16xf32>
        tpu.vector_store %arg9[%parallel_loop3A_672, %parallel_loop3A_673], %parallel_loop3A_676 {strides = array<i32>} : memref<64x768xf32, #tpu.memory_space<vmem>>, vector<1x16xf32>,
        %parallel_loop3A_677 = arith.index_cast %parallel_loop3A_49 : i32 to index
        %parallel_loop3A_678 = arith.constant 544 : index
        %parallel_loop3A_679 = tpu.vector_load %arg8[%parallel_loop3A_677, %parallel_loop3A_678] {strides = array<i32>} : memref<16x768xf32, #tpu.memory_space<vmem>>, vector<1x16xf32>,
        %parallel_loop3A_680 = vector.shape_cast %parallel_loop3A_679 : vector<1x16xf32> to vector<16xf32>
        %parallel_loop3A_681 = arith.index_cast %parallel_loop3A_54 : i32 to index
        %parallel_loop3A_682 = arith.constant 544 : index
        %parallel_loop3A_683 = tpu.vector_load %arg8[%parallel_loop3A_681, %parallel_loop3A_682] {strides = array<i32>} : memref<16x768xf32, #tpu.memory_space<vmem>>, vector<1x16xf32>,
        %parallel_loop3A_684 = vector.shape_cast %parallel_loop3A_683 : vector<1x16xf32> to vector<16xf32>
        %parallel_loop3A_685 = vector.broadcast %parallel_loop3A_59 : f32 to vector<16xf32>
        %parallel_loop3A_686 = arith.mulf %parallel_loop3A_680, %parallel_loop3A_685 : vector<16xf32>
        %parallel_loop3A_687 = vector.broadcast %parallel_loop3A_64 : f32 to vector<16xf32>
        %parallel_loop3A_688 = arith.mulf %parallel_loop3A_684, %parallel_loop3A_687 : vector<16xf32>
        %parallel_loop3A_689 = arith.addf %parallel_loop3A_686, %parallel_loop3A_688 : vector<16xf32>
        %parallel_loop3A_690 = arith.index_cast %parallel_loop3A_43 : i32 to index
        %parallel_loop3A_691 = arith.constant 544 : index
        %parallel_loop3A_692 = tpu.vector_load %arg9[%parallel_loop3A_690, %parallel_loop3A_691] {strides = array<i32>} : memref<64x768xf32, #tpu.memory_space<vmem>>, vector<1x16xf32>,
        %parallel_loop3A_693 = vector.shape_cast %parallel_loop3A_692 : vector<1x16xf32> to vector<16xf32>
        %parallel_loop3A_694 = vector.shape_cast %parallel_loop3A_689 : vector<16xf32> to vector<1x16xf32>
        tpu.vector_store %arg9[%parallel_loop3A_690, %parallel_loop3A_691], %parallel_loop3A_694 {strides = array<i32>} : memref<64x768xf32, #tpu.memory_space<vmem>>, vector<1x16xf32>,
        %parallel_loop3A_695 = arith.index_cast %parallel_loop3A_49 : i32 to index
        %parallel_loop3A_696 = arith.constant 560 : index
        %parallel_loop3A_697 = tpu.vector_load %arg8[%parallel_loop3A_695, %parallel_loop3A_696] {strides = array<i32>} : memref<16x768xf32, #tpu.memory_space<vmem>>, vector<1x16xf32>,
        %parallel_loop3A_698 = vector.shape_cast %parallel_loop3A_697 : vector<1x16xf32> to vector<16xf32>
        %parallel_loop3A_699 = arith.index_cast %parallel_loop3A_54 : i32 to index
        %parallel_loop3A_700 = arith.constant 560 : index
        %parallel_loop3A_701 = tpu.vector_load %arg8[%parallel_loop3A_699, %parallel_loop3A_700] {strides = array<i32>} : memref<16x768xf32, #tpu.memory_space<vmem>>, vector<1x16xf32>,
        %parallel_loop3A_702 = vector.shape_cast %parallel_loop3A_701 : vector<1x16xf32> to vector<16xf32>
        %parallel_loop3A_703 = vector.broadcast %parallel_loop3A_59 : f32 to vector<16xf32>
        %parallel_loop3A_704 = arith.mulf %parallel_loop3A_698, %parallel_loop3A_703 : vector<16xf32>
        %parallel_loop3A_705 = vector.broadcast %parallel_loop3A_64 : f32 to vector<16xf32>
        %parallel_loop3A_706 = arith.mulf %parallel_loop3A_702, %parallel_loop3A_705 : vector<16xf32>
        %parallel_loop3A_707 = arith.addf %parallel_loop3A_704, %parallel_loop3A_706 : vector<16xf32>
        %parallel_loop3A_708 = arith.index_cast %parallel_loop3A_43 : i32 to index
        %parallel_loop3A_709 = arith.constant 560 : index
        %parallel_loop3A_710 = tpu.vector_load %arg9[%parallel_loop3A_708, %parallel_loop3A_709] {strides = array<i32>} : memref<64x768xf32, #tpu.memory_space<vmem>>, vector<1x16xf32>,
        %parallel_loop3A_711 = vector.shape_cast %parallel_loop3A_710 : vector<1x16xf32> to vector<16xf32>
        %parallel_loop3A_712 = vector.shape_cast %parallel_loop3A_707 : vector<16xf32> to vector<1x16xf32>
        tpu.vector_store %arg9[%parallel_loop3A_708, %parallel_loop3A_709], %parallel_loop3A_712 {strides = array<i32>} : memref<64x768xf32, #tpu.memory_space<vmem>>, vector<1x16xf32>,
        %parallel_loop3A_713 = arith.index_cast %parallel_loop3A_49 : i32 to index
        %parallel_loop3A_714 = arith.constant 576 : index
        %parallel_loop3A_715 = tpu.vector_load %arg8[%parallel_loop3A_713, %parallel_loop3A_714] {strides = array<i32>} : memref<16x768xf32, #tpu.memory_space<vmem>>, vector<1x16xf32>,
        %parallel_loop3A_716 = vector.shape_cast %parallel_loop3A_715 : vector<1x16xf32> to vector<16xf32>
        %parallel_loop3A_717 = arith.index_cast %parallel_loop3A_54 : i32 to index
        %parallel_loop3A_718 = arith.constant 576 : index
        %parallel_loop3A_719 = tpu.vector_load %arg8[%parallel_loop3A_717, %parallel_loop3A_718] {strides = array<i32>} : memref<16x768xf32, #tpu.memory_space<vmem>>, vector<1x16xf32>,
        %parallel_loop3A_720 = vector.shape_cast %parallel_loop3A_719 : vector<1x16xf32> to vector<16xf32>
        %parallel_loop3A_721 = vector.broadcast %parallel_loop3A_59 : f32 to vector<16xf32>
        %parallel_loop3A_722 = arith.mulf %parallel_loop3A_716, %parallel_loop3A_721 : vector<16xf32>
        %parallel_loop3A_723 = vector.broadcast %parallel_loop3A_64 : f32 to vector<16xf32>
        %parallel_loop3A_724 = arith.mulf %parallel_loop3A_720, %parallel_loop3A_723 : vector<16xf32>
        %parallel_loop3A_725 = arith.addf %parallel_loop3A_722, %parallel_loop3A_724 : vector<16xf32>
        %parallel_loop3A_726 = arith.index_cast %parallel_loop3A_43 : i32 to index
        %parallel_loop3A_727 = arith.constant 576 : index
        %parallel_loop3A_728 = tpu.vector_load %arg9[%parallel_loop3A_726, %parallel_loop3A_727] {strides = array<i32>} : memref<64x768xf32, #tpu.memory_space<vmem>>, vector<1x16xf32>,
        %parallel_loop3A_729 = vector.shape_cast %parallel_loop3A_728 : vector<1x16xf32> to vector<16xf32>
        %parallel_loop3A_730 = vector.shape_cast %parallel_loop3A_725 : vector<16xf32> to vector<1x16xf32>
        tpu.vector_store %arg9[%parallel_loop3A_726, %parallel_loop3A_727], %parallel_loop3A_730 {strides = array<i32>} : memref<64x768xf32, #tpu.memory_space<vmem>>, vector<1x16xf32>,
        %parallel_loop3A_731 = arith.index_cast %parallel_loop3A_49 : i32 to index
        %parallel_loop3A_732 = arith.constant 592 : index
        %parallel_loop3A_733 = tpu.vector_load %arg8[%parallel_loop3A_731, %parallel_loop3A_732] {strides = array<i32>} : memref<16x768xf32, #tpu.memory_space<vmem>>, vector<1x16xf32>,
        %parallel_loop3A_734 = vector.shape_cast %parallel_loop3A_733 : vector<1x16xf32> to vector<16xf32>
        %parallel_loop3A_735 = arith.index_cast %parallel_loop3A_54 : i32 to index
        %parallel_loop3A_736 = arith.constant 592 : index
        %parallel_loop3A_737 = tpu.vector_load %arg8[%parallel_loop3A_735, %parallel_loop3A_736] {strides = array<i32>} : memref<16x768xf32, #tpu.memory_space<vmem>>, vector<1x16xf32>,
        %parallel_loop3A_738 = vector.shape_cast %parallel_loop3A_737 : vector<1x16xf32> to vector<16xf32>
        %parallel_loop3A_739 = vector.broadcast %parallel_loop3A_59 : f32 to vector<16xf32>
        %parallel_loop3A_740 = arith.mulf %parallel_loop3A_734, %parallel_loop3A_739 : vector<16xf32>
        %parallel_loop3A_741 = vector.broadcast %parallel_loop3A_64 : f32 to vector<16xf32>
        %parallel_loop3A_742 = arith.mulf %parallel_loop3A_738, %parallel_loop3A_741 : vector<16xf32>
        %parallel_loop3A_743 = arith.addf %parallel_loop3A_740, %parallel_loop3A_742 : vector<16xf32>
        %parallel_loop3A_744 = arith.index_cast %parallel_loop3A_43 : i32 to index
        %parallel_loop3A_745 = arith.constant 592 : index
        %parallel_loop3A_746 = tpu.vector_load %arg9[%parallel_loop3A_744, %parallel_loop3A_745] {strides = array<i32>} : memref<64x768xf32, #tpu.memory_space<vmem>>, vector<1x16xf32>,
        %parallel_loop3A_747 = vector.shape_cast %parallel_loop3A_746 : vector<1x16xf32> to vector<16xf32>
        %parallel_loop3A_748 = vector.shape_cast %parallel_loop3A_743 : vector<16xf32> to vector<1x16xf32>
        tpu.vector_store %arg9[%parallel_loop3A_744, %parallel_loop3A_745], %parallel_loop3A_748 {strides = array<i32>} : memref<64x768xf32, #tpu.memory_space<vmem>>, vector<1x16xf32>,
        %parallel_loop3A_749 = arith.index_cast %parallel_loop3A_49 : i32 to index
        %parallel_loop3A_750 = arith.constant 608 : index
        %parallel_loop3A_751 = tpu.vector_load %arg8[%parallel_loop3A_749, %parallel_loop3A_750] {strides = array<i32>} : memref<16x768xf32, #tpu.memory_space<vmem>>, vector<1x16xf32>,
        %parallel_loop3A_752 = vector.shape_cast %parallel_loop3A_751 : vector<1x16xf32> to vector<16xf32>
        %parallel_loop3A_753 = arith.index_cast %parallel_loop3A_54 : i32 to index
        %parallel_loop3A_754 = arith.constant 608 : index
        %parallel_loop3A_755 = tpu.vector_load %arg8[%parallel_loop3A_753, %parallel_loop3A_754] {strides = array<i32>} : memref<16x768xf32, #tpu.memory_space<vmem>>, vector<1x16xf32>,
        %parallel_loop3A_756 = vector.shape_cast %parallel_loop3A_755 : vector<1x16xf32> to vector<16xf32>
        %parallel_loop3A_757 = vector.broadcast %parallel_loop3A_59 : f32 to vector<16xf32>
        %parallel_loop3A_758 = arith.mulf %parallel_loop3A_752, %parallel_loop3A_757 : vector<16xf32>
        %parallel_loop3A_759 = vector.broadcast %parallel_loop3A_64 : f32 to vector<16xf32>
        %parallel_loop3A_760 = arith.mulf %parallel_loop3A_756, %parallel_loop3A_759 : vector<16xf32>
        %parallel_loop3A_761 = arith.addf %parallel_loop3A_758, %parallel_loop3A_760 : vector<16xf32>
        %parallel_loop3A_762 = arith.index_cast %parallel_loop3A_43 : i32 to index
        %parallel_loop3A_763 = arith.constant 608 : index
        %parallel_loop3A_764 = tpu.vector_load %arg9[%parallel_loop3A_762, %parallel_loop3A_763] {strides = array<i32>} : memref<64x768xf32, #tpu.memory_space<vmem>>, vector<1x16xf32>,
        %parallel_loop3A_765 = vector.shape_cast %parallel_loop3A_764 : vector<1x16xf32> to vector<16xf32>
        %parallel_loop3A_766 = vector.shape_cast %parallel_loop3A_761 : vector<16xf32> to vector<1x16xf32>
        tpu.vector_store %arg9[%parallel_loop3A_762, %parallel_loop3A_763], %parallel_loop3A_766 {strides = array<i32>} : memref<64x768xf32, #tpu.memory_space<vmem>>, vector<1x16xf32>,
        %parallel_loop3A_767 = arith.index_cast %parallel_loop3A_49 : i32 to index
        %parallel_loop3A_768 = arith.constant 624 : index
        %parallel_loop3A_769 = tpu.vector_load %arg8[%parallel_loop3A_767, %parallel_loop3A_768] {strides = array<i32>} : memref<16x768xf32, #tpu.memory_space<vmem>>, vector<1x16xf32>,
        %parallel_loop3A_770 = vector.shape_cast %parallel_loop3A_769 : vector<1x16xf32> to vector<16xf32>
        %parallel_loop3A_771 = arith.index_cast %parallel_loop3A_54 : i32 to index
        %parallel_loop3A_772 = arith.constant 624 : index
        %parallel_loop3A_773 = tpu.vector_load %arg8[%parallel_loop3A_771, %parallel_loop3A_772] {strides = array<i32>} : memref<16x768xf32, #tpu.memory_space<vmem>>, vector<1x16xf32>,
        %parallel_loop3A_774 = vector.shape_cast %parallel_loop3A_773 : vector<1x16xf32> to vector<16xf32>
        %parallel_loop3A_775 = vector.broadcast %parallel_loop3A_59 : f32 to vector<16xf32>
        %parallel_loop3A_776 = arith.mulf %parallel_loop3A_770, %parallel_loop3A_775 : vector<16xf32>
        %parallel_loop3A_777 = vector.broadcast %parallel_loop3A_64 : f32 to vector<16xf32>
        %parallel_loop3A_778 = arith.mulf %parallel_loop3A_774, %parallel_loop3A_777 : vector<16xf32>
        %parallel_loop3A_779 = arith.addf %parallel_loop3A_776, %parallel_loop3A_778 : vector<16xf32>
        %parallel_loop3A_780 = arith.index_cast %parallel_loop3A_43 : i32 to index
        %parallel_loop3A_781 = arith.constant 624 : index
        %parallel_loop3A_782 = tpu.vector_load %arg9[%parallel_loop3A_780, %parallel_loop3A_781] {strides = array<i32>} : memref<64x768xf32, #tpu.memory_space<vmem>>, vector<1x16xf32>,
        %parallel_loop3A_783 = vector.shape_cast %parallel_loop3A_782 : vector<1x16xf32> to vector<16xf32>
        %parallel_loop3A_784 = vector.shape_cast %parallel_loop3A_779 : vector<16xf32> to vector<1x16xf32>
        tpu.vector_store %arg9[%parallel_loop3A_780, %parallel_loop3A_781], %parallel_loop3A_784 {strides = array<i32>} : memref<64x768xf32, #tpu.memory_space<vmem>>, vector<1x16xf32>,
        %parallel_loop3A_785 = arith.index_cast %parallel_loop3A_49 : i32 to index
        %parallel_loop3A_786 = arith.constant 640 : index
        %parallel_loop3A_787 = tpu.vector_load %arg8[%parallel_loop3A_785, %parallel_loop3A_786] {strides = array<i32>} : memref<16x768xf32, #tpu.memory_space<vmem>>, vector<1x16xf32>,
        %parallel_loop3A_788 = vector.shape_cast %parallel_loop3A_787 : vector<1x16xf32> to vector<16xf32>
        %parallel_loop3A_789 = arith.index_cast %parallel_loop3A_54 : i32 to index
        %parallel_loop3A_790 = arith.constant 640 : index
        %parallel_loop3A_791 = tpu.vector_load %arg8[%parallel_loop3A_789, %parallel_loop3A_790] {strides = array<i32>} : memref<16x768xf32, #tpu.memory_space<vmem>>, vector<1x16xf32>,
        %parallel_loop3A_792 = vector.shape_cast %parallel_loop3A_791 : vector<1x16xf32> to vector<16xf32>
        %parallel_loop3A_793 = vector.broadcast %parallel_loop3A_59 : f32 to vector<16xf32>
        %parallel_loop3A_794 = arith.mulf %parallel_loop3A_788, %parallel_loop3A_793 : vector<16xf32>
        %parallel_loop3A_795 = vector.broadcast %parallel_loop3A_64 : f32 to vector<16xf32>
        %parallel_loop3A_796 = arith.mulf %parallel_loop3A_792, %parallel_loop3A_795 : vector<16xf32>
        %parallel_loop3A_797 = arith.addf %parallel_loop3A_794, %parallel_loop3A_796 : vector<16xf32>
        %parallel_loop3A_798 = arith.index_cast %parallel_loop3A_43 : i32 to index
        %parallel_loop3A_799 = arith.constant 640 : index
        %parallel_loop3A_800 = tpu.vector_load %arg9[%parallel_loop3A_798, %parallel_loop3A_799] {strides = array<i32>} : memref<64x768xf32, #tpu.memory_space<vmem>>, vector<1x16xf32>,
        %parallel_loop3A_801 = vector.shape_cast %parallel_loop3A_800 : vector<1x16xf32> to vector<16xf32>
        %parallel_loop3A_802 = vector.shape_cast %parallel_loop3A_797 : vector<16xf32> to vector<1x16xf32>
        tpu.vector_store %arg9[%parallel_loop3A_798, %parallel_loop3A_799], %parallel_loop3A_802 {strides = array<i32>} : memref<64x768xf32, #tpu.memory_space<vmem>>, vector<1x16xf32>,
        %parallel_loop3A_803 = arith.index_cast %parallel_loop3A_49 : i32 to index
        %parallel_loop3A_804 = arith.constant 656 : index
        %parallel_loop3A_805 = tpu.vector_load %arg8[%parallel_loop3A_803, %parallel_loop3A_804] {strides = array<i32>} : memref<16x768xf32, #tpu.memory_space<vmem>>, vector<1x16xf32>,
        %parallel_loop3A_806 = vector.shape_cast %parallel_loop3A_805 : vector<1x16xf32> to vector<16xf32>
        %parallel_loop3A_807 = arith.index_cast %parallel_loop3A_54 : i32 to index
        %parallel_loop3A_808 = arith.constant 656 : index
        %parallel_loop3A_809 = tpu.vector_load %arg8[%parallel_loop3A_807, %parallel_loop3A_808] {strides = array<i32>} : memref<16x768xf32, #tpu.memory_space<vmem>>, vector<1x16xf32>,
        %parallel_loop3A_810 = vector.shape_cast %parallel_loop3A_809 : vector<1x16xf32> to vector<16xf32>
        %parallel_loop3A_811 = vector.broadcast %parallel_loop3A_59 : f32 to vector<16xf32>
        %parallel_loop3A_812 = arith.mulf %parallel_loop3A_806, %parallel_loop3A_811 : vector<16xf32>
        %parallel_loop3A_813 = vector.broadcast %parallel_loop3A_64 : f32 to vector<16xf32>
        %parallel_loop3A_814 = arith.mulf %parallel_loop3A_810, %parallel_loop3A_813 : vector<16xf32>
        %parallel_loop3A_815 = arith.addf %parallel_loop3A_812, %parallel_loop3A_814 : vector<16xf32>
        %parallel_loop3A_816 = arith.index_cast %parallel_loop3A_43 : i32 to index
        %parallel_loop3A_817 = arith.constant 656 : index
        %parallel_loop3A_818 = tpu.vector_load %arg9[%parallel_loop3A_816, %parallel_loop3A_817] {strides = array<i32>} : memref<64x768xf32, #tpu.memory_space<vmem>>, vector<1x16xf32>,
        %parallel_loop3A_819 = vector.shape_cast %parallel_loop3A_818 : vector<1x16xf32> to vector<16xf32>
        %parallel_loop3A_820 = vector.shape_cast %parallel_loop3A_815 : vector<16xf32> to vector<1x16xf32>
        tpu.vector_store %arg9[%parallel_loop3A_816, %parallel_loop3A_817], %parallel_loop3A_820 {strides = array<i32>} : memref<64x768xf32, #tpu.memory_space<vmem>>, vector<1x16xf32>,
        %parallel_loop3A_821 = arith.index_cast %parallel_loop3A_49 : i32 to index
        %parallel_loop3A_822 = arith.constant 672 : index
        %parallel_loop3A_823 = tpu.vector_load %arg8[%parallel_loop3A_821, %parallel_loop3A_822] {strides = array<i32>} : memref<16x768xf32, #tpu.memory_space<vmem>>, vector<1x16xf32>,
        %parallel_loop3A_824 = vector.shape_cast %parallel_loop3A_823 : vector<1x16xf32> to vector<16xf32>
        %parallel_loop3A_825 = arith.index_cast %parallel_loop3A_54 : i32 to index
        %parallel_loop3A_826 = arith.constant 672 : index
        %parallel_loop3A_827 = tpu.vector_load %arg8[%parallel_loop3A_825, %parallel_loop3A_826] {strides = array<i32>} : memref<16x768xf32, #tpu.memory_space<vmem>>, vector<1x16xf32>,
        %parallel_loop3A_828 = vector.shape_cast %parallel_loop3A_827 : vector<1x16xf32> to vector<16xf32>
        %parallel_loop3A_829 = vector.broadcast %parallel_loop3A_59 : f32 to vector<16xf32>
        %parallel_loop3A_830 = arith.mulf %parallel_loop3A_824, %parallel_loop3A_829 : vector<16xf32>
        %parallel_loop3A_831 = vector.broadcast %parallel_loop3A_64 : f32 to vector<16xf32>
        %parallel_loop3A_832 = arith.mulf %parallel_loop3A_828, %parallel_loop3A_831 : vector<16xf32>
        %parallel_loop3A_833 = arith.addf %parallel_loop3A_830, %parallel_loop3A_832 : vector<16xf32>
        %parallel_loop3A_834 = arith.index_cast %parallel_loop3A_43 : i32 to index
        %parallel_loop3A_835 = arith.constant 672 : index
        %parallel_loop3A_836 = tpu.vector_load %arg9[%parallel_loop3A_834, %parallel_loop3A_835] {strides = array<i32>} : memref<64x768xf32, #tpu.memory_space<vmem>>, vector<1x16xf32>,
        %parallel_loop3A_837 = vector.shape_cast %parallel_loop3A_836 : vector<1x16xf32> to vector<16xf32>
        %parallel_loop3A_838 = vector.shape_cast %parallel_loop3A_833 : vector<16xf32> to vector<1x16xf32>
        tpu.vector_store %arg9[%parallel_loop3A_834, %parallel_loop3A_835], %parallel_loop3A_838 {strides = array<i32>} : memref<64x768xf32, #tpu.memory_space<vmem>>, vector<1x16xf32>,
        %parallel_loop3A_839 = arith.index_cast %parallel_loop3A_49 : i32 to index
        %parallel_loop3A_840 = arith.constant 688 : index
        %parallel_loop3A_841 = tpu.vector_load %arg8[%parallel_loop3A_839, %parallel_loop3A_840] {strides = array<i32>} : memref<16x768xf32, #tpu.memory_space<vmem>>, vector<1x16xf32>,
        %parallel_loop3A_842 = vector.shape_cast %parallel_loop3A_841 : vector<1x16xf32> to vector<16xf32>
        %parallel_loop3A_843 = arith.index_cast %parallel_loop3A_54 : i32 to index
        %parallel_loop3A_844 = arith.constant 688 : index
        %parallel_loop3A_845 = tpu.vector_load %arg8[%parallel_loop3A_843, %parallel_loop3A_844] {strides = array<i32>} : memref<16x768xf32, #tpu.memory_space<vmem>>, vector<1x16xf32>,
        %parallel_loop3A_846 = vector.shape_cast %parallel_loop3A_845 : vector<1x16xf32> to vector<16xf32>
        %parallel_loop3A_847 = vector.broadcast %parallel_loop3A_59 : f32 to vector<16xf32>
        %parallel_loop3A_848 = arith.mulf %parallel_loop3A_842, %parallel_loop3A_847 : vector<16xf32>
        %parallel_loop3A_849 = vector.broadcast %parallel_loop3A_64 : f32 to vector<16xf32>
        %parallel_loop3A_850 = arith.mulf %parallel_loop3A_846, %parallel_loop3A_849 : vector<16xf32>
        %parallel_loop3A_851 = arith.addf %parallel_loop3A_848, %parallel_loop3A_850 : vector<16xf32>
        %parallel_loop3A_852 = arith.index_cast %parallel_loop3A_43 : i32 to index
        %parallel_loop3A_853 = arith.constant 688 : index
        %parallel_loop3A_854 = tpu.vector_load %arg9[%parallel_loop3A_852, %parallel_loop3A_853] {strides = array<i32>} : memref<64x768xf32, #tpu.memory_space<vmem>>, vector<1x16xf32>,
        %parallel_loop3A_855 = vector.shape_cast %parallel_loop3A_854 : vector<1x16xf32> to vector<16xf32>
        %parallel_loop3A_856 = vector.shape_cast %parallel_loop3A_851 : vector<16xf32> to vector<1x16xf32>
        tpu.vector_store %arg9[%parallel_loop3A_852, %parallel_loop3A_853], %parallel_loop3A_856 {strides = array<i32>} : memref<64x768xf32, #tpu.memory_space<vmem>>, vector<1x16xf32>,
        %parallel_loop3A_857 = arith.index_cast %parallel_loop3A_49 : i32 to index
        %parallel_loop3A_858 = arith.constant 704 : index
        %parallel_loop3A_859 = tpu.vector_load %arg8[%parallel_loop3A_857, %parallel_loop3A_858] {strides = array<i32>} : memref<16x768xf32, #tpu.memory_space<vmem>>, vector<1x16xf32>,
        %parallel_loop3A_860 = vector.shape_cast %parallel_loop3A_859 : vector<1x16xf32> to vector<16xf32>
        %parallel_loop3A_861 = arith.index_cast %parallel_loop3A_54 : i32 to index
        %parallel_loop3A_862 = arith.constant 704 : index
        %parallel_loop3A_863 = tpu.vector_load %arg8[%parallel_loop3A_861, %parallel_loop3A_862] {strides = array<i32>} : memref<16x768xf32, #tpu.memory_space<vmem>>, vector<1x16xf32>,
        %parallel_loop3A_864 = vector.shape_cast %parallel_loop3A_863 : vector<1x16xf32> to vector<16xf32>
        %parallel_loop3A_865 = vector.broadcast %parallel_loop3A_59 : f32 to vector<16xf32>
        %parallel_loop3A_866 = arith.mulf %parallel_loop3A_860, %parallel_loop3A_865 : vector<16xf32>
        %parallel_loop3A_867 = vector.broadcast %parallel_loop3A_64 : f32 to vector<16xf32>
        %parallel_loop3A_868 = arith.mulf %parallel_loop3A_864, %parallel_loop3A_867 : vector<16xf32>
        %parallel_loop3A_869 = arith.addf %parallel_loop3A_866, %parallel_loop3A_868 : vector<16xf32>
        %parallel_loop3A_870 = arith.index_cast %parallel_loop3A_43 : i32 to index
        %parallel_loop3A_871 = arith.constant 704 : index
        %parallel_loop3A_872 = tpu.vector_load %arg9[%parallel_loop3A_870, %parallel_loop3A_871] {strides = array<i32>} : memref<64x768xf32, #tpu.memory_space<vmem>>, vector<1x16xf32>,
        %parallel_loop3A_873 = vector.shape_cast %parallel_loop3A_872 : vector<1x16xf32> to vector<16xf32>
        %parallel_loop3A_874 = vector.shape_cast %parallel_loop3A_869 : vector<16xf32> to vector<1x16xf32>
        tpu.vector_store %arg9[%parallel_loop3A_870, %parallel_loop3A_871], %parallel_loop3A_874 {strides = array<i32>} : memref<64x768xf32, #tpu.memory_space<vmem>>, vector<1x16xf32>,
        %parallel_loop3A_875 = arith.index_cast %parallel_loop3A_49 : i32 to index
        %parallel_loop3A_876 = arith.constant 720 : index
        %parallel_loop3A_877 = tpu.vector_load %arg8[%parallel_loop3A_875, %parallel_loop3A_876] {strides = array<i32>} : memref<16x768xf32, #tpu.memory_space<vmem>>, vector<1x16xf32>,
        %parallel_loop3A_878 = vector.shape_cast %parallel_loop3A_877 : vector<1x16xf32> to vector<16xf32>
        %parallel_loop3A_879 = arith.index_cast %parallel_loop3A_54 : i32 to index
        %parallel_loop3A_880 = arith.constant 720 : index
        %parallel_loop3A_881 = tpu.vector_load %arg8[%parallel_loop3A_879, %parallel_loop3A_880] {strides = array<i32>} : memref<16x768xf32, #tpu.memory_space<vmem>>, vector<1x16xf32>,
        %parallel_loop3A_882 = vector.shape_cast %parallel_loop3A_881 : vector<1x16xf32> to vector<16xf32>
        %parallel_loop3A_883 = vector.broadcast %parallel_loop3A_59 : f32 to vector<16xf32>
        %parallel_loop3A_884 = arith.mulf %parallel_loop3A_878, %parallel_loop3A_883 : vector<16xf32>
        %parallel_loop3A_885 = vector.broadcast %parallel_loop3A_64 : f32 to vector<16xf32>
        %parallel_loop3A_886 = arith.mulf %parallel_loop3A_882, %parallel_loop3A_885 : vector<16xf32>
        %parallel_loop3A_887 = arith.addf %parallel_loop3A_884, %parallel_loop3A_886 : vector<16xf32>
        %parallel_loop3A_888 = arith.index_cast %parallel_loop3A_43 : i32 to index
        %parallel_loop3A_889 = arith.constant 720 : index
        %parallel_loop3A_890 = tpu.vector_load %arg9[%parallel_loop3A_888, %parallel_loop3A_889] {strides = array<i32>} : memref<64x768xf32, #tpu.memory_space<vmem>>, vector<1x16xf32>,
        %parallel_loop3A_891 = vector.shape_cast %parallel_loop3A_890 : vector<1x16xf32> to vector<16xf32>
        %parallel_loop3A_892 = vector.shape_cast %parallel_loop3A_887 : vector<16xf32> to vector<1x16xf32>
        tpu.vector_store %arg9[%parallel_loop3A_888, %parallel_loop3A_889], %parallel_loop3A_892 {strides = array<i32>} : memref<64x768xf32, #tpu.memory_space<vmem>>, vector<1x16xf32>,
        %parallel_loop3A_893 = arith.index_cast %parallel_loop3A_49 : i32 to index
        %parallel_loop3A_894 = arith.constant 736 : index
        %parallel_loop3A_895 = tpu.vector_load %arg8[%parallel_loop3A_893, %parallel_loop3A_894] {strides = array<i32>} : memref<16x768xf32, #tpu.memory_space<vmem>>, vector<1x16xf32>,
        %parallel_loop3A_896 = vector.shape_cast %parallel_loop3A_895 : vector<1x16xf32> to vector<16xf32>
        %parallel_loop3A_897 = arith.index_cast %parallel_loop3A_54 : i32 to index
        %parallel_loop3A_898 = arith.constant 736 : index
        %parallel_loop3A_899 = tpu.vector_load %arg8[%parallel_loop3A_897, %parallel_loop3A_898] {strides = array<i32>} : memref<16x768xf32, #tpu.memory_space<vmem>>, vector<1x16xf32>,
        %parallel_loop3A_900 = vector.shape_cast %parallel_loop3A_899 : vector<1x16xf32> to vector<16xf32>
        %parallel_loop3A_901 = vector.broadcast %parallel_loop3A_59 : f32 to vector<16xf32>
        %parallel_loop3A_902 = arith.mulf %parallel_loop3A_896, %parallel_loop3A_901 : vector<16xf32>
        %parallel_loop3A_903 = vector.broadcast %parallel_loop3A_64 : f32 to vector<16xf32>
        %parallel_loop3A_904 = arith.mulf %parallel_loop3A_900, %parallel_loop3A_903 : vector<16xf32>
        %parallel_loop3A_905 = arith.addf %parallel_loop3A_902, %parallel_loop3A_904 : vector<16xf32>
        %parallel_loop3A_906 = arith.index_cast %parallel_loop3A_43 : i32 to index
        %parallel_loop3A_907 = arith.constant 736 : index
        %parallel_loop3A_908 = tpu.vector_load %arg9[%parallel_loop3A_906, %parallel_loop3A_907] {strides = array<i32>} : memref<64x768xf32, #tpu.memory_space<vmem>>, vector<1x16xf32>,
        %parallel_loop3A_909 = vector.shape_cast %parallel_loop3A_908 : vector<1x16xf32> to vector<16xf32>
        %parallel_loop3A_910 = vector.shape_cast %parallel_loop3A_905 : vector<16xf32> to vector<1x16xf32>
        tpu.vector_store %arg9[%parallel_loop3A_906, %parallel_loop3A_907], %parallel_loop3A_910 {strides = array<i32>} : memref<64x768xf32, #tpu.memory_space<vmem>>, vector<1x16xf32>,
        %parallel_loop3A_911 = arith.index_cast %parallel_loop3A_49 : i32 to index
        %parallel_loop3A_912 = arith.constant 752 : index
        %parallel_loop3A_913 = tpu.vector_load %arg8[%parallel_loop3A_911, %parallel_loop3A_912] {strides = array<i32>} : memref<16x768xf32, #tpu.memory_space<vmem>>, vector<1x16xf32>,
        %parallel_loop3A_914 = vector.shape_cast %parallel_loop3A_913 : vector<1x16xf32> to vector<16xf32>
        %parallel_loop3A_915 = arith.index_cast %parallel_loop3A_54 : i32 to index
        %parallel_loop3A_916 = arith.constant 752 : index
        %parallel_loop3A_917 = tpu.vector_load %arg8[%parallel_loop3A_915, %parallel_loop3A_916] {strides = array<i32>} : memref<16x768xf32, #tpu.memory_space<vmem>>, vector<1x16xf32>,
        %parallel_loop3A_918 = vector.shape_cast %parallel_loop3A_917 : vector<1x16xf32> to vector<16xf32>
        %parallel_loop3A_919 = vector.broadcast %parallel_loop3A_59 : f32 to vector<16xf32>
        %parallel_loop3A_920 = arith.mulf %parallel_loop3A_914, %parallel_loop3A_919 : vector<16xf32>
        %parallel_loop3A_921 = vector.broadcast %parallel_loop3A_64 : f32 to vector<16xf32>
        %parallel_loop3A_922 = arith.mulf %parallel_loop3A_918, %parallel_loop3A_921 : vector<16xf32>
        %parallel_loop3A_923 = arith.addf %parallel_loop3A_920, %parallel_loop3A_922 : vector<16xf32>
        %parallel_loop3A_924 = arith.index_cast %parallel_loop3A_43 : i32 to index
        %parallel_loop3A_925 = arith.constant 752 : index
        %parallel_loop3A_926 = tpu.vector_load %arg9[%parallel_loop3A_924, %parallel_loop3A_925] {strides = array<i32>} : memref<64x768xf32, #tpu.memory_space<vmem>>, vector<1x16xf32>,
        %parallel_loop3A_927 = vector.shape_cast %parallel_loop3A_926 : vector<1x16xf32> to vector<16xf32>
        %parallel_loop3A_928 = vector.shape_cast %parallel_loop3A_923 : vector<16xf32> to vector<1x16xf32>
        tpu.vector_store %arg9[%parallel_loop3A_924, %parallel_loop3A_925], %parallel_loop3A_928 {strides = array<i32>} : memref<64x768xf32, #tpu.memory_space<vmem>>, vector<1x16xf32>,
      } {sc.loop_unroll_factor = 4 : i64, sc.parallel_access}
      %add3A_22 = arith.addi %mul3A_2, %mul3A_17 : i32
      %dma_start3A = arith.constant 0 : i32
      %dma_start3A_23 = tpu.memref_slice %arg7[%add3A_22, %dma_start3A] : memref<32768x768xf32, #tpu.memory_space<hbm>> -> memref<64x768xf32, #tpu.memory_space<hbm>>
      %dma_start3A_24 = arith.constant 0 : i32
      %dma_start3A_25 = tpu.memref_slice %arg7[%add3A_22, %dma_start3A_24] : memref<32768x768xf32, #tpu.memory_space<hbm>> -> memref<64x768xf32, #tpu.memory_space<hbm>>
      tpu.enqueue_dma source(%arg9 : memref<64x768xf32, #tpu.memory_space<vmem>>) target(%dma_start3A_25 : memref<64x768xf32, #tpu.memory_space<hbm>>) target_semaphore(%arg15 : memref<!tpu.dma_semaphore, #tpu.memory_space<semaphore_mem>>)
      %gt3A_26 = arith.constant 0 : i32
      %gt3A_27 = arith.cmpi sgt, %scan3A_15, %gt3A_26 : i32
      %convert_element_type3A_28 = arith.extui %gt3A_27 : i1 to i32
      %cond3A_29 = arith.constant 0 : i32
      %cond3A_30 = arith.cmpi ne, %convert_element_type3A_28, %cond3A_29 : i32
      scf.if %cond3A_30 {
        %dma_wait3A_43 = arith.constant 0 : i32
        %dma_wait3A_44 = tpu.memref_slice %arg7[%mul3A_2, %dma_wait3A_43] : memref<32768x768xf32, #tpu.memory_space<hbm>> -> memref<64x768xf32, #tpu.memory_space<hbm>>
        %dma_wait3A_45 = arith.constant 0 : i32
        %dma_wait3A_46 = tpu.memref_slice %arg7[%mul3A_2, %dma_wait3A_45] : memref<32768x768xf32, #tpu.memory_space<hbm>> -> memref<64x768xf32, #tpu.memory_space<hbm>>
        tpu.wait_dma2 semaphore(%arg15 : memref<!tpu.dma_semaphore, #tpu.memory_space<semaphore_mem>>) src(%arg10 : memref<64x768xf32, #tpu.memory_space<vmem>>) dst(%dma_wait3A_46 : memref<64x768xf32, #tpu.memory_space<hbm>>)
      } else {
      }
      %add3A_31 = arith.constant 64 : i32
      %add3A_32 = arith.addi %mul3A_17, %add3A_31 : i32
      %parallel_loop3A_33 = arith.constant 0 : i32
      %parallel_loop3A_34 = arith.constant 64 : i32
      %parallel_loop3A_35 = arith.constant 1 : i32
      scf.for %parallel_loop3A_43 = %parallel_loop3A_33 to %parallel_loop3A_34 step %parallel_loop3A_35  : i32 {
        %parallel_loop3A_44 = arith.addi %add3A_32, %parallel_loop3A_43 : i32
        %parallel_loop3A_45 = arith.index_cast %parallel_loop3A_44 : i32 to index
        %parallel_loop3A_46 = tpu.vector_load %arg11[%parallel_loop3A_45] {strides = array<i32>} : memref<1040xi32, #tpu.memory_space<vmem>>, vector<16xi32>,
        %parallel_loop3A_47 = vector.shape_cast %parallel_loop3A_46 : vector<16xi32> to vector<16xi32>
        %parallel_loop3A_48 = vector.extract_strided_slice %parallel_loop3A_47 {offsets = [0], sizes = [1], strides = [1]} : vector<16xi32> to vector<1xi32>
        %parallel_loop3A_49 = vector.extract %parallel_loop3A_48[0] : i32 from vector<1xi32>
        %parallel_loop3A_50 = arith.index_cast %parallel_loop3A_44 : i32 to index
        %parallel_loop3A_51 = tpu.vector_load %arg12[%parallel_loop3A_50] {strides = array<i32>} : memref<1040xi32, #tpu.memory_space<vmem>>, vector<16xi32>,
        %parallel_loop3A_52 = vector.shape_cast %parallel_loop3A_51 : vector<16xi32> to vector<16xi32>
        %parallel_loop3A_53 = vector.extract_strided_slice %parallel_loop3A_52 {offsets = [0], sizes = [1], strides = [1]} : vector<16xi32> to vector<1xi32>
        %parallel_loop3A_54 = vector.extract %parallel_loop3A_53[0] : i32 from vector<1xi32>
        %parallel_loop3A_55 = arith.index_cast %parallel_loop3A_44 : i32 to index
        %parallel_loop3A_56 = tpu.vector_load %arg13[%parallel_loop3A_55] {strides = array<i32>} : memref<1040xf32, #tpu.memory_space<vmem>>, vector<16xf32>,
        %parallel_loop3A_57 = vector.shape_cast %parallel_loop3A_56 : vector<16xf32> to vector<16xf32>
        %parallel_loop3A_58 = vector.extract_strided_slice %parallel_loop3A_57 {offsets = [0], sizes = [1], strides = [1]} : vector<16xf32> to vector<1xf32>
        %parallel_loop3A_59 = vector.extract %parallel_loop3A_58[0] : f32 from vector<1xf32>
        %parallel_loop3A_60 = arith.index_cast %parallel_loop3A_44 : i32 to index
        %parallel_loop3A_61 = tpu.vector_load %arg14[%parallel_loop3A_60] {strides = array<i32>} : memref<1040xf32, #tpu.memory_space<vmem>>, vector<16xf32>,
        %parallel_loop3A_62 = vector.shape_cast %parallel_loop3A_61 : vector<16xf32> to vector<16xf32>
        %parallel_loop3A_63 = vector.extract_strided_slice %parallel_loop3A_62 {offsets = [0], sizes = [1], strides = [1]} : vector<16xf32> to vector<1xf32>
        %parallel_loop3A_64 = vector.extract %parallel_loop3A_63[0] : f32 from vector<1xf32>
        %parallel_loop3A_65 = arith.index_cast %parallel_loop3A_49 : i32 to index
        %parallel_loop3A_66 = arith.constant 0 : index
        %parallel_loop3A_67 = tpu.vector_load %arg8[%parallel_loop3A_65, %parallel_loop3A_66] {strides = array<i32>} : memref<16x768xf32, #tpu.memory_space<vmem>>, vector<1x16xf32>,
        %parallel_loop3A_68 = vector.shape_cast %parallel_loop3A_67 : vector<1x16xf32> to vector<16xf32>
        %parallel_loop3A_69 = arith.index_cast %parallel_loop3A_54 : i32 to index
        %parallel_loop3A_70 = arith.constant 0 : index
        %parallel_loop3A_71 = tpu.vector_load %arg8[%parallel_loop3A_69, %parallel_loop3A_70] {strides = array<i32>} : memref<16x768xf32, #tpu.memory_space<vmem>>, vector<1x16xf32>,
        %parallel_loop3A_72 = vector.shape_cast %parallel_loop3A_71 : vector<1x16xf32> to vector<16xf32>
        %parallel_loop3A_73 = vector.broadcast %parallel_loop3A_59 : f32 to vector<16xf32>
        %parallel_loop3A_74 = arith.mulf %parallel_loop3A_68, %parallel_loop3A_73 : vector<16xf32>
        %parallel_loop3A_75 = vector.broadcast %parallel_loop3A_64 : f32 to vector<16xf32>
        %parallel_loop3A_76 = arith.mulf %parallel_loop3A_72, %parallel_loop3A_75 : vector<16xf32>
        %parallel_loop3A_77 = arith.addf %parallel_loop3A_74, %parallel_loop3A_76 : vector<16xf32>
        %parallel_loop3A_78 = arith.index_cast %parallel_loop3A_43 : i32 to index
        %parallel_loop3A_79 = arith.constant 0 : index
        %parallel_loop3A_80 = tpu.vector_load %arg10[%parallel_loop3A_78, %parallel_loop3A_79] {strides = array<i32>} : memref<64x768xf32, #tpu.memory_space<vmem>>, vector<1x16xf32>,
        %parallel_loop3A_81 = vector.shape_cast %parallel_loop3A_80 : vector<1x16xf32> to vector<16xf32>
        %parallel_loop3A_82 = vector.shape_cast %parallel_loop3A_77 : vector<16xf32> to vector<1x16xf32>
        tpu.vector_store %arg10[%parallel_loop3A_78, %parallel_loop3A_79], %parallel_loop3A_82 {strides = array<i32>} : memref<64x768xf32, #tpu.memory_space<vmem>>, vector<1x16xf32>,
        %parallel_loop3A_83 = arith.index_cast %parallel_loop3A_49 : i32 to index
        %parallel_loop3A_84 = arith.constant 16 : index
        %parallel_loop3A_85 = tpu.vector_load %arg8[%parallel_loop3A_83, %parallel_loop3A_84] {strides = array<i32>} : memref<16x768xf32, #tpu.memory_space<vmem>>, vector<1x16xf32>,
        %parallel_loop3A_86 = vector.shape_cast %parallel_loop3A_85 : vector<1x16xf32> to vector<16xf32>
        %parallel_loop3A_87 = arith.index_cast %parallel_loop3A_54 : i32 to index
        %parallel_loop3A_88 = arith.constant 16 : index
        %parallel_loop3A_89 = tpu.vector_load %arg8[%parallel_loop3A_87, %parallel_loop3A_88] {strides = array<i32>} : memref<16x768xf32, #tpu.memory_space<vmem>>, vector<1x16xf32>,
        %parallel_loop3A_90 = vector.shape_cast %parallel_loop3A_89 : vector<1x16xf32> to vector<16xf32>
        %parallel_loop3A_91 = vector.broadcast %parallel_loop3A_59 : f32 to vector<16xf32>
        %parallel_loop3A_92 = arith.mulf %parallel_loop3A_86, %parallel_loop3A_91 : vector<16xf32>
        %parallel_loop3A_93 = vector.broadcast %parallel_loop3A_64 : f32 to vector<16xf32>
        %parallel_loop3A_94 = arith.mulf %parallel_loop3A_90, %parallel_loop3A_93 : vector<16xf32>
        %parallel_loop3A_95 = arith.addf %parallel_loop3A_92, %parallel_loop3A_94 : vector<16xf32>
        %parallel_loop3A_96 = arith.index_cast %parallel_loop3A_43 : i32 to index
        %parallel_loop3A_97 = arith.constant 16 : index
        %parallel_loop3A_98 = tpu.vector_load %arg10[%parallel_loop3A_96, %parallel_loop3A_97] {strides = array<i32>} : memref<64x768xf32, #tpu.memory_space<vmem>>, vector<1x16xf32>,
        %parallel_loop3A_99 = vector.shape_cast %parallel_loop3A_98 : vector<1x16xf32> to vector<16xf32>
        %parallel_loop3A_100 = vector.shape_cast %parallel_loop3A_95 : vector<16xf32> to vector<1x16xf32>
        tpu.vector_store %arg10[%parallel_loop3A_96, %parallel_loop3A_97], %parallel_loop3A_100 {strides = array<i32>} : memref<64x768xf32, #tpu.memory_space<vmem>>, vector<1x16xf32>,
        %parallel_loop3A_101 = arith.index_cast %parallel_loop3A_49 : i32 to index
        %parallel_loop3A_102 = arith.constant 32 : index
        %parallel_loop3A_103 = tpu.vector_load %arg8[%parallel_loop3A_101, %parallel_loop3A_102] {strides = array<i32>} : memref<16x768xf32, #tpu.memory_space<vmem>>, vector<1x16xf32>,
        %parallel_loop3A_104 = vector.shape_cast %parallel_loop3A_103 : vector<1x16xf32> to vector<16xf32>
        %parallel_loop3A_105 = arith.index_cast %parallel_loop3A_54 : i32 to index
        %parallel_loop3A_106 = arith.constant 32 : index
        %parallel_loop3A_107 = tpu.vector_load %arg8[%parallel_loop3A_105, %parallel_loop3A_106] {strides = array<i32>} : memref<16x768xf32, #tpu.memory_space<vmem>>, vector<1x16xf32>,
        %parallel_loop3A_108 = vector.shape_cast %parallel_loop3A_107 : vector<1x16xf32> to vector<16xf32>
        %parallel_loop3A_109 = vector.broadcast %parallel_loop3A_59 : f32 to vector<16xf32>
        %parallel_loop3A_110 = arith.mulf %parallel_loop3A_104, %parallel_loop3A_109 : vector<16xf32>
        %parallel_loop3A_111 = vector.broadcast %parallel_loop3A_64 : f32 to vector<16xf32>
        %parallel_loop3A_112 = arith.mulf %parallel_loop3A_108, %parallel_loop3A_111 : vector<16xf32>
        %parallel_loop3A_113 = arith.addf %parallel_loop3A_110, %parallel_loop3A_112 : vector<16xf32>
        %parallel_loop3A_114 = arith.index_cast %parallel_loop3A_43 : i32 to index
        %parallel_loop3A_115 = arith.constant 32 : index
        %parallel_loop3A_116 = tpu.vector_load %arg10[%parallel_loop3A_114, %parallel_loop3A_115] {strides = array<i32>} : memref<64x768xf32, #tpu.memory_space<vmem>>, vector<1x16xf32>,
        %parallel_loop3A_117 = vector.shape_cast %parallel_loop3A_116 : vector<1x16xf32> to vector<16xf32>
        %parallel_loop3A_118 = vector.shape_cast %parallel_loop3A_113 : vector<16xf32> to vector<1x16xf32>
        tpu.vector_store %arg10[%parallel_loop3A_114, %parallel_loop3A_115], %parallel_loop3A_118 {strides = array<i32>} : memref<64x768xf32, #tpu.memory_space<vmem>>, vector<1x16xf32>,
        %parallel_loop3A_119 = arith.index_cast %parallel_loop3A_49 : i32 to index
        %parallel_loop3A_120 = arith.constant 48 : index
        %parallel_loop3A_121 = tpu.vector_load %arg8[%parallel_loop3A_119, %parallel_loop3A_120] {strides = array<i32>} : memref<16x768xf32, #tpu.memory_space<vmem>>, vector<1x16xf32>,
        %parallel_loop3A_122 = vector.shape_cast %parallel_loop3A_121 : vector<1x16xf32> to vector<16xf32>
        %parallel_loop3A_123 = arith.index_cast %parallel_loop3A_54 : i32 to index
        %parallel_loop3A_124 = arith.constant 48 : index
        %parallel_loop3A_125 = tpu.vector_load %arg8[%parallel_loop3A_123, %parallel_loop3A_124] {strides = array<i32>} : memref<16x768xf32, #tpu.memory_space<vmem>>, vector<1x16xf32>,
        %parallel_loop3A_126 = vector.shape_cast %parallel_loop3A_125 : vector<1x16xf32> to vector<16xf32>
        %parallel_loop3A_127 = vector.broadcast %parallel_loop3A_59 : f32 to vector<16xf32>
        %parallel_loop3A_128 = arith.mulf %parallel_loop3A_122, %parallel_loop3A_127 : vector<16xf32>
        %parallel_loop3A_129 = vector.broadcast %parallel_loop3A_64 : f32 to vector<16xf32>
        %parallel_loop3A_130 = arith.mulf %parallel_loop3A_126, %parallel_loop3A_129 : vector<16xf32>
        %parallel_loop3A_131 = arith.addf %parallel_loop3A_128, %parallel_loop3A_130 : vector<16xf32>
        %parallel_loop3A_132 = arith.index_cast %parallel_loop3A_43 : i32 to index
        %parallel_loop3A_133 = arith.constant 48 : index
        %parallel_loop3A_134 = tpu.vector_load %arg10[%parallel_loop3A_132, %parallel_loop3A_133] {strides = array<i32>} : memref<64x768xf32, #tpu.memory_space<vmem>>, vector<1x16xf32>,
        %parallel_loop3A_135 = vector.shape_cast %parallel_loop3A_134 : vector<1x16xf32> to vector<16xf32>
        %parallel_loop3A_136 = vector.shape_cast %parallel_loop3A_131 : vector<16xf32> to vector<1x16xf32>
        tpu.vector_store %arg10[%parallel_loop3A_132, %parallel_loop3A_133], %parallel_loop3A_136 {strides = array<i32>} : memref<64x768xf32, #tpu.memory_space<vmem>>, vector<1x16xf32>,
        %parallel_loop3A_137 = arith.index_cast %parallel_loop3A_49 : i32 to index
        %parallel_loop3A_138 = arith.constant 64 : index
        %parallel_loop3A_139 = tpu.vector_load %arg8[%parallel_loop3A_137, %parallel_loop3A_138] {strides = array<i32>} : memref<16x768xf32, #tpu.memory_space<vmem>>, vector<1x16xf32>,
        %parallel_loop3A_140 = vector.shape_cast %parallel_loop3A_139 : vector<1x16xf32> to vector<16xf32>
        %parallel_loop3A_141 = arith.index_cast %parallel_loop3A_54 : i32 to index
        %parallel_loop3A_142 = arith.constant 64 : index
        %parallel_loop3A_143 = tpu.vector_load %arg8[%parallel_loop3A_141, %parallel_loop3A_142] {strides = array<i32>} : memref<16x768xf32, #tpu.memory_space<vmem>>, vector<1x16xf32>,
        %parallel_loop3A_144 = vector.shape_cast %parallel_loop3A_143 : vector<1x16xf32> to vector<16xf32>
        %parallel_loop3A_145 = vector.broadcast %parallel_loop3A_59 : f32 to vector<16xf32>
        %parallel_loop3A_146 = arith.mulf %parallel_loop3A_140, %parallel_loop3A_145 : vector<16xf32>
        %parallel_loop3A_147 = vector.broadcast %parallel_loop3A_64 : f32 to vector<16xf32>
        %parallel_loop3A_148 = arith.mulf %parallel_loop3A_144, %parallel_loop3A_147 : vector<16xf32>
        %parallel_loop3A_149 = arith.addf %parallel_loop3A_146, %parallel_loop3A_148 : vector<16xf32>
        %parallel_loop3A_150 = arith.index_cast %parallel_loop3A_43 : i32 to index
        %parallel_loop3A_151 = arith.constant 64 : index
        %parallel_loop3A_152 = tpu.vector_load %arg10[%parallel_loop3A_150, %parallel_loop3A_151] {strides = array<i32>} : memref<64x768xf32, #tpu.memory_space<vmem>>, vector<1x16xf32>,
        %parallel_loop3A_153 = vector.shape_cast %parallel_loop3A_152 : vector<1x16xf32> to vector<16xf32>
        %parallel_loop3A_154 = vector.shape_cast %parallel_loop3A_149 : vector<16xf32> to vector<1x16xf32>
        tpu.vector_store %arg10[%parallel_loop3A_150, %parallel_loop3A_151], %parallel_loop3A_154 {strides = array<i32>} : memref<64x768xf32, #tpu.memory_space<vmem>>, vector<1x16xf32>,
        %parallel_loop3A_155 = arith.index_cast %parallel_loop3A_49 : i32 to index
        %parallel_loop3A_156 = arith.constant 80 : index
        %parallel_loop3A_157 = tpu.vector_load %arg8[%parallel_loop3A_155, %parallel_loop3A_156] {strides = array<i32>} : memref<16x768xf32, #tpu.memory_space<vmem>>, vector<1x16xf32>,
        %parallel_loop3A_158 = vector.shape_cast %parallel_loop3A_157 : vector<1x16xf32> to vector<16xf32>
        %parallel_loop3A_159 = arith.index_cast %parallel_loop3A_54 : i32 to index
        %parallel_loop3A_160 = arith.constant 80 : index
        %parallel_loop3A_161 = tpu.vector_load %arg8[%parallel_loop3A_159, %parallel_loop3A_160] {strides = array<i32>} : memref<16x768xf32, #tpu.memory_space<vmem>>, vector<1x16xf32>,
        %parallel_loop3A_162 = vector.shape_cast %parallel_loop3A_161 : vector<1x16xf32> to vector<16xf32>
        %parallel_loop3A_163 = vector.broadcast %parallel_loop3A_59 : f32 to vector<16xf32>
        %parallel_loop3A_164 = arith.mulf %parallel_loop3A_158, %parallel_loop3A_163 : vector<16xf32>
        %parallel_loop3A_165 = vector.broadcast %parallel_loop3A_64 : f32 to vector<16xf32>
        %parallel_loop3A_166 = arith.mulf %parallel_loop3A_162, %parallel_loop3A_165 : vector<16xf32>
        %parallel_loop3A_167 = arith.addf %parallel_loop3A_164, %parallel_loop3A_166 : vector<16xf32>
        %parallel_loop3A_168 = arith.index_cast %parallel_loop3A_43 : i32 to index
        %parallel_loop3A_169 = arith.constant 80 : index
        %parallel_loop3A_170 = tpu.vector_load %arg10[%parallel_loop3A_168, %parallel_loop3A_169] {strides = array<i32>} : memref<64x768xf32, #tpu.memory_space<vmem>>, vector<1x16xf32>,
        %parallel_loop3A_171 = vector.shape_cast %parallel_loop3A_170 : vector<1x16xf32> to vector<16xf32>
        %parallel_loop3A_172 = vector.shape_cast %parallel_loop3A_167 : vector<16xf32> to vector<1x16xf32>
        tpu.vector_store %arg10[%parallel_loop3A_168, %parallel_loop3A_169], %parallel_loop3A_172 {strides = array<i32>} : memref<64x768xf32, #tpu.memory_space<vmem>>, vector<1x16xf32>,
        %parallel_loop3A_173 = arith.index_cast %parallel_loop3A_49 : i32 to index
        %parallel_loop3A_174 = arith.constant 96 : index
        %parallel_loop3A_175 = tpu.vector_load %arg8[%parallel_loop3A_173, %parallel_loop3A_174] {strides = array<i32>} : memref<16x768xf32, #tpu.memory_space<vmem>>, vector<1x16xf32>,
        %parallel_loop3A_176 = vector.shape_cast %parallel_loop3A_175 : vector<1x16xf32> to vector<16xf32>
        %parallel_loop3A_177 = arith.index_cast %parallel_loop3A_54 : i32 to index
        %parallel_loop3A_178 = arith.constant 96 : index
        %parallel_loop3A_179 = tpu.vector_load %arg8[%parallel_loop3A_177, %parallel_loop3A_178] {strides = array<i32>} : memref<16x768xf32, #tpu.memory_space<vmem>>, vector<1x16xf32>,
        %parallel_loop3A_180 = vector.shape_cast %parallel_loop3A_179 : vector<1x16xf32> to vector<16xf32>
        %parallel_loop3A_181 = vector.broadcast %parallel_loop3A_59 : f32 to vector<16xf32>
        %parallel_loop3A_182 = arith.mulf %parallel_loop3A_176, %parallel_loop3A_181 : vector<16xf32>
        %parallel_loop3A_183 = vector.broadcast %parallel_loop3A_64 : f32 to vector<16xf32>
        %parallel_loop3A_184 = arith.mulf %parallel_loop3A_180, %parallel_loop3A_183 : vector<16xf32>
        %parallel_loop3A_185 = arith.addf %parallel_loop3A_182, %parallel_loop3A_184 : vector<16xf32>
        %parallel_loop3A_186 = arith.index_cast %parallel_loop3A_43 : i32 to index
        %parallel_loop3A_187 = arith.constant 96 : index
        %parallel_loop3A_188 = tpu.vector_load %arg10[%parallel_loop3A_186, %parallel_loop3A_187] {strides = array<i32>} : memref<64x768xf32, #tpu.memory_space<vmem>>, vector<1x16xf32>,
        %parallel_loop3A_189 = vector.shape_cast %parallel_loop3A_188 : vector<1x16xf32> to vector<16xf32>
        %parallel_loop3A_190 = vector.shape_cast %parallel_loop3A_185 : vector<16xf32> to vector<1x16xf32>
        tpu.vector_store %arg10[%parallel_loop3A_186, %parallel_loop3A_187], %parallel_loop3A_190 {strides = array<i32>} : memref<64x768xf32, #tpu.memory_space<vmem>>, vector<1x16xf32>,
        %parallel_loop3A_191 = arith.index_cast %parallel_loop3A_49 : i32 to index
        %parallel_loop3A_192 = arith.constant 112 : index
        %parallel_loop3A_193 = tpu.vector_load %arg8[%parallel_loop3A_191, %parallel_loop3A_192] {strides = array<i32>} : memref<16x768xf32, #tpu.memory_space<vmem>>, vector<1x16xf32>,
        %parallel_loop3A_194 = vector.shape_cast %parallel_loop3A_193 : vector<1x16xf32> to vector<16xf32>
        %parallel_loop3A_195 = arith.index_cast %parallel_loop3A_54 : i32 to index
        %parallel_loop3A_196 = arith.constant 112 : index
        %parallel_loop3A_197 = tpu.vector_load %arg8[%parallel_loop3A_195, %parallel_loop3A_196] {strides = array<i32>} : memref<16x768xf32, #tpu.memory_space<vmem>>, vector<1x16xf32>,
        %parallel_loop3A_198 = vector.shape_cast %parallel_loop3A_197 : vector<1x16xf32> to vector<16xf32>
        %parallel_loop3A_199 = vector.broadcast %parallel_loop3A_59 : f32 to vector<16xf32>
        %parallel_loop3A_200 = arith.mulf %parallel_loop3A_194, %parallel_loop3A_199 : vector<16xf32>
        %parallel_loop3A_201 = vector.broadcast %parallel_loop3A_64 : f32 to vector<16xf32>
        %parallel_loop3A_202 = arith.mulf %parallel_loop3A_198, %parallel_loop3A_201 : vector<16xf32>
        %parallel_loop3A_203 = arith.addf %parallel_loop3A_200, %parallel_loop3A_202 : vector<16xf32>
        %parallel_loop3A_204 = arith.index_cast %parallel_loop3A_43 : i32 to index
        %parallel_loop3A_205 = arith.constant 112 : index
        %parallel_loop3A_206 = tpu.vector_load %arg10[%parallel_loop3A_204, %parallel_loop3A_205] {strides = array<i32>} : memref<64x768xf32, #tpu.memory_space<vmem>>, vector<1x16xf32>,
        %parallel_loop3A_207 = vector.shape_cast %parallel_loop3A_206 : vector<1x16xf32> to vector<16xf32>
        %parallel_loop3A_208 = vector.shape_cast %parallel_loop3A_203 : vector<16xf32> to vector<1x16xf32>
        tpu.vector_store %arg10[%parallel_loop3A_204, %parallel_loop3A_205], %parallel_loop3A_208 {strides = array<i32>} : memref<64x768xf32, #tpu.memory_space<vmem>>, vector<1x16xf32>,
        %parallel_loop3A_209 = arith.index_cast %parallel_loop3A_49 : i32 to index
        %parallel_loop3A_210 = arith.constant 128 : index
        %parallel_loop3A_211 = tpu.vector_load %arg8[%parallel_loop3A_209, %parallel_loop3A_210] {strides = array<i32>} : memref<16x768xf32, #tpu.memory_space<vmem>>, vector<1x16xf32>,
        %parallel_loop3A_212 = vector.shape_cast %parallel_loop3A_211 : vector<1x16xf32> to vector<16xf32>
        %parallel_loop3A_213 = arith.index_cast %parallel_loop3A_54 : i32 to index
        %parallel_loop3A_214 = arith.constant 128 : index
        %parallel_loop3A_215 = tpu.vector_load %arg8[%parallel_loop3A_213, %parallel_loop3A_214] {strides = array<i32>} : memref<16x768xf32, #tpu.memory_space<vmem>>, vector<1x16xf32>,
        %parallel_loop3A_216 = vector.shape_cast %parallel_loop3A_215 : vector<1x16xf32> to vector<16xf32>
        %parallel_loop3A_217 = vector.broadcast %parallel_loop3A_59 : f32 to vector<16xf32>
        %parallel_loop3A_218 = arith.mulf %parallel_loop3A_212, %parallel_loop3A_217 : vector<16xf32>
        %parallel_loop3A_219 = vector.broadcast %parallel_loop3A_64 : f32 to vector<16xf32>
        %parallel_loop3A_220 = arith.mulf %parallel_loop3A_216, %parallel_loop3A_219 : vector<16xf32>
        %parallel_loop3A_221 = arith.addf %parallel_loop3A_218, %parallel_loop3A_220 : vector<16xf32>
        %parallel_loop3A_222 = arith.index_cast %parallel_loop3A_43 : i32 to index
        %parallel_loop3A_223 = arith.constant 128 : index
        %parallel_loop3A_224 = tpu.vector_load %arg10[%parallel_loop3A_222, %parallel_loop3A_223] {strides = array<i32>} : memref<64x768xf32, #tpu.memory_space<vmem>>, vector<1x16xf32>,
        %parallel_loop3A_225 = vector.shape_cast %parallel_loop3A_224 : vector<1x16xf32> to vector<16xf32>
        %parallel_loop3A_226 = vector.shape_cast %parallel_loop3A_221 : vector<16xf32> to vector<1x16xf32>
        tpu.vector_store %arg10[%parallel_loop3A_222, %parallel_loop3A_223], %parallel_loop3A_226 {strides = array<i32>} : memref<64x768xf32, #tpu.memory_space<vmem>>, vector<1x16xf32>,
        %parallel_loop3A_227 = arith.index_cast %parallel_loop3A_49 : i32 to index
        %parallel_loop3A_228 = arith.constant 144 : index
        %parallel_loop3A_229 = tpu.vector_load %arg8[%parallel_loop3A_227, %parallel_loop3A_228] {strides = array<i32>} : memref<16x768xf32, #tpu.memory_space<vmem>>, vector<1x16xf32>,
        %parallel_loop3A_230 = vector.shape_cast %parallel_loop3A_229 : vector<1x16xf32> to vector<16xf32>
        %parallel_loop3A_231 = arith.index_cast %parallel_loop3A_54 : i32 to index
        %parallel_loop3A_232 = arith.constant 144 : index
        %parallel_loop3A_233 = tpu.vector_load %arg8[%parallel_loop3A_231, %parallel_loop3A_232] {strides = array<i32>} : memref<16x768xf32, #tpu.memory_space<vmem>>, vector<1x16xf32>,
        %parallel_loop3A_234 = vector.shape_cast %parallel_loop3A_233 : vector<1x16xf32> to vector<16xf32>
        %parallel_loop3A_235 = vector.broadcast %parallel_loop3A_59 : f32 to vector<16xf32>
        %parallel_loop3A_236 = arith.mulf %parallel_loop3A_230, %parallel_loop3A_235 : vector<16xf32>
        %parallel_loop3A_237 = vector.broadcast %parallel_loop3A_64 : f32 to vector<16xf32>
        %parallel_loop3A_238 = arith.mulf %parallel_loop3A_234, %parallel_loop3A_237 : vector<16xf32>
        %parallel_loop3A_239 = arith.addf %parallel_loop3A_236, %parallel_loop3A_238 : vector<16xf32>
        %parallel_loop3A_240 = arith.index_cast %parallel_loop3A_43 : i32 to index
        %parallel_loop3A_241 = arith.constant 144 : index
        %parallel_loop3A_242 = tpu.vector_load %arg10[%parallel_loop3A_240, %parallel_loop3A_241] {strides = array<i32>} : memref<64x768xf32, #tpu.memory_space<vmem>>, vector<1x16xf32>,
        %parallel_loop3A_243 = vector.shape_cast %parallel_loop3A_242 : vector<1x16xf32> to vector<16xf32>
        %parallel_loop3A_244 = vector.shape_cast %parallel_loop3A_239 : vector<16xf32> to vector<1x16xf32>
        tpu.vector_store %arg10[%parallel_loop3A_240, %parallel_loop3A_241], %parallel_loop3A_244 {strides = array<i32>} : memref<64x768xf32, #tpu.memory_space<vmem>>, vector<1x16xf32>,
        %parallel_loop3A_245 = arith.index_cast %parallel_loop3A_49 : i32 to index
        %parallel_loop3A_246 = arith.constant 160 : index
        %parallel_loop3A_247 = tpu.vector_load %arg8[%parallel_loop3A_245, %parallel_loop3A_246] {strides = array<i32>} : memref<16x768xf32, #tpu.memory_space<vmem>>, vector<1x16xf32>,
        %parallel_loop3A_248 = vector.shape_cast %parallel_loop3A_247 : vector<1x16xf32> to vector<16xf32>
        %parallel_loop3A_249 = arith.index_cast %parallel_loop3A_54 : i32 to index
        %parallel_loop3A_250 = arith.constant 160 : index
        %parallel_loop3A_251 = tpu.vector_load %arg8[%parallel_loop3A_249, %parallel_loop3A_250] {strides = array<i32>} : memref<16x768xf32, #tpu.memory_space<vmem>>, vector<1x16xf32>,
        %parallel_loop3A_252 = vector.shape_cast %parallel_loop3A_251 : vector<1x16xf32> to vector<16xf32>
        %parallel_loop3A_253 = vector.broadcast %parallel_loop3A_59 : f32 to vector<16xf32>
        %parallel_loop3A_254 = arith.mulf %parallel_loop3A_248, %parallel_loop3A_253 : vector<16xf32>
        %parallel_loop3A_255 = vector.broadcast %parallel_loop3A_64 : f32 to vector<16xf32>
        %parallel_loop3A_256 = arith.mulf %parallel_loop3A_252, %parallel_loop3A_255 : vector<16xf32>
        %parallel_loop3A_257 = arith.addf %parallel_loop3A_254, %parallel_loop3A_256 : vector<16xf32>
        %parallel_loop3A_258 = arith.index_cast %parallel_loop3A_43 : i32 to index
        %parallel_loop3A_259 = arith.constant 160 : index
        %parallel_loop3A_260 = tpu.vector_load %arg10[%parallel_loop3A_258, %parallel_loop3A_259] {strides = array<i32>} : memref<64x768xf32, #tpu.memory_space<vmem>>, vector<1x16xf32>,
        %parallel_loop3A_261 = vector.shape_cast %parallel_loop3A_260 : vector<1x16xf32> to vector<16xf32>
        %parallel_loop3A_262 = vector.shape_cast %parallel_loop3A_257 : vector<16xf32> to vector<1x16xf32>
        tpu.vector_store %arg10[%parallel_loop3A_258, %parallel_loop3A_259], %parallel_loop3A_262 {strides = array<i32>} : memref<64x768xf32, #tpu.memory_space<vmem>>, vector<1x16xf32>,
        %parallel_loop3A_263 = arith.index_cast %parallel_loop3A_49 : i32 to index
        %parallel_loop3A_264 = arith.constant 176 : index
        %parallel_loop3A_265 = tpu.vector_load %arg8[%parallel_loop3A_263, %parallel_loop3A_264] {strides = array<i32>} : memref<16x768xf32, #tpu.memory_space<vmem>>, vector<1x16xf32>,
        %parallel_loop3A_266 = vector.shape_cast %parallel_loop3A_265 : vector<1x16xf32> to vector<16xf32>
        %parallel_loop3A_267 = arith.index_cast %parallel_loop3A_54 : i32 to index
        %parallel_loop3A_268 = arith.constant 176 : index
        %parallel_loop3A_269 = tpu.vector_load %arg8[%parallel_loop3A_267, %parallel_loop3A_268] {strides = array<i32>} : memref<16x768xf32, #tpu.memory_space<vmem>>, vector<1x16xf32>,
        %parallel_loop3A_270 = vector.shape_cast %parallel_loop3A_269 : vector<1x16xf32> to vector<16xf32>
        %parallel_loop3A_271 = vector.broadcast %parallel_loop3A_59 : f32 to vector<16xf32>
        %parallel_loop3A_272 = arith.mulf %parallel_loop3A_266, %parallel_loop3A_271 : vector<16xf32>
        %parallel_loop3A_273 = vector.broadcast %parallel_loop3A_64 : f32 to vector<16xf32>
        %parallel_loop3A_274 = arith.mulf %parallel_loop3A_270, %parallel_loop3A_273 : vector<16xf32>
        %parallel_loop3A_275 = arith.addf %parallel_loop3A_272, %parallel_loop3A_274 : vector<16xf32>
        %parallel_loop3A_276 = arith.index_cast %parallel_loop3A_43 : i32 to index
        %parallel_loop3A_277 = arith.constant 176 : index
        %parallel_loop3A_278 = tpu.vector_load %arg10[%parallel_loop3A_276, %parallel_loop3A_277] {strides = array<i32>} : memref<64x768xf32, #tpu.memory_space<vmem>>, vector<1x16xf32>,
        %parallel_loop3A_279 = vector.shape_cast %parallel_loop3A_278 : vector<1x16xf32> to vector<16xf32>
        %parallel_loop3A_280 = vector.shape_cast %parallel_loop3A_275 : vector<16xf32> to vector<1x16xf32>
        tpu.vector_store %arg10[%parallel_loop3A_276, %parallel_loop3A_277], %parallel_loop3A_280 {strides = array<i32>} : memref<64x768xf32, #tpu.memory_space<vmem>>, vector<1x16xf32>,
        %parallel_loop3A_281 = arith.index_cast %parallel_loop3A_49 : i32 to index
        %parallel_loop3A_282 = arith.constant 192 : index
        %parallel_loop3A_283 = tpu.vector_load %arg8[%parallel_loop3A_281, %parallel_loop3A_282] {strides = array<i32>} : memref<16x768xf32, #tpu.memory_space<vmem>>, vector<1x16xf32>,
        %parallel_loop3A_284 = vector.shape_cast %parallel_loop3A_283 : vector<1x16xf32> to vector<16xf32>
        %parallel_loop3A_285 = arith.index_cast %parallel_loop3A_54 : i32 to index
        %parallel_loop3A_286 = arith.constant 192 : index
        %parallel_loop3A_287 = tpu.vector_load %arg8[%parallel_loop3A_285, %parallel_loop3A_286] {strides = array<i32>} : memref<16x768xf32, #tpu.memory_space<vmem>>, vector<1x16xf32>,
        %parallel_loop3A_288 = vector.shape_cast %parallel_loop3A_287 : vector<1x16xf32> to vector<16xf32>
        %parallel_loop3A_289 = vector.broadcast %parallel_loop3A_59 : f32 to vector<16xf32>
        %parallel_loop3A_290 = arith.mulf %parallel_loop3A_284, %parallel_loop3A_289 : vector<16xf32>
        %parallel_loop3A_291 = vector.broadcast %parallel_loop3A_64 : f32 to vector<16xf32>
        %parallel_loop3A_292 = arith.mulf %parallel_loop3A_288, %parallel_loop3A_291 : vector<16xf32>
        %parallel_loop3A_293 = arith.addf %parallel_loop3A_290, %parallel_loop3A_292 : vector<16xf32>
        %parallel_loop3A_294 = arith.index_cast %parallel_loop3A_43 : i32 to index
        %parallel_loop3A_295 = arith.constant 192 : index
        %parallel_loop3A_296 = tpu.vector_load %arg10[%parallel_loop3A_294, %parallel_loop3A_295] {strides = array<i32>} : memref<64x768xf32, #tpu.memory_space<vmem>>, vector<1x16xf32>,
        %parallel_loop3A_297 = vector.shape_cast %parallel_loop3A_296 : vector<1x16xf32> to vector<16xf32>
        %parallel_loop3A_298 = vector.shape_cast %parallel_loop3A_293 : vector<16xf32> to vector<1x16xf32>
        tpu.vector_store %arg10[%parallel_loop3A_294, %parallel_loop3A_295], %parallel_loop3A_298 {strides = array<i32>} : memref<64x768xf32, #tpu.memory_space<vmem>>, vector<1x16xf32>,
        %parallel_loop3A_299 = arith.index_cast %parallel_loop3A_49 : i32 to index
        %parallel_loop3A_300 = arith.constant 208 : index
        %parallel_loop3A_301 = tpu.vector_load %arg8[%parallel_loop3A_299, %parallel_loop3A_300] {strides = array<i32>} : memref<16x768xf32, #tpu.memory_space<vmem>>, vector<1x16xf32>,
        %parallel_loop3A_302 = vector.shape_cast %parallel_loop3A_301 : vector<1x16xf32> to vector<16xf32>
        %parallel_loop3A_303 = arith.index_cast %parallel_loop3A_54 : i32 to index
        %parallel_loop3A_304 = arith.constant 208 : index
        %parallel_loop3A_305 = tpu.vector_load %arg8[%parallel_loop3A_303, %parallel_loop3A_304] {strides = array<i32>} : memref<16x768xf32, #tpu.memory_space<vmem>>, vector<1x16xf32>,
        %parallel_loop3A_306 = vector.shape_cast %parallel_loop3A_305 : vector<1x16xf32> to vector<16xf32>
        %parallel_loop3A_307 = vector.broadcast %parallel_loop3A_59 : f32 to vector<16xf32>
        %parallel_loop3A_308 = arith.mulf %parallel_loop3A_302, %parallel_loop3A_307 : vector<16xf32>
        %parallel_loop3A_309 = vector.broadcast %parallel_loop3A_64 : f32 to vector<16xf32>
        %parallel_loop3A_310 = arith.mulf %parallel_loop3A_306, %parallel_loop3A_309 : vector<16xf32>
        %parallel_loop3A_311 = arith.addf %parallel_loop3A_308, %parallel_loop3A_310 : vector<16xf32>
        %parallel_loop3A_312 = arith.index_cast %parallel_loop3A_43 : i32 to index
        %parallel_loop3A_313 = arith.constant 208 : index
        %parallel_loop3A_314 = tpu.vector_load %arg10[%parallel_loop3A_312, %parallel_loop3A_313] {strides = array<i32>} : memref<64x768xf32, #tpu.memory_space<vmem>>, vector<1x16xf32>,
        %parallel_loop3A_315 = vector.shape_cast %parallel_loop3A_314 : vector<1x16xf32> to vector<16xf32>
        %parallel_loop3A_316 = vector.shape_cast %parallel_loop3A_311 : vector<16xf32> to vector<1x16xf32>
        tpu.vector_store %arg10[%parallel_loop3A_312, %parallel_loop3A_313], %parallel_loop3A_316 {strides = array<i32>} : memref<64x768xf32, #tpu.memory_space<vmem>>, vector<1x16xf32>,
        %parallel_loop3A_317 = arith.index_cast %parallel_loop3A_49 : i32 to index
        %parallel_loop3A_318 = arith.constant 224 : index
        %parallel_loop3A_319 = tpu.vector_load %arg8[%parallel_loop3A_317, %parallel_loop3A_318] {strides = array<i32>} : memref<16x768xf32, #tpu.memory_space<vmem>>, vector<1x16xf32>,
        %parallel_loop3A_320 = vector.shape_cast %parallel_loop3A_319 : vector<1x16xf32> to vector<16xf32>
        %parallel_loop3A_321 = arith.index_cast %parallel_loop3A_54 : i32 to index
        %parallel_loop3A_322 = arith.constant 224 : index
        %parallel_loop3A_323 = tpu.vector_load %arg8[%parallel_loop3A_321, %parallel_loop3A_322] {strides = array<i32>} : memref<16x768xf32, #tpu.memory_space<vmem>>, vector<1x16xf32>,
        %parallel_loop3A_324 = vector.shape_cast %parallel_loop3A_323 : vector<1x16xf32> to vector<16xf32>
        %parallel_loop3A_325 = vector.broadcast %parallel_loop3A_59 : f32 to vector<16xf32>
        %parallel_loop3A_326 = arith.mulf %parallel_loop3A_320, %parallel_loop3A_325 : vector<16xf32>
        %parallel_loop3A_327 = vector.broadcast %parallel_loop3A_64 : f32 to vector<16xf32>
        %parallel_loop3A_328 = arith.mulf %parallel_loop3A_324, %parallel_loop3A_327 : vector<16xf32>
        %parallel_loop3A_329 = arith.addf %parallel_loop3A_326, %parallel_loop3A_328 : vector<16xf32>
        %parallel_loop3A_330 = arith.index_cast %parallel_loop3A_43 : i32 to index
        %parallel_loop3A_331 = arith.constant 224 : index
        %parallel_loop3A_332 = tpu.vector_load %arg10[%parallel_loop3A_330, %parallel_loop3A_331] {strides = array<i32>} : memref<64x768xf32, #tpu.memory_space<vmem>>, vector<1x16xf32>,
        %parallel_loop3A_333 = vector.shape_cast %parallel_loop3A_332 : vector<1x16xf32> to vector<16xf32>
        %parallel_loop3A_334 = vector.shape_cast %parallel_loop3A_329 : vector<16xf32> to vector<1x16xf32>
        tpu.vector_store %arg10[%parallel_loop3A_330, %parallel_loop3A_331], %parallel_loop3A_334 {strides = array<i32>} : memref<64x768xf32, #tpu.memory_space<vmem>>, vector<1x16xf32>,
        %parallel_loop3A_335 = arith.index_cast %parallel_loop3A_49 : i32 to index
        %parallel_loop3A_336 = arith.constant 240 : index
        %parallel_loop3A_337 = tpu.vector_load %arg8[%parallel_loop3A_335, %parallel_loop3A_336] {strides = array<i32>} : memref<16x768xf32, #tpu.memory_space<vmem>>, vector<1x16xf32>,
        %parallel_loop3A_338 = vector.shape_cast %parallel_loop3A_337 : vector<1x16xf32> to vector<16xf32>
        %parallel_loop3A_339 = arith.index_cast %parallel_loop3A_54 : i32 to index
        %parallel_loop3A_340 = arith.constant 240 : index
        %parallel_loop3A_341 = tpu.vector_load %arg8[%parallel_loop3A_339, %parallel_loop3A_340] {strides = array<i32>} : memref<16x768xf32, #tpu.memory_space<vmem>>, vector<1x16xf32>,
        %parallel_loop3A_342 = vector.shape_cast %parallel_loop3A_341 : vector<1x16xf32> to vector<16xf32>
        %parallel_loop3A_343 = vector.broadcast %parallel_loop3A_59 : f32 to vector<16xf32>
        %parallel_loop3A_344 = arith.mulf %parallel_loop3A_338, %parallel_loop3A_343 : vector<16xf32>
        %parallel_loop3A_345 = vector.broadcast %parallel_loop3A_64 : f32 to vector<16xf32>
        %parallel_loop3A_346 = arith.mulf %parallel_loop3A_342, %parallel_loop3A_345 : vector<16xf32>
        %parallel_loop3A_347 = arith.addf %parallel_loop3A_344, %parallel_loop3A_346 : vector<16xf32>
        %parallel_loop3A_348 = arith.index_cast %parallel_loop3A_43 : i32 to index
        %parallel_loop3A_349 = arith.constant 240 : index
        %parallel_loop3A_350 = tpu.vector_load %arg10[%parallel_loop3A_348, %parallel_loop3A_349] {strides = array<i32>} : memref<64x768xf32, #tpu.memory_space<vmem>>, vector<1x16xf32>,
        %parallel_loop3A_351 = vector.shape_cast %parallel_loop3A_350 : vector<1x16xf32> to vector<16xf32>
        %parallel_loop3A_352 = vector.shape_cast %parallel_loop3A_347 : vector<16xf32> to vector<1x16xf32>
        tpu.vector_store %arg10[%parallel_loop3A_348, %parallel_loop3A_349], %parallel_loop3A_352 {strides = array<i32>} : memref<64x768xf32, #tpu.memory_space<vmem>>, vector<1x16xf32>,
        %parallel_loop3A_353 = arith.index_cast %parallel_loop3A_49 : i32 to index
        %parallel_loop3A_354 = arith.constant 256 : index
        %parallel_loop3A_355 = tpu.vector_load %arg8[%parallel_loop3A_353, %parallel_loop3A_354] {strides = array<i32>} : memref<16x768xf32, #tpu.memory_space<vmem>>, vector<1x16xf32>,
        %parallel_loop3A_356 = vector.shape_cast %parallel_loop3A_355 : vector<1x16xf32> to vector<16xf32>
        %parallel_loop3A_357 = arith.index_cast %parallel_loop3A_54 : i32 to index
        %parallel_loop3A_358 = arith.constant 256 : index
        %parallel_loop3A_359 = tpu.vector_load %arg8[%parallel_loop3A_357, %parallel_loop3A_358] {strides = array<i32>} : memref<16x768xf32, #tpu.memory_space<vmem>>, vector<1x16xf32>,
        %parallel_loop3A_360 = vector.shape_cast %parallel_loop3A_359 : vector<1x16xf32> to vector<16xf32>
        %parallel_loop3A_361 = vector.broadcast %parallel_loop3A_59 : f32 to vector<16xf32>
        %parallel_loop3A_362 = arith.mulf %parallel_loop3A_356, %parallel_loop3A_361 : vector<16xf32>
        %parallel_loop3A_363 = vector.broadcast %parallel_loop3A_64 : f32 to vector<16xf32>
        %parallel_loop3A_364 = arith.mulf %parallel_loop3A_360, %parallel_loop3A_363 : vector<16xf32>
        %parallel_loop3A_365 = arith.addf %parallel_loop3A_362, %parallel_loop3A_364 : vector<16xf32>
        %parallel_loop3A_366 = arith.index_cast %parallel_loop3A_43 : i32 to index
        %parallel_loop3A_367 = arith.constant 256 : index
        %parallel_loop3A_368 = tpu.vector_load %arg10[%parallel_loop3A_366, %parallel_loop3A_367] {strides = array<i32>} : memref<64x768xf32, #tpu.memory_space<vmem>>, vector<1x16xf32>,
        %parallel_loop3A_369 = vector.shape_cast %parallel_loop3A_368 : vector<1x16xf32> to vector<16xf32>
        %parallel_loop3A_370 = vector.shape_cast %parallel_loop3A_365 : vector<16xf32> to vector<1x16xf32>
        tpu.vector_store %arg10[%parallel_loop3A_366, %parallel_loop3A_367], %parallel_loop3A_370 {strides = array<i32>} : memref<64x768xf32, #tpu.memory_space<vmem>>, vector<1x16xf32>,
        %parallel_loop3A_371 = arith.index_cast %parallel_loop3A_49 : i32 to index
        %parallel_loop3A_372 = arith.constant 272 : index
        %parallel_loop3A_373 = tpu.vector_load %arg8[%parallel_loop3A_371, %parallel_loop3A_372] {strides = array<i32>} : memref<16x768xf32, #tpu.memory_space<vmem>>, vector<1x16xf32>,
        %parallel_loop3A_374 = vector.shape_cast %parallel_loop3A_373 : vector<1x16xf32> to vector<16xf32>
        %parallel_loop3A_375 = arith.index_cast %parallel_loop3A_54 : i32 to index
        %parallel_loop3A_376 = arith.constant 272 : index
        %parallel_loop3A_377 = tpu.vector_load %arg8[%parallel_loop3A_375, %parallel_loop3A_376] {strides = array<i32>} : memref<16x768xf32, #tpu.memory_space<vmem>>, vector<1x16xf32>,
        %parallel_loop3A_378 = vector.shape_cast %parallel_loop3A_377 : vector<1x16xf32> to vector<16xf32>
        %parallel_loop3A_379 = vector.broadcast %parallel_loop3A_59 : f32 to vector<16xf32>
        %parallel_loop3A_380 = arith.mulf %parallel_loop3A_374, %parallel_loop3A_379 : vector<16xf32>
        %parallel_loop3A_381 = vector.broadcast %parallel_loop3A_64 : f32 to vector<16xf32>
        %parallel_loop3A_382 = arith.mulf %parallel_loop3A_378, %parallel_loop3A_381 : vector<16xf32>
        %parallel_loop3A_383 = arith.addf %parallel_loop3A_380, %parallel_loop3A_382 : vector<16xf32>
        %parallel_loop3A_384 = arith.index_cast %parallel_loop3A_43 : i32 to index
        %parallel_loop3A_385 = arith.constant 272 : index
        %parallel_loop3A_386 = tpu.vector_load %arg10[%parallel_loop3A_384, %parallel_loop3A_385] {strides = array<i32>} : memref<64x768xf32, #tpu.memory_space<vmem>>, vector<1x16xf32>,
        %parallel_loop3A_387 = vector.shape_cast %parallel_loop3A_386 : vector<1x16xf32> to vector<16xf32>
        %parallel_loop3A_388 = vector.shape_cast %parallel_loop3A_383 : vector<16xf32> to vector<1x16xf32>
        tpu.vector_store %arg10[%parallel_loop3A_384, %parallel_loop3A_385], %parallel_loop3A_388 {strides = array<i32>} : memref<64x768xf32, #tpu.memory_space<vmem>>, vector<1x16xf32>,
        %parallel_loop3A_389 = arith.index_cast %parallel_loop3A_49 : i32 to index
        %parallel_loop3A_390 = arith.constant 288 : index
        %parallel_loop3A_391 = tpu.vector_load %arg8[%parallel_loop3A_389, %parallel_loop3A_390] {strides = array<i32>} : memref<16x768xf32, #tpu.memory_space<vmem>>, vector<1x16xf32>,
        %parallel_loop3A_392 = vector.shape_cast %parallel_loop3A_391 : vector<1x16xf32> to vector<16xf32>
        %parallel_loop3A_393 = arith.index_cast %parallel_loop3A_54 : i32 to index
        %parallel_loop3A_394 = arith.constant 288 : index
        %parallel_loop3A_395 = tpu.vector_load %arg8[%parallel_loop3A_393, %parallel_loop3A_394] {strides = array<i32>} : memref<16x768xf32, #tpu.memory_space<vmem>>, vector<1x16xf32>,
        %parallel_loop3A_396 = vector.shape_cast %parallel_loop3A_395 : vector<1x16xf32> to vector<16xf32>
        %parallel_loop3A_397 = vector.broadcast %parallel_loop3A_59 : f32 to vector<16xf32>
        %parallel_loop3A_398 = arith.mulf %parallel_loop3A_392, %parallel_loop3A_397 : vector<16xf32>
        %parallel_loop3A_399 = vector.broadcast %parallel_loop3A_64 : f32 to vector<16xf32>
        %parallel_loop3A_400 = arith.mulf %parallel_loop3A_396, %parallel_loop3A_399 : vector<16xf32>
        %parallel_loop3A_401 = arith.addf %parallel_loop3A_398, %parallel_loop3A_400 : vector<16xf32>
        %parallel_loop3A_402 = arith.index_cast %parallel_loop3A_43 : i32 to index
        %parallel_loop3A_403 = arith.constant 288 : index
        %parallel_loop3A_404 = tpu.vector_load %arg10[%parallel_loop3A_402, %parallel_loop3A_403] {strides = array<i32>} : memref<64x768xf32, #tpu.memory_space<vmem>>, vector<1x16xf32>,
        %parallel_loop3A_405 = vector.shape_cast %parallel_loop3A_404 : vector<1x16xf32> to vector<16xf32>
        %parallel_loop3A_406 = vector.shape_cast %parallel_loop3A_401 : vector<16xf32> to vector<1x16xf32>
        tpu.vector_store %arg10[%parallel_loop3A_402, %parallel_loop3A_403], %parallel_loop3A_406 {strides = array<i32>} : memref<64x768xf32, #tpu.memory_space<vmem>>, vector<1x16xf32>,
        %parallel_loop3A_407 = arith.index_cast %parallel_loop3A_49 : i32 to index
        %parallel_loop3A_408 = arith.constant 304 : index
        %parallel_loop3A_409 = tpu.vector_load %arg8[%parallel_loop3A_407, %parallel_loop3A_408] {strides = array<i32>} : memref<16x768xf32, #tpu.memory_space<vmem>>, vector<1x16xf32>,
        %parallel_loop3A_410 = vector.shape_cast %parallel_loop3A_409 : vector<1x16xf32> to vector<16xf32>
        %parallel_loop3A_411 = arith.index_cast %parallel_loop3A_54 : i32 to index
        %parallel_loop3A_412 = arith.constant 304 : index
        %parallel_loop3A_413 = tpu.vector_load %arg8[%parallel_loop3A_411, %parallel_loop3A_412] {strides = array<i32>} : memref<16x768xf32, #tpu.memory_space<vmem>>, vector<1x16xf32>,
        %parallel_loop3A_414 = vector.shape_cast %parallel_loop3A_413 : vector<1x16xf32> to vector<16xf32>
        %parallel_loop3A_415 = vector.broadcast %parallel_loop3A_59 : f32 to vector<16xf32>
        %parallel_loop3A_416 = arith.mulf %parallel_loop3A_410, %parallel_loop3A_415 : vector<16xf32>
        %parallel_loop3A_417 = vector.broadcast %parallel_loop3A_64 : f32 to vector<16xf32>
        %parallel_loop3A_418 = arith.mulf %parallel_loop3A_414, %parallel_loop3A_417 : vector<16xf32>
        %parallel_loop3A_419 = arith.addf %parallel_loop3A_416, %parallel_loop3A_418 : vector<16xf32>
        %parallel_loop3A_420 = arith.index_cast %parallel_loop3A_43 : i32 to index
        %parallel_loop3A_421 = arith.constant 304 : index
        %parallel_loop3A_422 = tpu.vector_load %arg10[%parallel_loop3A_420, %parallel_loop3A_421] {strides = array<i32>} : memref<64x768xf32, #tpu.memory_space<vmem>>, vector<1x16xf32>,
        %parallel_loop3A_423 = vector.shape_cast %parallel_loop3A_422 : vector<1x16xf32> to vector<16xf32>
        %parallel_loop3A_424 = vector.shape_cast %parallel_loop3A_419 : vector<16xf32> to vector<1x16xf32>
        tpu.vector_store %arg10[%parallel_loop3A_420, %parallel_loop3A_421], %parallel_loop3A_424 {strides = array<i32>} : memref<64x768xf32, #tpu.memory_space<vmem>>, vector<1x16xf32>,
        %parallel_loop3A_425 = arith.index_cast %parallel_loop3A_49 : i32 to index
        %parallel_loop3A_426 = arith.constant 320 : index
        %parallel_loop3A_427 = tpu.vector_load %arg8[%parallel_loop3A_425, %parallel_loop3A_426] {strides = array<i32>} : memref<16x768xf32, #tpu.memory_space<vmem>>, vector<1x16xf32>,
        %parallel_loop3A_428 = vector.shape_cast %parallel_loop3A_427 : vector<1x16xf32> to vector<16xf32>
        %parallel_loop3A_429 = arith.index_cast %parallel_loop3A_54 : i32 to index
        %parallel_loop3A_430 = arith.constant 320 : index
        %parallel_loop3A_431 = tpu.vector_load %arg8[%parallel_loop3A_429, %parallel_loop3A_430] {strides = array<i32>} : memref<16x768xf32, #tpu.memory_space<vmem>>, vector<1x16xf32>,
        %parallel_loop3A_432 = vector.shape_cast %parallel_loop3A_431 : vector<1x16xf32> to vector<16xf32>
        %parallel_loop3A_433 = vector.broadcast %parallel_loop3A_59 : f32 to vector<16xf32>
        %parallel_loop3A_434 = arith.mulf %parallel_loop3A_428, %parallel_loop3A_433 : vector<16xf32>
        %parallel_loop3A_435 = vector.broadcast %parallel_loop3A_64 : f32 to vector<16xf32>
        %parallel_loop3A_436 = arith.mulf %parallel_loop3A_432, %parallel_loop3A_435 : vector<16xf32>
        %parallel_loop3A_437 = arith.addf %parallel_loop3A_434, %parallel_loop3A_436 : vector<16xf32>
        %parallel_loop3A_438 = arith.index_cast %parallel_loop3A_43 : i32 to index
        %parallel_loop3A_439 = arith.constant 320 : index
        %parallel_loop3A_440 = tpu.vector_load %arg10[%parallel_loop3A_438, %parallel_loop3A_439] {strides = array<i32>} : memref<64x768xf32, #tpu.memory_space<vmem>>, vector<1x16xf32>,
        %parallel_loop3A_441 = vector.shape_cast %parallel_loop3A_440 : vector<1x16xf32> to vector<16xf32>
        %parallel_loop3A_442 = vector.shape_cast %parallel_loop3A_437 : vector<16xf32> to vector<1x16xf32>
        tpu.vector_store %arg10[%parallel_loop3A_438, %parallel_loop3A_439], %parallel_loop3A_442 {strides = array<i32>} : memref<64x768xf32, #tpu.memory_space<vmem>>, vector<1x16xf32>,
        %parallel_loop3A_443 = arith.index_cast %parallel_loop3A_49 : i32 to index
        %parallel_loop3A_444 = arith.constant 336 : index
        %parallel_loop3A_445 = tpu.vector_load %arg8[%parallel_loop3A_443, %parallel_loop3A_444] {strides = array<i32>} : memref<16x768xf32, #tpu.memory_space<vmem>>, vector<1x16xf32>,
        %parallel_loop3A_446 = vector.shape_cast %parallel_loop3A_445 : vector<1x16xf32> to vector<16xf32>
        %parallel_loop3A_447 = arith.index_cast %parallel_loop3A_54 : i32 to index
        %parallel_loop3A_448 = arith.constant 336 : index
        %parallel_loop3A_449 = tpu.vector_load %arg8[%parallel_loop3A_447, %parallel_loop3A_448] {strides = array<i32>} : memref<16x768xf32, #tpu.memory_space<vmem>>, vector<1x16xf32>,
        %parallel_loop3A_450 = vector.shape_cast %parallel_loop3A_449 : vector<1x16xf32> to vector<16xf32>
        %parallel_loop3A_451 = vector.broadcast %parallel_loop3A_59 : f32 to vector<16xf32>
        %parallel_loop3A_452 = arith.mulf %parallel_loop3A_446, %parallel_loop3A_451 : vector<16xf32>
        %parallel_loop3A_453 = vector.broadcast %parallel_loop3A_64 : f32 to vector<16xf32>
        %parallel_loop3A_454 = arith.mulf %parallel_loop3A_450, %parallel_loop3A_453 : vector<16xf32>
        %parallel_loop3A_455 = arith.addf %parallel_loop3A_452, %parallel_loop3A_454 : vector<16xf32>
        %parallel_loop3A_456 = arith.index_cast %parallel_loop3A_43 : i32 to index
        %parallel_loop3A_457 = arith.constant 336 : index
        %parallel_loop3A_458 = tpu.vector_load %arg10[%parallel_loop3A_456, %parallel_loop3A_457] {strides = array<i32>} : memref<64x768xf32, #tpu.memory_space<vmem>>, vector<1x16xf32>,
        %parallel_loop3A_459 = vector.shape_cast %parallel_loop3A_458 : vector<1x16xf32> to vector<16xf32>
        %parallel_loop3A_460 = vector.shape_cast %parallel_loop3A_455 : vector<16xf32> to vector<1x16xf32>
        tpu.vector_store %arg10[%parallel_loop3A_456, %parallel_loop3A_457], %parallel_loop3A_460 {strides = array<i32>} : memref<64x768xf32, #tpu.memory_space<vmem>>, vector<1x16xf32>,
        %parallel_loop3A_461 = arith.index_cast %parallel_loop3A_49 : i32 to index
        %parallel_loop3A_462 = arith.constant 352 : index
        %parallel_loop3A_463 = tpu.vector_load %arg8[%parallel_loop3A_461, %parallel_loop3A_462] {strides = array<i32>} : memref<16x768xf32, #tpu.memory_space<vmem>>, vector<1x16xf32>,
        %parallel_loop3A_464 = vector.shape_cast %parallel_loop3A_463 : vector<1x16xf32> to vector<16xf32>
        %parallel_loop3A_465 = arith.index_cast %parallel_loop3A_54 : i32 to index
        %parallel_loop3A_466 = arith.constant 352 : index
        %parallel_loop3A_467 = tpu.vector_load %arg8[%parallel_loop3A_465, %parallel_loop3A_466] {strides = array<i32>} : memref<16x768xf32, #tpu.memory_space<vmem>>, vector<1x16xf32>,
        %parallel_loop3A_468 = vector.shape_cast %parallel_loop3A_467 : vector<1x16xf32> to vector<16xf32>
        %parallel_loop3A_469 = vector.broadcast %parallel_loop3A_59 : f32 to vector<16xf32>
        %parallel_loop3A_470 = arith.mulf %parallel_loop3A_464, %parallel_loop3A_469 : vector<16xf32>
        %parallel_loop3A_471 = vector.broadcast %parallel_loop3A_64 : f32 to vector<16xf32>
        %parallel_loop3A_472 = arith.mulf %parallel_loop3A_468, %parallel_loop3A_471 : vector<16xf32>
        %parallel_loop3A_473 = arith.addf %parallel_loop3A_470, %parallel_loop3A_472 : vector<16xf32>
        %parallel_loop3A_474 = arith.index_cast %parallel_loop3A_43 : i32 to index
        %parallel_loop3A_475 = arith.constant 352 : index
        %parallel_loop3A_476 = tpu.vector_load %arg10[%parallel_loop3A_474, %parallel_loop3A_475] {strides = array<i32>} : memref<64x768xf32, #tpu.memory_space<vmem>>, vector<1x16xf32>,
        %parallel_loop3A_477 = vector.shape_cast %parallel_loop3A_476 : vector<1x16xf32> to vector<16xf32>
        %parallel_loop3A_478 = vector.shape_cast %parallel_loop3A_473 : vector<16xf32> to vector<1x16xf32>
        tpu.vector_store %arg10[%parallel_loop3A_474, %parallel_loop3A_475], %parallel_loop3A_478 {strides = array<i32>} : memref<64x768xf32, #tpu.memory_space<vmem>>, vector<1x16xf32>,
        %parallel_loop3A_479 = arith.index_cast %parallel_loop3A_49 : i32 to index
        %parallel_loop3A_480 = arith.constant 368 : index
        %parallel_loop3A_481 = tpu.vector_load %arg8[%parallel_loop3A_479, %parallel_loop3A_480] {strides = array<i32>} : memref<16x768xf32, #tpu.memory_space<vmem>>, vector<1x16xf32>,
        %parallel_loop3A_482 = vector.shape_cast %parallel_loop3A_481 : vector<1x16xf32> to vector<16xf32>
        %parallel_loop3A_483 = arith.index_cast %parallel_loop3A_54 : i32 to index
        %parallel_loop3A_484 = arith.constant 368 : index
        %parallel_loop3A_485 = tpu.vector_load %arg8[%parallel_loop3A_483, %parallel_loop3A_484] {strides = array<i32>} : memref<16x768xf32, #tpu.memory_space<vmem>>, vector<1x16xf32>,
        %parallel_loop3A_486 = vector.shape_cast %parallel_loop3A_485 : vector<1x16xf32> to vector<16xf32>
        %parallel_loop3A_487 = vector.broadcast %parallel_loop3A_59 : f32 to vector<16xf32>
        %parallel_loop3A_488 = arith.mulf %parallel_loop3A_482, %parallel_loop3A_487 : vector<16xf32>
        %parallel_loop3A_489 = vector.broadcast %parallel_loop3A_64 : f32 to vector<16xf32>
        %parallel_loop3A_490 = arith.mulf %parallel_loop3A_486, %parallel_loop3A_489 : vector<16xf32>
        %parallel_loop3A_491 = arith.addf %parallel_loop3A_488, %parallel_loop3A_490 : vector<16xf32>
        %parallel_loop3A_492 = arith.index_cast %parallel_loop3A_43 : i32 to index
        %parallel_loop3A_493 = arith.constant 368 : index
        %parallel_loop3A_494 = tpu.vector_load %arg10[%parallel_loop3A_492, %parallel_loop3A_493] {strides = array<i32>} : memref<64x768xf32, #tpu.memory_space<vmem>>, vector<1x16xf32>,
        %parallel_loop3A_495 = vector.shape_cast %parallel_loop3A_494 : vector<1x16xf32> to vector<16xf32>
        %parallel_loop3A_496 = vector.shape_cast %parallel_loop3A_491 : vector<16xf32> to vector<1x16xf32>
        tpu.vector_store %arg10[%parallel_loop3A_492, %parallel_loop3A_493], %parallel_loop3A_496 {strides = array<i32>} : memref<64x768xf32, #tpu.memory_space<vmem>>, vector<1x16xf32>,
        %parallel_loop3A_497 = arith.index_cast %parallel_loop3A_49 : i32 to index
        %parallel_loop3A_498 = arith.constant 384 : index
        %parallel_loop3A_499 = tpu.vector_load %arg8[%parallel_loop3A_497, %parallel_loop3A_498] {strides = array<i32>} : memref<16x768xf32, #tpu.memory_space<vmem>>, vector<1x16xf32>,
        %parallel_loop3A_500 = vector.shape_cast %parallel_loop3A_499 : vector<1x16xf32> to vector<16xf32>
        %parallel_loop3A_501 = arith.index_cast %parallel_loop3A_54 : i32 to index
        %parallel_loop3A_502 = arith.constant 384 : index
        %parallel_loop3A_503 = tpu.vector_load %arg8[%parallel_loop3A_501, %parallel_loop3A_502] {strides = array<i32>} : memref<16x768xf32, #tpu.memory_space<vmem>>, vector<1x16xf32>,
        %parallel_loop3A_504 = vector.shape_cast %parallel_loop3A_503 : vector<1x16xf32> to vector<16xf32>
        %parallel_loop3A_505 = vector.broadcast %parallel_loop3A_59 : f32 to vector<16xf32>
        %parallel_loop3A_506 = arith.mulf %parallel_loop3A_500, %parallel_loop3A_505 : vector<16xf32>
        %parallel_loop3A_507 = vector.broadcast %parallel_loop3A_64 : f32 to vector<16xf32>
        %parallel_loop3A_508 = arith.mulf %parallel_loop3A_504, %parallel_loop3A_507 : vector<16xf32>
        %parallel_loop3A_509 = arith.addf %parallel_loop3A_506, %parallel_loop3A_508 : vector<16xf32>
        %parallel_loop3A_510 = arith.index_cast %parallel_loop3A_43 : i32 to index
        %parallel_loop3A_511 = arith.constant 384 : index
        %parallel_loop3A_512 = tpu.vector_load %arg10[%parallel_loop3A_510, %parallel_loop3A_511] {strides = array<i32>} : memref<64x768xf32, #tpu.memory_space<vmem>>, vector<1x16xf32>,
        %parallel_loop3A_513 = vector.shape_cast %parallel_loop3A_512 : vector<1x16xf32> to vector<16xf32>
        %parallel_loop3A_514 = vector.shape_cast %parallel_loop3A_509 : vector<16xf32> to vector<1x16xf32>
        tpu.vector_store %arg10[%parallel_loop3A_510, %parallel_loop3A_511], %parallel_loop3A_514 {strides = array<i32>} : memref<64x768xf32, #tpu.memory_space<vmem>>, vector<1x16xf32>,
        %parallel_loop3A_515 = arith.index_cast %parallel_loop3A_49 : i32 to index
        %parallel_loop3A_516 = arith.constant 400 : index
        %parallel_loop3A_517 = tpu.vector_load %arg8[%parallel_loop3A_515, %parallel_loop3A_516] {strides = array<i32>} : memref<16x768xf32, #tpu.memory_space<vmem>>, vector<1x16xf32>,
        %parallel_loop3A_518 = vector.shape_cast %parallel_loop3A_517 : vector<1x16xf32> to vector<16xf32>
        %parallel_loop3A_519 = arith.index_cast %parallel_loop3A_54 : i32 to index
        %parallel_loop3A_520 = arith.constant 400 : index
        %parallel_loop3A_521 = tpu.vector_load %arg8[%parallel_loop3A_519, %parallel_loop3A_520] {strides = array<i32>} : memref<16x768xf32, #tpu.memory_space<vmem>>, vector<1x16xf32>,
        %parallel_loop3A_522 = vector.shape_cast %parallel_loop3A_521 : vector<1x16xf32> to vector<16xf32>
        %parallel_loop3A_523 = vector.broadcast %parallel_loop3A_59 : f32 to vector<16xf32>
        %parallel_loop3A_524 = arith.mulf %parallel_loop3A_518, %parallel_loop3A_523 : vector<16xf32>
        %parallel_loop3A_525 = vector.broadcast %parallel_loop3A_64 : f32 to vector<16xf32>
        %parallel_loop3A_526 = arith.mulf %parallel_loop3A_522, %parallel_loop3A_525 : vector<16xf32>
        %parallel_loop3A_527 = arith.addf %parallel_loop3A_524, %parallel_loop3A_526 : vector<16xf32>
        %parallel_loop3A_528 = arith.index_cast %parallel_loop3A_43 : i32 to index
        %parallel_loop3A_529 = arith.constant 400 : index
        %parallel_loop3A_530 = tpu.vector_load %arg10[%parallel_loop3A_528, %parallel_loop3A_529] {strides = array<i32>} : memref<64x768xf32, #tpu.memory_space<vmem>>, vector<1x16xf32>,
        %parallel_loop3A_531 = vector.shape_cast %parallel_loop3A_530 : vector<1x16xf32> to vector<16xf32>
        %parallel_loop3A_532 = vector.shape_cast %parallel_loop3A_527 : vector<16xf32> to vector<1x16xf32>
        tpu.vector_store %arg10[%parallel_loop3A_528, %parallel_loop3A_529], %parallel_loop3A_532 {strides = array<i32>} : memref<64x768xf32, #tpu.memory_space<vmem>>, vector<1x16xf32>,
        %parallel_loop3A_533 = arith.index_cast %parallel_loop3A_49 : i32 to index
        %parallel_loop3A_534 = arith.constant 416 : index
        %parallel_loop3A_535 = tpu.vector_load %arg8[%parallel_loop3A_533, %parallel_loop3A_534] {strides = array<i32>} : memref<16x768xf32, #tpu.memory_space<vmem>>, vector<1x16xf32>,
        %parallel_loop3A_536 = vector.shape_cast %parallel_loop3A_535 : vector<1x16xf32> to vector<16xf32>
        %parallel_loop3A_537 = arith.index_cast %parallel_loop3A_54 : i32 to index
        %parallel_loop3A_538 = arith.constant 416 : index
        %parallel_loop3A_539 = tpu.vector_load %arg8[%parallel_loop3A_537, %parallel_loop3A_538] {strides = array<i32>} : memref<16x768xf32, #tpu.memory_space<vmem>>, vector<1x16xf32>,
        %parallel_loop3A_540 = vector.shape_cast %parallel_loop3A_539 : vector<1x16xf32> to vector<16xf32>
        %parallel_loop3A_541 = vector.broadcast %parallel_loop3A_59 : f32 to vector<16xf32>
        %parallel_loop3A_542 = arith.mulf %parallel_loop3A_536, %parallel_loop3A_541 : vector<16xf32>
        %parallel_loop3A_543 = vector.broadcast %parallel_loop3A_64 : f32 to vector<16xf32>
        %parallel_loop3A_544 = arith.mulf %parallel_loop3A_540, %parallel_loop3A_543 : vector<16xf32>
        %parallel_loop3A_545 = arith.addf %parallel_loop3A_542, %parallel_loop3A_544 : vector<16xf32>
        %parallel_loop3A_546 = arith.index_cast %parallel_loop3A_43 : i32 to index
        %parallel_loop3A_547 = arith.constant 416 : index
        %parallel_loop3A_548 = tpu.vector_load %arg10[%parallel_loop3A_546, %parallel_loop3A_547] {strides = array<i32>} : memref<64x768xf32, #tpu.memory_space<vmem>>, vector<1x16xf32>,
        %parallel_loop3A_549 = vector.shape_cast %parallel_loop3A_548 : vector<1x16xf32> to vector<16xf32>
        %parallel_loop3A_550 = vector.shape_cast %parallel_loop3A_545 : vector<16xf32> to vector<1x16xf32>
        tpu.vector_store %arg10[%parallel_loop3A_546, %parallel_loop3A_547], %parallel_loop3A_550 {strides = array<i32>} : memref<64x768xf32, #tpu.memory_space<vmem>>, vector<1x16xf32>,
        %parallel_loop3A_551 = arith.index_cast %parallel_loop3A_49 : i32 to index
        %parallel_loop3A_552 = arith.constant 432 : index
        %parallel_loop3A_553 = tpu.vector_load %arg8[%parallel_loop3A_551, %parallel_loop3A_552] {strides = array<i32>} : memref<16x768xf32, #tpu.memory_space<vmem>>, vector<1x16xf32>,
        %parallel_loop3A_554 = vector.shape_cast %parallel_loop3A_553 : vector<1x16xf32> to vector<16xf32>
        %parallel_loop3A_555 = arith.index_cast %parallel_loop3A_54 : i32 to index
        %parallel_loop3A_556 = arith.constant 432 : index
        %parallel_loop3A_557 = tpu.vector_load %arg8[%parallel_loop3A_555, %parallel_loop3A_556] {strides = array<i32>} : memref<16x768xf32, #tpu.memory_space<vmem>>, vector<1x16xf32>,
        %parallel_loop3A_558 = vector.shape_cast %parallel_loop3A_557 : vector<1x16xf32> to vector<16xf32>
        %parallel_loop3A_559 = vector.broadcast %parallel_loop3A_59 : f32 to vector<16xf32>
        %parallel_loop3A_560 = arith.mulf %parallel_loop3A_554, %parallel_loop3A_559 : vector<16xf32>
        %parallel_loop3A_561 = vector.broadcast %parallel_loop3A_64 : f32 to vector<16xf32>
        %parallel_loop3A_562 = arith.mulf %parallel_loop3A_558, %parallel_loop3A_561 : vector<16xf32>
        %parallel_loop3A_563 = arith.addf %parallel_loop3A_560, %parallel_loop3A_562 : vector<16xf32>
        %parallel_loop3A_564 = arith.index_cast %parallel_loop3A_43 : i32 to index
        %parallel_loop3A_565 = arith.constant 432 : index
        %parallel_loop3A_566 = tpu.vector_load %arg10[%parallel_loop3A_564, %parallel_loop3A_565] {strides = array<i32>} : memref<64x768xf32, #tpu.memory_space<vmem>>, vector<1x16xf32>,
        %parallel_loop3A_567 = vector.shape_cast %parallel_loop3A_566 : vector<1x16xf32> to vector<16xf32>
        %parallel_loop3A_568 = vector.shape_cast %parallel_loop3A_563 : vector<16xf32> to vector<1x16xf32>
        tpu.vector_store %arg10[%parallel_loop3A_564, %parallel_loop3A_565], %parallel_loop3A_568 {strides = array<i32>} : memref<64x768xf32, #tpu.memory_space<vmem>>, vector<1x16xf32>,
        %parallel_loop3A_569 = arith.index_cast %parallel_loop3A_49 : i32 to index
        %parallel_loop3A_570 = arith.constant 448 : index
        %parallel_loop3A_571 = tpu.vector_load %arg8[%parallel_loop3A_569, %parallel_loop3A_570] {strides = array<i32>} : memref<16x768xf32, #tpu.memory_space<vmem>>, vector<1x16xf32>,
        %parallel_loop3A_572 = vector.shape_cast %parallel_loop3A_571 : vector<1x16xf32> to vector<16xf32>
        %parallel_loop3A_573 = arith.index_cast %parallel_loop3A_54 : i32 to index
        %parallel_loop3A_574 = arith.constant 448 : index
        %parallel_loop3A_575 = tpu.vector_load %arg8[%parallel_loop3A_573, %parallel_loop3A_574] {strides = array<i32>} : memref<16x768xf32, #tpu.memory_space<vmem>>, vector<1x16xf32>,
        %parallel_loop3A_576 = vector.shape_cast %parallel_loop3A_575 : vector<1x16xf32> to vector<16xf32>
        %parallel_loop3A_577 = vector.broadcast %parallel_loop3A_59 : f32 to vector<16xf32>
        %parallel_loop3A_578 = arith.mulf %parallel_loop3A_572, %parallel_loop3A_577 : vector<16xf32>
        %parallel_loop3A_579 = vector.broadcast %parallel_loop3A_64 : f32 to vector<16xf32>
        %parallel_loop3A_580 = arith.mulf %parallel_loop3A_576, %parallel_loop3A_579 : vector<16xf32>
        %parallel_loop3A_581 = arith.addf %parallel_loop3A_578, %parallel_loop3A_580 : vector<16xf32>
        %parallel_loop3A_582 = arith.index_cast %parallel_loop3A_43 : i32 to index
        %parallel_loop3A_583 = arith.constant 448 : index
        %parallel_loop3A_584 = tpu.vector_load %arg10[%parallel_loop3A_582, %parallel_loop3A_583] {strides = array<i32>} : memref<64x768xf32, #tpu.memory_space<vmem>>, vector<1x16xf32>,
        %parallel_loop3A_585 = vector.shape_cast %parallel_loop3A_584 : vector<1x16xf32> to vector<16xf32>
        %parallel_loop3A_586 = vector.shape_cast %parallel_loop3A_581 : vector<16xf32> to vector<1x16xf32>
        tpu.vector_store %arg10[%parallel_loop3A_582, %parallel_loop3A_583], %parallel_loop3A_586 {strides = array<i32>} : memref<64x768xf32, #tpu.memory_space<vmem>>, vector<1x16xf32>,
        %parallel_loop3A_587 = arith.index_cast %parallel_loop3A_49 : i32 to index
        %parallel_loop3A_588 = arith.constant 464 : index
        %parallel_loop3A_589 = tpu.vector_load %arg8[%parallel_loop3A_587, %parallel_loop3A_588] {strides = array<i32>} : memref<16x768xf32, #tpu.memory_space<vmem>>, vector<1x16xf32>,
        %parallel_loop3A_590 = vector.shape_cast %parallel_loop3A_589 : vector<1x16xf32> to vector<16xf32>
        %parallel_loop3A_591 = arith.index_cast %parallel_loop3A_54 : i32 to index
        %parallel_loop3A_592 = arith.constant 464 : index
        %parallel_loop3A_593 = tpu.vector_load %arg8[%parallel_loop3A_591, %parallel_loop3A_592] {strides = array<i32>} : memref<16x768xf32, #tpu.memory_space<vmem>>, vector<1x16xf32>,
        %parallel_loop3A_594 = vector.shape_cast %parallel_loop3A_593 : vector<1x16xf32> to vector<16xf32>
        %parallel_loop3A_595 = vector.broadcast %parallel_loop3A_59 : f32 to vector<16xf32>
        %parallel_loop3A_596 = arith.mulf %parallel_loop3A_590, %parallel_loop3A_595 : vector<16xf32>
        %parallel_loop3A_597 = vector.broadcast %parallel_loop3A_64 : f32 to vector<16xf32>
        %parallel_loop3A_598 = arith.mulf %parallel_loop3A_594, %parallel_loop3A_597 : vector<16xf32>
        %parallel_loop3A_599 = arith.addf %parallel_loop3A_596, %parallel_loop3A_598 : vector<16xf32>
        %parallel_loop3A_600 = arith.index_cast %parallel_loop3A_43 : i32 to index
        %parallel_loop3A_601 = arith.constant 464 : index
        %parallel_loop3A_602 = tpu.vector_load %arg10[%parallel_loop3A_600, %parallel_loop3A_601] {strides = array<i32>} : memref<64x768xf32, #tpu.memory_space<vmem>>, vector<1x16xf32>,
        %parallel_loop3A_603 = vector.shape_cast %parallel_loop3A_602 : vector<1x16xf32> to vector<16xf32>
        %parallel_loop3A_604 = vector.shape_cast %parallel_loop3A_599 : vector<16xf32> to vector<1x16xf32>
        tpu.vector_store %arg10[%parallel_loop3A_600, %parallel_loop3A_601], %parallel_loop3A_604 {strides = array<i32>} : memref<64x768xf32, #tpu.memory_space<vmem>>, vector<1x16xf32>,
        %parallel_loop3A_605 = arith.index_cast %parallel_loop3A_49 : i32 to index
        %parallel_loop3A_606 = arith.constant 480 : index
        %parallel_loop3A_607 = tpu.vector_load %arg8[%parallel_loop3A_605, %parallel_loop3A_606] {strides = array<i32>} : memref<16x768xf32, #tpu.memory_space<vmem>>, vector<1x16xf32>,
        %parallel_loop3A_608 = vector.shape_cast %parallel_loop3A_607 : vector<1x16xf32> to vector<16xf32>
        %parallel_loop3A_609 = arith.index_cast %parallel_loop3A_54 : i32 to index
        %parallel_loop3A_610 = arith.constant 480 : index
        %parallel_loop3A_611 = tpu.vector_load %arg8[%parallel_loop3A_609, %parallel_loop3A_610] {strides = array<i32>} : memref<16x768xf32, #tpu.memory_space<vmem>>, vector<1x16xf32>,
        %parallel_loop3A_612 = vector.shape_cast %parallel_loop3A_611 : vector<1x16xf32> to vector<16xf32>
        %parallel_loop3A_613 = vector.broadcast %parallel_loop3A_59 : f32 to vector<16xf32>
        %parallel_loop3A_614 = arith.mulf %parallel_loop3A_608, %parallel_loop3A_613 : vector<16xf32>
        %parallel_loop3A_615 = vector.broadcast %parallel_loop3A_64 : f32 to vector<16xf32>
        %parallel_loop3A_616 = arith.mulf %parallel_loop3A_612, %parallel_loop3A_615 : vector<16xf32>
        %parallel_loop3A_617 = arith.addf %parallel_loop3A_614, %parallel_loop3A_616 : vector<16xf32>
        %parallel_loop3A_618 = arith.index_cast %parallel_loop3A_43 : i32 to index
        %parallel_loop3A_619 = arith.constant 480 : index
        %parallel_loop3A_620 = tpu.vector_load %arg10[%parallel_loop3A_618, %parallel_loop3A_619] {strides = array<i32>} : memref<64x768xf32, #tpu.memory_space<vmem>>, vector<1x16xf32>,
        %parallel_loop3A_621 = vector.shape_cast %parallel_loop3A_620 : vector<1x16xf32> to vector<16xf32>
        %parallel_loop3A_622 = vector.shape_cast %parallel_loop3A_617 : vector<16xf32> to vector<1x16xf32>
        tpu.vector_store %arg10[%parallel_loop3A_618, %parallel_loop3A_619], %parallel_loop3A_622 {strides = array<i32>} : memref<64x768xf32, #tpu.memory_space<vmem>>, vector<1x16xf32>,
        %parallel_loop3A_623 = arith.index_cast %parallel_loop3A_49 : i32 to index
        %parallel_loop3A_624 = arith.constant 496 : index
        %parallel_loop3A_625 = tpu.vector_load %arg8[%parallel_loop3A_623, %parallel_loop3A_624] {strides = array<i32>} : memref<16x768xf32, #tpu.memory_space<vmem>>, vector<1x16xf32>,
        %parallel_loop3A_626 = vector.shape_cast %parallel_loop3A_625 : vector<1x16xf32> to vector<16xf32>
        %parallel_loop3A_627 = arith.index_cast %parallel_loop3A_54 : i32 to index
        %parallel_loop3A_628 = arith.constant 496 : index
        %parallel_loop3A_629 = tpu.vector_load %arg8[%parallel_loop3A_627, %parallel_loop3A_628] {strides = array<i32>} : memref<16x768xf32, #tpu.memory_space<vmem>>, vector<1x16xf32>,
        %parallel_loop3A_630 = vector.shape_cast %parallel_loop3A_629 : vector<1x16xf32> to vector<16xf32>
        %parallel_loop3A_631 = vector.broadcast %parallel_loop3A_59 : f32 to vector<16xf32>
        %parallel_loop3A_632 = arith.mulf %parallel_loop3A_626, %parallel_loop3A_631 : vector<16xf32>
        %parallel_loop3A_633 = vector.broadcast %parallel_loop3A_64 : f32 to vector<16xf32>
        %parallel_loop3A_634 = arith.mulf %parallel_loop3A_630, %parallel_loop3A_633 : vector<16xf32>
        %parallel_loop3A_635 = arith.addf %parallel_loop3A_632, %parallel_loop3A_634 : vector<16xf32>
        %parallel_loop3A_636 = arith.index_cast %parallel_loop3A_43 : i32 to index
        %parallel_loop3A_637 = arith.constant 496 : index
        %parallel_loop3A_638 = tpu.vector_load %arg10[%parallel_loop3A_636, %parallel_loop3A_637] {strides = array<i32>} : memref<64x768xf32, #tpu.memory_space<vmem>>, vector<1x16xf32>,
        %parallel_loop3A_639 = vector.shape_cast %parallel_loop3A_638 : vector<1x16xf32> to vector<16xf32>
        %parallel_loop3A_640 = vector.shape_cast %parallel_loop3A_635 : vector<16xf32> to vector<1x16xf32>
        tpu.vector_store %arg10[%parallel_loop3A_636, %parallel_loop3A_637], %parallel_loop3A_640 {strides = array<i32>} : memref<64x768xf32, #tpu.memory_space<vmem>>, vector<1x16xf32>,
        %parallel_loop3A_641 = arith.index_cast %parallel_loop3A_49 : i32 to index
        %parallel_loop3A_642 = arith.constant 512 : index
        %parallel_loop3A_643 = tpu.vector_load %arg8[%parallel_loop3A_641, %parallel_loop3A_642] {strides = array<i32>} : memref<16x768xf32, #tpu.memory_space<vmem>>, vector<1x16xf32>,
        %parallel_loop3A_644 = vector.shape_cast %parallel_loop3A_643 : vector<1x16xf32> to vector<16xf32>
        %parallel_loop3A_645 = arith.index_cast %parallel_loop3A_54 : i32 to index
        %parallel_loop3A_646 = arith.constant 512 : index
        %parallel_loop3A_647 = tpu.vector_load %arg8[%parallel_loop3A_645, %parallel_loop3A_646] {strides = array<i32>} : memref<16x768xf32, #tpu.memory_space<vmem>>, vector<1x16xf32>,
        %parallel_loop3A_648 = vector.shape_cast %parallel_loop3A_647 : vector<1x16xf32> to vector<16xf32>
        %parallel_loop3A_649 = vector.broadcast %parallel_loop3A_59 : f32 to vector<16xf32>
        %parallel_loop3A_650 = arith.mulf %parallel_loop3A_644, %parallel_loop3A_649 : vector<16xf32>
        %parallel_loop3A_651 = vector.broadcast %parallel_loop3A_64 : f32 to vector<16xf32>
        %parallel_loop3A_652 = arith.mulf %parallel_loop3A_648, %parallel_loop3A_651 : vector<16xf32>
        %parallel_loop3A_653 = arith.addf %parallel_loop3A_650, %parallel_loop3A_652 : vector<16xf32>
        %parallel_loop3A_654 = arith.index_cast %parallel_loop3A_43 : i32 to index
        %parallel_loop3A_655 = arith.constant 512 : index
        %parallel_loop3A_656 = tpu.vector_load %arg10[%parallel_loop3A_654, %parallel_loop3A_655] {strides = array<i32>} : memref<64x768xf32, #tpu.memory_space<vmem>>, vector<1x16xf32>,
        %parallel_loop3A_657 = vector.shape_cast %parallel_loop3A_656 : vector<1x16xf32> to vector<16xf32>
        %parallel_loop3A_658 = vector.shape_cast %parallel_loop3A_653 : vector<16xf32> to vector<1x16xf32>
        tpu.vector_store %arg10[%parallel_loop3A_654, %parallel_loop3A_655], %parallel_loop3A_658 {strides = array<i32>} : memref<64x768xf32, #tpu.memory_space<vmem>>, vector<1x16xf32>,
        %parallel_loop3A_659 = arith.index_cast %parallel_loop3A_49 : i32 to index
        %parallel_loop3A_660 = arith.constant 528 : index
        %parallel_loop3A_661 = tpu.vector_load %arg8[%parallel_loop3A_659, %parallel_loop3A_660] {strides = array<i32>} : memref<16x768xf32, #tpu.memory_space<vmem>>, vector<1x16xf32>,
        %parallel_loop3A_662 = vector.shape_cast %parallel_loop3A_661 : vector<1x16xf32> to vector<16xf32>
        %parallel_loop3A_663 = arith.index_cast %parallel_loop3A_54 : i32 to index
        %parallel_loop3A_664 = arith.constant 528 : index
        %parallel_loop3A_665 = tpu.vector_load %arg8[%parallel_loop3A_663, %parallel_loop3A_664] {strides = array<i32>} : memref<16x768xf32, #tpu.memory_space<vmem>>, vector<1x16xf32>,
        %parallel_loop3A_666 = vector.shape_cast %parallel_loop3A_665 : vector<1x16xf32> to vector<16xf32>
        %parallel_loop3A_667 = vector.broadcast %parallel_loop3A_59 : f32 to vector<16xf32>
        %parallel_loop3A_668 = arith.mulf %parallel_loop3A_662, %parallel_loop3A_667 : vector<16xf32>
        %parallel_loop3A_669 = vector.broadcast %parallel_loop3A_64 : f32 to vector<16xf32>
        %parallel_loop3A_670 = arith.mulf %parallel_loop3A_666, %parallel_loop3A_669 : vector<16xf32>
        %parallel_loop3A_671 = arith.addf %parallel_loop3A_668, %parallel_loop3A_670 : vector<16xf32>
        %parallel_loop3A_672 = arith.index_cast %parallel_loop3A_43 : i32 to index
        %parallel_loop3A_673 = arith.constant 528 : index
        %parallel_loop3A_674 = tpu.vector_load %arg10[%parallel_loop3A_672, %parallel_loop3A_673] {strides = array<i32>} : memref<64x768xf32, #tpu.memory_space<vmem>>, vector<1x16xf32>,
        %parallel_loop3A_675 = vector.shape_cast %parallel_loop3A_674 : vector<1x16xf32> to vector<16xf32>
        %parallel_loop3A_676 = vector.shape_cast %parallel_loop3A_671 : vector<16xf32> to vector<1x16xf32>
        tpu.vector_store %arg10[%parallel_loop3A_672, %parallel_loop3A_673], %parallel_loop3A_676 {strides = array<i32>} : memref<64x768xf32, #tpu.memory_space<vmem>>, vector<1x16xf32>,
        %parallel_loop3A_677 = arith.index_cast %parallel_loop3A_49 : i32 to index
        %parallel_loop3A_678 = arith.constant 544 : index
        %parallel_loop3A_679 = tpu.vector_load %arg8[%parallel_loop3A_677, %parallel_loop3A_678] {strides = array<i32>} : memref<16x768xf32, #tpu.memory_space<vmem>>, vector<1x16xf32>,
        %parallel_loop3A_680 = vector.shape_cast %parallel_loop3A_679 : vector<1x16xf32> to vector<16xf32>
        %parallel_loop3A_681 = arith.index_cast %parallel_loop3A_54 : i32 to index
        %parallel_loop3A_682 = arith.constant 544 : index
        %parallel_loop3A_683 = tpu.vector_load %arg8[%parallel_loop3A_681, %parallel_loop3A_682] {strides = array<i32>} : memref<16x768xf32, #tpu.memory_space<vmem>>, vector<1x16xf32>,
        %parallel_loop3A_684 = vector.shape_cast %parallel_loop3A_683 : vector<1x16xf32> to vector<16xf32>
        %parallel_loop3A_685 = vector.broadcast %parallel_loop3A_59 : f32 to vector<16xf32>
        %parallel_loop3A_686 = arith.mulf %parallel_loop3A_680, %parallel_loop3A_685 : vector<16xf32>
        %parallel_loop3A_687 = vector.broadcast %parallel_loop3A_64 : f32 to vector<16xf32>
        %parallel_loop3A_688 = arith.mulf %parallel_loop3A_684, %parallel_loop3A_687 : vector<16xf32>
        %parallel_loop3A_689 = arith.addf %parallel_loop3A_686, %parallel_loop3A_688 : vector<16xf32>
        %parallel_loop3A_690 = arith.index_cast %parallel_loop3A_43 : i32 to index
        %parallel_loop3A_691 = arith.constant 544 : index
        %parallel_loop3A_692 = tpu.vector_load %arg10[%parallel_loop3A_690, %parallel_loop3A_691] {strides = array<i32>} : memref<64x768xf32, #tpu.memory_space<vmem>>, vector<1x16xf32>,
        %parallel_loop3A_693 = vector.shape_cast %parallel_loop3A_692 : vector<1x16xf32> to vector<16xf32>
        %parallel_loop3A_694 = vector.shape_cast %parallel_loop3A_689 : vector<16xf32> to vector<1x16xf32>
        tpu.vector_store %arg10[%parallel_loop3A_690, %parallel_loop3A_691], %parallel_loop3A_694 {strides = array<i32>} : memref<64x768xf32, #tpu.memory_space<vmem>>, vector<1x16xf32>,
        %parallel_loop3A_695 = arith.index_cast %parallel_loop3A_49 : i32 to index
        %parallel_loop3A_696 = arith.constant 560 : index
        %parallel_loop3A_697 = tpu.vector_load %arg8[%parallel_loop3A_695, %parallel_loop3A_696] {strides = array<i32>} : memref<16x768xf32, #tpu.memory_space<vmem>>, vector<1x16xf32>,
        %parallel_loop3A_698 = vector.shape_cast %parallel_loop3A_697 : vector<1x16xf32> to vector<16xf32>
        %parallel_loop3A_699 = arith.index_cast %parallel_loop3A_54 : i32 to index
        %parallel_loop3A_700 = arith.constant 560 : index
        %parallel_loop3A_701 = tpu.vector_load %arg8[%parallel_loop3A_699, %parallel_loop3A_700] {strides = array<i32>} : memref<16x768xf32, #tpu.memory_space<vmem>>, vector<1x16xf32>,
        %parallel_loop3A_702 = vector.shape_cast %parallel_loop3A_701 : vector<1x16xf32> to vector<16xf32>
        %parallel_loop3A_703 = vector.broadcast %parallel_loop3A_59 : f32 to vector<16xf32>
        %parallel_loop3A_704 = arith.mulf %parallel_loop3A_698, %parallel_loop3A_703 : vector<16xf32>
        %parallel_loop3A_705 = vector.broadcast %parallel_loop3A_64 : f32 to vector<16xf32>
        %parallel_loop3A_706 = arith.mulf %parallel_loop3A_702, %parallel_loop3A_705 : vector<16xf32>
        %parallel_loop3A_707 = arith.addf %parallel_loop3A_704, %parallel_loop3A_706 : vector<16xf32>
        %parallel_loop3A_708 = arith.index_cast %parallel_loop3A_43 : i32 to index
        %parallel_loop3A_709 = arith.constant 560 : index
        %parallel_loop3A_710 = tpu.vector_load %arg10[%parallel_loop3A_708, %parallel_loop3A_709] {strides = array<i32>} : memref<64x768xf32, #tpu.memory_space<vmem>>, vector<1x16xf32>,
        %parallel_loop3A_711 = vector.shape_cast %parallel_loop3A_710 : vector<1x16xf32> to vector<16xf32>
        %parallel_loop3A_712 = vector.shape_cast %parallel_loop3A_707 : vector<16xf32> to vector<1x16xf32>
        tpu.vector_store %arg10[%parallel_loop3A_708, %parallel_loop3A_709], %parallel_loop3A_712 {strides = array<i32>} : memref<64x768xf32, #tpu.memory_space<vmem>>, vector<1x16xf32>,
        %parallel_loop3A_713 = arith.index_cast %parallel_loop3A_49 : i32 to index
        %parallel_loop3A_714 = arith.constant 576 : index
        %parallel_loop3A_715 = tpu.vector_load %arg8[%parallel_loop3A_713, %parallel_loop3A_714] {strides = array<i32>} : memref<16x768xf32, #tpu.memory_space<vmem>>, vector<1x16xf32>,
        %parallel_loop3A_716 = vector.shape_cast %parallel_loop3A_715 : vector<1x16xf32> to vector<16xf32>
        %parallel_loop3A_717 = arith.index_cast %parallel_loop3A_54 : i32 to index
        %parallel_loop3A_718 = arith.constant 576 : index
        %parallel_loop3A_719 = tpu.vector_load %arg8[%parallel_loop3A_717, %parallel_loop3A_718] {strides = array<i32>} : memref<16x768xf32, #tpu.memory_space<vmem>>, vector<1x16xf32>,
        %parallel_loop3A_720 = vector.shape_cast %parallel_loop3A_719 : vector<1x16xf32> to vector<16xf32>
        %parallel_loop3A_721 = vector.broadcast %parallel_loop3A_59 : f32 to vector<16xf32>
        %parallel_loop3A_722 = arith.mulf %parallel_loop3A_716, %parallel_loop3A_721 : vector<16xf32>
        %parallel_loop3A_723 = vector.broadcast %parallel_loop3A_64 : f32 to vector<16xf32>
        %parallel_loop3A_724 = arith.mulf %parallel_loop3A_720, %parallel_loop3A_723 : vector<16xf32>
        %parallel_loop3A_725 = arith.addf %parallel_loop3A_722, %parallel_loop3A_724 : vector<16xf32>
        %parallel_loop3A_726 = arith.index_cast %parallel_loop3A_43 : i32 to index
        %parallel_loop3A_727 = arith.constant 576 : index
        %parallel_loop3A_728 = tpu.vector_load %arg10[%parallel_loop3A_726, %parallel_loop3A_727] {strides = array<i32>} : memref<64x768xf32, #tpu.memory_space<vmem>>, vector<1x16xf32>,
        %parallel_loop3A_729 = vector.shape_cast %parallel_loop3A_728 : vector<1x16xf32> to vector<16xf32>
        %parallel_loop3A_730 = vector.shape_cast %parallel_loop3A_725 : vector<16xf32> to vector<1x16xf32>
        tpu.vector_store %arg10[%parallel_loop3A_726, %parallel_loop3A_727], %parallel_loop3A_730 {strides = array<i32>} : memref<64x768xf32, #tpu.memory_space<vmem>>, vector<1x16xf32>,
        %parallel_loop3A_731 = arith.index_cast %parallel_loop3A_49 : i32 to index
        %parallel_loop3A_732 = arith.constant 592 : index
        %parallel_loop3A_733 = tpu.vector_load %arg8[%parallel_loop3A_731, %parallel_loop3A_732] {strides = array<i32>} : memref<16x768xf32, #tpu.memory_space<vmem>>, vector<1x16xf32>,
        %parallel_loop3A_734 = vector.shape_cast %parallel_loop3A_733 : vector<1x16xf32> to vector<16xf32>
        %parallel_loop3A_735 = arith.index_cast %parallel_loop3A_54 : i32 to index
        %parallel_loop3A_736 = arith.constant 592 : index
        %parallel_loop3A_737 = tpu.vector_load %arg8[%parallel_loop3A_735, %parallel_loop3A_736] {strides = array<i32>} : memref<16x768xf32, #tpu.memory_space<vmem>>, vector<1x16xf32>,
        %parallel_loop3A_738 = vector.shape_cast %parallel_loop3A_737 : vector<1x16xf32> to vector<16xf32>
        %parallel_loop3A_739 = vector.broadcast %parallel_loop3A_59 : f32 to vector<16xf32>
        %parallel_loop3A_740 = arith.mulf %parallel_loop3A_734, %parallel_loop3A_739 : vector<16xf32>
        %parallel_loop3A_741 = vector.broadcast %parallel_loop3A_64 : f32 to vector<16xf32>
        %parallel_loop3A_742 = arith.mulf %parallel_loop3A_738, %parallel_loop3A_741 : vector<16xf32>
        %parallel_loop3A_743 = arith.addf %parallel_loop3A_740, %parallel_loop3A_742 : vector<16xf32>
        %parallel_loop3A_744 = arith.index_cast %parallel_loop3A_43 : i32 to index
        %parallel_loop3A_745 = arith.constant 592 : index
        %parallel_loop3A_746 = tpu.vector_load %arg10[%parallel_loop3A_744, %parallel_loop3A_745] {strides = array<i32>} : memref<64x768xf32, #tpu.memory_space<vmem>>, vector<1x16xf32>,
        %parallel_loop3A_747 = vector.shape_cast %parallel_loop3A_746 : vector<1x16xf32> to vector<16xf32>
        %parallel_loop3A_748 = vector.shape_cast %parallel_loop3A_743 : vector<16xf32> to vector<1x16xf32>
        tpu.vector_store %arg10[%parallel_loop3A_744, %parallel_loop3A_745], %parallel_loop3A_748 {strides = array<i32>} : memref<64x768xf32, #tpu.memory_space<vmem>>, vector<1x16xf32>,
        %parallel_loop3A_749 = arith.index_cast %parallel_loop3A_49 : i32 to index
        %parallel_loop3A_750 = arith.constant 608 : index
        %parallel_loop3A_751 = tpu.vector_load %arg8[%parallel_loop3A_749, %parallel_loop3A_750] {strides = array<i32>} : memref<16x768xf32, #tpu.memory_space<vmem>>, vector<1x16xf32>,
        %parallel_loop3A_752 = vector.shape_cast %parallel_loop3A_751 : vector<1x16xf32> to vector<16xf32>
        %parallel_loop3A_753 = arith.index_cast %parallel_loop3A_54 : i32 to index
        %parallel_loop3A_754 = arith.constant 608 : index
        %parallel_loop3A_755 = tpu.vector_load %arg8[%parallel_loop3A_753, %parallel_loop3A_754] {strides = array<i32>} : memref<16x768xf32, #tpu.memory_space<vmem>>, vector<1x16xf32>,
        %parallel_loop3A_756 = vector.shape_cast %parallel_loop3A_755 : vector<1x16xf32> to vector<16xf32>
        %parallel_loop3A_757 = vector.broadcast %parallel_loop3A_59 : f32 to vector<16xf32>
        %parallel_loop3A_758 = arith.mulf %parallel_loop3A_752, %parallel_loop3A_757 : vector<16xf32>
        %parallel_loop3A_759 = vector.broadcast %parallel_loop3A_64 : f32 to vector<16xf32>
        %parallel_loop3A_760 = arith.mulf %parallel_loop3A_756, %parallel_loop3A_759 : vector<16xf32>
        %parallel_loop3A_761 = arith.addf %parallel_loop3A_758, %parallel_loop3A_760 : vector<16xf32>
        %parallel_loop3A_762 = arith.index_cast %parallel_loop3A_43 : i32 to index
        %parallel_loop3A_763 = arith.constant 608 : index
        %parallel_loop3A_764 = tpu.vector_load %arg10[%parallel_loop3A_762, %parallel_loop3A_763] {strides = array<i32>} : memref<64x768xf32, #tpu.memory_space<vmem>>, vector<1x16xf32>,
        %parallel_loop3A_765 = vector.shape_cast %parallel_loop3A_764 : vector<1x16xf32> to vector<16xf32>
        %parallel_loop3A_766 = vector.shape_cast %parallel_loop3A_761 : vector<16xf32> to vector<1x16xf32>
        tpu.vector_store %arg10[%parallel_loop3A_762, %parallel_loop3A_763], %parallel_loop3A_766 {strides = array<i32>} : memref<64x768xf32, #tpu.memory_space<vmem>>, vector<1x16xf32>,
        %parallel_loop3A_767 = arith.index_cast %parallel_loop3A_49 : i32 to index
        %parallel_loop3A_768 = arith.constant 624 : index
        %parallel_loop3A_769 = tpu.vector_load %arg8[%parallel_loop3A_767, %parallel_loop3A_768] {strides = array<i32>} : memref<16x768xf32, #tpu.memory_space<vmem>>, vector<1x16xf32>,
        %parallel_loop3A_770 = vector.shape_cast %parallel_loop3A_769 : vector<1x16xf32> to vector<16xf32>
        %parallel_loop3A_771 = arith.index_cast %parallel_loop3A_54 : i32 to index
        %parallel_loop3A_772 = arith.constant 624 : index
        %parallel_loop3A_773 = tpu.vector_load %arg8[%parallel_loop3A_771, %parallel_loop3A_772] {strides = array<i32>} : memref<16x768xf32, #tpu.memory_space<vmem>>, vector<1x16xf32>,
        %parallel_loop3A_774 = vector.shape_cast %parallel_loop3A_773 : vector<1x16xf32> to vector<16xf32>
        %parallel_loop3A_775 = vector.broadcast %parallel_loop3A_59 : f32 to vector<16xf32>
        %parallel_loop3A_776 = arith.mulf %parallel_loop3A_770, %parallel_loop3A_775 : vector<16xf32>
        %parallel_loop3A_777 = vector.broadcast %parallel_loop3A_64 : f32 to vector<16xf32>
        %parallel_loop3A_778 = arith.mulf %parallel_loop3A_774, %parallel_loop3A_777 : vector<16xf32>
        %parallel_loop3A_779 = arith.addf %parallel_loop3A_776, %parallel_loop3A_778 : vector<16xf32>
        %parallel_loop3A_780 = arith.index_cast %parallel_loop3A_43 : i32 to index
        %parallel_loop3A_781 = arith.constant 624 : index
        %parallel_loop3A_782 = tpu.vector_load %arg10[%parallel_loop3A_780, %parallel_loop3A_781] {strides = array<i32>} : memref<64x768xf32, #tpu.memory_space<vmem>>, vector<1x16xf32>,
        %parallel_loop3A_783 = vector.shape_cast %parallel_loop3A_782 : vector<1x16xf32> to vector<16xf32>
        %parallel_loop3A_784 = vector.shape_cast %parallel_loop3A_779 : vector<16xf32> to vector<1x16xf32>
        tpu.vector_store %arg10[%parallel_loop3A_780, %parallel_loop3A_781], %parallel_loop3A_784 {strides = array<i32>} : memref<64x768xf32, #tpu.memory_space<vmem>>, vector<1x16xf32>,
        %parallel_loop3A_785 = arith.index_cast %parallel_loop3A_49 : i32 to index
        %parallel_loop3A_786 = arith.constant 640 : index
        %parallel_loop3A_787 = tpu.vector_load %arg8[%parallel_loop3A_785, %parallel_loop3A_786] {strides = array<i32>} : memref<16x768xf32, #tpu.memory_space<vmem>>, vector<1x16xf32>,
        %parallel_loop3A_788 = vector.shape_cast %parallel_loop3A_787 : vector<1x16xf32> to vector<16xf32>
        %parallel_loop3A_789 = arith.index_cast %parallel_loop3A_54 : i32 to index
        %parallel_loop3A_790 = arith.constant 640 : index
        %parallel_loop3A_791 = tpu.vector_load %arg8[%parallel_loop3A_789, %parallel_loop3A_790] {strides = array<i32>} : memref<16x768xf32, #tpu.memory_space<vmem>>, vector<1x16xf32>,
        %parallel_loop3A_792 = vector.shape_cast %parallel_loop3A_791 : vector<1x16xf32> to vector<16xf32>
        %parallel_loop3A_793 = vector.broadcast %parallel_loop3A_59 : f32 to vector<16xf32>
        %parallel_loop3A_794 = arith.mulf %parallel_loop3A_788, %parallel_loop3A_793 : vector<16xf32>
        %parallel_loop3A_795 = vector.broadcast %parallel_loop3A_64 : f32 to vector<16xf32>
        %parallel_loop3A_796 = arith.mulf %parallel_loop3A_792, %parallel_loop3A_795 : vector<16xf32>
        %parallel_loop3A_797 = arith.addf %parallel_loop3A_794, %parallel_loop3A_796 : vector<16xf32>
        %parallel_loop3A_798 = arith.index_cast %parallel_loop3A_43 : i32 to index
        %parallel_loop3A_799 = arith.constant 640 : index
        %parallel_loop3A_800 = tpu.vector_load %arg10[%parallel_loop3A_798, %parallel_loop3A_799] {strides = array<i32>} : memref<64x768xf32, #tpu.memory_space<vmem>>, vector<1x16xf32>,
        %parallel_loop3A_801 = vector.shape_cast %parallel_loop3A_800 : vector<1x16xf32> to vector<16xf32>
        %parallel_loop3A_802 = vector.shape_cast %parallel_loop3A_797 : vector<16xf32> to vector<1x16xf32>
        tpu.vector_store %arg10[%parallel_loop3A_798, %parallel_loop3A_799], %parallel_loop3A_802 {strides = array<i32>} : memref<64x768xf32, #tpu.memory_space<vmem>>, vector<1x16xf32>,
        %parallel_loop3A_803 = arith.index_cast %parallel_loop3A_49 : i32 to index
        %parallel_loop3A_804 = arith.constant 656 : index
        %parallel_loop3A_805 = tpu.vector_load %arg8[%parallel_loop3A_803, %parallel_loop3A_804] {strides = array<i32>} : memref<16x768xf32, #tpu.memory_space<vmem>>, vector<1x16xf32>,
        %parallel_loop3A_806 = vector.shape_cast %parallel_loop3A_805 : vector<1x16xf32> to vector<16xf32>
        %parallel_loop3A_807 = arith.index_cast %parallel_loop3A_54 : i32 to index
        %parallel_loop3A_808 = arith.constant 656 : index
        %parallel_loop3A_809 = tpu.vector_load %arg8[%parallel_loop3A_807, %parallel_loop3A_808] {strides = array<i32>} : memref<16x768xf32, #tpu.memory_space<vmem>>, vector<1x16xf32>,
        %parallel_loop3A_810 = vector.shape_cast %parallel_loop3A_809 : vector<1x16xf32> to vector<16xf32>
        %parallel_loop3A_811 = vector.broadcast %parallel_loop3A_59 : f32 to vector<16xf32>
        %parallel_loop3A_812 = arith.mulf %parallel_loop3A_806, %parallel_loop3A_811 : vector<16xf32>
        %parallel_loop3A_813 = vector.broadcast %parallel_loop3A_64 : f32 to vector<16xf32>
        %parallel_loop3A_814 = arith.mulf %parallel_loop3A_810, %parallel_loop3A_813 : vector<16xf32>
        %parallel_loop3A_815 = arith.addf %parallel_loop3A_812, %parallel_loop3A_814 : vector<16xf32>
        %parallel_loop3A_816 = arith.index_cast %parallel_loop3A_43 : i32 to index
        %parallel_loop3A_817 = arith.constant 656 : index
        %parallel_loop3A_818 = tpu.vector_load %arg10[%parallel_loop3A_816, %parallel_loop3A_817] {strides = array<i32>} : memref<64x768xf32, #tpu.memory_space<vmem>>, vector<1x16xf32>,
        %parallel_loop3A_819 = vector.shape_cast %parallel_loop3A_818 : vector<1x16xf32> to vector<16xf32>
        %parallel_loop3A_820 = vector.shape_cast %parallel_loop3A_815 : vector<16xf32> to vector<1x16xf32>
        tpu.vector_store %arg10[%parallel_loop3A_816, %parallel_loop3A_817], %parallel_loop3A_820 {strides = array<i32>} : memref<64x768xf32, #tpu.memory_space<vmem>>, vector<1x16xf32>,
        %parallel_loop3A_821 = arith.index_cast %parallel_loop3A_49 : i32 to index
        %parallel_loop3A_822 = arith.constant 672 : index
        %parallel_loop3A_823 = tpu.vector_load %arg8[%parallel_loop3A_821, %parallel_loop3A_822] {strides = array<i32>} : memref<16x768xf32, #tpu.memory_space<vmem>>, vector<1x16xf32>,
        %parallel_loop3A_824 = vector.shape_cast %parallel_loop3A_823 : vector<1x16xf32> to vector<16xf32>
        %parallel_loop3A_825 = arith.index_cast %parallel_loop3A_54 : i32 to index
        %parallel_loop3A_826 = arith.constant 672 : index
        %parallel_loop3A_827 = tpu.vector_load %arg8[%parallel_loop3A_825, %parallel_loop3A_826] {strides = array<i32>} : memref<16x768xf32, #tpu.memory_space<vmem>>, vector<1x16xf32>,
        %parallel_loop3A_828 = vector.shape_cast %parallel_loop3A_827 : vector<1x16xf32> to vector<16xf32>
        %parallel_loop3A_829 = vector.broadcast %parallel_loop3A_59 : f32 to vector<16xf32>
        %parallel_loop3A_830 = arith.mulf %parallel_loop3A_824, %parallel_loop3A_829 : vector<16xf32>
        %parallel_loop3A_831 = vector.broadcast %parallel_loop3A_64 : f32 to vector<16xf32>
        %parallel_loop3A_832 = arith.mulf %parallel_loop3A_828, %parallel_loop3A_831 : vector<16xf32>
        %parallel_loop3A_833 = arith.addf %parallel_loop3A_830, %parallel_loop3A_832 : vector<16xf32>
        %parallel_loop3A_834 = arith.index_cast %parallel_loop3A_43 : i32 to index
        %parallel_loop3A_835 = arith.constant 672 : index
        %parallel_loop3A_836 = tpu.vector_load %arg10[%parallel_loop3A_834, %parallel_loop3A_835] {strides = array<i32>} : memref<64x768xf32, #tpu.memory_space<vmem>>, vector<1x16xf32>,
        %parallel_loop3A_837 = vector.shape_cast %parallel_loop3A_836 : vector<1x16xf32> to vector<16xf32>
        %parallel_loop3A_838 = vector.shape_cast %parallel_loop3A_833 : vector<16xf32> to vector<1x16xf32>
        tpu.vector_store %arg10[%parallel_loop3A_834, %parallel_loop3A_835], %parallel_loop3A_838 {strides = array<i32>} : memref<64x768xf32, #tpu.memory_space<vmem>>, vector<1x16xf32>,
        %parallel_loop3A_839 = arith.index_cast %parallel_loop3A_49 : i32 to index
        %parallel_loop3A_840 = arith.constant 688 : index
        %parallel_loop3A_841 = tpu.vector_load %arg8[%parallel_loop3A_839, %parallel_loop3A_840] {strides = array<i32>} : memref<16x768xf32, #tpu.memory_space<vmem>>, vector<1x16xf32>,
        %parallel_loop3A_842 = vector.shape_cast %parallel_loop3A_841 : vector<1x16xf32> to vector<16xf32>
        %parallel_loop3A_843 = arith.index_cast %parallel_loop3A_54 : i32 to index
        %parallel_loop3A_844 = arith.constant 688 : index
        %parallel_loop3A_845 = tpu.vector_load %arg8[%parallel_loop3A_843, %parallel_loop3A_844] {strides = array<i32>} : memref<16x768xf32, #tpu.memory_space<vmem>>, vector<1x16xf32>,
        %parallel_loop3A_846 = vector.shape_cast %parallel_loop3A_845 : vector<1x16xf32> to vector<16xf32>
        %parallel_loop3A_847 = vector.broadcast %parallel_loop3A_59 : f32 to vector<16xf32>
        %parallel_loop3A_848 = arith.mulf %parallel_loop3A_842, %parallel_loop3A_847 : vector<16xf32>
        %parallel_loop3A_849 = vector.broadcast %parallel_loop3A_64 : f32 to vector<16xf32>
        %parallel_loop3A_850 = arith.mulf %parallel_loop3A_846, %parallel_loop3A_849 : vector<16xf32>
        %parallel_loop3A_851 = arith.addf %parallel_loop3A_848, %parallel_loop3A_850 : vector<16xf32>
        %parallel_loop3A_852 = arith.index_cast %parallel_loop3A_43 : i32 to index
        %parallel_loop3A_853 = arith.constant 688 : index
        %parallel_loop3A_854 = tpu.vector_load %arg10[%parallel_loop3A_852, %parallel_loop3A_853] {strides = array<i32>} : memref<64x768xf32, #tpu.memory_space<vmem>>, vector<1x16xf32>,
        %parallel_loop3A_855 = vector.shape_cast %parallel_loop3A_854 : vector<1x16xf32> to vector<16xf32>
        %parallel_loop3A_856 = vector.shape_cast %parallel_loop3A_851 : vector<16xf32> to vector<1x16xf32>
        tpu.vector_store %arg10[%parallel_loop3A_852, %parallel_loop3A_853], %parallel_loop3A_856 {strides = array<i32>} : memref<64x768xf32, #tpu.memory_space<vmem>>, vector<1x16xf32>,
        %parallel_loop3A_857 = arith.index_cast %parallel_loop3A_49 : i32 to index
        %parallel_loop3A_858 = arith.constant 704 : index
        %parallel_loop3A_859 = tpu.vector_load %arg8[%parallel_loop3A_857, %parallel_loop3A_858] {strides = array<i32>} : memref<16x768xf32, #tpu.memory_space<vmem>>, vector<1x16xf32>,
        %parallel_loop3A_860 = vector.shape_cast %parallel_loop3A_859 : vector<1x16xf32> to vector<16xf32>
        %parallel_loop3A_861 = arith.index_cast %parallel_loop3A_54 : i32 to index
        %parallel_loop3A_862 = arith.constant 704 : index
        %parallel_loop3A_863 = tpu.vector_load %arg8[%parallel_loop3A_861, %parallel_loop3A_862] {strides = array<i32>} : memref<16x768xf32, #tpu.memory_space<vmem>>, vector<1x16xf32>,
        %parallel_loop3A_864 = vector.shape_cast %parallel_loop3A_863 : vector<1x16xf32> to vector<16xf32>
        %parallel_loop3A_865 = vector.broadcast %parallel_loop3A_59 : f32 to vector<16xf32>
        %parallel_loop3A_866 = arith.mulf %parallel_loop3A_860, %parallel_loop3A_865 : vector<16xf32>
        %parallel_loop3A_867 = vector.broadcast %parallel_loop3A_64 : f32 to vector<16xf32>
        %parallel_loop3A_868 = arith.mulf %parallel_loop3A_864, %parallel_loop3A_867 : vector<16xf32>
        %parallel_loop3A_869 = arith.addf %parallel_loop3A_866, %parallel_loop3A_868 : vector<16xf32>
        %parallel_loop3A_870 = arith.index_cast %parallel_loop3A_43 : i32 to index
        %parallel_loop3A_871 = arith.constant 704 : index
        %parallel_loop3A_872 = tpu.vector_load %arg10[%parallel_loop3A_870, %parallel_loop3A_871] {strides = array<i32>} : memref<64x768xf32, #tpu.memory_space<vmem>>, vector<1x16xf32>,
        %parallel_loop3A_873 = vector.shape_cast %parallel_loop3A_872 : vector<1x16xf32> to vector<16xf32>
        %parallel_loop3A_874 = vector.shape_cast %parallel_loop3A_869 : vector<16xf32> to vector<1x16xf32>
        tpu.vector_store %arg10[%parallel_loop3A_870, %parallel_loop3A_871], %parallel_loop3A_874 {strides = array<i32>} : memref<64x768xf32, #tpu.memory_space<vmem>>, vector<1x16xf32>,
        %parallel_loop3A_875 = arith.index_cast %parallel_loop3A_49 : i32 to index
        %parallel_loop3A_876 = arith.constant 720 : index
        %parallel_loop3A_877 = tpu.vector_load %arg8[%parallel_loop3A_875, %parallel_loop3A_876] {strides = array<i32>} : memref<16x768xf32, #tpu.memory_space<vmem>>, vector<1x16xf32>,
        %parallel_loop3A_878 = vector.shape_cast %parallel_loop3A_877 : vector<1x16xf32> to vector<16xf32>
        %parallel_loop3A_879 = arith.index_cast %parallel_loop3A_54 : i32 to index
        %parallel_loop3A_880 = arith.constant 720 : index
        %parallel_loop3A_881 = tpu.vector_load %arg8[%parallel_loop3A_879, %parallel_loop3A_880] {strides = array<i32>} : memref<16x768xf32, #tpu.memory_space<vmem>>, vector<1x16xf32>,
        %parallel_loop3A_882 = vector.shape_cast %parallel_loop3A_881 : vector<1x16xf32> to vector<16xf32>
        %parallel_loop3A_883 = vector.broadcast %parallel_loop3A_59 : f32 to vector<16xf32>
        %parallel_loop3A_884 = arith.mulf %parallel_loop3A_878, %parallel_loop3A_883 : vector<16xf32>
        %parallel_loop3A_885 = vector.broadcast %parallel_loop3A_64 : f32 to vector<16xf32>
        %parallel_loop3A_886 = arith.mulf %parallel_loop3A_882, %parallel_loop3A_885 : vector<16xf32>
        %parallel_loop3A_887 = arith.addf %parallel_loop3A_884, %parallel_loop3A_886 : vector<16xf32>
        %parallel_loop3A_888 = arith.index_cast %parallel_loop3A_43 : i32 to index
        %parallel_loop3A_889 = arith.constant 720 : index
        %parallel_loop3A_890 = tpu.vector_load %arg10[%parallel_loop3A_888, %parallel_loop3A_889] {strides = array<i32>} : memref<64x768xf32, #tpu.memory_space<vmem>>, vector<1x16xf32>,
        %parallel_loop3A_891 = vector.shape_cast %parallel_loop3A_890 : vector<1x16xf32> to vector<16xf32>
        %parallel_loop3A_892 = vector.shape_cast %parallel_loop3A_887 : vector<16xf32> to vector<1x16xf32>
        tpu.vector_store %arg10[%parallel_loop3A_888, %parallel_loop3A_889], %parallel_loop3A_892 {strides = array<i32>} : memref<64x768xf32, #tpu.memory_space<vmem>>, vector<1x16xf32>,
        %parallel_loop3A_893 = arith.index_cast %parallel_loop3A_49 : i32 to index
        %parallel_loop3A_894 = arith.constant 736 : index
        %parallel_loop3A_895 = tpu.vector_load %arg8[%parallel_loop3A_893, %parallel_loop3A_894] {strides = array<i32>} : memref<16x768xf32, #tpu.memory_space<vmem>>, vector<1x16xf32>,
        %parallel_loop3A_896 = vector.shape_cast %parallel_loop3A_895 : vector<1x16xf32> to vector<16xf32>
        %parallel_loop3A_897 = arith.index_cast %parallel_loop3A_54 : i32 to index
        %parallel_loop3A_898 = arith.constant 736 : index
        %parallel_loop3A_899 = tpu.vector_load %arg8[%parallel_loop3A_897, %parallel_loop3A_898] {strides = array<i32>} : memref<16x768xf32, #tpu.memory_space<vmem>>, vector<1x16xf32>,
        %parallel_loop3A_900 = vector.shape_cast %parallel_loop3A_899 : vector<1x16xf32> to vector<16xf32>
        %parallel_loop3A_901 = vector.broadcast %parallel_loop3A_59 : f32 to vector<16xf32>
        %parallel_loop3A_902 = arith.mulf %parallel_loop3A_896, %parallel_loop3A_901 : vector<16xf32>
        %parallel_loop3A_903 = vector.broadcast %parallel_loop3A_64 : f32 to vector<16xf32>
        %parallel_loop3A_904 = arith.mulf %parallel_loop3A_900, %parallel_loop3A_903 : vector<16xf32>
        %parallel_loop3A_905 = arith.addf %parallel_loop3A_902, %parallel_loop3A_904 : vector<16xf32>
        %parallel_loop3A_906 = arith.index_cast %parallel_loop3A_43 : i32 to index
        %parallel_loop3A_907 = arith.constant 736 : index
        %parallel_loop3A_908 = tpu.vector_load %arg10[%parallel_loop3A_906, %parallel_loop3A_907] {strides = array<i32>} : memref<64x768xf32, #tpu.memory_space<vmem>>, vector<1x16xf32>,
        %parallel_loop3A_909 = vector.shape_cast %parallel_loop3A_908 : vector<1x16xf32> to vector<16xf32>
        %parallel_loop3A_910 = vector.shape_cast %parallel_loop3A_905 : vector<16xf32> to vector<1x16xf32>
        tpu.vector_store %arg10[%parallel_loop3A_906, %parallel_loop3A_907], %parallel_loop3A_910 {strides = array<i32>} : memref<64x768xf32, #tpu.memory_space<vmem>>, vector<1x16xf32>,
        %parallel_loop3A_911 = arith.index_cast %parallel_loop3A_49 : i32 to index
        %parallel_loop3A_912 = arith.constant 752 : index
        %parallel_loop3A_913 = tpu.vector_load %arg8[%parallel_loop3A_911, %parallel_loop3A_912] {strides = array<i32>} : memref<16x768xf32, #tpu.memory_space<vmem>>, vector<1x16xf32>,
        %parallel_loop3A_914 = vector.shape_cast %parallel_loop3A_913 : vector<1x16xf32> to vector<16xf32>
        %parallel_loop3A_915 = arith.index_cast %parallel_loop3A_54 : i32 to index
        %parallel_loop3A_916 = arith.constant 752 : index
        %parallel_loop3A_917 = tpu.vector_load %arg8[%parallel_loop3A_915, %parallel_loop3A_916] {strides = array<i32>} : memref<16x768xf32, #tpu.memory_space<vmem>>, vector<1x16xf32>,
        %parallel_loop3A_918 = vector.shape_cast %parallel_loop3A_917 : vector<1x16xf32> to vector<16xf32>
        %parallel_loop3A_919 = vector.broadcast %parallel_loop3A_59 : f32 to vector<16xf32>
        %parallel_loop3A_920 = arith.mulf %parallel_loop3A_914, %parallel_loop3A_919 : vector<16xf32>
        %parallel_loop3A_921 = vector.broadcast %parallel_loop3A_64 : f32 to vector<16xf32>
        %parallel_loop3A_922 = arith.mulf %parallel_loop3A_918, %parallel_loop3A_921 : vector<16xf32>
        %parallel_loop3A_923 = arith.addf %parallel_loop3A_920, %parallel_loop3A_922 : vector<16xf32>
        %parallel_loop3A_924 = arith.index_cast %parallel_loop3A_43 : i32 to index
        %parallel_loop3A_925 = arith.constant 752 : index
        %parallel_loop3A_926 = tpu.vector_load %arg10[%parallel_loop3A_924, %parallel_loop3A_925] {strides = array<i32>} : memref<64x768xf32, #tpu.memory_space<vmem>>, vector<1x16xf32>,
        %parallel_loop3A_927 = vector.shape_cast %parallel_loop3A_926 : vector<1x16xf32> to vector<16xf32>
        %parallel_loop3A_928 = vector.shape_cast %parallel_loop3A_923 : vector<16xf32> to vector<1x16xf32>
        tpu.vector_store %arg10[%parallel_loop3A_924, %parallel_loop3A_925], %parallel_loop3A_928 {strides = array<i32>} : memref<64x768xf32, #tpu.memory_space<vmem>>, vector<1x16xf32>,
      } {sc.loop_unroll_factor = 4 : i64, sc.parallel_access}
      %add3A_36 = arith.addi %mul3A_2, %mul3A_17 : i32
      %add3A_37 = arith.constant 64 : i32
      %add3A_38 = arith.addi %add3A_36, %add3A_37 : i32
      %dma_start3A_39 = arith.constant 0 : i32
      %dma_start3A_40 = tpu.memref_slice %arg7[%add3A_38, %dma_start3A_39] : memref<32768x768xf32, #tpu.memory_space<hbm>> -> memref<64x768xf32, #tpu.memory_space<hbm>>
      %dma_start3A_41 = arith.constant 0 : i32
      %dma_start3A_42 = tpu.memref_slice %arg7[%add3A_38, %dma_start3A_41] : memref<32768x768xf32, #tpu.memory_space<hbm>> -> memref<64x768xf32, #tpu.memory_space<hbm>>
      tpu.enqueue_dma source(%arg10 : memref<64x768xf32, #tpu.memory_space<vmem>>) target(%dma_start3A_42 : memref<64x768xf32, #tpu.memory_space<hbm>>) target_semaphore(%arg15 : memref<!tpu.dma_semaphore, #tpu.memory_space<semaphore_mem>>)
    }
    %scan3A_7 = arith.constant 8 : i32
    %dma_wait3A = arith.constant 0 : i32
    %dma_wait3A_8 = tpu.memref_slice %arg7[%mul3A_2, %dma_wait3A] : memref<32768x768xf32, #tpu.memory_space<hbm>> -> memref<64x768xf32, #tpu.memory_space<hbm>>
    %dma_wait3A_9 = arith.constant 0 : i32
    %dma_wait3A_10 = tpu.memref_slice %arg7[%mul3A_2, %dma_wait3A_9] : memref<32768x768xf32, #tpu.memory_space<hbm>> -> memref<64x768xf32, #tpu.memory_space<hbm>>
    tpu.wait_dma2 semaphore(%arg15 : memref<!tpu.dma_semaphore, #tpu.memory_space<semaphore_mem>>) src(%arg9 : memref<64x768xf32, #tpu.memory_space<vmem>>) dst(%dma_wait3A_10 : memref<64x768xf32, #tpu.memory_space<hbm>>)
    %dma_wait3A_11 = arith.constant 0 : i32
    %dma_wait3A_12 = tpu.memref_slice %arg7[%mul3A_2, %dma_wait3A_11] : memref<32768x768xf32, #tpu.memory_space<hbm>> -> memref<64x768xf32, #tpu.memory_space<hbm>>
    %dma_wait3A_13 = arith.constant 0 : i32
    %dma_wait3A_14 = tpu.memref_slice %arg7[%mul3A_2, %dma_wait3A_13] : memref<32768x768xf32, #tpu.memory_space<hbm>> -> memref<64x768xf32, #tpu.memory_space<hbm>>
    tpu.wait_dma2 semaphore(%arg15 : memref<!tpu.dma_semaphore, #tpu.memory_space<semaphore_mem>>) src(%arg10 : memref<64x768xf32, #tpu.memory_space<vmem>>) dst(%dma_wait3A_14 : memref<64x768xf32, #tpu.memory_space<hbm>>)
    return
  }
}

module attributes {stable_mosaic.version = 14 : i64} {
  func.func @_centroid_body(%arg0: i32, %arg1: memref<1x16x768xf32, #tpu.memory_space<vmem>>, %arg2: memref<1x64x3xf32, #tpu.memory_space<vmem>>, %arg3: memref<1x64x3x16xf32, #tpu.memory_space<vmem>>, %arg4: memref<1x1x768xf32, #tpu.memory_space<vmem>>) attributes {dimension_semantics = [#tpu.dimension_semantics<arbitrary>], iteration_bounds = array<i64: 16>, scalar_prefetch = 0 : i64, scratch_operands = 0 : i64, tpu.core_type = #tpu.core_type<tc>, window_params = [{transform_indices = @transform_0, window_bounds = array<i64: 1, 16, 768>}, {transform_indices = @transform_1, window_bounds = array<i64: 1, 64, 3>}, {transform_indices = @transform_2, window_bounds = array<i64: 1, 64, 3, 16>}, {transform_indices = @transform_3, window_bounds = array<i64: 1, 1, 768>}]} {
    %iota3A = tpu.iota {dimensions = array<i32: 1>} : vector<64x16xi32>
    %get3A = arith.constant 0 : index
    %get3A_0 = arith.constant 0 : index
    %get3A_1 = arith.constant 0 : index
    %get3A_2 = vector.load %arg1[%get3A, %get3A_0, %get3A_1] : memref<1x16x768xf32, #tpu.memory_space<vmem>>, vector<1x16x768xf32>
    %get3A_3 = vector.shape_cast %get3A_2 : vector<1x16x768xf32> to vector<16x768xf32>
    %sign3A = tpu.bitcast %get3A_3 : vector<16x768xf32> -> vector<16x768xi32>
    %sign3A_4 = arith.constant -2147483648 : i32
    %sign3A_5 = vector.broadcast %sign3A_4 : i32 to vector<16x768xi32>
    %sign3A_6 = arith.andi %sign3A, %sign3A_5 : vector<16x768xi32>
    %sign3A_7 = arith.constant 1065353216 : i32
    %sign3A_8 = vector.broadcast %sign3A_7 : i32 to vector<16x768xi32>
    %sign3A_9 = arith.ori %sign3A_8, %sign3A_6 : vector<16x768xi32>
    %sign3A_10 = tpu.bitcast %sign3A_9 : vector<16x768xi32> -> vector<16x768xf32>
    %sign3A_11 = math.absf %get3A_3 : vector<16x768xf32>
    %sign3A_12 = arith.constant 0.000000e+00 : f32
    %sign3A_13 = vector.broadcast %sign3A_12 : f32 to vector<16x768xf32>
    %sign3A_14 = arith.cmpf ogt, %sign3A_11, %sign3A_13 : vector<16x768xf32>
    %sign3A_15 = arith.select %sign3A_14, %sign3A_10, %get3A_3 : vector<16x768xi1>, vector<16x768xf32>
    %broadcast_in_dim3A = arith.constant 0.000000e+00 : f32
    %broadcast_in_dim3A_16 = vector.broadcast %broadcast_in_dim3A : f32 to vector<64x768xf32>
    %get3A_17 = arith.constant 0 : index
    %get3A_18 = arith.constant 0 : index
    %get3A_19 = arith.constant 0 : index
    %get3A_20 = arith.constant 0 : index
    %get3A_21 = vector.load %arg3[%get3A_17, %get3A_18, %get3A_19, %get3A_20] : memref<1x64x3x16xf32, #tpu.memory_space<vmem>>, vector<1x64x1x16xf32>
    %get3A_22 = vector.shape_cast %get3A_21 : vector<1x64x1x16xf32> to vector<64x16xf32>
    %reduce_max3A = arith.constant dense<0xFF800000> : vector<64xf32>
    %reduce_max3A_23 = vector.multi_reduction <maximumf>, %get3A_22, %reduce_max3A [1] : vector<64x16xf32> to vector<64xf32>
    %broadcast_in_dim3A_24 = vector.shape_cast %reduce_max3A_23 : vector<64xf32> to vector<64x1xf32>
    %sub3A = vector.broadcast %broadcast_in_dim3A_24 : vector<64x1xf32> to vector<64x16xf32>
    %sub3A_25 = arith.subf %get3A_22, %sub3A : vector<64x16xf32>
    %exp3A = math.exp %sub3A_25 : vector<64x16xf32>
    %reduce_sum3A = arith.constant dense<0.000000e+00> : vector<64xf32>
    %reduce_sum3A_26 = vector.multi_reduction <add>, %exp3A, %reduce_sum3A [1] : vector<64x16xf32> to vector<64xf32>
    %broadcast_in_dim3A_27 = vector.shape_cast %reduce_sum3A_26 : vector<64xf32> to vector<64x1xf32>
    %div3A = vector.broadcast %broadcast_in_dim3A_27 : vector<64x1xf32> to vector<64x16xf32>
    %div3A_28 = arith.divf %exp3A, %div3A : vector<64x16xf32>
    %reduce_max3A_29 = arith.constant dense<0xFF800000> : vector<64xf32>
    %reduce_max3A_30 = vector.multi_reduction <maximumf>, %div3A_28, %reduce_max3A_29 [1] : vector<64x16xf32> to vector<64xf32>
    %broadcast_in_dim3A_31 = vector.shape_cast %reduce_max3A_30 : vector<64xf32> to vector<64x1xf32>
    %eq3A = vector.broadcast %broadcast_in_dim3A_31 : vector<64x1xf32> to vector<64x16xf32>
    %eq3A_32 = arith.cmpf oeq, %div3A_28, %eq3A : vector<64x16xf32>
    %jit3A = arith.constant 16 : i32
    %broadcast_in_dim3A_33 = vector.broadcast %jit3A : i32 to vector<64x16xi32>
    %select_n3A = arith.select %eq3A_32, %iota3A, %broadcast_in_dim3A_33 : vector<64x16xi1>, vector<64x16xi32>
    %reduce_min3A = arith.constant dense<2147483647> : vector<64xi32>
    %reduce_min3A_34 = vector.multi_reduction <minsi>, %select_n3A, %reduce_min3A [1] : vector<64x16xi32> to vector<64xi32>
    %broadcast_in_dim3A_35 = vector.shape_cast %reduce_min3A_34 : vector<64xi32> to vector<64x1xi32>
    %eq3A_36 = vector.broadcast %broadcast_in_dim3A_35 : vector<64x1xi32> to vector<64x16xi32>
    %eq3A_37 = arith.cmpi eq, %iota3A, %eq3A_36 : vector<64x16xi32>
    %convert_element_type3A = arith.extui %eq3A_37 : vector<64x16xi1> to vector<64x16xi32>
    %convert_element_type3A_38 = arith.sitofp %convert_element_type3A : vector<64x16xi32> to vector<64x16xf32>
    %dot_general3A = arith.constant dense<0.000000e+00> : vector<64x768xf32>
    %dot_general3A_39 = tpu.matmul %convert_element_type3A_38, %sign3A_15, %dot_general3A {dimension_numbers = #tpu.dot_dimension_numbers<[1], [0], [0], [1], [0, 0, 1, 1], [], []>, transpose_lhs_hint = false} : vector<64x16xf32>, vector<16x768xf32>, vector<64x768xf32> -> vector<64x768xf32>
    %get3A_40 = arith.constant 0 : index
    %get3A_41 = arith.constant 0 : index
    %get3A_42 = arith.constant 0 : index
    %get3A_43 = vector.load %arg2[%get3A_40, %get3A_41, %get3A_42] : memref<1x64x3xf32, #tpu.memory_space<vmem>>, vector<1x64x1xf32>
    %get3A_44 = vector.shape_cast %get3A_43 : vector<1x64x1xf32> to vector<64x1xf32>
    %mul3A = vector.broadcast %get3A_44 : vector<64x1xf32> to vector<64x768xf32>
    %mul3A_45 = arith.mulf %dot_general3A_39, %mul3A : vector<64x768xf32>
    %add3A = arith.addf %broadcast_in_dim3A_16, %mul3A_45 : vector<64x768xf32>
    %get3A_46 = arith.constant 0 : index
    %get3A_47 = arith.constant 0 : index
    %get3A_48 = arith.constant 1 : index
    %get3A_49 = arith.constant 0 : index
    %get3A_50 = vector.load %arg3[%get3A_46, %get3A_47, %get3A_48, %get3A_49] : memref<1x64x3x16xf32, #tpu.memory_space<vmem>>, vector<1x64x1x16xf32>
    %get3A_51 = vector.shape_cast %get3A_50 : vector<1x64x1x16xf32> to vector<64x16xf32>
    %reduce_max3A_52 = arith.constant dense<0xFF800000> : vector<64xf32>
    %reduce_max3A_53 = vector.multi_reduction <maximumf>, %get3A_51, %reduce_max3A_52 [1] : vector<64x16xf32> to vector<64xf32>
    %broadcast_in_dim3A_54 = vector.shape_cast %reduce_max3A_53 : vector<64xf32> to vector<64x1xf32>
    %sub3A_55 = vector.broadcast %broadcast_in_dim3A_54 : vector<64x1xf32> to vector<64x16xf32>
    %sub3A_56 = arith.subf %get3A_51, %sub3A_55 : vector<64x16xf32>
    %exp3A_57 = math.exp %sub3A_56 : vector<64x16xf32>
    %reduce_sum3A_58 = arith.constant dense<0.000000e+00> : vector<64xf32>
    %reduce_sum3A_59 = vector.multi_reduction <add>, %exp3A_57, %reduce_sum3A_58 [1] : vector<64x16xf32> to vector<64xf32>
    %broadcast_in_dim3A_60 = vector.shape_cast %reduce_sum3A_59 : vector<64xf32> to vector<64x1xf32>
    %div3A_61 = vector.broadcast %broadcast_in_dim3A_60 : vector<64x1xf32> to vector<64x16xf32>
    %div3A_62 = arith.divf %exp3A_57, %div3A_61 : vector<64x16xf32>
    %reduce_max3A_63 = arith.constant dense<0xFF800000> : vector<64xf32>
    %reduce_max3A_64 = vector.multi_reduction <maximumf>, %div3A_62, %reduce_max3A_63 [1] : vector<64x16xf32> to vector<64xf32>
    %broadcast_in_dim3A_65 = vector.shape_cast %reduce_max3A_64 : vector<64xf32> to vector<64x1xf32>
    %eq3A_66 = vector.broadcast %broadcast_in_dim3A_65 : vector<64x1xf32> to vector<64x16xf32>
    %eq3A_67 = arith.cmpf oeq, %div3A_62, %eq3A_66 : vector<64x16xf32>
    %jit3A_68 = arith.constant 16 : i32
    %broadcast_in_dim3A_69 = vector.broadcast %jit3A_68 : i32 to vector<64x16xi32>
    %select_n3A_70 = arith.select %eq3A_67, %iota3A, %broadcast_in_dim3A_69 : vector<64x16xi1>, vector<64x16xi32>
    %reduce_min3A_71 = arith.constant dense<2147483647> : vector<64xi32>
    %reduce_min3A_72 = vector.multi_reduction <minsi>, %select_n3A_70, %reduce_min3A_71 [1] : vector<64x16xi32> to vector<64xi32>
    %broadcast_in_dim3A_73 = vector.shape_cast %reduce_min3A_72 : vector<64xi32> to vector<64x1xi32>
    %eq3A_74 = vector.broadcast %broadcast_in_dim3A_73 : vector<64x1xi32> to vector<64x16xi32>
    %eq3A_75 = arith.cmpi eq, %iota3A, %eq3A_74 : vector<64x16xi32>
    %convert_element_type3A_76 = arith.extui %eq3A_75 : vector<64x16xi1> to vector<64x16xi32>
    %convert_element_type3A_77 = arith.sitofp %convert_element_type3A_76 : vector<64x16xi32> to vector<64x16xf32>
    %dot_general3A_78 = arith.constant dense<0.000000e+00> : vector<64x768xf32>
    %dot_general3A_79 = tpu.matmul %convert_element_type3A_77, %sign3A_15, %dot_general3A_78 {dimension_numbers = #tpu.dot_dimension_numbers<[1], [0], [0], [1], [0, 0, 1, 1], [], []>, transpose_lhs_hint = false} : vector<64x16xf32>, vector<16x768xf32>, vector<64x768xf32> -> vector<64x768xf32>
    %get3A_80 = arith.constant 0 : index
    %get3A_81 = arith.constant 0 : index
    %get3A_82 = arith.constant 1 : index
    %get3A_83 = vector.load %arg2[%get3A_80, %get3A_81, %get3A_82] : memref<1x64x3xf32, #tpu.memory_space<vmem>>, vector<1x64x1xf32>
    %get3A_84 = vector.shape_cast %get3A_83 : vector<1x64x1xf32> to vector<64x1xf32>
    %mul3A_85 = vector.broadcast %get3A_84 : vector<64x1xf32> to vector<64x768xf32>
    %mul3A_86 = arith.mulf %dot_general3A_79, %mul3A_85 : vector<64x768xf32>
    %add3A_87 = arith.addf %add3A, %mul3A_86 : vector<64x768xf32>
    %get3A_88 = arith.constant 0 : index
    %get3A_89 = arith.constant 0 : index
    %get3A_90 = arith.constant 2 : index
    %get3A_91 = arith.constant 0 : index
    %get3A_92 = vector.load %arg3[%get3A_88, %get3A_89, %get3A_90, %get3A_91] : memref<1x64x3x16xf32, #tpu.memory_space<vmem>>, vector<1x64x1x16xf32>
    %get3A_93 = vector.shape_cast %get3A_92 : vector<1x64x1x16xf32> to vector<64x16xf32>
    %reduce_max3A_94 = arith.constant dense<0xFF800000> : vector<64xf32>
    %reduce_max3A_95 = vector.multi_reduction <maximumf>, %get3A_93, %reduce_max3A_94 [1] : vector<64x16xf32> to vector<64xf32>
    %broadcast_in_dim3A_96 = vector.shape_cast %reduce_max3A_95 : vector<64xf32> to vector<64x1xf32>
    %sub3A_97 = vector.broadcast %broadcast_in_dim3A_96 : vector<64x1xf32> to vector<64x16xf32>
    %sub3A_98 = arith.subf %get3A_93, %sub3A_97 : vector<64x16xf32>
    %exp3A_99 = math.exp %sub3A_98 : vector<64x16xf32>
    %reduce_sum3A_100 = arith.constant dense<0.000000e+00> : vector<64xf32>
    %reduce_sum3A_101 = vector.multi_reduction <add>, %exp3A_99, %reduce_sum3A_100 [1] : vector<64x16xf32> to vector<64xf32>
    %broadcast_in_dim3A_102 = vector.shape_cast %reduce_sum3A_101 : vector<64xf32> to vector<64x1xf32>
    %div3A_103 = vector.broadcast %broadcast_in_dim3A_102 : vector<64x1xf32> to vector<64x16xf32>
    %div3A_104 = arith.divf %exp3A_99, %div3A_103 : vector<64x16xf32>
    %reduce_max3A_105 = arith.constant dense<0xFF800000> : vector<64xf32>
    %reduce_max3A_106 = vector.multi_reduction <maximumf>, %div3A_104, %reduce_max3A_105 [1] : vector<64x16xf32> to vector<64xf32>
    %broadcast_in_dim3A_107 = vector.shape_cast %reduce_max3A_106 : vector<64xf32> to vector<64x1xf32>
    %eq3A_108 = vector.broadcast %broadcast_in_dim3A_107 : vector<64x1xf32> to vector<64x16xf32>
    %eq3A_109 = arith.cmpf oeq, %div3A_104, %eq3A_108 : vector<64x16xf32>
    %jit3A_110 = arith.constant 16 : i32
    %broadcast_in_dim3A_111 = vector.broadcast %jit3A_110 : i32 to vector<64x16xi32>
    %select_n3A_112 = arith.select %eq3A_109, %iota3A, %broadcast_in_dim3A_111 : vector<64x16xi1>, vector<64x16xi32>
    %reduce_min3A_113 = arith.constant dense<2147483647> : vector<64xi32>
    %reduce_min3A_114 = vector.multi_reduction <minsi>, %select_n3A_112, %reduce_min3A_113 [1] : vector<64x16xi32> to vector<64xi32>
    %broadcast_in_dim3A_115 = vector.shape_cast %reduce_min3A_114 : vector<64xi32> to vector<64x1xi32>
    %eq3A_116 = vector.broadcast %broadcast_in_dim3A_115 : vector<64x1xi32> to vector<64x16xi32>
    %eq3A_117 = arith.cmpi eq, %iota3A, %eq3A_116 : vector<64x16xi32>
    %convert_element_type3A_118 = arith.extui %eq3A_117 : vector<64x16xi1> to vector<64x16xi32>
    %convert_element_type3A_119 = arith.sitofp %convert_element_type3A_118 : vector<64x16xi32> to vector<64x16xf32>
    %dot_general3A_120 = arith.constant dense<0.000000e+00> : vector<64x768xf32>
    %dot_general3A_121 = tpu.matmul %convert_element_type3A_119, %sign3A_15, %dot_general3A_120 {dimension_numbers = #tpu.dot_dimension_numbers<[1], [0], [0], [1], [0, 0, 1, 1], [], []>, transpose_lhs_hint = false} : vector<64x16xf32>, vector<16x768xf32>, vector<64x768xf32> -> vector<64x768xf32>
    %get3A_122 = arith.constant 0 : index
    %get3A_123 = arith.constant 0 : index
    %get3A_124 = arith.constant 2 : index
    %get3A_125 = vector.load %arg2[%get3A_122, %get3A_123, %get3A_124] : memref<1x64x3xf32, #tpu.memory_space<vmem>>, vector<1x64x1xf32>
    %get3A_126 = vector.shape_cast %get3A_125 : vector<1x64x1xf32> to vector<64x1xf32>
    %mul3A_127 = vector.broadcast %get3A_126 : vector<64x1xf32> to vector<64x768xf32>
    %mul3A_128 = arith.mulf %dot_general3A_121, %mul3A_127 : vector<64x768xf32>
    %add3A_129 = arith.addf %add3A_87, %mul3A_128 : vector<64x768xf32>
    %sign3A_130 = tpu.bitcast %add3A_129 : vector<64x768xf32> -> vector<64x768xi32>
    %sign3A_131 = arith.constant -2147483648 : i32
    %sign3A_132 = vector.broadcast %sign3A_131 : i32 to vector<64x768xi32>
    %sign3A_133 = arith.andi %sign3A_130, %sign3A_132 : vector<64x768xi32>
    %sign3A_134 = arith.constant 1065353216 : i32
    %sign3A_135 = vector.broadcast %sign3A_134 : i32 to vector<64x768xi32>
    %sign3A_136 = arith.ori %sign3A_135, %sign3A_133 : vector<64x768xi32>
    %sign3A_137 = tpu.bitcast %sign3A_136 : vector<64x768xi32> -> vector<64x768xf32>
    %sign3A_138 = math.absf %add3A_129 : vector<64x768xf32>
    %sign3A_139 = arith.constant 0.000000e+00 : f32
    %sign3A_140 = vector.broadcast %sign3A_139 : f32 to vector<64x768xf32>
    %sign3A_141 = arith.cmpf ogt, %sign3A_138, %sign3A_140 : vector<64x768xf32>
    %sign3A_142 = arith.select %sign3A_141, %sign3A_137, %add3A_129 : vector<64x768xi1>, vector<64x768xf32>
    %reduce_sum3A_143 = arith.constant dense<0.000000e+00> : vector<768xf32>
    %reduce_sum3A_144 = vector.multi_reduction <add>, %sign3A_142, %reduce_sum3A_143 [0] : vector<64x768xf32> to vector<768xf32>
    %broadcast_in_dim3A_145 = vector.shape_cast %reduce_sum3A_144 : vector<768xf32> to vector<1x768xf32>
    %mul3A_146 = arith.constant 1.562500e-02 : f32
    %mul3A_147 = vector.broadcast %mul3A_146 : f32 to vector<1x768xf32>
    %mul3A_148 = arith.mulf %broadcast_in_dim3A_145, %mul3A_147 : vector<1x768xf32>
    %swap3A = arith.constant 0 : index
    %swap3A_149 = arith.constant 0 : index
    %swap3A_150 = arith.constant 0 : index
    %swap3A_151 = vector.load %arg4[%swap3A, %swap3A_149, %swap3A_150] : memref<1x1x768xf32, #tpu.memory_space<vmem>>, vector<1x1x768xf32>
    %swap3A_152 = vector.shape_cast %swap3A_151 : vector<1x1x768xf32> to vector<1x768xf32>
    %swap3A_153 = vector.shape_cast %mul3A_148 : vector<1x768xf32> to vector<1x1x768xf32>
    tpu.vector_store %arg4[%swap3A, %swap3A_149, %swap3A_150], %swap3A_153 {strides = array<i32>} : memref<1x1x768xf32, #tpu.memory_space<vmem>>, vector<1x1x768xf32>,
    return
  }
  func.func @transform_0(%arg0: i32) -> (i32, i32, i32) {
    %c0_i32 = arith.constant 0 : i32
    %c0_i32_0 = arith.constant 0 : i32
    %c0_i32_1 = arith.constant 0 : i32
    return %arg0, %c0_i32, %c0_i32_0 : i32, i32, i32
  }
  func.func @transform_1(%arg0: i32) -> (i32, i32, i32) {
    %c0_i32 = arith.constant 0 : i32
    %c0_i32_0 = arith.constant 0 : i32
    %c0_i32_1 = arith.constant 0 : i32
    return %arg0, %c0_i32, %c0_i32_0 : i32, i32, i32
  }
  func.func @transform_2(%arg0: i32) -> (i32, i32, i32, i32) {
    %c0_i32 = arith.constant 0 : i32
    %c0_i32_0 = arith.constant 0 : i32
    %c0_i32_1 = arith.constant 0 : i32
    %c0_i32_2 = arith.constant 0 : i32
    return %arg0, %c0_i32, %c0_i32_0, %c0_i32_1 : i32, i32, i32, i32
  }
  func.func @transform_3(%arg0: i32) -> (i32, i32, i32) {
    %c0_i32 = arith.constant 0 : i32
    %c0_i32_0 = arith.constant 0 : i32
    %c0_i32_1 = arith.constant 0 : i32
    return %arg0, %c0_i32, %c0_i32_0 : i32, i32, i32
  }
}

module attributes {stable_mosaic.version = 14 : i64} {
  func.func @_router_body(%arg0: i32, %arg1: memref<1024x768xf32, #tpu.memory_space<vmem>>, %arg2: memref<16x768xf32, #tpu.memory_space<vmem>>, %arg3: memref<1024xi32, #tpu.memory_space<vmem>>, %arg4: memref<1024xi32, #tpu.memory_space<vmem>>, %arg5: memref<1024xf32, #tpu.memory_space<vmem>>, %arg6: memref<1024xf32, #tpu.memory_space<vmem>>, %arg7: memref<16x2xf32, #tpu.memory_space<vmem>>) attributes {dimension_semantics = [#tpu.dimension_semantics<arbitrary>], iteration_bounds = array<i64: 32>, scalar_prefetch = 0 : i64, scratch_operands = 0 : i64, tpu.core_type = #tpu.core_type<tc>, window_params = [{transform_indices = @transform_0, window_bounds = array<i64: 1024, 768>}, {pipeline_mode = #tpu.pipeline_mode<synchronous>, transform_indices = @transform_1, window_bounds = array<i64: 16, 768>}, {transform_indices = @transform_2, window_bounds = array<i64: 1024>}, {transform_indices = @transform_3, window_bounds = array<i64: 1024>}, {transform_indices = @transform_4, window_bounds = array<i64: 1024>}, {transform_indices = @transform_5, window_bounds = array<i64: 1024>}, {pipeline_mode = #tpu.pipeline_mode<synchronous>, transform_indices = @transform_6, window_bounds = array<i64: 16, 2>}]} {
    %get3A = arith.constant 0 : index
    %get3A_0 = arith.constant 0 : index
    %get3A_1 = vector.load %arg1[%get3A, %get3A_0] : memref<1024x768xf32, #tpu.memory_space<vmem>>, vector<1024x768xf32>
    %get3A_2 = arith.constant 0 : index
    %get3A_3 = arith.constant 0 : index
    %get3A_4 = vector.load %arg2[%get3A_2, %get3A_3] : memref<16x768xf32, #tpu.memory_space<vmem>>, vector<16x768xf32>
    %dot_general3A = arith.constant dense<0.000000e+00> : vector<1024x16xf32>
    %dot_general3A_5 = tpu.matmul %get3A_1, %get3A_4, %dot_general3A {dimension_numbers = #tpu.dot_dimension_numbers<[1], [1], [0], [0], [0, 0, 1, 0], [], []>, transpose_lhs_hint = false} : vector<1024x768xf32>, vector<16x768xf32>, vector<1024x16xf32> -> vector<1024x16xf32>
    %transpose3A = tpu.transpose %dot_general3A_5, [1, 0] : vector<1024x16xf32> -> vector<16x1024xf32>
    %reduce_max3A = arith.constant dense<0xFF800000> : vector<1024xf32>
    %reduce_max3A_6 = vector.multi_reduction <maximumf>, %transpose3A, %reduce_max3A [0] : vector<16x1024xf32> to vector<1024xf32>
    %broadcast_in_dim3A = vector.shape_cast %reduce_max3A_6 : vector<1024xf32> to vector<1x1024xf32>
    %sub3A = vector.broadcast %broadcast_in_dim3A : vector<1x1024xf32> to vector<16x1024xf32>
    %sub3A_7 = arith.subf %transpose3A, %sub3A : vector<16x1024xf32>
    %exp3A = math.exp %sub3A_7 : vector<16x1024xf32>
    %reduce_sum3A = arith.constant dense<0.000000e+00> : vector<1024xf32>
    %reduce_sum3A_8 = vector.multi_reduction <add>, %exp3A, %reduce_sum3A [0] : vector<16x1024xf32> to vector<1024xf32>
    %broadcast_in_dim3A_9 = vector.shape_cast %reduce_sum3A_8 : vector<1024xf32> to vector<1x1024xf32>
    %div3A = vector.broadcast %broadcast_in_dim3A_9 : vector<1x1024xf32> to vector<16x1024xf32>
    %div3A_10 = arith.divf %exp3A, %div3A : vector<16x1024xf32>
    %iota3A = tpu.iota {dimensions = array<i32: 0>} : vector<16x1024xi32>
    %reduce_max3A_11 = arith.constant dense<0xFF800000> : vector<1024xf32>
    %reduce_max3A_12 = vector.multi_reduction <maximumf>, %div3A_10, %reduce_max3A_11 [0] : vector<16x1024xf32> to vector<1024xf32>
    %broadcast_in_dim3A_13 = vector.shape_cast %reduce_max3A_12 : vector<1024xf32> to vector<1x1024xf32>
    %eq3A = vector.broadcast %broadcast_in_dim3A_13 : vector<1x1024xf32> to vector<16x1024xf32>
    %eq3A_14 = arith.cmpf oeq, %div3A_10, %eq3A : vector<16x1024xf32>
    %jit3A = arith.constant 16 : i32
    %broadcast_in_dim3A_15 = vector.broadcast %jit3A : i32 to vector<16x1024xi32>
    %select_n3A = arith.select %eq3A_14, %iota3A, %broadcast_in_dim3A_15 : vector<16x1024xi1>, vector<16x1024xi32>
    %reduce_min3A = arith.constant dense<2147483647> : vector<1024xi32>
    %reduce_min3A_16 = vector.multi_reduction <minsi>, %select_n3A, %reduce_min3A [0] : vector<16x1024xi32> to vector<1024xi32>
    %broadcast_in_dim3A_17 = vector.shape_cast %reduce_min3A_16 : vector<1024xi32> to vector<1x1024xi32>
    %eq3A_18 = vector.broadcast %broadcast_in_dim3A_17 : vector<1x1024xi32> to vector<16x1024xi32>
    %eq3A_19 = arith.cmpi eq, %iota3A, %eq3A_18 : vector<16x1024xi32>
    %jit3A_20 = arith.constant -1.000000e+00 : f32
    %broadcast_in_dim3A_21 = vector.broadcast %jit3A_20 : f32 to vector<16x1024xf32>
    %select_n3A_22 = arith.select %eq3A_19, %broadcast_in_dim3A_21, %div3A_10 : vector<16x1024xi1>, vector<16x1024xf32>
    %reduce_max3A_23 = arith.constant dense<0xFF800000> : vector<1024xf32>
    %reduce_max3A_24 = vector.multi_reduction <maximumf>, %select_n3A_22, %reduce_max3A_23 [0] : vector<16x1024xf32> to vector<1024xf32>
    %broadcast_in_dim3A_25 = vector.shape_cast %reduce_max3A_24 : vector<1024xf32> to vector<1x1024xf32>
    %eq3A_26 = vector.broadcast %broadcast_in_dim3A_25 : vector<1x1024xf32> to vector<16x1024xf32>
    %eq3A_27 = arith.cmpf oeq, %select_n3A_22, %eq3A_26 : vector<16x1024xf32>
    %jit3A_28 = arith.constant 16 : i32
    %broadcast_in_dim3A_29 = vector.broadcast %jit3A_28 : i32 to vector<16x1024xi32>
    %select_n3A_30 = arith.select %eq3A_27, %iota3A, %broadcast_in_dim3A_29 : vector<16x1024xi1>, vector<16x1024xi32>
    %reduce_min3A_31 = arith.constant dense<2147483647> : vector<1024xi32>
    %reduce_min3A_32 = vector.multi_reduction <minsi>, %select_n3A_30, %reduce_min3A_31 [0] : vector<16x1024xi32> to vector<1024xi32>
    %broadcast_in_dim3A_33 = vector.shape_cast %reduce_min3A_32 : vector<1024xi32> to vector<1x1024xi32>
    %add3A = arith.addf %broadcast_in_dim3A_13, %broadcast_in_dim3A_25 : vector<1x1024xf32>
    %div3A_34 = arith.constant 1.000000e+00 : f32
    %div3A_35 = vector.broadcast %div3A_34 : f32 to vector<1x1024xf32>
    %div3A_36 = arith.divf %div3A_35, %add3A : vector<1x1024xf32>
    %squeeze3A = vector.shape_cast %broadcast_in_dim3A_17 : vector<1x1024xi32> to vector<1024xi32>
    %swap3A = arith.constant 0 : index
    %swap3A_37 = vector.load %arg3[%swap3A] : memref<1024xi32, #tpu.memory_space<vmem>>, vector<1024xi32>
    tpu.vector_store %arg3[%swap3A], %squeeze3A {strides = array<i32>} : memref<1024xi32, #tpu.memory_space<vmem>>, vector<1024xi32>,
    %squeeze3A_38 = vector.shape_cast %broadcast_in_dim3A_33 : vector<1x1024xi32> to vector<1024xi32>
    %swap3A_39 = arith.constant 0 : index
    %swap3A_40 = vector.load %arg4[%swap3A_39] : memref<1024xi32, #tpu.memory_space<vmem>>, vector<1024xi32>
    tpu.vector_store %arg4[%swap3A_39], %squeeze3A_38 {strides = array<i32>} : memref<1024xi32, #tpu.memory_space<vmem>>, vector<1024xi32>,
    %mul3A = arith.mulf %broadcast_in_dim3A_13, %div3A_36 : vector<1x1024xf32>
    %squeeze3A_41 = vector.shape_cast %mul3A : vector<1x1024xf32> to vector<1024xf32>
    %swap3A_42 = arith.constant 0 : index
    %swap3A_43 = vector.load %arg5[%swap3A_42] : memref<1024xf32, #tpu.memory_space<vmem>>, vector<1024xf32>
    tpu.vector_store %arg5[%swap3A_42], %squeeze3A_41 {strides = array<i32>} : memref<1024xf32, #tpu.memory_space<vmem>>, vector<1024xf32>,
    %mul3A_44 = arith.mulf %broadcast_in_dim3A_25, %div3A_36 : vector<1x1024xf32>
    %squeeze3A_45 = vector.shape_cast %mul3A_44 : vector<1x1024xf32> to vector<1024xf32>
    %swap3A_46 = arith.constant 0 : index
    %swap3A_47 = vector.load %arg6[%swap3A_46] : memref<1024xf32, #tpu.memory_space<vmem>>, vector<1024xf32>
    tpu.vector_store %arg6[%swap3A_46], %squeeze3A_45 {strides = array<i32>} : memref<1024xf32, #tpu.memory_space<vmem>>, vector<1024xf32>,
    %reduce_sum3A_48 = arith.constant dense<0.000000e+00> : vector<16xf32>
    %reduce_sum3A_49 = vector.multi_reduction <add>, %div3A_10, %reduce_sum3A_48 [1] : vector<16x1024xf32> to vector<16xf32>
    %broadcast_in_dim3A_50 = vector.shape_cast %reduce_sum3A_49 : vector<16xf32> to vector<16x1xf32>
    %gt3A = arith.constant 0.000000e+00 : f32
    %gt3A_51 = vector.broadcast %gt3A : f32 to vector<16x1024xf32>
    %gt3A_52 = arith.cmpf ogt, %div3A_10, %gt3A_51 : vector<16x1024xf32>
    %convert_element_type3A = arith.extui %gt3A_52 : vector<16x1024xi1> to vector<16x1024xi32>
    %convert_element_type3A_53 = arith.sitofp %convert_element_type3A : vector<16x1024xi32> to vector<16x1024xf32>
    %reduce_sum3A_54 = arith.constant dense<0.000000e+00> : vector<16xf32>
    %reduce_sum3A_55 = vector.multi_reduction <add>, %convert_element_type3A_53, %reduce_sum3A_54 [1] : vector<16x1024xf32> to vector<16xf32>
    %broadcast_in_dim3A_56 = vector.shape_cast %reduce_sum3A_55 : vector<16xf32> to vector<16x1xf32>
    %concatenate3A = tpu.concatenate %broadcast_in_dim3A_50, %broadcast_in_dim3A_56 in 1 : vector<16x1xf32>, vector<16x1xf32> -> vector<16x2xf32>
    %eq3A_57 = arith.constant 0 : i32
    %eq3A_58 = arith.cmpi eq, %arg0, %eq3A_57 : i32
    %convert_element_type3A_59 = arith.extui %eq3A_58 : i1 to i32
    %cond3A = arith.constant 0 : i32
    %cond3A_60 = arith.cmpi ne, %convert_element_type3A_59, %cond3A : i32
    scf.if %cond3A_60 {
      %broadcast_in_dim3A_68 = arith.constant 0.000000e+00 : f32
      %broadcast_in_dim3A_69 = vector.broadcast %broadcast_in_dim3A_68 : f32 to vector<16x2xf32>
      %swap3A_70 = arith.constant 0 : index
      %swap3A_71 = arith.constant 0 : index
      %swap3A_72 = vector.load %arg7[%swap3A_70, %swap3A_71] : memref<16x2xf32, #tpu.memory_space<vmem>>, vector<16x2xf32>
      tpu.vector_store %arg7[%swap3A_70, %swap3A_71], %broadcast_in_dim3A_69 {strides = array<i32>} : memref<16x2xf32, #tpu.memory_space<vmem>>, vector<16x2xf32>,
    } else {
    }
    %get3A_61 = arith.constant 0 : index
    %get3A_62 = arith.constant 0 : index
    %get3A_63 = vector.load %arg7[%get3A_61, %get3A_62] : memref<16x2xf32, #tpu.memory_space<vmem>>, vector<16x2xf32>
    %add3A_64 = arith.addf %get3A_63, %concatenate3A : vector<16x2xf32>
    %swap3A_65 = arith.constant 0 : index
    %swap3A_66 = arith.constant 0 : index
    %swap3A_67 = vector.load %arg7[%swap3A_65, %swap3A_66] : memref<16x2xf32, #tpu.memory_space<vmem>>, vector<16x2xf32>
    tpu.vector_store %arg7[%swap3A_65, %swap3A_66], %add3A_64 {strides = array<i32>} : memref<16x2xf32, #tpu.memory_space<vmem>>, vector<16x2xf32>,
    return
  }
  func.func @transform_0(%arg0: i32) -> (i32, i32) {
    %c0_i32 = arith.constant 0 : i32
    %c0_i32_0 = arith.constant 0 : i32
    return %arg0, %c0_i32 : i32, i32
  }
  func.func @transform_1(%arg0: i32) -> (i32, i32) {
    %c0_i32 = arith.constant 0 : i32
    %c0_i32_0 = arith.constant 0 : i32
    %c0_i32_1 = arith.constant 0 : i32
    return %c0_i32, %c0_i32_0 : i32, i32
  }
  func.func @transform_2(%arg0: i32) -> i32 {
    %c0_i32 = arith.constant 0 : i32
    return %arg0 : i32
  }
  func.func @transform_3(%arg0: i32) -> i32 {
    %c0_i32 = arith.constant 0 : i32
    return %arg0 : i32
  }
  func.func @transform_4(%arg0: i32) -> i32 {
    %c0_i32 = arith.constant 0 : i32
    return %arg0 : i32
  }
  func.func @transform_5(%arg0: i32) -> i32 {
    %c0_i32 = arith.constant 0 : i32
    return %arg0 : i32
  }
  func.func @transform_6(%arg0: i32) -> (i32, i32) {
    %c0_i32 = arith.constant 0 : i32
    %c0_i32_0 = arith.constant 0 : i32
    %c0_i32_1 = arith.constant 0 : i32
    return %c0_i32, %c0_i32_0 : i32, i32
  }
}

</mosaic_0001>

<sc_bundles>
// kernel: kernel.5.cloned.1.call-start
scs
__scs_entry_jumppad:
0x0: {  	(pc) =	sbr.rel $0x88, $3  }
0x1: {  	(tag) =	ssettag $0x0;
	lr =	simm.s32 $0x1  }
0x2: {  	[smem:$0x3F9C] =	sst lr;
	_ =	strace $0xD0000000  }
0x3: {  	_ = 	snop  }
0x4: {  	_ = 	snop  }
0x5: {  	_ = 	snop  }
0x6: {  	_ = 	snop  }
0x7: {  	_ = 	snop  }
__scs_overlays_trampoline_lowered:
0x8: {  	[smem:$0x3FAB] =	sst s0  }
0x9: {  	[smem:$0x3FAC] =	sst s1  }
0xa: {  	[smem:$0x3FAD] =	sst s2  }
0xb: {  	[smem:$0x3FAE] =	sst s3  }
0xc: {  	[smem:$0x3FAF] =	sst s4  }
0xd: {  	[smem:$0x3FB0] =	sst s5  }
0xe: {  	[smem:$0x3FB1] =	sst s6  }
0xf: {  	[smem:$0x3FB2] =	sst s7  }
0x10: {  	[smem:$0x3FB3] =	sst s8  }
0x11: {  	[smem:$0x3FB4] =	sst s9;
	s0 =	simm.s32 @!p0 $0x0  }
0x12: {  	s1 =	sld [smem:$0x3F9A];
	s0 =	simm.s32 @p0 $0x1  }
0x13: {  	[smem:$0x3FB5] =	sst s0;
	s0 =	simm.s32 @!p1 $0x0  }
0x14: {  	s2 =	sld [smem:$0x3F99];
	s0 =	simm.s32 @p1 $0x1  }
0x15: {  	[smem:$0x3FB6] =	sst s0;
	s0 =	simm.s32 @!p2 $0x0  }
0x16: {  	s3 =	sld [smem:$0x3FDB];
	s0 =	simm.s32 @p2 $0x1  }
0x17: {  	s4 =	simm.s32 $0x1BF5;
	[smem:$0x3FB8] =	sst s0  }
0x18: {  	s0 =	sld [smem:$0x3F9B];
	_ =	swait.ge [sflag:s4], $0x0  }
0x19: {  	s7 =	sld [smem:$0x3F9C]  }
0x1a: {  	s8 =	sadd.s32 $0xFFFFE003, lr  }
0x1b: {  	s9 =	sadd.s32 $0xFFFFFEF7, lr;
	s5 =	simm.s32 $0xFFFFFFFF;
	p2 =	slt.u32 s8, $0xFFFFF086  }
0x1c: {  	p1 =	slt.u32 s9, $0xF7A;
	s5 =	simm.s32 @!p2 $0x0  }
0x1d: {  	s5 =	simm.s32 @p1 $0x1;
	p0 =	seq.s32 s7, s2  }
0x1e: {  	s7 =	smul.u32 @!p0 $0xF7A, s2;
	p2 =	seq.s32 @!p0 s5, $0x0  }
0x1f: {  	s9 =	smul.u32 $0xF7A, s1;
	s8 =	simm.s32 @!p0 $0x1BF5;
	p2 =	por !p2, p0  }
0x20: {  	[sflag:s8] =	ssyncset.s32 @!p0 $0xFFFFF086;
	s6 =	sadd.s32 @!p0 s3, s7;
	s7 =	simm.s32 @!p0 $0x108  }
0x21: {  	s3 =	sadd.s32 s3, s9;
	s6 =	sadd.s32 @!p0 $0x88, s6;
	s7 =	simm.s32 @p2 $0x1082  }
0x22: {  	[simem:s7], [sflag:s8] =	dma.local @!p0 [hbm:s6], $0xF7A  }
0x23: {  	s9 =	sor.u32 $0xD0000000, s2;
	s6 =	simm.s32 $0x108;
	_ =	swait.ge @!p0 [sflag:s8], $0x0  }
0x24: {  	s3 =	sadd.s32 $0x88, s3;
	s6 =	simm.s32 @!p1 $0x1082;
	[sflag:s4] =	ssyncset.s32 $0xFFFFF086  }
0x25: {  	[simem:s6], [sflag:s4] =	dma.local [hbm:s3], $0xF7A  }
0x26: {  	[smem:$0x3F9C] =	sst s1;
	(tag) =	ssettag s2;
	_ =	strace s9  }
0x27: {  	s1 =	sld [smem:$0x3FAC]  }
0x28: {  	s2 =	sld [smem:$0x3FAD]  }
0x29: {  	s4 =	sld [smem:$0x3FAF]  }
0x2a: {  	p0 =	seq.s32 s5, $0x0;
	s5 =	sld [smem:$0x3FB0]  }
0x2b: {  	s6 =	sld [smem:$0x3FB1]  }
0x2c: {  	s7 =	sld [smem:$0x3FB2]  }
0x2d: {  	s3 =	simm.s32 $0x108;
	s8 =	sld [smem:$0x3FB3]  }
0x2e: {  	s3 =	simm.s32 @!p0 $0x1082;
	s9 =	sld [smem:$0x3FB4]  }
0x2f: {  	lr =	sadd.s32 s0, s3;
	s0 =	sld [smem:$0x3FAB]  }
0x30: {  	s3 =	sld [smem:$0x3FAE]  }
0x31: {  	[smem:$0x3FB7] =	sst s10  }
0x32: {  	s10 =	sld [smem:$0x3FB5];
	_ =	sdelay $0x3  }
0x33: {  	p0 =	seq.s32 s10, $0x1;
	s10 =	sld [smem:$0x3FB7];
	_ =	sdelay $0x3  }
0x34: {  	[smem:$0x3FB7] =	sst s10  }
0x35: {  	s10 =	sld [smem:$0x3FB6];
	_ =	sdelay $0x3  }
0x36: {  	p1 =	seq.s32 s10, $0x1;
	s10 =	sld [smem:$0x3FB7];
	_ =	sdelay $0x3  }
0x37: {  	[smem:$0x3FB7] =	sst s10  }
0x38: {  	s10 =	sld [smem:$0x3FB8]  }
0x39: {  	_ = 	snop;
	(pc) =	sbr.ind lr, $3  }
0x3a: {  	_ = 	snop  }
0x3b: {  	_ = 	snop  }
0x3c: {  	p2 =	seq.s32 s10, $0x1;
	s10 =	sld [smem:$0x3FB7]  }
0x3d: {  	_ =	shalt  }
0x3e: {  	_ =	shalt  }
0x3f: {  	_ =	shalt  }
0x40: {  	_ =	shalt  }
0x41: {  	_ =	shalt  }
0x42: {  	_ =	shalt  }
0x43: {  	_ =	shalt  }
0x44: {  	_ =	shalt  }
0x45: {  	_ =	shalt  }
0x46: {  	_ =	shalt  }
0x47: {  	_ =	shalt  }
0x48: {  	_ =	shalt  }
0x49: {  	_ =	shalt  }
0x4a: {  	_ =	shalt  }
0x4b: {  	_ =	shalt  }
0x4c: {  	_ =	shalt  }
0x4d: {  	_ =	shalt  }
0x4e: {  	_ =	shalt  }
0x4f: {  	_ =	shalt  }
0x50: {  	_ =	shalt  }
0x51: {  	_ =	shalt  }
0x52: {  	_ =	shalt  }
0x53: {  	_ =	shalt  }
0x54: {  	_ =	shalt  }
0x55: {  	_ =	shalt  }
0x56: {  	_ =	shalt  }
0x57: {  	_ =	shalt  }
0x58: {  	_ =	shalt  }
0x59: {  	_ =	shalt  }
0x5a: {  	_ =	shalt  }
0x5b: {  	_ =	shalt  }
0x5c: {  	_ =	shalt  }
0x5d: {  	_ =	shalt  }
0x5e: {  	_ =	shalt  }
0x5f: {  	_ =	shalt  }
0x60: {  	_ =	shalt  }
0x61: {  	_ =	shalt  }
0x62: {  	_ =	shalt  }
0x63: {  	_ =	shalt  }
0x64: {  	_ =	shalt  }
0x65: {  	_ =	shalt  }
0x66: {  	_ =	shalt  }
0x67: {  	_ =	shalt  }
0x68: {  	_ =	shalt  }
0x69: {  	_ =	shalt  }
0x6a: {  	_ =	shalt  }
0x6b: {  	_ =	shalt  }
0x6c: {  	_ =	shalt  }
0x6d: {  	_ =	shalt  }
0x6e: {  	_ =	shalt  }
0x6f: {  	_ =	shalt  }
0x70: {  	_ =	shalt  }
0x71: {  	_ =	shalt  }
0x72: {  	_ =	shalt  }
0x73: {  	_ =	shalt  }
0x74: {  	_ =	shalt  }
0x75: {  	_ =	shalt  }
0x76: {  	_ =	shalt  }
0x77: {  	_ =	shalt  }
0x78: {  	_ =	shalt  }
0x79: {  	_ =	shalt  }
0x7a: {  	_ =	shalt  }
0x7b: {  	_ =	shalt  }
0x7c: {  	_ =	shalt  }
0x7d: {  	_ =	shalt  }
0x7e: {  	_ =	shalt  }
0x7f: {  	_ =	shalt  }
0x80: {  	_ =	shalt  }
0x81: {  	_ =	shalt  }
0x82: {  	_ =	shalt  }
0x83: {  	_ =	shalt  }
0x84: {  	_ =	shalt  }
0x85: {  	_ =	shalt  }
0x86: {  	_ =	shalt  }
0x87: {  	_ =	shalt  }
.Lfunc_end0:
.L_simem_size_0:
called_computation_lowered:
.L_overlay_start_0:
0x88: {  	s2 =	sld [smem:$0x3FD9]  }
0x89: {  	s3 =	sld [smem:$0x3FFE];
	_ =	sdelay $0x1  }
0x8a: {  	s1 =	srdreg.scid  }
0x8b: {  	s0 =	sand.u32 $0x1, s1  }
0x8c: {  	s14 =	sshll.u32 s0, $0xA;
	s2 =	sadd.s32 s3, s2  }
0x8d: {  	s2 =	sadd.s32 s2, s14  }
0x8e: {  	[smem:$0x3FC3] =	sst s2  }
0x8f: {  	_ = 	snop  }
0x90: {  	s2 =	sld [smem:$0x3FD0];
	_ =	sdelay $0x2  }
0x91: {  	s15 =	simm.s32 $0xA;
	s4 =	simm.s32 $0x10  }
0x92: {  	[smem:s4], [sflag:s15] =	dma.local [hbm:s2], $0x1  }
0x93: {  	_ =	swait.eq [sflag:s15], $0x1  }
0x94: {  	[sflag:s15] =	ssyncset.done $0x0  }
0x95: {  	[sflag:s15] =	ssyncadd.s32 $0xFFFFFFFF  }
0x96: {  	s16 =	sld [smem:$0x10];
	(tm) =	ssettm $0x1  }
0x97: {  	s17 =	sld [smem:$0x3FFB];
	_ =	sdelay $0x3  }
0x98: {  	_ =	strace s17  }
0x99: {  	s3 =	sld [smem:$0x3FFC];
	_ =	sdelay $0x3  }
0x9a: {  	_ =	strace s3  }
0x9b: {  	s3 =	sld [smem:$0x3FFD];
	_ =	sdelay $0x3  }
0x9c: {  	_ =	strace s3  }
0x9d: {  	_ =	strace $0x8FFFFFFF  }
0x9e: {  	s18 =	sld [smem:$0x3FDB];
	_ =	sdelay $0x1  }
0x9f: {  	s19 =	simm.s32 $_scs_section_size  }
0xa0: {  	s5 =	simm.s32 $_size__tile_overlayer_lowered;
	s6 =	simm.s32 $_tile_overlayer_lowered  }
0xa1: {  	s22 =	simm.s32 $0x1BFF;
	s21 =	sshll.u32 s6, $0x1;
	s3 =	sadd.s32 s19, s18  }
0xa2: {  	s7 =	simm.s32 $0x0;
	s20 =	sshll.u32 s5, $0x1;
	s5 =	sadd.s32 s21, s3  }
0xa3: {  	[timem:s7], [sflag:s22] =	dma.local [hbm:s5], s20  }
0xa4: {  	_ =	swait.ge [sflag:s22], s20  }
0xa5: {  	s4 =	ssub.s32 $0x0, s20;
	[sflag:s22] =	ssyncset.done $0x0  }
0xa6: {  	[sflag:s22] =	ssyncadd.s32 s4;
	_ =	sdelay $0x1  }
0xa7: {  	s23 =	simm.s32 $0x1B8B  }
0xa8: {  	_ =	swait.ge [sflag:s23], $0x1  }
0xa9: {  	[sflag:s23] =	ssyncset.done $0x0  }
0xaa: {  	s25 =	simm.s32 $0x1B8E;
	s24 =	sld [smem:$0x3FFE];
	[sflag:s23] =	ssyncadd.s32 $0xFFFFFFFF  }
0xab: {  	s26 =	simm.s32 $execute0_lowered;
	[smem:$0x3FD2] =	sst s25  }
0xac: {  	s5 =	sshll.u32 s26, $0x1;
	_ =	strace $0x80000046;
	[dreg:$0x1] =	wrdreg $0xFFFFFFFF  }
0xad: {  	s28 =	simm.s32 $_size_execute0_lowered;
	s3 =	sadd.s32 s3, s5;
	[dreg:$0x0] =	wrdreg $0x0  }
0xae: {  	s5 =	sshll.u32 s28, $0x1;
	[dreg:$0x2] =	wrdreg s3  }
0xaf: {  	[dreg:$0x3] =	wrdreg s5  }
0xb0: {  	[dreg:$0x4] =	wrdreg $0xC0  }
0xb1: {  	_ =	task [dreg:s7], $0x5FFFF  }
0xb2: {  	[dreg:$0x1] =	wrdreg $0xFFFFFFFF  }
0xb3: {  	[dreg:$0x0] =	wrdreg $0x60  }
0xb4: {  	[dreg:$0x2] =	wrdreg s24  }
0xb5: {  	[dreg:$0x3] =	wrdreg s16  }
0xb6: {  	[dreg:$0x4] =	wrdreg $0x9  }
0xb7: {  	_ =	task.clear_ibuf [dreg:s7], $0x5FFFF;
	_ =	strace $0x90000046  }
0xb8: {  	s29 =	simm.s32 $0x9;
	_ =	strace $0x80000048  }
0xb9: {  	_ =	swait.ge [sflag:s29], $0x1  }
0xba: {  	[sflag:s29] =	ssyncadd.s32 $0xFFFFFFFF  }
0xbb: {  	_ =	strace $0x90000048  }
0xbc: {  	_ =	sfence  }
0xbd: {  	s30 =	sld [smem:$0x0];
	_ =	sdelay $0x2  }
0xbe: {  	s31 =	sshll.u32 s1, $0xD;
	s1 =	sshrl.u32 s1, $0x2  }
0xbf: {  	s3 =	sand.u32 $0x4000, s31;
	s1 =	sadd.s32 s1, s30  }
0xc0: {  	s0 =	sor.u32 s3, s0;
	s1 =	sshll.u32 s1, $0x11  }
0xc1: {  	s0 =	sor.u32 s1, s0  }
0xc2: {  	s0 =	sadd.s32 $0x8F2B, s0  }
0xc3: {  	[sflag:s0] =	ssyncadd.remote.s32 $0x1  }
0xc4: {  	_ =	sfence.sel $0xFFFF  }
0xc5: {  	[dreg:$0x0] =	wrdreg $0xFFFFFFFF;
	(pc) =	sbr.abs _section_cstart, $3  }
0xc6: {  	[dreg:$0x1] =	wrdreg $0xFFFFFFFF  }
0xc7: {  	_ =	task.clear_ibuf [dreg:s7], $0x2FFFF;
	_ =	strace $0x9FFFFFFF  }
0xc8: {  	(tm) =	ssettm $0x7FFFFFFF  }
0xc9: {  	_ =	shalt  }
tec
execute0_lowered:
.L_overlay_start_1:
0x0: {  	(tag) =	ssettag $0x1  }
0x1: {  	s1 =	srdreg.scid  }
0x2: {  	s0 =	rddreg [dreg:$0x0];
	s2 =	stileid.u32;
	s1 =	sand.u32 $0x1, s1  }
0x3: {  	s4 =	simm.s32 $0x0;
	s2 =	sshll.u32 s2, $0xB;
	s3 =	sshll.u32 s1, $0xA  }
0x4: {  	[smem:$0x7FF] =	sst s4;
	s2 =	sor.u32 s3, s2  }
0x5: {  	_ =	strace $0x80000047;
	[dreg:$0x3] =	wrdreg s2;
	s2 =	sshrl.u32 s2, $0x3  }
0x6: {  	s2 =	sadd.s32 s2, s0;
	s0 =	sadd.s32 $0xE00, s0  }
0x7: {  	[dreg:$0x4] =	wrdreg s0;
	s28 =	sadd.s32 $0x1400, s2  }
0x8: {  	s1 =	ssub.s32 $0x2, s1;
	s29 =	sadd.s32 $0x2400, s2;
	[dreg:$0x5] =	wrdreg s28  }
0x9: {  	s26 =	sshrl.u32 s1, $0x1;
	s30 =	sadd.s32 $0x3400, s2;
	[dreg:$0x6] =	wrdreg s29  }
0xa: {  	s0 =	ssub.s32 s1, s26;
	s31 =	sadd.s32 $0x4400, s2;
	[dreg:$0x7] =	wrdreg s30  }
0xb: {  	[dreg:$0x8] =	wrdreg s31;
	s0 =	smax.u32 s0, $0x1  }
0xc: {  	s2 =	simm.s32 $0x0;
	[dreg:$0x9] =	wrdreg s0  }
.LBB2_1:
0xd: {  	[dreg:$0xa] =	wrdreg s2  }
0xe: {  	s0 =	simm.s32 $0x0;
	s1 =	rddreg [dreg:$0x4];
	s21 =	simm.s32 $0x2  }
0xf: {  	[tilespmem:s0], [sflag:$0x2] =	stream.linear.gather [hbm4b:s1+s0], $0x3000, $0x38;
	[tilespmem:$0x1C200] =	vst v63  }
0x10: {  	_ =	swait.ge [sflag:s21], $0x3000  }
0x11: {  	[sflag:s21] =	ssyncset.done $0x0  }
0x12: {  	s3 =	simm.s32 $0x1B000;
	s22 =	rddreg [dreg:$0x5];
	[sflag:s21] =	ssyncadd.s32 $0xFFFFD000  }
0x13: {  	[tilespmem:s3], [sflag:$0x2] =	stream.linear.gather [hbm4b:s22+s0], $0x400, $0x38;
	[tilespmem:$0x1C200] =	vst v63  }
0x14: {  	_ =	swait.ge [sflag:s21], $0x400  }
0x15: {  	[sflag:s21] =	ssyncset.done $0x0  }
0x16: {  	s24 =	simm.s32 $0x1B480;
	s23 =	rddreg [dreg:$0x6];
	[sflag:s21] =	ssyncadd.s32 $0xFFFFFC00  }
0x17: {  	[tilespmem:s24], [sflag:$0x2] =	stream.linear.gather [hbm4b:s23+s0], $0x400, $0x38;
	[tilespmem:$0x1C200] =	vst v63  }
0x18: {  	_ =	swait.ge [sflag:s21], $0x400  }
0x19: {  	[sflag:s21] =	ssyncset.done $0x0  }
0x1a: {  	s26 =	simm.s32 $0x1B900;
	s25 =	rddreg [dreg:$0x7];
	[sflag:s21] =	ssyncadd.s32 $0xFFFFFC00  }
0x1b: {  	[tilespmem:s26], [sflag:$0x2] =	stream.linear.gather [hbm4b:s25+s0], $0x400, $0x38;
	[tilespmem:$0x1C200] =	vst v63  }
0x1c: {  	s31 =	simm.s32 $0x1BD80;
	_ =	swait.ge [sflag:s21], $0x400  }
0x1d: {  	s20 =	simm.s32 $0x1B002;
	s28 =	simm.s32 $0x1B043;
	[sflag:s21] =	ssyncset.done $0x0  }
0x1e: {  	s29 =	simm.s32 $0x0;
	s30 =	rddreg [dreg:$0x8];
	[sflag:s21] =	ssyncadd.s32 $0xFFFFFC00  }
0x1f: {  	[tilespmem:s31], [sflag:$0x2] =	stream.linear.gather [hbm4b:s30+s0], $0x400, $0x38;
	[tilespmem:$0x1C200] =	vst v63  }
0x20: {  	s22 =	simm.s32 $0x1B902;
	s23 =	simm.s32 $0x1BD82;
	_ =	swait.ge [sflag:s21], $0x400  }
0x21: {  	s24 =	simm.s32 $0x1BDC3;
	s25 =	simm.s32 $0x1B943;
	[sflag:s21] =	ssyncset.done $0x0  }
0x22: {  	s26 =	simm.s32 $0x1B4C3;
	[sflag:s21] =	ssyncadd.s32 $0xFFFFFC00;
	s21 =	simm.s32 $0x1B482  }
.LBB2_2:
0x23: {  	p0 =	seq.s32 s29, $0x0  }
0x24: {  	s1 =	sshll.u32 s29, $0x7;
	s0 =	simm.s32 @!p0 $0x1  }
0x25: {  	_ =	swait.ge @!p0 [sflag:s0], $0xC000;
	[dreg:$0x10] =	wrdreg s1  }
0x26: {  	[dreg:$0xe] =	wrdreg s23  }
0x27: {  	[dreg:$0xd] =	wrdreg s22  }
0x28: {  	s31 =	simm.s32 $0xFFFFFFFC;
	[dreg:$0xc] =	wrdreg s21;
	[sflag:s0] =	ssyncset.done @!p0 $0x0  }
0x29: {  	[dreg:$0xb] =	wrdreg s20;
	[sflag:s0] =	ssyncadd.s32 @!p0 $0xFFFF4000;
	s0 =	simm.s32 $0x180  }
.LBB2_3:
0x2a: {  	v0 =	vld [tilespmem:s20+$0xFFFFFFFE]  }
0x2b: {  	v1 =	vld [tilespmem:s21+$0xFFFFFFFE];
	_ =	sdelay $0x3  }
0x2c: {  	(v2sf) =	vpush v0, $0x0  }
0x2d: {  	(v2sf) =	vpush v1, $0x0;
	_ =	sdelay $0xd  }
0x2e: {  	s1 =	spop (v2sf)  }
0x2f: {  	s2 =	spop (v2sf);
	s3 =	sshrl.u32 s1, $0x3  }
0x30: {  	s3 =	smul.u32 $0x6000, s3;
	s4 =	sshrl.u32 s2, $0x3  }
0x31: {  	s1 =	sshll.u32 s1, $0x7;
	s4 =	smul.u32 $0x6000, s4  }
0x32: {  	v0 =	vld.msk [tilespmem:s22+$0xFFFFFFFE ss:$0x0], $0xffff;
	s1 =	sand.u32 $0x380, s1;
	s2 =	sshll.u32 s2, $0x7;
	s3 =	sshra.s32 s3, $0x2  }
0x33: {  	v1 =	vld.msk [tilespmem:s23+$0xFFFFFFFE ss:$0x0], $0xffff;
	s5 =	sand.u32 $0x380, s2;
	s15 =	sor.u32 s1, s3;
	s6 =	sshra.s32 s4, $0x2  }
0x34: {  	v2 =	vld [tilespmem:s15+$0x0];
	s5 =	sor.u32 s5, s6  }
0x35: {  	v3 =	vld [tilespmem:s5+$0x0];
	_ =	sdelay $0x1  }
0x36: {  	s31 =	sadd.s32 $0x4, s31  }
0x37: {  	s7 =	sshrl.u32 s31, $0x3  }
0x38: {  	s1 =	smul.u32 $0x6000, s7  }
0x39: {  	v2 =	vmul.f32 v2, v0;
	v3 =	vmul.f32 v3, v1  }
0x3a: {  	s8 =	sadd.s32 $0xFFFFFE80, s0;
	s7 =	sshra.s32 s1, $0x2  }
0x3b: {  	s6 =	sand.u32 $0x200, s8;
	s13 =	sadd.s32 $0x3000, s7;
	v2 =	vadd.f32 v3, v2  }
0x3c: {  	s9 =	sor.u32 s6, s13  }
0x3d: {  	[tilespmem:s9+$0x0] =	vst v2  }
0x3e: {  	v2 =	vld [tilespmem:s15+$0x10]  }
0x3f: {  	v27 =	vld [tilespmem:s5+$0x10];
	_ =	sdelay $0x4  }
0x40: {  	v2 =	vmul.f32 v2, v0;
	v3 =	vmul.f32 v27, v1;
	_ =	sdelay $0x1  }
0x41: {  	v2 =	vadd.f32 v3, v2;
	_ =	sdelay $0x1  }
0x42: {  	[tilespmem:s9+$0x10] =	vst v2  }
0x43: {  	v2 =	vld [tilespmem:s15+$0x20]  }
0x44: {  	v28 =	vld [tilespmem:s5+$0x20];
	_ =	sdelay $0x4  }
0x45: {  	v2 =	vmul.f32 v2, v0;
	v3 =	vmul.f32 v28, v1;
	_ =	sdelay $0x1  }
0x46: {  	v2 =	vadd.f32 v3, v2;
	_ =	sdelay $0x1  }
0x47: {  	[tilespmem:s9+$0x20] =	vst v2  }
0x48: {  	v2 =	vld [tilespmem:s15+$0x30]  }
0x49: {  	v29 =	vld [tilespmem:s5+$0x30];
	_ =	sdelay $0x4  }
0x4a: {  	v2 =	vmul.f32 v2, v0;
	v3 =	vmul.f32 v29, v1;
	_ =	sdelay $0x1  }
0x4b: {  	v2 =	vadd.f32 v3, v2;
	_ =	sdelay $0x1  }
0x4c: {  	[tilespmem:s9+$0x30] =	vst v2  }
0x4d: {  	v2 =	vld [tilespmem:s15+$0x40]  }
0x4e: {  	v30 =	vld [tilespmem:s5+$0x40];
	_ =	sdelay $0x4  }
0x4f: {  	v2 =	vmul.f32 v2, v0;
	v3 =	vmul.f32 v30, v1;
	_ =	sdelay $0x1  }
0x50: {  	v2 =	vadd.f32 v3, v2;
	_ =	sdelay $0x1  }
0x51: {  	[tilespmem:s9+$0x40] =	vst v2  }
0x52: {  	v2 =	vld [tilespmem:s15+$0x50]  }
0x53: {  	v31 =	vld [tilespmem:s5+$0x50];
	_ =	sdelay $0x4  }
0x54: {  	v2 =	vmul.f32 v2, v0;
	v3 =	vmul.f32 v31, v1;
	_ =	sdelay $0x1  }
0x55: {  	v2 =	vadd.f32 v3, v2;
	_ =	sdelay $0x1  }
0x56: {  	[tilespmem:s9+$0x50] =	vst v2  }
0x57: {  	v2 =	vld [tilespmem:s15+$0x60]  }
0x58: {  	v32 =	vld [tilespmem:s5+$0x60];
	_ =	sdelay $0x4  }
0x59: {  	v2 =	vmul.f32 v2, v0;
	v3 =	vmul.f32 v32, v1;
	_ =	sdelay $0x1  }
0x5a: {  	v2 =	vadd.f32 v3, v2;
	_ =	sdelay $0x1  }
0x5b: {  	[tilespmem:s9+$0x60] =	vst v2  }
0x5c: {  	v2 =	vld [tilespmem:s15+$0x70]  }
0x5d: {  	v33 =	vld [tilespmem:s5+$0x70];
	_ =	sdelay $0x4  }
0x5e: {  	v2 =	vmul.f32 v2, v0;
	v3 =	vmul.f32 v33, v1;
	_ =	sdelay $0x1  }
0x5f: {  	v2 =	vadd.f32 v3, v2;
	_ =	sdelay $0x1  }
0x60: {  	[tilespmem:s9+$0x70] =	vst v2  }
0x61: {  	v2 =	vld [tilespmem:s15+$0x400]  }
0x62: {  	v34 =	vld [tilespmem:s5+$0x400];
	_ =	sdelay $0x4  }
0x63: {  	v2 =	vmul.f32 v2, v0;
	v3 =	vmul.f32 v34, v1;
	_ =	sdelay $0x1  }
0x64: {  	v2 =	vadd.f32 v3, v2;
	_ =	sdelay $0x1  }
0x65: {  	[tilespmem:s9+$0x400] =	vst v2  }
0x66: {  	v2 =	vld [tilespmem:s15+$0x410]  }
0x67: {  	v35 =	vld [tilespmem:s5+$0x410];
	_ =	sdelay $0x4  }
0x68: {  	v2 =	vmul.f32 v2, v0;
	v3 =	vmul.f32 v35, v1;
	_ =	sdelay $0x1  }
0x69: {  	v2 =	vadd.f32 v3, v2;
	_ =	sdelay $0x1  }
0x6a: {  	[tilespmem:s9+$0x410] =	vst v2  }
0x6b: {  	v2 =	vld [tilespmem:s15+$0x420]  }
0x6c: {  	v36 =	vld [tilespmem:s5+$0x420];
	_ =	sdelay $0x4  }
0x6d: {  	v2 =	vmul.f32 v2, v0;
	v3 =	vmul.f32 v36, v1;
	_ =	sdelay $0x1  }
0x6e: {  	v2 =	vadd.f32 v3, v2;
	_ =	sdelay $0x1  }
0x6f: {  	[tilespmem:s9+$0x420] =	vst v2  }
0x70: {  	v2 =	vld [tilespmem:s15+$0x430]  }
0x71: {  	v37 =	vld [tilespmem:s5+$0x430];
	_ =	sdelay $0x4  }
0x72: {  	v2 =	vmul.f32 v2, v0;
	v3 =	vmul.f32 v37, v1;
	_ =	sdelay $0x1  }
0x73: {  	v2 =	vadd.f32 v3, v2;
	_ =	sdelay $0x1  }
0x74: {  	[tilespmem:s9+$0x430] =	vst v2  }
0x75: {  	v2 =	vld [tilespmem:s15+$0x440]  }
0x76: {  	v38 =	vld [tilespmem:s5+$0x440];
	_ =	sdelay $0x4  }
0x77: {  	v2 =	vmul.f32 v2, v0;
	v3 =	vmul.f32 v38, v1;
	_ =	sdelay $0x1  }
0x78: {  	v2 =	vadd.f32 v3, v2;
	_ =	sdelay $0x1  }
0x79: {  	[tilespmem:s9+$0x440] =	vst v2  }
0x7a: {  	v2 =	vld [tilespmem:s15+$0x450]  }
0x7b: {  	v39 =	vld [tilespmem:s5+$0x450];
	_ =	sdelay $0x4  }
0x7c: {  	v2 =	vmul.f32 v2, v0;
	v3 =	vmul.f32 v39, v1;
	_ =	sdelay $0x1  }
0x7d: {  	v2 =	vadd.f32 v3, v2;
	_ =	sdelay $0x1  }
0x7e: {  	[tilespmem:s9+$0x450] =	vst v2  }
0x7f: {  	v2 =	vld [tilespmem:s15+$0x460]  }
0x80: {  	v40 =	vld [tilespmem:s5+$0x460];
	_ =	sdelay $0x4  }
0x81: {  	v2 =	vmul.f32 v2, v0;
	v3 =	vmul.f32 v40, v1;
	_ =	sdelay $0x1  }
0x82: {  	v2 =	vadd.f32 v3, v2;
	_ =	sdelay $0x1  }
0x83: {  	[tilespmem:s9+$0x460] =	vst v2  }
0x84: {  	v2 =	vld [tilespmem:s15+$0x470]  }
0x85: {  	v41 =	vld [tilespmem:s5+$0x470];
	_ =	sdelay $0x4  }
0x86: {  	v2 =	vmul.f32 v2, v0;
	v3 =	vmul.f32 v41, v1;
	_ =	sdelay $0x1  }
0x87: {  	v2 =	vadd.f32 v3, v2;
	_ =	sdelay $0x1  }
0x88: {  	[tilespmem:s9+$0x470] =	vst v2  }
0x89: {  	v2 =	vld [tilespmem:s15+$0x800]  }
0x8a: {  	v42 =	vld [tilespmem:s5+$0x800];
	_ =	sdelay $0x4  }
0x8b: {  	v2 =	vmul.f32 v2, v0;
	v3 =	vmul.f32 v42, v1;
	_ =	sdelay $0x1  }
0x8c: {  	s14 =	sadd.s32 $0x3800, s7;
	v2 =	vadd.f32 v3, v2  }
0x8d: {  	s10 =	sor.u32 s6, s14  }
0x8e: {  	[tilespmem:s10+$0x0] =	vst v2  }
0x8f: {  	v2 =	vld [tilespmem:s15+$0x810]  }
0x90: {  	v43 =	vld [tilespmem:s5+$0x810];
	_ =	sdelay $0x4  }
0x91: {  	v2 =	vmul.f32 v2, v0;
	v3 =	vmul.f32 v43, v1;
	_ =	sdelay $0x1  }
0x92: {  	v2 =	vadd.f32 v3, v2;
	_ =	sdelay $0x1  }
0x93: {  	[tilespmem:s10+$0x10] =	vst v2  }
0x94: {  	v2 =	vld [tilespmem:s15+$0x820]  }
0x95: {  	v44 =	vld [tilespmem:s5+$0x820];
	_ =	sdelay $0x4  }
0x96: {  	v2 =	vmul.f32 v2, v0;
	v3 =	vmul.f32 v44, v1;
	_ =	sdelay $0x1  }
0x97: {  	v2 =	vadd.f32 v3, v2;
	_ =	sdelay $0x1  }
0x98: {  	[tilespmem:s10+$0x20] =	vst v2  }
0x99: {  	v2 =	vld [tilespmem:s15+$0x830]  }
0x9a: {  	v45 =	vld [tilespmem:s5+$0x830];
	_ =	sdelay $0x4  }
0x9b: {  	v2 =	vmul.f32 v2, v0;
	v3 =	vmul.f32 v45, v1;
	_ =	sdelay $0x1  }
0x9c: {  	v2 =	vadd.f32 v3, v2;
	_ =	sdelay $0x1  }
0x9d: {  	[tilespmem:s10+$0x30] =	vst v2  }
0x9e: {  	v2 =	vld [tilespmem:s15+$0x840]  }
0x9f: {  	v46 =	vld [tilespmem:s5+$0x840];
	_ =	sdelay $0x4  }
0xa0: {  	v2 =	vmul.f32 v2, v0;
	v3 =	vmul.f32 v46, v1;
	_ =	sdelay $0x1  }
0xa1: {  	v2 =	vadd.f32 v3, v2;
	_ =	sdelay $0x1  }
0xa2: {  	[tilespmem:s10+$0x40] =	vst v2  }
0xa3: {  	v2 =	vld [tilespmem:s15+$0x850]  }
0xa4: {  	v47 =	vld [tilespmem:s5+$0x850];
	_ =	sdelay $0x4  }
0xa5: {  	v2 =	vmul.f32 v2, v0;
	v3 =	vmul.f32 v47, v1;
	_ =	sdelay $0x1  }
0xa6: {  	v2 =	vadd.f32 v3, v2;
	_ =	sdelay $0x1  }
0xa7: {  	[tilespmem:s10+$0x50] =	vst v2  }
0xa8: {  	v2 =	vld [tilespmem:s15+$0x860]  }
0xa9: {  	v48 =	vld [tilespmem:s5+$0x860];
	_ =	sdelay $0x4  }
0xaa: {  	v2 =	vmul.f32 v2, v0;
	v3 =	vmul.f32 v48, v1;
	_ =	sdelay $0x1  }
0xab: {  	v2 =	vadd.f32 v3, v2;
	_ =	sdelay $0x1  }
0xac: {  	[tilespmem:s10+$0x60] =	vst v2  }
0xad: {  	v2 =	vld [tilespmem:s15+$0x870]  }
0xae: {  	v49 =	vld [tilespmem:s5+$0x870];
	_ =	sdelay $0x4  }
0xaf: {  	v2 =	vmul.f32 v2, v0;
	v3 =	vmul.f32 v49, v1;
	_ =	sdelay $0x1  }
0xb0: {  	v2 =	vadd.f32 v3, v2;
	_ =	sdelay $0x1  }
0xb1: {  	[tilespmem:s10+$0x70] =	vst v2  }
0xb2: {  	v2 =	vld [tilespmem:s15+$0xC00]  }
0xb3: {  	v50 =	vld [tilespmem:s5+$0xC00];
	_ =	sdelay $0x4  }
0xb4: {  	v2 =	vmul.f32 v2, v0;
	v3 =	vmul.f32 v50, v1;
	_ =	sdelay $0x1  }
0xb5: {  	s30 =	sadd.s32 $0x3C00, s7;
	v2 =	vadd.f32 v3, v2  }
0xb6: {  	s11 =	sor.u32 s6, s30  }
0xb7: {  	[tilespmem:s11+$0x0] =	vst v2  }
0xb8: {  	v2 =	vld [tilespmem:s15+$0xC10]  }
0xb9: {  	v51 =	vld [tilespmem:s5+$0xC10];
	_ =	sdelay $0x4  }
0xba: {  	v2 =	vmul.f32 v2, v0;
	v3 =	vmul.f32 v51, v1;
	_ =	sdelay $0x1  }
0xbb: {  	v2 =	vadd.f32 v3, v2;
	_ =	sdelay $0x1  }
0xbc: {  	[tilespmem:s11+$0x10] =	vst v2  }
0xbd: {  	v2 =	vld [tilespmem:s15+$0xC20]  }
0xbe: {  	v52 =	vld [tilespmem:s5+$0xC20];
	_ =	sdelay $0x4  }
0xbf: {  	v2 =	vmul.f32 v2, v0;
	v3 =	vmul.f32 v52, v1;
	_ =	sdelay $0x1  }
0xc0: {  	v2 =	vadd.f32 v3, v2;
	_ =	sdelay $0x1  }
0xc1: {  	[tilespmem:s11+$0x20] =	vst v2  }
0xc2: {  	v2 =	vld [tilespmem:s15+$0xC30]  }
0xc3: {  	v53 =	vld [tilespmem:s5+$0xC30];
	_ =	sdelay $0x4  }
0xc4: {  	v2 =	vmul.f32 v2, v0;
	v3 =	vmul.f32 v53, v1;
	_ =	sdelay $0x1  }
0xc5: {  	v2 =	vadd.f32 v3, v2;
	_ =	sdelay $0x1  }
0xc6: {  	[tilespmem:s11+$0x30] =	vst v2  }
0xc7: {  	v2 =	vld [tilespmem:s15+$0xC40]  }
0xc8: {  	v54 =	vld [tilespmem:s5+$0xC40];
	_ =	sdelay $0x4  }
0xc9: {  	v2 =	vmul.f32 v2, v0;
	v3 =	vmul.f32 v54, v1;
	_ =	sdelay $0x1  }
0xca: {  	v2 =	vadd.f32 v3, v2;
	_ =	sdelay $0x1  }
0xcb: {  	[tilespmem:s11+$0x40] =	vst v2  }
0xcc: {  	v2 =	vld [tilespmem:s15+$0xC50]  }
0xcd: {  	v55 =	vld [tilespmem:s5+$0xC50];
	_ =	sdelay $0x4  }
0xce: {  	v2 =	vmul.f32 v2, v0;
	v3 =	vmul.f32 v55, v1;
	_ =	sdelay $0x1  }
0xcf: {  	v2 =	vadd.f32 v3, v2;
	_ =	sdelay $0x1  }
0xd0: {  	[tilespmem:s11+$0x50] =	vst v2  }
0xd1: {  	v2 =	vld [tilespmem:s15+$0xC60]  }
0xd2: {  	v56 =	vld [tilespmem:s5+$0xC60];
	_ =	sdelay $0x4  }
0xd3: {  	v2 =	vmul.f32 v2, v0;
	v3 =	vmul.f32 v56, v1;
	_ =	sdelay $0x1  }
0xd4: {  	v2 =	vadd.f32 v3, v2;
	_ =	sdelay $0x1  }
0xd5: {  	[tilespmem:s11+$0x60] =	vst v2  }
0xd6: {  	v2 =	vld [tilespmem:s15+$0xC70]  }
0xd7: {  	v57 =	vld [tilespmem:s5+$0xC70];
	_ =	sdelay $0x4  }
0xd8: {  	v2 =	vmul.f32 v2, v0;
	v3 =	vmul.f32 v57, v1;
	_ =	sdelay $0x1  }
0xd9: {  	v2 =	vadd.f32 v3, v2;
	_ =	sdelay $0x1  }
0xda: {  	[tilespmem:s11+$0x70] =	vst v2  }
0xdb: {  	v2 =	vld [tilespmem:s15+$0x1000]  }
0xdc: {  	v58 =	vld [tilespmem:s5+$0x1000];
	_ =	sdelay $0x4  }
0xdd: {  	v2 =	vmul.f32 v2, v0;
	v3 =	vmul.f32 v58, v1;
	_ =	sdelay $0x1  }
0xde: {  	s3 =	sadd.s32 $0x4000, s7;
	v2 =	vadd.f32 v3, v2  }
0xdf: {  	s16 =	sor.u32 s6, s3  }
0xe0: {  	[tilespmem:s16+$0x0] =	vst v2  }
0xe1: {  	v8 =	vld [tilespmem:s15+$0x1010]  }
0xe2: {  	v9 =	vld [tilespmem:s5+$0x1010]  }
0xe3: {  	v59 =	vld [tilespmem:s20+$0xFFFFFFFF]  }
0xe4: {  	v60 =	vld [tilespmem:s21+$0xFFFFFFFF]  }
0xe5: {  	v4 =	vld [tilespmem:s20+$0x0];
	_ =	sdelay $0x1  }
0xe6: {  	v5 =	vld [tilespmem:s21+$0x0]  }
0xe7: {  	(v2sf) =	vpush v59, $0x0  }
0xe8: {  	(v2sf) =	vpush v60, $0x0  }
0xe9: {  	(v2sf) =	vpush v4, $0x0  }
0xea: {  	v61 =	vld [tilespmem:s20+$0x1]  }
0xeb: {  	v62 =	vld [tilespmem:s21+$0x1];
	(v2sf) =	vpush v5, $0x0;
	_ =	sdelay $0x3  }
0xec: {  	(v2sf) =	vpush v61, $0x0  }
0xed: {  	(v2sf) =	vpush v62, $0x0;
	_ =	sdelay $0x5  }
0xee: {  	s12 =	spop (v2sf)  }
0xef: {  	s17 =	spop (v2sf);
	s18 =	sshrl.u32 s12, $0x3  }
0xf0: {  	s1 =	sshll.u32 s12, $0x7;
	s9 =	spop (v2sf);
	s4 =	smul.u32 $0x6000, s18  }
0xf1: {  	s1 =	sand.u32 $0x380, s1;
	s8 =	sshrl.u32 s17, $0x3;
	s2 =	sshll.u32 s17, $0x7  }
0xf2: {  	s10 =	spop (v2sf);
	s11 =	smul.u32 $0x6000, s8;
	s4 =	sshra.s32 s4, $0x2  }
0xf3: {  	v2 =	vld.msk [tilespmem:s22+$0xFFFFFFFF ss:$0x0], $0xffff;
	s19 =	sand.u32 $0x380, s2;
	s8 =	sor.u32 s1, s4;
	s4 =	sshrl.u32 s9, $0x3  }
0xf4: {  	v3 =	vld.msk [tilespmem:s23+$0xFFFFFFFF ss:$0x0], $0xffff;
	s12 =	sshll.u32 s9, $0x7;
	s18 =	sshrl.u32 s10, $0x3;
	s2 =	smul.u32 $0x6000, s4  }
0xf5: {  	v6 =	vld.msk [tilespmem:s22+$0x1 ss:$0x0], $0xffff;
	s17 =	sand.u32 $0x380, s12;
	s11 =	sshra.s32 s11, $0x2;
	s4 =	smul.u32 $0x6000, s18  }
0xf6: {  	v7 =	vld.msk [tilespmem:s23+$0x1 ss:$0x0], $0xffff;
	s12 =	spop (v2sf);
	s9 =	sor.u32 s19, s11;
	s19 =	sshll.u32 s10, $0x7  }
0xf7: {  	v4 =	vld.msk [tilespmem:s22+$0x0 ss:$0x0], $0xffff;
	s2 =	sshra.s32 s2, $0x2;
	s11 =	sshra.s32 s4, $0x2;
	s4 =	spop (v2sf)  }
0xf8: {  	v5 =	vld.msk [tilespmem:s23+$0x0 ss:$0x0], $0xffff;
	s10 =	sor.u32 s17, s2;
	s2 =	sand.u32 $0x380, s19;
	s17 =	sshrl.u32 s12, $0x3  }
0xf9: {  	v10 =	vld [tilespmem:s8+$0x0];
	s18 =	sor.u32 s2, s11;
	s19 =	smul.u32 $0x6000, s17;
	s11 =	sshrl.u32 s4, $0x3  }
0xfa: {  	v11 =	vld [tilespmem:s9+$0x0];
	s12 =	sshll.u32 s12, $0x7;
	s2 =	smul.u32 $0x6000, s11  }
0xfb: {  	v12 =	vld [tilespmem:s10+$0x0];
	s4 =	sshll.u32 s4, $0x7;
	s11 =	sand.u32 $0x380, s12;
	s1 =	sshra.s32 s19, $0x2  }
0xfc: {  	v13 =	vld [tilespmem:s18+$0x0];
	s17 =	sand.u32 $0x380, s4;
	s19 =	sor.u32 s11, s1;
	s2 =	sshra.s32 s2, $0x2  }
0xfd: {  	v14 =	vld [tilespmem:s19+$0x0];
	s11 =	sor.u32 s17, s2  }
0xfe: {  	v15 =	vld [tilespmem:s11+$0x0]  }
0xff: {  	v10 =	vmul.f32 v10, v2;
	v11 =	vmul.f32 v11, v3  }
0x100: {  	s2 =	sadd.s32 $0xFFFFFF00, s0  }
0x101: {  	v10 =	vadd.f32 v11, v10;
	s17 =	sand.u32 $0x280, s2;
	v63 =	vmul.f32 v12, v4;
	v16 =	vmul.f32 v13, v5  }
0x102: {  	s4 =	sadd.s32 $0xFFFFFF80, s0;
	s12 =	sor.u32 s17, s13  }
0x103: {  	s2 =	sand.u32 $0x300, s4;
	[tilespmem:s12+$0x0] =	vst v10;
	v17 =	vadd.f32 v16, v63;
	v18 =	vmul.f32 v14, v6;
	v19 =	vmul.f32 v15, v7  }
0x104: {  	s1 =	sor.u32 s2, s13;
	v20 =	vld [tilespmem:s8+$0x10]  }
0x105: {  	s4 =	sand.u32 $0x380, s0;
	v21 =	vld [tilespmem:s9+$0x10];
	[tilespmem:s1+$0x0] =	vst v17;
	v22 =	vadd.f32 v19, v18  }
0x106: {  	s13 =	sor.u32 s4, s13;
	v23 =	vld [tilespmem:s10+$0x10]  }
0x107: {  	v24 =	vld [tilespmem:s18+$0x10];
	[tilespmem:s13+$0x0] =	vst v22  }
0x108: {  	v10 =	vld [tilespmem:s19+$0x10]  }
0x109: {  	v25 =	vld [tilespmem:s11+$0x10]  }
0x10a: {  	v13 =	vmul.f32 v20, v2;
	v14 =	vmul.f32 v21, v3;
	_ =	sdelay $0x1  }
0x10b: {  	v13 =	vadd.f32 v14, v13;
	v11 =	vmul.f32 v23, v4;
	v12 =	vmul.f32 v24, v5;
	_ =	sdelay $0x1  }
0x10c: {  	[tilespmem:s12+$0x10] =	vst v13;
	v11 =	vadd.f32 v12, v11;
	v10 =	vmul.f32 v10, v6;
	v26 =	vmul.f32 v25, v7  }
0x10d: {  	v13 =	vld [tilespmem:s8+$0x20]  }
0x10e: {  	v27 =	vld [tilespmem:s9+$0x20];
	[tilespmem:s1+$0x10] =	vst v11;
	v10 =	vadd.f32 v26, v10  }
0x10f: {  	v11 =	vld [tilespmem:s10+$0x20]  }
0x110: {  	v28 =	vld [tilespmem:s18+$0x20];
	[tilespmem:s13+$0x10] =	vst v10  }
0x111: {  	v10 =	vld [tilespmem:s19+$0x20]  }
0x112: {  	v29 =	vld [tilespmem:s11+$0x20]  }
0x113: {  	v13 =	vmul.f32 v13, v2;
	v14 =	vmul.f32 v27, v3;
	_ =	sdelay $0x1  }
0x114: {  	v13 =	vadd.f32 v14, v13;
	v11 =	vmul.f32 v11, v4;
	v12 =	vmul.f32 v28, v5;
	_ =	sdelay $0x1  }
0x115: {  	[tilespmem:s12+$0x20] =	vst v13;
	v11 =	vadd.f32 v12, v11;
	v10 =	vmul.f32 v10, v6;
	v30 =	vmul.f32 v29, v7  }
0x116: {  	v13 =	vld [tilespmem:s8+$0x30]  }
0x117: {  	v31 =	vld [tilespmem:s9+$0x30];
	[tilespmem:s1+$0x20] =	vst v11;
	v10 =	vadd.f32 v30, v10  }
0x118: {  	v11 =	vld [tilespmem:s10+$0x30]  }
0x119: {  	v32 =	vld [tilespmem:s18+$0x30];
	[tilespmem:s13+$0x20] =	vst v10  }
0x11a: {  	v10 =	vld [tilespmem:s19+$0x30]  }
0x11b: {  	v33 =	vld [tilespmem:s11+$0x30]  }
0x11c: {  	v13 =	vmul.f32 v13, v2;
	v14 =	vmul.f32 v31, v3;
	_ =	sdelay $0x1  }
0x11d: {  	v13 =	vadd.f32 v14, v13;
	v11 =	vmul.f32 v11, v4;
	v12 =	vmul.f32 v32, v5;
	_ =	sdelay $0x1  }
0x11e: {  	[tilespmem:s12+$0x30] =	vst v13;
	v11 =	vadd.f32 v12, v11;
	v10 =	vmul.f32 v10, v6;
	v34 =	vmul.f32 v33, v7  }
0x11f: {  	v13 =	vld [tilespmem:s8+$0x40]  }
0x120: {  	v35 =	vld [tilespmem:s9+$0x40];
	[tilespmem:s1+$0x30] =	vst v11;
	v10 =	vadd.f32 v34, v10  }
0x121: {  	v11 =	vld [tilespmem:s10+$0x40]  }
0x122: {  	v36 =	vld [tilespmem:s18+$0x40];
	[tilespmem:s13+$0x30] =	vst v10  }
0x123: {  	v10 =	vld [tilespmem:s19+$0x40]  }
0x124: {  	v37 =	vld [tilespmem:s11+$0x40]  }
0x125: {  	v13 =	vmul.f32 v13, v2;
	v14 =	vmul.f32 v35, v3;
	_ =	sdelay $0x1  }
0x126: {  	v13 =	vadd.f32 v14, v13;
	v11 =	vmul.f32 v11, v4;
	v12 =	vmul.f32 v36, v5;
	_ =	sdelay $0x1  }
0x127: {  	[tilespmem:s12+$0x40] =	vst v13;
	v11 =	vadd.f32 v12, v11;
	v10 =	vmul.f32 v10, v6;
	v38 =	vmul.f32 v37, v7  }
0x128: {  	v13 =	vld [tilespmem:s8+$0x50]  }
0x129: {  	v39 =	vld [tilespmem:s9+$0x50];
	[tilespmem:s1+$0x40] =	vst v11;
	v10 =	vadd.f32 v38, v10  }
0x12a: {  	v11 =	vld [tilespmem:s10+$0x50]  }
0x12b: {  	v40 =	vld [tilespmem:s18+$0x50];
	[tilespmem:s13+$0x40] =	vst v10  }
0x12c: {  	v10 =	vld [tilespmem:s19+$0x50]  }
0x12d: {  	v41 =	vld [tilespmem:s11+$0x50]  }
0x12e: {  	v13 =	vmul.f32 v13, v2;
	v14 =	vmul.f32 v39, v3;
	_ =	sdelay $0x1  }
0x12f: {  	v13 =	vadd.f32 v14, v13;
	v11 =	vmul.f32 v11, v4;
	v12 =	vmul.f32 v40, v5;
	_ =	sdelay $0x1  }
0x130: {  	[tilespmem:s12+$0x50] =	vst v13;
	v11 =	vadd.f32 v12, v11;
	v10 =	vmul.f32 v10, v6;
	v42 =	vmul.f32 v41, v7  }
0x131: {  	v13 =	vld [tilespmem:s8+$0x60]  }
0x132: {  	v43 =	vld [tilespmem:s9+$0x60];
	[tilespmem:s1+$0x50] =	vst v11;
	v10 =	vadd.f32 v42, v10  }
0x133: {  	v11 =	vld [tilespmem:s10+$0x60]  }
0x134: {  	v44 =	vld [tilespmem:s18+$0x60];
	[tilespmem:s13+$0x50] =	vst v10  }
0x135: {  	v10 =	vld [tilespmem:s19+$0x60]  }
0x136: {  	v45 =	vld [tilespmem:s11+$0x60]  }
0x137: {  	v13 =	vmul.f32 v13, v2;
	v14 =	vmul.f32 v43, v3;
	_ =	sdelay $0x1  }
0x138: {  	v13 =	vadd.f32 v14, v13;
	v11 =	vmul.f32 v11, v4;
	v12 =	vmul.f32 v44, v5;
	_ =	sdelay $0x1  }
0x139: {  	[tilespmem:s12+$0x60] =	vst v13;
	v11 =	vadd.f32 v12, v11;
	v10 =	vmul.f32 v10, v6;
	v46 =	vmul.f32 v45, v7  }
0x13a: {  	v13 =	vld [tilespmem:s8+$0x70]  }
0x13b: {  	v47 =	vld [tilespmem:s9+$0x70];
	[tilespmem:s1+$0x60] =	vst v11;
	v10 =	vadd.f32 v46, v10  }
0x13c: {  	v11 =	vld [tilespmem:s10+$0x70]  }
0x13d: {  	v48 =	vld [tilespmem:s18+$0x70];
	[tilespmem:s13+$0x60] =	vst v10  }
0x13e: {  	v10 =	vld [tilespmem:s19+$0x70]  }
0x13f: {  	v49 =	vld [tilespmem:s11+$0x70]  }
0x140: {  	v13 =	vmul.f32 v13, v2;
	v14 =	vmul.f32 v47, v3;
	_ =	sdelay $0x1  }
0x141: {  	v13 =	vadd.f32 v14, v13;
	v11 =	vmul.f32 v11, v4;
	v12 =	vmul.f32 v48, v5;
	_ =	sdelay $0x1  }
0x142: {  	[tilespmem:s12+$0x70] =	vst v13;
	v11 =	vadd.f32 v12, v11;
	v10 =	vmul.f32 v10, v6;
	v50 =	vmul.f32 v49, v7  }
0x143: {  	v13 =	vld [tilespmem:s8+$0x400]  }
0x144: {  	v51 =	vld [tilespmem:s9+$0x400];
	[tilespmem:s1+$0x70] =	vst v11;
	v10 =	vadd.f32 v50, v10  }
0x145: {  	v11 =	vld [tilespmem:s10+$0x400]  }
0x146: {  	v52 =	vld [tilespmem:s18+$0x400];
	[tilespmem:s13+$0x70] =	vst v10  }
0x147: {  	v10 =	vld [tilespmem:s19+$0x400]  }
0x148: {  	v53 =	vld [tilespmem:s11+$0x400]  }
0x149: {  	v13 =	vmul.f32 v13, v2;
	v14 =	vmul.f32 v51, v3;
	_ =	sdelay $0x1  }
0x14a: {  	v13 =	vadd.f32 v14, v13;
	v11 =	vmul.f32 v11, v4;
	v12 =	vmul.f32 v52, v5;
	_ =	sdelay $0x1  }
0x14b: {  	[tilespmem:s12+$0x400] =	vst v13;
	v11 =	vadd.f32 v12, v11;
	v10 =	vmul.f32 v10, v6;
	v54 =	vmul.f32 v53, v7  }
0x14c: {  	v13 =	vld [tilespmem:s8+$0x410]  }
0x14d: {  	v55 =	vld [tilespmem:s9+$0x410];
	[tilespmem:s1+$0x400] =	vst v11;
	v10 =	vadd.f32 v54, v10  }
0x14e: {  	v11 =	vld [tilespmem:s10+$0x410]  }
0x14f: {  	v56 =	vld [tilespmem:s18+$0x410];
	[tilespmem:s13+$0x400] =	vst v10  }
0x150: {  	v10 =	vld [tilespmem:s19+$0x410]  }
0x151: {  	v57 =	vld [tilespmem:s11+$0x410]  }
0x152: {  	v13 =	vmul.f32 v13, v2;
	v14 =	vmul.f32 v55, v3;
	_ =	sdelay $0x1  }
0x153: {  	v13 =	vadd.f32 v14, v13;
	v11 =	vmul.f32 v11, v4;
	v12 =	vmul.f32 v56, v5;
	_ =	sdelay $0x1  }
0x154: {  	[tilespmem:s12+$0x410] =	vst v13;
	v11 =	vadd.f32 v12, v11;
	v10 =	vmul.f32 v10, v6;
	v58 =	vmul.f32 v57, v7  }
0x155: {  	v13 =	vld [tilespmem:s8+$0x420]  }
0x156: {  	v59 =	vld [tilespmem:s9+$0x420];
	[tilespmem:s1+$0x410] =	vst v11;
	v10 =	vadd.f32 v58, v10  }
0x157: {  	v11 =	vld [tilespmem:s10+$0x420]  }
0x158: {  	v60 =	vld [tilespmem:s18+$0x420];
	[tilespmem:s13+$0x410] =	vst v10  }
0x159: {  	v10 =	vld [tilespmem:s19+$0x420]  }
0x15a: {  	v61 =	vld [tilespmem:s11+$0x420]  }
0x15b: {  	v13 =	vmul.f32 v13, v2;
	v14 =	vmul.f32 v59, v3;
	_ =	sdelay $0x1  }
0x15c: {  	v13 =	vadd.f32 v14, v13;
	v11 =	vmul.f32 v11, v4;
	v12 =	vmul.f32 v60, v5;
	_ =	sdelay $0x1  }
0x15d: {  	[tilespmem:s12+$0x420] =	vst v13;
	v11 =	vadd.f32 v12, v11;
	v10 =	vmul.f32 v10, v6;
	v62 =	vmul.f32 v61, v7  }
0x15e: {  	v13 =	vld [tilespmem:s8+$0x430]  }
0x15f: {  	v63 =	vld [tilespmem:s9+$0x430];
	[tilespmem:s1+$0x420] =	vst v11;
	v10 =	vadd.f32 v62, v10  }
0x160: {  	v11 =	vld [tilespmem:s10+$0x430]  }
0x161: {  	v18 =	vld [tilespmem:s18+$0x430];
	[tilespmem:s13+$0x420] =	vst v10  }
0x162: {  	v10 =	vld [tilespmem:s19+$0x430]  }
0x163: {  	v19 =	vld [tilespmem:s11+$0x430]  }
0x164: {  	v13 =	vmul.f32 v13, v2;
	v14 =	vmul.f32 v63, v3;
	_ =	sdelay $0x1  }
0x165: {  	v13 =	vadd.f32 v14, v13;
	v11 =	vmul.f32 v11, v4;
	v12 =	vmul.f32 v18, v5;
	_ =	sdelay $0x1  }
0x166: {  	[tilespmem:s12+$0x430] =	vst v13;
	v11 =	vadd.f32 v12, v11;
	v10 =	vmul.f32 v10, v6;
	v20 =	vmul.f32 v19, v7  }
0x167: {  	v13 =	vld [tilespmem:s8+$0x440]  }
0x168: {  	v21 =	vld [tilespmem:s9+$0x440];
	[tilespmem:s1+$0x430] =	vst v11;
	v10 =	vadd.f32 v20, v10  }
0x169: {  	v11 =	vld [tilespmem:s10+$0x440]  }
0x16a: {  	v22 =	vld [tilespmem:s18+$0x440];
	[tilespmem:s13+$0x430] =	vst v10  }
0x16b: {  	v10 =	vld [tilespmem:s19+$0x440]  }
0x16c: {  	v23 =	vld [tilespmem:s11+$0x440]  }
0x16d: {  	v13 =	vmul.f32 v13, v2;
	v14 =	vmul.f32 v21, v3;
	_ =	sdelay $0x1  }
0x16e: {  	v13 =	vadd.f32 v14, v13;
	v11 =	vmul.f32 v11, v4;
	v12 =	vmul.f32 v22, v5;
	_ =	sdelay $0x1  }
0x16f: {  	[tilespmem:s12+$0x440] =	vst v13;
	v11 =	vadd.f32 v12, v11;
	v10 =	vmul.f32 v10, v6;
	v24 =	vmul.f32 v23, v7  }
0x170: {  	v13 =	vld [tilespmem:s8+$0x450]  }
0x171: {  	v25 =	vld [tilespmem:s9+$0x450];
	[tilespmem:s1+$0x440] =	vst v11;
	v10 =	vadd.f32 v24, v10  }
0x172: {  	v11 =	vld [tilespmem:s10+$0x450]  }
0x173: {  	v26 =	vld [tilespmem:s18+$0x450];
	[tilespmem:s13+$0x440] =	vst v10  }
0x174: {  	v10 =	vld [tilespmem:s19+$0x450]  }
0x175: {  	v27 =	vld [tilespmem:s11+$0x450]  }
0x176: {  	v13 =	vmul.f32 v13, v2;
	v14 =	vmul.f32 v25, v3;
	_ =	sdelay $0x1  }
0x177: {  	v13 =	vadd.f32 v14, v13;
	v11 =	vmul.f32 v11, v4;
	v12 =	vmul.f32 v26, v5;
	_ =	sdelay $0x1  }
0x178: {  	[tilespmem:s12+$0x450] =	vst v13;
	v11 =	vadd.f32 v12, v11;
	v10 =	vmul.f32 v10, v6;
	v28 =	vmul.f32 v27, v7  }
0x179: {  	v13 =	vld [tilespmem:s8+$0x460]  }
0x17a: {  	v29 =	vld [tilespmem:s9+$0x460];
	[tilespmem:s1+$0x450] =	vst v11;
	v10 =	vadd.f32 v28, v10  }
0x17b: {  	v11 =	vld [tilespmem:s10+$0x460]  }
0x17c: {  	v30 =	vld [tilespmem:s18+$0x460];
	[tilespmem:s13+$0x450] =	vst v10  }
0x17d: {  	v10 =	vld [tilespmem:s19+$0x460]  }
0x17e: {  	v31 =	vld [tilespmem:s11+$0x460]  }
0x17f: {  	v13 =	vmul.f32 v13, v2;
	v14 =	vmul.f32 v29, v3;
	_ =	sdelay $0x1  }
0x180: {  	v13 =	vadd.f32 v14, v13;
	v11 =	vmul.f32 v11, v4;
	v12 =	vmul.f32 v30, v5;
	_ =	sdelay $0x1  }
0x181: {  	[tilespmem:s12+$0x460] =	vst v13;
	v11 =	vadd.f32 v12, v11;
	v10 =	vmul.f32 v10, v6;
	v32 =	vmul.f32 v31, v7  }
0x182: {  	v13 =	vld [tilespmem:s8+$0x470]  }
0x183: {  	v33 =	vld [tilespmem:s9+$0x470];
	[tilespmem:s1+$0x460] =	vst v11;
	v10 =	vadd.f32 v32, v10  }
0x184: {  	v11 =	vld [tilespmem:s10+$0x470]  }
0x185: {  	v34 =	vld [tilespmem:s18+$0x470];
	[tilespmem:s13+$0x460] =	vst v10  }
0x186: {  	v10 =	vld [tilespmem:s19+$0x470]  }
0x187: {  	v35 =	vld [tilespmem:s11+$0x470]  }
0x188: {  	v13 =	vmul.f32 v13, v2;
	v14 =	vmul.f32 v33, v3;
	_ =	sdelay $0x1  }
0x189: {  	v13 =	vadd.f32 v14, v13;
	v11 =	vmul.f32 v11, v4;
	v12 =	vmul.f32 v34, v5;
	_ =	sdelay $0x1  }
0x18a: {  	[tilespmem:s12+$0x470] =	vst v13;
	v11 =	vadd.f32 v12, v11;
	v10 =	vmul.f32 v10, v6;
	v36 =	vmul.f32 v35, v7  }
0x18b: {  	v13 =	vld [tilespmem:s8+$0x800]  }
0x18c: {  	v37 =	vld [tilespmem:s9+$0x800];
	[tilespmem:s1+$0x470] =	vst v11;
	v10 =	vadd.f32 v36, v10  }
0x18d: {  	v11 =	vld [tilespmem:s10+$0x800]  }
0x18e: {  	v38 =	vld [tilespmem:s18+$0x800];
	[tilespmem:s13+$0x470] =	vst v10  }
0x18f: {  	v10 =	vld [tilespmem:s19+$0x800]  }
0x190: {  	v39 =	vld [tilespmem:s11+$0x800]  }
0x191: {  	v13 =	vmul.f32 v13, v2;
	v14 =	vmul.f32 v37, v3;
	_ =	sdelay $0x1  }
0x192: {  	v13 =	vadd.f32 v14, v13;
	v11 =	vmul.f32 v11, v4;
	v12 =	vmul.f32 v38, v5  }
0x193: {  	s12 =	sor.u32 s17, s14  }
0x194: {  	[tilespmem:s12+$0x0] =	vst v13;
	v11 =	vadd.f32 v12, v11;
	v10 =	vmul.f32 v10, v6;
	v40 =	vmul.f32 v39, v7  }
0x195: {  	s13 =	sor.u32 s2, s14;
	v13 =	vld [tilespmem:s8+$0x810]  }
0x196: {  	v41 =	vld [tilespmem:s9+$0x810];
	[tilespmem:s13+$0x0] =	vst v11;
	v10 =	vadd.f32 v40, v10  }
0x197: {  	s14 =	sor.u32 s4, s14;
	v11 =	vld [tilespmem:s10+$0x810]  }
0x198: {  	v42 =	vld [tilespmem:s18+$0x810];
	[tilespmem:s14+$0x0] =	vst v10  }
0x199: {  	v10 =	vld [tilespmem:s19+$0x810]  }
0x19a: {  	v43 =	vld [tilespmem:s11+$0x810]  }
0x19b: {  	v13 =	vmul.f32 v13, v2;
	v14 =	vmul.f32 v41, v3;
	_ =	sdelay $0x1  }
0x19c: {  	v13 =	vadd.f32 v14, v13;
	v11 =	vmul.f32 v11, v4;
	v12 =	vmul.f32 v42, v5;
	_ =	sdelay $0x1  }
0x19d: {  	[tilespmem:s12+$0x10] =	vst v13;
	v11 =	vadd.f32 v12, v11;
	v10 =	vmul.f32 v10, v6;
	v44 =	vmul.f32 v43, v7  }
0x19e: {  	v13 =	vld [tilespmem:s8+$0x820]  }
0x19f: {  	v45 =	vld [tilespmem:s9+$0x820];
	[tilespmem:s13+$0x10] =	vst v11;
	v10 =	vadd.f32 v44, v10  }
0x1a0: {  	v11 =	vld [tilespmem:s10+$0x820]  }
0x1a1: {  	v46 =	vld [tilespmem:s18+$0x820];
	[tilespmem:s14+$0x10] =	vst v10  }
0x1a2: {  	v10 =	vld [tilespmem:s19+$0x820]  }
0x1a3: {  	v47 =	vld [tilespmem:s11+$0x820]  }
0x1a4: {  	v13 =	vmul.f32 v13, v2;
	v14 =	vmul.f32 v45, v3;
	_ =	sdelay $0x1  }
0x1a5: {  	v13 =	vadd.f32 v14, v13;
	v11 =	vmul.f32 v11, v4;
	v12 =	vmul.f32 v46, v5;
	_ =	sdelay $0x1  }
0x1a6: {  	[tilespmem:s12+$0x20] =	vst v13;
	v11 =	vadd.f32 v12, v11;
	v10 =	vmul.f32 v10, v6;
	v48 =	vmul.f32 v47, v7  }
0x1a7: {  	v13 =	vld [tilespmem:s8+$0x830]  }
0x1a8: {  	v49 =	vld [tilespmem:s9+$0x830];
	[tilespmem:s13+$0x20] =	vst v11;
	v10 =	vadd.f32 v48, v10  }
0x1a9: {  	v11 =	vld [tilespmem:s10+$0x830]  }
0x1aa: {  	v50 =	vld [tilespmem:s18+$0x830];
	[tilespmem:s14+$0x20] =	vst v10  }
0x1ab: {  	v10 =	vld [tilespmem:s19+$0x830]  }
0x1ac: {  	v51 =	vld [tilespmem:s11+$0x830]  }
0x1ad: {  	v13 =	vmul.f32 v13, v2;
	v14 =	vmul.f32 v49, v3;
	_ =	sdelay $0x1  }
0x1ae: {  	v13 =	vadd.f32 v14, v13;
	v11 =	vmul.f32 v11, v4;
	v12 =	vmul.f32 v50, v5;
	_ =	sdelay $0x1  }
0x1af: {  	[tilespmem:s12+$0x30] =	vst v13;
	v11 =	vadd.f32 v12, v11;
	v10 =	vmul.f32 v10, v6;
	v52 =	vmul.f32 v51, v7  }
0x1b0: {  	v13 =	vld [tilespmem:s8+$0x840]  }
0x1b1: {  	v53 =	vld [tilespmem:s9+$0x840];
	[tilespmem:s13+$0x30] =	vst v11;
	v10 =	vadd.f32 v52, v10  }
0x1b2: {  	v11 =	vld [tilespmem:s10+$0x840]  }
0x1b3: {  	v54 =	vld [tilespmem:s18+$0x840];
	[tilespmem:s14+$0x30] =	vst v10  }
0x1b4: {  	v10 =	vld [tilespmem:s19+$0x840]  }
0x1b5: {  	v55 =	vld [tilespmem:s11+$0x840]  }
0x1b6: {  	v13 =	vmul.f32 v13, v2;
	v14 =	vmul.f32 v53, v3;
	_ =	sdelay $0x1  }
0x1b7: {  	v13 =	vadd.f32 v14, v13;
	v11 =	vmul.f32 v11, v4;
	v12 =	vmul.f32 v54, v5;
	_ =	sdelay $0x1  }
0x1b8: {  	[tilespmem:s12+$0x40] =	vst v13;
	v11 =	vadd.f32 v12, v11;
	v10 =	vmul.f32 v10, v6;
	v56 =	vmul.f32 v55, v7  }
0x1b9: {  	v13 =	vld [tilespmem:s8+$0x850]  }
0x1ba: {  	v57 =	vld [tilespmem:s9+$0x850];
	[tilespmem:s13+$0x40] =	vst v11;
	v10 =	vadd.f32 v56, v10  }
0x1bb: {  	v11 =	vld [tilespmem:s10+$0x850]  }
0x1bc: {  	v58 =	vld [tilespmem:s18+$0x850];
	[tilespmem:s14+$0x40] =	vst v10  }
0x1bd: {  	v10 =	vld [tilespmem:s19+$0x850]  }
0x1be: {  	v59 =	vld [tilespmem:s11+$0x850]  }
0x1bf: {  	v13 =	vmul.f32 v13, v2;
	v14 =	vmul.f32 v57, v3;
	_ =	sdelay $0x1  }
0x1c0: {  	v13 =	vadd.f32 v14, v13;
	v11 =	vmul.f32 v11, v4;
	v12 =	vmul.f32 v58, v5;
	_ =	sdelay $0x1  }
0x1c1: {  	[tilespmem:s12+$0x50] =	vst v13;
	v11 =	vadd.f32 v12, v11;
	v10 =	vmul.f32 v10, v6;
	v60 =	vmul.f32 v59, v7  }
0x1c2: {  	v13 =	vld [tilespmem:s8+$0x860]  }
0x1c3: {  	v61 =	vld [tilespmem:s9+$0x860];
	[tilespmem:s13+$0x50] =	vst v11;
	v10 =	vadd.f32 v60, v10  }
0x1c4: {  	v11 =	vld [tilespmem:s10+$0x860]  }
0x1c5: {  	v62 =	vld [tilespmem:s18+$0x860];
	[tilespmem:s14+$0x50] =	vst v10  }
0x1c6: {  	v10 =	vld [tilespmem:s19+$0x860]  }
0x1c7: {  	v63 =	vld [tilespmem:s11+$0x860]  }
0x1c8: {  	v13 =	vmul.f32 v13, v2;
	v14 =	vmul.f32 v61, v3;
	_ =	sdelay $0x1  }
0x1c9: {  	v13 =	vadd.f32 v14, v13;
	v11 =	vmul.f32 v11, v4;
	v12 =	vmul.f32 v62, v5;
	_ =	sdelay $0x1  }
0x1ca: {  	[tilespmem:s12+$0x60] =	vst v13;
	v11 =	vadd.f32 v12, v11;
	v10 =	vmul.f32 v10, v6;
	v18 =	vmul.f32 v63, v7  }
0x1cb: {  	v13 =	vld [tilespmem:s8+$0x870]  }
0x1cc: {  	v19 =	vld [tilespmem:s9+$0x870];
	[tilespmem:s13+$0x60] =	vst v11;
	v10 =	vadd.f32 v18, v10  }
0x1cd: {  	v11 =	vld [tilespmem:s10+$0x870]  }
0x1ce: {  	v20 =	vld [tilespmem:s18+$0x870];
	[tilespmem:s14+$0x60] =	vst v10  }
0x1cf: {  	v10 =	vld [tilespmem:s19+$0x870]  }
0x1d0: {  	v21 =	vld [tilespmem:s11+$0x870]  }
0x1d1: {  	v13 =	vmul.f32 v13, v2;
	v14 =	vmul.f32 v19, v3;
	_ =	sdelay $0x1  }
0x1d2: {  	v13 =	vadd.f32 v14, v13;
	v11 =	vmul.f32 v11, v4;
	v12 =	vmul.f32 v20, v5;
	_ =	sdelay $0x1  }
0x1d3: {  	[tilespmem:s12+$0x70] =	vst v13;
	v11 =	vadd.f32 v12, v11;
	v10 =	vmul.f32 v10, v6;
	v22 =	vmul.f32 v21, v7  }
0x1d4: {  	v13 =	vld [tilespmem:s8+$0xC00]  }
0x1d5: {  	v23 =	vld [tilespmem:s9+$0xC00];
	[tilespmem:s13+$0x70] =	vst v11;
	v10 =	vadd.f32 v22, v10  }
0x1d6: {  	v11 =	vld [tilespmem:s10+$0xC00]  }
0x1d7: {  	v24 =	vld [tilespmem:s18+$0xC00];
	[tilespmem:s14+$0x70] =	vst v10  }
0x1d8: {  	v10 =	vld [tilespmem:s19+$0xC00]  }
0x1d9: {  	v25 =	vld [tilespmem:s11+$0xC00]  }
0x1da: {  	v13 =	vmul.f32 v13, v2;
	v14 =	vmul.f32 v23, v3;
	_ =	sdelay $0x1  }
0x1db: {  	v13 =	vadd.f32 v14, v13;
	v11 =	vmul.f32 v11, v4;
	v12 =	vmul.f32 v24, v5  }
0x1dc: {  	s13 =	sor.u32 s17, s30  }
0x1dd: {  	[tilespmem:s13+$0x0] =	vst v13;
	v11 =	vadd.f32 v12, v11;
	v10 =	vmul.f32 v10, v6;
	v26 =	vmul.f32 v25, v7  }
0x1de: {  	s14 =	sor.u32 s2, s30;
	v13 =	vld [tilespmem:s8+$0xC10]  }
0x1df: {  	v27 =	vld [tilespmem:s9+$0xC10];
	[tilespmem:s14+$0x0] =	vst v11;
	v10 =	vadd.f32 v26, v10  }
0x1e0: {  	s30 =	sor.u32 s4, s30;
	v11 =	vld [tilespmem:s10+$0xC10]  }
0x1e1: {  	v28 =	vld [tilespmem:s18+$0xC10];
	[tilespmem:s30+$0x0] =	vst v10  }
0x1e2: {  	v10 =	vld [tilespmem:s19+$0xC10]  }
0x1e3: {  	v29 =	vld [tilespmem:s11+$0xC10]  }
0x1e4: {  	v13 =	vmul.f32 v13, v2;
	v14 =	vmul.f32 v27, v3;
	_ =	sdelay $0x1  }
0x1e5: {  	v13 =	vadd.f32 v14, v13;
	v11 =	vmul.f32 v11, v4;
	v12 =	vmul.f32 v28, v5;
	_ =	sdelay $0x1  }
0x1e6: {  	[tilespmem:s13+$0x10] =	vst v13;
	v11 =	vadd.f32 v12, v11;
	v10 =	vmul.f32 v10, v6;
	v30 =	vmul.f32 v29, v7  }
0x1e7: {  	v13 =	vld [tilespmem:s8+$0xC20]  }
0x1e8: {  	v31 =	vld [tilespmem:s9+$0xC20];
	[tilespmem:s14+$0x10] =	vst v11;
	v10 =	vadd.f32 v30, v10  }
0x1e9: {  	v11 =	vld [tilespmem:s10+$0xC20]  }
0x1ea: {  	v32 =	vld [tilespmem:s18+$0xC20];
	[tilespmem:s30+$0x10] =	vst v10  }
0x1eb: {  	v10 =	vld [tilespmem:s19+$0xC20]  }
0x1ec: {  	v33 =	vld [tilespmem:s11+$0xC20]  }
0x1ed: {  	v13 =	vmul.f32 v13, v2;
	v14 =	vmul.f32 v31, v3;
	_ =	sdelay $0x1  }
0x1ee: {  	v13 =	vadd.f32 v14, v13;
	v11 =	vmul.f32 v11, v4;
	v12 =	vmul.f32 v32, v5;
	_ =	sdelay $0x1  }
0x1ef: {  	[tilespmem:s13+$0x20] =	vst v13;
	v11 =	vadd.f32 v12, v11;
	v10 =	vmul.f32 v10, v6;
	v34 =	vmul.f32 v33, v7  }
0x1f0: {  	v13 =	vld [tilespmem:s8+$0xC30]  }
0x1f1: {  	v35 =	vld [tilespmem:s9+$0xC30];
	[tilespmem:s14+$0x20] =	vst v11;
	v10 =	vadd.f32 v34, v10  }
0x1f2: {  	v11 =	vld [tilespmem:s10+$0xC30]  }
0x1f3: {  	v36 =	vld [tilespmem:s18+$0xC30];
	[tilespmem:s30+$0x20] =	vst v10  }
0x1f4: {  	v10 =	vld [tilespmem:s19+$0xC30]  }
0x1f5: {  	v37 =	vld [tilespmem:s11+$0xC30]  }
0x1f6: {  	v13 =	vmul.f32 v13, v2;
	v14 =	vmul.f32 v35, v3;
	_ =	sdelay $0x1  }
0x1f7: {  	v13 =	vadd.f32 v14, v13;
	v11 =	vmul.f32 v11, v4;
	v12 =	vmul.f32 v36, v5;
	_ =	sdelay $0x1  }
0x1f8: {  	[tilespmem:s13+$0x30] =	vst v13;
	v11 =	vadd.f32 v12, v11;
	v10 =	vmul.f32 v10, v6;
	v38 =	vmul.f32 v37, v7  }
0x1f9: {  	v13 =	vld [tilespmem:s8+$0xC40]  }
0x1fa: {  	v39 =	vld [tilespmem:s9+$0xC40];
	[tilespmem:s14+$0x30] =	vst v11;
	v10 =	vadd.f32 v38, v10  }
0x1fb: {  	v11 =	vld [tilespmem:s10+$0xC40]  }
0x1fc: {  	v40 =	vld [tilespmem:s18+$0xC40];
	[tilespmem:s30+$0x30] =	vst v10  }
0x1fd: {  	v10 =	vld [tilespmem:s19+$0xC40]  }
0x1fe: {  	v41 =	vld [tilespmem:s11+$0xC40]  }
0x1ff: {  	v13 =	vmul.f32 v13, v2;
	v14 =	vmul.f32 v39, v3;
	_ =	sdelay $0x1  }
0x200: {  	v13 =	vadd.f32 v14, v13;
	v11 =	vmul.f32 v11, v4;
	v12 =	vmul.f32 v40, v5;
	_ =	sdelay $0x1  }
0x201: {  	[tilespmem:s13+$0x40] =	vst v13;
	v11 =	vadd.f32 v12, v11;
	v10 =	vmul.f32 v10, v6;
	v42 =	vmul.f32 v41, v7  }
0x202: {  	v13 =	vld [tilespmem:s8+$0xC50]  }
0x203: {  	v43 =	vld [tilespmem:s9+$0xC50];
	[tilespmem:s14+$0x40] =	vst v11;
	v10 =	vadd.f32 v42, v10  }
0x204: {  	v11 =	vld [tilespmem:s10+$0xC50]  }
0x205: {  	v44 =	vld [tilespmem:s18+$0xC50];
	[tilespmem:s30+$0x40] =	vst v10  }
0x206: {  	v10 =	vld [tilespmem:s19+$0xC50]  }
0x207: {  	v45 =	vld [tilespmem:s11+$0xC50]  }
0x208: {  	v13 =	vmul.f32 v13, v2;
	v14 =	vmul.f32 v43, v3;
	_ =	sdelay $0x1  }
0x209: {  	v13 =	vadd.f32 v14, v13;
	v11 =	vmul.f32 v11, v4;
	v12 =	vmul.f32 v44, v5;
	_ =	sdelay $0x1  }
0x20a: {  	[tilespmem:s13+$0x50] =	vst v13;
	v11 =	vadd.f32 v12, v11;
	v10 =	vmul.f32 v10, v6;
	v46 =	vmul.f32 v45, v7  }
0x20b: {  	v13 =	vld [tilespmem:s8+$0xC60]  }
0x20c: {  	v47 =	vld [tilespmem:s9+$0xC60];
	[tilespmem:s14+$0x50] =	vst v11;
	v10 =	vadd.f32 v46, v10  }
0x20d: {  	v11 =	vld [tilespmem:s10+$0xC60]  }
0x20e: {  	v48 =	vld [tilespmem:s18+$0xC60];
	[tilespmem:s30+$0x50] =	vst v10  }
0x20f: {  	v10 =	vld [tilespmem:s19+$0xC60]  }
0x210: {  	v49 =	vld [tilespmem:s11+$0xC60]  }
0x211: {  	v13 =	vmul.f32 v13, v2;
	v14 =	vmul.f32 v47, v3;
	_ =	sdelay $0x1  }
0x212: {  	v13 =	vadd.f32 v14, v13;
	v11 =	vmul.f32 v11, v4;
	v12 =	vmul.f32 v48, v5;
	_ =	sdelay $0x1  }
0x213: {  	[tilespmem:s13+$0x60] =	vst v13;
	v11 =	vadd.f32 v12, v11;
	v10 =	vmul.f32 v10, v6;
	v50 =	vmul.f32 v49, v7  }
0x214: {  	v13 =	vld [tilespmem:s8+$0xC70]  }
0x215: {  	v51 =	vld [tilespmem:s9+$0xC70];
	[tilespmem:s14+$0x60] =	vst v11;
	v10 =	vadd.f32 v50, v10  }
0x216: {  	v11 =	vld [tilespmem:s10+$0xC70]  }
0x217: {  	v52 =	vld [tilespmem:s18+$0xC70];
	[tilespmem:s30+$0x60] =	vst v10  }
0x218: {  	v10 =	vld [tilespmem:s19+$0xC70]  }
0x219: {  	v53 =	vld [tilespmem:s11+$0xC70]  }
0x21a: {  	v13 =	vmul.f32 v13, v2;
	v14 =	vmul.f32 v51, v3;
	_ =	sdelay $0x1  }
0x21b: {  	v13 =	vadd.f32 v14, v13;
	v11 =	vmul.f32 v11, v4;
	v12 =	vmul.f32 v52, v5;
	_ =	sdelay $0x1  }
0x21c: {  	[tilespmem:s13+$0x70] =	vst v13;
	v11 =	vadd.f32 v12, v11;
	v10 =	vmul.f32 v10, v6;
	v54 =	vmul.f32 v53, v7  }
0x21d: {  	v13 =	vld [tilespmem:s8+$0x1000]  }
0x21e: {  	v55 =	vld [tilespmem:s9+$0x1000];
	[tilespmem:s14+$0x70] =	vst v11;
	v10 =	vadd.f32 v54, v10  }
0x21f: {  	v11 =	vld [tilespmem:s10+$0x1000]  }
0x220: {  	v56 =	vld [tilespmem:s18+$0x1000];
	[tilespmem:s30+$0x70] =	vst v10  }
0x221: {  	v10 =	vld [tilespmem:s19+$0x1000]  }
0x222: {  	v57 =	vld [tilespmem:s11+$0x1000]  }
0x223: {  	v13 =	vmul.f32 v13, v2;
	v14 =	vmul.f32 v55, v3;
	_ =	sdelay $0x1  }
0x224: {  	v13 =	vadd.f32 v14, v13;
	v11 =	vmul.f32 v11, v4;
	v12 =	vmul.f32 v56, v5  }
0x225: {  	s13 =	sor.u32 s17, s3  }
0x226: {  	[tilespmem:s13+$0x0] =	vst v13;
	v11 =	vadd.f32 v12, v11;
	v10 =	vmul.f32 v10, v6;
	v58 =	vmul.f32 v57, v7  }
0x227: {  	s14 =	sor.u32 s2, s3;
	v13 =	vld [tilespmem:s8+$0x1010]  }
0x228: {  	v59 =	vld [tilespmem:s9+$0x1010];
	[tilespmem:s14+$0x0] =	vst v11;
	v10 =	vadd.f32 v58, v10  }
0x229: {  	s3 =	sor.u32 s4, s3;
	v11 =	vld [tilespmem:s10+$0x1010]  }
0x22a: {  	v60 =	vld [tilespmem:s18+$0x1010];
	[tilespmem:s3+$0x0] =	vst v10  }
0x22b: {  	v8 =	vmul.f32 v8, v0;
	v9 =	vmul.f32 v9, v1;
	v10 =	vld [tilespmem:s19+$0x1010]  }
0x22c: {  	v61 =	vld [tilespmem:s11+$0x1010]  }
0x22d: {  	v8 =	vadd.f32 v9, v8;
	v62 =	vmul.f32 v13, v2;
	v63 =	vmul.f32 v59, v3;
	_ =	sdelay $0x1  }
0x22e: {  	[tilespmem:s16+$0x10] =	vst v8;
	v16 =	vadd.f32 v63, v62;
	v17 =	vmul.f32 v11, v4;
	v18 =	vmul.f32 v60, v5  }
0x22f: {  	v19 =	vld [tilespmem:s15+$0x1020]  }
0x230: {  	v20 =	vld [tilespmem:s5+$0x1020];
	[tilespmem:s13+$0x10] =	vst v16;
	v21 =	vadd.f32 v18, v17;
	v22 =	vmul.f32 v10, v6;
	v23 =	vmul.f32 v61, v7  }
0x231: {  	v24 =	vld [tilespmem:s8+$0x1020]  }
0x232: {  	v25 =	vld [tilespmem:s9+$0x1020];
	[tilespmem:s14+$0x10] =	vst v21;
	v26 =	vadd.f32 v23, v22  }
0x233: {  	v27 =	vld [tilespmem:s10+$0x1020]  }
0x234: {  	v28 =	vld [tilespmem:s18+$0x1020];
	[tilespmem:s3+$0x10] =	vst v26  }
0x235: {  	v29 =	vmul.f32 v19, v0;
	v30 =	vmul.f32 v20, v1;
	v31 =	vld [tilespmem:s19+$0x1020]  }
0x236: {  	v32 =	vld [tilespmem:s11+$0x1020]  }
0x237: {  	v8 =	vadd.f32 v30, v29;
	v11 =	vmul.f32 v24, v2;
	v33 =	vmul.f32 v25, v3;
	_ =	sdelay $0x1  }
0x238: {  	[tilespmem:s16+$0x20] =	vst v8;
	v34 =	vadd.f32 v33, v11;
	v9 =	vmul.f32 v27, v4;
	v10 =	vmul.f32 v28, v5  }
0x239: {  	v35 =	vld [tilespmem:s15+$0x1030]  }
0x23a: {  	v36 =	vld [tilespmem:s5+$0x1030];
	[tilespmem:s13+$0x20] =	vst v34;
	v37 =	vadd.f32 v10, v9;
	v38 =	vmul.f32 v31, v6;
	v39 =	vmul.f32 v32, v7  }
0x23b: {  	v40 =	vld [tilespmem:s8+$0x1030]  }
0x23c: {  	v41 =	vld [tilespmem:s9+$0x1030];
	[tilespmem:s14+$0x20] =	vst v37;
	v42 =	vadd.f32 v39, v38  }
0x23d: {  	v43 =	vld [tilespmem:s10+$0x1030]  }
0x23e: {  	v44 =	vld [tilespmem:s18+$0x1030];
	[tilespmem:s3+$0x20] =	vst v42  }
0x23f: {  	v45 =	vmul.f32 v35, v0;
	v46 =	vmul.f32 v36, v1;
	v47 =	vld [tilespmem:s19+$0x1030]  }
0x240: {  	v48 =	vld [tilespmem:s11+$0x1030]  }
0x241: {  	v8 =	vadd.f32 v46, v45;
	v49 =	vmul.f32 v40, v2;
	v50 =	vmul.f32 v41, v3;
	_ =	sdelay $0x1  }
0x242: {  	[tilespmem:s16+$0x30] =	vst v8;
	v51 =	vadd.f32 v50, v49;
	v9 =	vmul.f32 v43, v4;
	v10 =	vmul.f32 v44, v5  }
0x243: {  	v52 =	vld [tilespmem:s15+$0x1040]  }
0x244: {  	v53 =	vld [tilespmem:s5+$0x1040];
	[tilespmem:s13+$0x30] =	vst v51;
	v54 =	vadd.f32 v10, v9;
	v55 =	vmul.f32 v47, v6;
	v56 =	vmul.f32 v48, v7  }
0x245: {  	v57 =	vld [tilespmem:s8+$0x1040]  }
0x246: {  	v58 =	vld [tilespmem:s9+$0x1040];
	[tilespmem:s14+$0x30] =	vst v54;
	v59 =	vadd.f32 v56, v55  }
0x247: {  	v60 =	vld [tilespmem:s10+$0x1040]  }
0x248: {  	v61 =	vld [tilespmem:s18+$0x1040];
	[tilespmem:s3+$0x30] =	vst v59  }
0x249: {  	v62 =	vmul.f32 v52, v0;
	v63 =	vmul.f32 v53, v1;
	v18 =	vld [tilespmem:s19+$0x1040]  }
0x24a: {  	v19 =	vld [tilespmem:s11+$0x1040]  }
0x24b: {  	v8 =	vadd.f32 v63, v62;
	v20 =	vmul.f32 v57, v2;
	v21 =	vmul.f32 v58, v3;
	_ =	sdelay $0x1  }
0x24c: {  	[tilespmem:s16+$0x40] =	vst v8;
	v22 =	vadd.f32 v21, v20;
	v9 =	vmul.f32 v60, v4;
	v10 =	vmul.f32 v61, v5  }
0x24d: {  	v23 =	vld [tilespmem:s15+$0x1050]  }
0x24e: {  	v24 =	vld [tilespmem:s5+$0x1050];
	[tilespmem:s13+$0x40] =	vst v22;
	v25 =	vadd.f32 v10, v9;
	v26 =	vmul.f32 v18, v6;
	v27 =	vmul.f32 v19, v7  }
0x24f: {  	v28 =	vld [tilespmem:s8+$0x1050]  }
0x250: {  	v29 =	vld [tilespmem:s9+$0x1050];
	[tilespmem:s14+$0x40] =	vst v25;
	v30 =	vadd.f32 v27, v26  }
0x251: {  	v31 =	vld [tilespmem:s10+$0x1050]  }
0x252: {  	v32 =	vld [tilespmem:s18+$0x1050];
	[tilespmem:s3+$0x40] =	vst v30  }
0x253: {  	v33 =	vmul.f32 v23, v0;
	v34 =	vmul.f32 v24, v1;
	v35 =	vld [tilespmem:s19+$0x1050]  }
0x254: {  	v36 =	vld [tilespmem:s11+$0x1050]  }
0x255: {  	v8 =	vadd.f32 v34, v33;
	v37 =	vmul.f32 v28, v2;
	v38 =	vmul.f32 v29, v3;
	_ =	sdelay $0x1  }
0x256: {  	[tilespmem:s16+$0x50] =	vst v8;
	v39 =	vadd.f32 v38, v37;
	v9 =	vmul.f32 v31, v4;
	v10 =	vmul.f32 v32, v5  }
0x257: {  	v40 =	vld [tilespmem:s15+$0x1060]  }
0x258: {  	v41 =	vld [tilespmem:s5+$0x1060];
	[tilespmem:s13+$0x50] =	vst v39;
	v42 =	vadd.f32 v10, v9;
	v43 =	vmul.f32 v35, v6;
	v44 =	vmul.f32 v36, v7  }
0x259: {  	v45 =	vld [tilespmem:s8+$0x1060]  }
0x25a: {  	v46 =	vld [tilespmem:s9+$0x1060];
	[tilespmem:s14+$0x50] =	vst v42;
	v47 =	vadd.f32 v44, v43  }
0x25b: {  	v48 =	vld [tilespmem:s10+$0x1060]  }
0x25c: {  	v49 =	vld [tilespmem:s18+$0x1060];
	[tilespmem:s3+$0x50] =	vst v47  }
0x25d: {  	v50 =	vmul.f32 v40, v0;
	v51 =	vmul.f32 v41, v1;
	v52 =	vld [tilespmem:s19+$0x1060]  }
0x25e: {  	v53 =	vld [tilespmem:s11+$0x1060]  }
0x25f: {  	v8 =	vadd.f32 v51, v50;
	v54 =	vmul.f32 v45, v2;
	v55 =	vmul.f32 v46, v3;
	_ =	sdelay $0x1  }
0x260: {  	[tilespmem:s16+$0x60] =	vst v8;
	v56 =	vadd.f32 v55, v54;
	v9 =	vmul.f32 v48, v4;
	v10 =	vmul.f32 v49, v5  }
0x261: {  	v57 =	vld [tilespmem:s15+$0x1070]  }
0x262: {  	v58 =	vld [tilespmem:s5+$0x1070];
	[tilespmem:s13+$0x60] =	vst v56;
	v59 =	vadd.f32 v10, v9;
	v60 =	vmul.f32 v52, v6;
	v61 =	vmul.f32 v53, v7  }
0x263: {  	v62 =	vld [tilespmem:s8+$0x1070]  }
0x264: {  	v63 =	vld [tilespmem:s9+$0x1070];
	[tilespmem:s14+$0x60] =	vst v59;
	v17 =	vadd.f32 v61, v60  }
0x265: {  	v18 =	vld [tilespmem:s10+$0x1070]  }
0x266: {  	v19 =	vld [tilespmem:s18+$0x1070];
	[tilespmem:s3+$0x60] =	vst v17  }
0x267: {  	v20 =	vmul.f32 v57, v0;
	v21 =	vmul.f32 v58, v1;
	v22 =	vld [tilespmem:s19+$0x1070]  }
0x268: {  	v23 =	vld [tilespmem:s11+$0x1070]  }
0x269: {  	v8 =	vadd.f32 v21, v20;
	v24 =	vmul.f32 v62, v2;
	v25 =	vmul.f32 v63, v3;
	_ =	sdelay $0x1  }
0x26a: {  	[tilespmem:s16+$0x70] =	vst v8;
	v26 =	vadd.f32 v25, v24;
	v9 =	vmul.f32 v18, v4;
	v10 =	vmul.f32 v19, v5  }
0x26b: {  	v27 =	vld [tilespmem:s15+$0x1400]  }
0x26c: {  	v28 =	vld [tilespmem:s5+$0x1400];
	[tilespmem:s13+$0x70] =	vst v26;
	v9 =	vadd.f32 v10, v9;
	v29 =	vmul.f32 v22, v6;
	v30 =	vmul.f32 v23, v7  }
0x26d: {  	v31 =	vld [tilespmem:s8+$0x1400]  }
0x26e: {  	v32 =	vld [tilespmem:s9+$0x1400];
	[tilespmem:s14+$0x70] =	vst v9;
	v10 =	vadd.f32 v30, v29  }
0x26f: {  	v33 =	vld [tilespmem:s10+$0x1400]  }
0x270: {  	v34 =	vld [tilespmem:s18+$0x1400];
	[tilespmem:s3+$0x70] =	vst v10  }
0x271: {  	v11 =	vmul.f32 v27, v0;
	v8 =	vmul.f32 v28, v1;
	v35 =	vld [tilespmem:s19+$0x1400]  }
0x272: {  	v36 =	vld [tilespmem:s11+$0x1400]  }
0x273: {  	s7 =	sadd.s32 $0x4400, s7;
	v8 =	vadd.f32 v8, v11;
	v37 =	vmul.f32 v31, v2;
	v9 =	vmul.f32 v32, v3  }
0x274: {  	s16 =	sor.u32 s6, s7  }
0x275: {  	[tilespmem:s16+$0x0] =	vst v8;
	v38 =	vadd.f32 v9, v37;
	v39 =	vmul.f32 v33, v4;
	v10 =	vmul.f32 v34, v5  }
0x276: {  	s30 =	sor.u32 s17, s7;
	v40 =	vld [tilespmem:s15+$0x1410]  }
0x277: {  	v41 =	vld [tilespmem:s5+$0x1410];
	[tilespmem:s30+$0x0] =	vst v38;
	v42 =	vadd.f32 v10, v39;
	v43 =	vmul.f32 v35, v6;
	v44 =	vmul.f32 v36, v7  }
0x278: {  	s2 =	sor.u32 s2, s7;
	v45 =	vld [tilespmem:s8+$0x1410]  }
0x279: {  	v46 =	vld [tilespmem:s9+$0x1410];
	[tilespmem:s2+$0x0] =	vst v42;
	v47 =	vadd.f32 v44, v43  }
0x27a: {  	s4 =	sor.u32 s4, s7;
	v48 =	vld [tilespmem:s10+$0x1410]  }
0x27b: {  	v49 =	vld [tilespmem:s18+$0x1410];
	[tilespmem:s4+$0x0] =	vst v47  }
0x27c: {  	v50 =	vmul.f32 v40, v0;
	v51 =	vmul.f32 v41, v1;
	v52 =	vld [tilespmem:s19+$0x1410]  }
0x27d: {  	v53 =	vld [tilespmem:s11+$0x1410]  }
0x27e: {  	v8 =	vadd.f32 v51, v50;
	v54 =	vmul.f32 v45, v2;
	v55 =	vmul.f32 v46, v3;
	_ =	sdelay $0x1  }
0x27f: {  	[tilespmem:s16+$0x10] =	vst v8;
	v56 =	vadd.f32 v55, v54;
	v9 =	vmul.f32 v48, v4;
	v10 =	vmul.f32 v49, v5  }
0x280: {  	v57 =	vld [tilespmem:s15+$0x1420]  }
0x281: {  	v58 =	vld [tilespmem:s5+$0x1420];
	[tilespmem:s30+$0x10] =	vst v56;
	v59 =	vadd.f32 v10, v9;
	v60 =	vmul.f32 v52, v6;
	v61 =	vmul.f32 v53, v7  }
0x282: {  	v62 =	vld [tilespmem:s8+$0x1420]  }
0x283: {  	v63 =	vld [tilespmem:s9+$0x1420];
	[tilespmem:s2+$0x10] =	vst v59;
	v17 =	vadd.f32 v61, v60  }
0x284: {  	v18 =	vld [tilespmem:s10+$0x1420]  }
0x285: {  	v19 =	vld [tilespmem:s18+$0x1420];
	[tilespmem:s4+$0x10] =	vst v17  }
0x286: {  	v20 =	vmul.f32 v57, v0;
	v21 =	vmul.f32 v58, v1;
	v22 =	vld [tilespmem:s19+$0x1420]  }
0x287: {  	v23 =	vld [tilespmem:s11+$0x1420]  }
0x288: {  	v8 =	vadd.f32 v21, v20;
	v24 =	vmul.f32 v62, v2;
	v25 =	vmul.f32 v63, v3;
	_ =	sdelay $0x1  }
0x289: {  	[tilespmem:s16+$0x20] =	vst v8;
	v26 =	vadd.f32 v25, v24;
	v9 =	vmul.f32 v18, v4;
	v10 =	vmul.f32 v19, v5  }
0x28a: {  	v27 =	vld [tilespmem:s15+$0x1430]  }
0x28b: {  	v28 =	vld [tilespmem:s5+$0x1430];
	[tilespmem:s30+$0x20] =	vst v26;
	v29 =	vadd.f32 v10, v9;
	v30 =	vmul.f32 v22, v6;
	v31 =	vmul.f32 v23, v7  }
0x28c: {  	v32 =	vld [tilespmem:s8+$0x1430]  }
0x28d: {  	v33 =	vld [tilespmem:s9+$0x1430];
	[tilespmem:s2+$0x20] =	vst v29;
	v34 =	vadd.f32 v31, v30  }
0x28e: {  	v35 =	vld [tilespmem:s10+$0x1430]  }
0x28f: {  	v36 =	vld [tilespmem:s18+$0x1430];
	[tilespmem:s4+$0x20] =	vst v34  }
0x290: {  	v37 =	vmul.f32 v27, v0;
	v38 =	vmul.f32 v28, v1;
	v39 =	vld [tilespmem:s19+$0x1430]  }
0x291: {  	v40 =	vld [tilespmem:s11+$0x1430]  }
0x292: {  	v8 =	vadd.f32 v38, v37;
	v41 =	vmul.f32 v32, v2;
	v42 =	vmul.f32 v33, v3;
	_ =	sdelay $0x1  }
0x293: {  	[tilespmem:s16+$0x30] =	vst v8;
	v43 =	vadd.f32 v42, v41;
	v9 =	vmul.f32 v35, v4;
	v10 =	vmul.f32 v36, v5  }
0x294: {  	v44 =	vld [tilespmem:s15+$0x1440]  }
0x295: {  	v45 =	vld [tilespmem:s5+$0x1440];
	[tilespmem:s30+$0x30] =	vst v43;
	v46 =	vadd.f32 v10, v9;
	v47 =	vmul.f32 v39, v6;
	v48 =	vmul.f32 v40, v7  }
0x296: {  	v49 =	vld [tilespmem:s8+$0x1440]  }
0x297: {  	v50 =	vld [tilespmem:s9+$0x1440];
	[tilespmem:s2+$0x30] =	vst v46;
	v51 =	vadd.f32 v48, v47  }
0x298: {  	v52 =	vld [tilespmem:s10+$0x1440]  }
0x299: {  	v53 =	vld [tilespmem:s18+$0x1440];
	[tilespmem:s4+$0x30] =	vst v51  }
0x29a: {  	v54 =	vmul.f32 v44, v0;
	v55 =	vmul.f32 v45, v1;
	v56 =	vld [tilespmem:s19+$0x1440]  }
0x29b: {  	v57 =	vld [tilespmem:s11+$0x1440]  }
0x29c: {  	v8 =	vadd.f32 v55, v54;
	v58 =	vmul.f32 v49, v2;
	v59 =	vmul.f32 v50, v3;
	_ =	sdelay $0x1  }
0x29d: {  	[tilespmem:s16+$0x40] =	vst v8;
	v60 =	vadd.f32 v59, v58;
	v9 =	vmul.f32 v52, v4;
	v10 =	vmul.f32 v53, v5  }
0x29e: {  	v61 =	vld [tilespmem:s15+$0x1450]  }
0x29f: {  	v62 =	vld [tilespmem:s5+$0x1450];
	[tilespmem:s30+$0x40] =	vst v60;
	v63 =	vadd.f32 v10, v9;
	v16 =	vmul.f32 v56, v6;
	v17 =	vmul.f32 v57, v7  }
0x2a0: {  	v18 =	vld [tilespmem:s8+$0x1450]  }
0x2a1: {  	v19 =	vld [tilespmem:s9+$0x1450];
	[tilespmem:s2+$0x40] =	vst v63;
	v20 =	vadd.f32 v17, v16  }
0x2a2: {  	v21 =	vld [tilespmem:s10+$0x1450]  }
0x2a3: {  	v22 =	vld [tilespmem:s18+$0x1450];
	[tilespmem:s4+$0x40] =	vst v20  }
0x2a4: {  	v24 =	vmul.f32 v62, v1;
	v23 =	vmul.f32 v61, v0;
	v25 =	vld [tilespmem:s19+$0x1450]  }
0x2a5: {  	v26 =	vld [tilespmem:s11+$0x1450]  }
0x2a6: {  	v8 =	vadd.f32 v24, v23;
	v27 =	vmul.f32 v18, v2;
	v28 =	vmul.f32 v19, v3;
	_ =	sdelay $0x1  }
0x2a7: {  	[tilespmem:s16+$0x50] =	vst v8;
	v29 =	vadd.f32 v28, v27;
	v9 =	vmul.f32 v21, v4;
	v10 =	vmul.f32 v22, v5  }
0x2a8: {  	v30 =	vld [tilespmem:s15+$0x1460]  }
0x2a9: {  	v31 =	vld [tilespmem:s5+$0x1460];
	[tilespmem:s30+$0x50] =	vst v29;
	v32 =	vadd.f32 v10, v9;
	v33 =	vmul.f32 v25, v6;
	v34 =	vmul.f32 v26, v7  }
0x2aa: {  	v35 =	vld [tilespmem:s8+$0x1460]  }
0x2ab: {  	v36 =	vld [tilespmem:s9+$0x1460];
	[tilespmem:s2+$0x50] =	vst v32;
	v37 =	vadd.f32 v34, v33  }
0x2ac: {  	v38 =	vld [tilespmem:s10+$0x1460]  }
0x2ad: {  	v39 =	vld [tilespmem:s18+$0x1460];
	[tilespmem:s4+$0x50] =	vst v37  }
0x2ae: {  	v40 =	vmul.f32 v30, v0;
	v41 =	vmul.f32 v31, v1;
	v42 =	vld [tilespmem:s19+$0x1460]  }
0x2af: {  	v43 =	vld [tilespmem:s11+$0x1460]  }
0x2b0: {  	v8 =	vadd.f32 v41, v40;
	v44 =	vmul.f32 v35, v2;
	v45 =	vmul.f32 v36, v3;
	_ =	sdelay $0x1  }
0x2b1: {  	[tilespmem:s16+$0x60] =	vst v8;
	v46 =	vadd.f32 v45, v44;
	v9 =	vmul.f32 v38, v4;
	v10 =	vmul.f32 v39, v5  }
0x2b2: {  	v47 =	vld [tilespmem:s15+$0x1470]  }
0x2b3: {  	v48 =	vld [tilespmem:s5+$0x1470];
	[tilespmem:s30+$0x60] =	vst v46;
	v49 =	vadd.f32 v10, v9;
	v50 =	vmul.f32 v42, v6;
	v51 =	vmul.f32 v43, v7  }
0x2b4: {  	v52 =	vld [tilespmem:s8+$0x1470]  }
0x2b5: {  	v53 =	vld [tilespmem:s9+$0x1470];
	[tilespmem:s2+$0x60] =	vst v49;
	v54 =	vadd.f32 v51, v50  }
0x2b6: {  	v55 =	vld [tilespmem:s10+$0x1470]  }
0x2b7: {  	v56 =	vld [tilespmem:s18+$0x1470];
	[tilespmem:s4+$0x60] =	vst v54  }
0x2b8: {  	v8 =	vld [tilespmem:s19+$0x1470]  }
0x2b9: {  	v57 =	vld [tilespmem:s11+$0x1470];
	_ =	sdelay $0x1  }
0x2ba: {  	v0 =	vmul.f32 v47, v0;
	v1 =	vmul.f32 v48, v1  }
0x2bb: {  	v2 =	vmul.f32 v52, v2;
	v3 =	vmul.f32 v53, v3  }
0x2bc: {  	p1 =	slt.u32 s31, $0x3C;
	v0 =	vadd.f32 v1, v0;
	v58 =	vmul.f32 v55, v4;
	v59 =	vmul.f32 v56, v5  }
.Ltmp0:
0x2bd: {  	v2 =	vadd.f32 v3, v2;
	v60 =	vmul.f32 v8, v6;
	v61 =	vmul.f32 v57, v7;
	(pc) =	sbr.rel @p1 .LBB2_3-.Ltmp0, $4  }
0x2be: {  	[tilespmem:s16+$0x70] =	vst v0;
	v62 =	vadd.f32 v59, v58  }
0x2bf: {  	[tilespmem:s30+$0x70] =	vst v2;
	v63 =	vadd.f32 v61, v60  }
0x2c0: {  	s20 =	sadd.s32 $0x4, s20;
	s21 =	sadd.s32 $0x4, s21;
	[tilespmem:s2+$0x70] =	vst v62  }
0x2c1: {  	s22 =	sadd.s32 $0x4, s22;
	s23 =	sadd.s32 $0x4, s23;
	s0 =	sadd.s32 $0x200, s0;
	[tilespmem:s4+$0x70] =	vst v63  }
0x2c2: {  	s0 =	rddreg [dreg:$0x3]  }
0x2c3: {  	s1 =	rddreg [dreg:$0x10]  }
0x2c4: {  	s0 =	sor.u32 s0, s1  }
0x2c5: {  	s0 =	sshrl.u32 s0, $0x3  }
0x2c6: {  	[dreg:$0xf] =	wrdreg s0;
	s0 =	smul.u32 $0x300, s0  }
0x2c7: {  	s23 =	rddreg [dreg:$0x1]  }
0x2c8: {  	s30 =	simm.s32 $0x0;
	s2 =	simm.s32 $0x3000;
	s0 =	sadd.s32 s23, s0  }
0x2c9: {  	[hbm4b:s0+s30] =	stream.linear.scatter [tilespmem:s2], [sflag:$0x1], $0xC000, $0x38;
	[tilespmem:$0x1C200] =	vst v63  }
0x2ca: {  	s0 =	simm.s32 @!p0 $0x1  }
0x2cb: {  	s31 =	simm.s32 $0xFFFFFFFC;
	s22 =	smov.u32 s26;
	_ =	swait.ge @!p0 [sflag:s0], $0xC000  }
0x2cc: {  	s21 =	smov.u32 s25;
	s20 =	smov.u32 s24;
	[sflag:s0] =	ssyncset.done @!p0 $0x0  }
0x2cd: {  	s23 =	smov.u32 s28;
	[sflag:s0] =	ssyncadd.s32 @!p0 $0xFFFF4000;
	s0 =	simm.s32 $0x180  }
.LBB2_5:
0x2ce: {  	v0 =	vld [tilespmem:s23+$0xFFFFFFFD]  }
0x2cf: {  	v1 =	vld [tilespmem:s22+$0xFFFFFFFD];
	_ =	sdelay $0x3  }
0x2d0: {  	(v2sf) =	vpush v0, $0x0  }
0x2d1: {  	(v2sf) =	vpush v1, $0x0;
	_ =	sdelay $0xd  }
0x2d2: {  	s1 =	spop (v2sf)  }
0x2d3: {  	s2 =	spop (v2sf);
	s3 =	sshrl.u32 s1, $0x3  }
0x2d4: {  	s3 =	smul.u32 $0x6000, s3;
	s4 =	sshrl.u32 s2, $0x3  }
0x2d5: {  	s1 =	sshll.u32 s1, $0x7;
	s4 =	smul.u32 $0x6000, s4  }
0x2d6: {  	v0 =	vld.msk [tilespmem:s21+$0xFFFFFFFD ss:$0x0], $0xffff;
	s1 =	sand.u32 $0x380, s1;
	s2 =	sshll.u32 s2, $0x7;
	s3 =	sshra.s32 s3, $0x2  }
0x2d7: {  	v1 =	vld.msk [tilespmem:s20+$0xFFFFFFFD ss:$0x0], $0xffff;
	s5 =	sand.u32 $0x380, s2;
	s15 =	sor.u32 s1, s3;
	s6 =	sshra.s32 s4, $0x2  }
0x2d8: {  	v2 =	vld [tilespmem:s15+$0x0];
	s5 =	sor.u32 s5, s6  }
0x2d9: {  	v3 =	vld [tilespmem:s5+$0x0];
	_ =	sdelay $0x1  }
0x2da: {  	s31 =	sadd.s32 $0x4, s31  }
0x2db: {  	s7 =	sshrl.u32 s31, $0x3  }
0x2dc: {  	s1 =	smul.u32 $0x6000, s7  }
0x2dd: {  	v2 =	vmul.f32 v2, v0;
	v3 =	vmul.f32 v3, v1  }
0x2de: {  	s8 =	sadd.s32 $0xFFFFFE80, s0;
	s7 =	sshra.s32 s1, $0x2  }
0x2df: {  	s6 =	sand.u32 $0x200, s8;
	s13 =	sadd.s32 $0xF000, s7;
	v2 =	vadd.f32 v3, v2  }
0x2e0: {  	s9 =	sor.u32 s6, s13  }
0x2e1: {  	[tilespmem:s9+$0x0] =	vst v2  }
0x2e2: {  	v2 =	vld [tilespmem:s15+$0x10]  }
0x2e3: {  	v27 =	vld [tilespmem:s5+$0x10];
	_ =	sdelay $0x4  }
0x2e4: {  	v2 =	vmul.f32 v2, v0;
	v3 =	vmul.f32 v27, v1;
	_ =	sdelay $0x1  }
0x2e5: {  	v2 =	vadd.f32 v3, v2;
	_ =	sdelay $0x1  }
0x2e6: {  	[tilespmem:s9+$0x10] =	vst v2  }
0x2e7: {  	v2 =	vld [tilespmem:s15+$0x20]  }
0x2e8: {  	v28 =	vld [tilespmem:s5+$0x20];
	_ =	sdelay $0x4  }
0x2e9: {  	v2 =	vmul.f32 v2, v0;
	v3 =	vmul.f32 v28, v1;
	_ =	sdelay $0x1  }
0x2ea: {  	v2 =	vadd.f32 v3, v2;
	_ =	sdelay $0x1  }
0x2eb: {  	[tilespmem:s9+$0x20] =	vst v2  }
0x2ec: {  	v2 =	vld [tilespmem:s15+$0x30]  }
0x2ed: {  	v29 =	vld [tilespmem:s5+$0x30];
	_ =	sdelay $0x4  }
0x2ee: {  	v2 =	vmul.f32 v2, v0;
	v3 =	vmul.f32 v29, v1;
	_ =	sdelay $0x1  }
0x2ef: {  	v2 =	vadd.f32 v3, v2;
	_ =	sdelay $0x1  }
0x2f0: {  	[tilespmem:s9+$0x30] =	vst v2  }
0x2f1: {  	v2 =	vld [tilespmem:s15+$0x40]  }
0x2f2: {  	v30 =	vld [tilespmem:s5+$0x40];
	_ =	sdelay $0x4  }
0x2f3: {  	v2 =	vmul.f32 v2, v0;
	v3 =	vmul.f32 v30, v1;
	_ =	sdelay $0x1  }
0x2f4: {  	v2 =	vadd.f32 v3, v2;
	_ =	sdelay $0x1  }
0x2f5: {  	[tilespmem:s9+$0x40] =	vst v2  }
0x2f6: {  	v2 =	vld [tilespmem:s15+$0x50]  }
0x2f7: {  	v31 =	vld [tilespmem:s5+$0x50];
	_ =	sdelay $0x4  }
0x2f8: {  	v2 =	vmul.f32 v2, v0;
	v3 =	vmul.f32 v31, v1;
	_ =	sdelay $0x1  }
0x2f9: {  	v2 =	vadd.f32 v3, v2;
	_ =	sdelay $0x1  }
0x2fa: {  	[tilespmem:s9+$0x50] =	vst v2  }
0x2fb: {  	v2 =	vld [tilespmem:s15+$0x60]  }
0x2fc: {  	v32 =	vld [tilespmem:s5+$0x60];
	_ =	sdelay $0x4  }
0x2fd: {  	v2 =	vmul.f32 v2, v0;
	v3 =	vmul.f32 v32, v1;
	_ =	sdelay $0x1  }
0x2fe: {  	v2 =	vadd.f32 v3, v2;
	_ =	sdelay $0x1  }
0x2ff: {  	[tilespmem:s9+$0x60] =	vst v2  }
0x300: {  	v2 =	vld [tilespmem:s15+$0x70]  }
0x301: {  	v33 =	vld [tilespmem:s5+$0x70];
	_ =	sdelay $0x4  }
0x302: {  	v2 =	vmul.f32 v2, v0;
	v3 =	vmul.f32 v33, v1;
	_ =	sdelay $0x1  }
0x303: {  	v2 =	vadd.f32 v3, v2;
	_ =	sdelay $0x1  }
0x304: {  	[tilespmem:s9+$0x70] =	vst v2  }
0x305: {  	v2 =	vld [tilespmem:s15+$0x400]  }
0x306: {  	v34 =	vld [tilespmem:s5+$0x400];
	_ =	sdelay $0x4  }
0x307: {  	v2 =	vmul.f32 v2, v0;
	v3 =	vmul.f32 v34, v1;
	_ =	sdelay $0x1  }
0x308: {  	v2 =	vadd.f32 v3, v2;
	_ =	sdelay $0x1  }
0x309: {  	[tilespmem:s9+$0x400] =	vst v2  }
0x30a: {  	v2 =	vld [tilespmem:s15+$0x410]  }
0x30b: {  	v35 =	vld [tilespmem:s5+$0x410];
	_ =	sdelay $0x4  }
0x30c: {  	v2 =	vmul.f32 v2, v0;
	v3 =	vmul.f32 v35, v1;
	_ =	sdelay $0x1  }
0x30d: {  	v2 =	vadd.f32 v3, v2;
	_ =	sdelay $0x1  }
0x30e: {  	[tilespmem:s9+$0x410] =	vst v2  }
0x30f: {  	v2 =	vld [tilespmem:s15+$0x420]  }
0x310: {  	v36 =	vld [tilespmem:s5+$0x420];
	_ =	sdelay $0x4  }
0x311: {  	v2 =	vmul.f32 v2, v0;
	v3 =	vmul.f32 v36, v1;
	_ =	sdelay $0x1  }
0x312: {  	v2 =	vadd.f32 v3, v2;
	_ =	sdelay $0x1  }
0x313: {  	[tilespmem:s9+$0x420] =	vst v2  }
0x314: {  	v2 =	vld [tilespmem:s15+$0x430]  }
0x315: {  	v37 =	vld [tilespmem:s5+$0x430];
	_ =	sdelay $0x4  }
0x316: {  	v2 =	vmul.f32 v2, v0;
	v3 =	vmul.f32 v37, v1;
	_ =	sdelay $0x1  }
0x317: {  	v2 =	vadd.f32 v3, v2;
	_ =	sdelay $0x1  }
0x318: {  	[tilespmem:s9+$0x430] =	vst v2  }
0x319: {  	v2 =	vld [tilespmem:s15+$0x440]  }
0x31a: {  	v38 =	vld [tilespmem:s5+$0x440];
	_ =	sdelay $0x4  }
0x31b: {  	v2 =	vmul.f32 v2, v0;
	v3 =	vmul.f32 v38, v1;
	_ =	sdelay $0x1  }
0x31c: {  	v2 =	vadd.f32 v3, v2;
	_ =	sdelay $0x1  }
0x31d: {  	[tilespmem:s9+$0x440] =	vst v2  }
0x31e: {  	v2 =	vld [tilespmem:s15+$0x450]  }
0x31f: {  	v39 =	vld [tilespmem:s5+$0x450];
	_ =	sdelay $0x4  }
0x320: {  	v2 =	vmul.f32 v2, v0;
	v3 =	vmul.f32 v39, v1;
	_ =	sdelay $0x1  }
0x321: {  	v2 =	vadd.f32 v3, v2;
	_ =	sdelay $0x1  }
0x322: {  	[tilespmem:s9+$0x450] =	vst v2  }
0x323: {  	v2 =	vld [tilespmem:s15+$0x460]  }
0x324: {  	v40 =	vld [tilespmem:s5+$0x460];
	_ =	sdelay $0x4  }
0x325: {  	v2 =	vmul.f32 v2, v0;
	v3 =	vmul.f32 v40, v1;
	_ =	sdelay $0x1  }
0x326: {  	v2 =	vadd.f32 v3, v2;
	_ =	sdelay $0x1  }
0x327: {  	[tilespmem:s9+$0x460] =	vst v2  }
0x328: {  	v2 =	vld [tilespmem:s15+$0x470]  }
0x329: {  	v41 =	vld [tilespmem:s5+$0x470];
	_ =	sdelay $0x4  }
0x32a: {  	v2 =	vmul.f32 v2, v0;
	v3 =	vmul.f32 v41, v1;
	_ =	sdelay $0x1  }
0x32b: {  	v2 =	vadd.f32 v3, v2;
	_ =	sdelay $0x1  }
0x32c: {  	[tilespmem:s9+$0x470] =	vst v2  }
0x32d: {  	v2 =	vld [tilespmem:s15+$0x800]  }
0x32e: {  	v42 =	vld [tilespmem:s5+$0x800];
	_ =	sdelay $0x4  }
0x32f: {  	v2 =	vmul.f32 v2, v0;
	v3 =	vmul.f32 v42, v1;
	_ =	sdelay $0x1  }
0x330: {  	s14 =	sadd.s32 $0xF800, s7;
	v2 =	vadd.f32 v3, v2  }
0x331: {  	s10 =	sor.u32 s6, s14  }
0x332: {  	[tilespmem:s10+$0x0] =	vst v2  }
0x333: {  	v2 =	vld [tilespmem:s15+$0x810]  }
0x334: {  	v43 =	vld [tilespmem:s5+$0x810];
	_ =	sdelay $0x4  }
0x335: {  	v2 =	vmul.f32 v2, v0;
	v3 =	vmul.f32 v43, v1;
	_ =	sdelay $0x1  }
0x336: {  	v2 =	vadd.f32 v3, v2;
	_ =	sdelay $0x1  }
0x337: {  	[tilespmem:s10+$0x10] =	vst v2  }
0x338: {  	v2 =	vld [tilespmem:s15+$0x820]  }
0x339: {  	v44 =	vld [tilespmem:s5+$0x820];
	_ =	sdelay $0x4  }
0x33a: {  	v2 =	vmul.f32 v2, v0;
	v3 =	vmul.f32 v44, v1;
	_ =	sdelay $0x1  }
0x33b: {  	v2 =	vadd.f32 v3, v2;
	_ =	sdelay $0x1  }
0x33c: {  	[tilespmem:s10+$0x20] =	vst v2  }
0x33d: {  	v2 =	vld [tilespmem:s15+$0x830]  }
0x33e: {  	v45 =	vld [tilespmem:s5+$0x830];
	_ =	sdelay $0x4  }
0x33f: {  	v2 =	vmul.f32 v2, v0;
	v3 =	vmul.f32 v45, v1;
	_ =	sdelay $0x1  }
0x340: {  	v2 =	vadd.f32 v3, v2;
	_ =	sdelay $0x1  }
0x341: {  	[tilespmem:s10+$0x30] =	vst v2  }
0x342: {  	v2 =	vld [tilespmem:s15+$0x840]  }
0x343: {  	v46 =	vld [tilespmem:s5+$0x840];
	_ =	sdelay $0x4  }
0x344: {  	v2 =	vmul.f32 v2, v0;
	v3 =	vmul.f32 v46, v1;
	_ =	sdelay $0x1  }
0x345: {  	v2 =	vadd.f32 v3, v2;
	_ =	sdelay $0x1  }
0x346: {  	[tilespmem:s10+$0x40] =	vst v2  }
0x347: {  	v2 =	vld [tilespmem:s15+$0x850]  }
0x348: {  	v47 =	vld [tilespmem:s5+$0x850];
	_ =	sdelay $0x4  }
0x349: {  	v2 =	vmul.f32 v2, v0;
	v3 =	vmul.f32 v47, v1;
	_ =	sdelay $0x1  }
0x34a: {  	v2 =	vadd.f32 v3, v2;
	_ =	sdelay $0x1  }
0x34b: {  	[tilespmem:s10+$0x50] =	vst v2  }
0x34c: {  	v2 =	vld [tilespmem:s15+$0x860]  }
0x34d: {  	v48 =	vld [tilespmem:s5+$0x860];
	_ =	sdelay $0x4  }
0x34e: {  	v2 =	vmul.f32 v2, v0;
	v3 =	vmul.f32 v48, v1;
	_ =	sdelay $0x1  }
0x34f: {  	v2 =	vadd.f32 v3, v2;
	_ =	sdelay $0x1  }
0x350: {  	[tilespmem:s10+$0x60] =	vst v2  }
0x351: {  	v2 =	vld [tilespmem:s15+$0x870]  }
0x352: {  	v49 =	vld [tilespmem:s5+$0x870];
	_ =	sdelay $0x4  }
0x353: {  	v2 =	vmul.f32 v2, v0;
	v3 =	vmul.f32 v49, v1;
	_ =	sdelay $0x1  }
0x354: {  	v2 =	vadd.f32 v3, v2;
	_ =	sdelay $0x1  }
0x355: {  	[tilespmem:s10+$0x70] =	vst v2  }
0x356: {  	v2 =	vld [tilespmem:s15+$0xC00]  }
0x357: {  	v50 =	vld [tilespmem:s5+$0xC00];
	_ =	sdelay $0x4  }
0x358: {  	v2 =	vmul.f32 v2, v0;
	v3 =	vmul.f32 v50, v1;
	_ =	sdelay $0x1  }
0x359: {  	s30 =	sadd.s32 $0xFC00, s7;
	v2 =	vadd.f32 v3, v2  }
0x35a: {  	s11 =	sor.u32 s6, s30  }
0x35b: {  	[tilespmem:s11+$0x0] =	vst v2  }
0x35c: {  	v2 =	vld [tilespmem:s15+$0xC10]  }
0x35d: {  	v51 =	vld [tilespmem:s5+$0xC10];
	_ =	sdelay $0x4  }
0x35e: {  	v2 =	vmul.f32 v2, v0;
	v3 =	vmul.f32 v51, v1;
	_ =	sdelay $0x1  }
0x35f: {  	v2 =	vadd.f32 v3, v2;
	_ =	sdelay $0x1  }
0x360: {  	[tilespmem:s11+$0x10] =	vst v2  }
0x361: {  	v2 =	vld [tilespmem:s15+$0xC20]  }
0x362: {  	v52 =	vld [tilespmem:s5+$0xC20];
	_ =	sdelay $0x4  }
0x363: {  	v2 =	vmul.f32 v2, v0;
	v3 =	vmul.f32 v52, v1;
	_ =	sdelay $0x1  }
0x364: {  	v2 =	vadd.f32 v3, v2;
	_ =	sdelay $0x1  }
0x365: {  	[tilespmem:s11+$0x20] =	vst v2  }
0x366: {  	v2 =	vld [tilespmem:s15+$0xC30]  }
0x367: {  	v53 =	vld [tilespmem:s5+$0xC30];
	_ =	sdelay $0x4  }
0x368: {  	v2 =	vmul.f32 v2, v0;
	v3 =	vmul.f32 v53, v1;
	_ =	sdelay $0x1  }
0x369: {  	v2 =	vadd.f32 v3, v2;
	_ =	sdelay $0x1  }
0x36a: {  	[tilespmem:s11+$0x30] =	vst v2  }
0x36b: {  	v2 =	vld [tilespmem:s15+$0xC40]  }
0x36c: {  	v54 =	vld [tilespmem:s5+$0xC40];
	_ =	sdelay $0x4  }
0x36d: {  	v2 =	vmul.f32 v2, v0;
	v3 =	vmul.f32 v54, v1;
	_ =	sdelay $0x1  }
0x36e: {  	v2 =	vadd.f32 v3, v2;
	_ =	sdelay $0x1  }
0x36f: {  	[tilespmem:s11+$0x40] =	vst v2  }
0x370: {  	v2 =	vld [tilespmem:s15+$0xC50]  }
0x371: {  	v55 =	vld [tilespmem:s5+$0xC50];
	_ =	sdelay $0x4  }
0x372: {  	v2 =	vmul.f32 v2, v0;
	v3 =	vmul.f32 v55, v1;
	_ =	sdelay $0x1  }
0x373: {  	v2 =	vadd.f32 v3, v2;
	_ =	sdelay $0x1  }
0x374: {  	[tilespmem:s11+$0x50] =	vst v2  }
0x375: {  	v2 =	vld [tilespmem:s15+$0xC60]  }
0x376: {  	v56 =	vld [tilespmem:s5+$0xC60];
	_ =	sdelay $0x4  }
0x377: {  	v2 =	vmul.f32 v2, v0;
	v3 =	vmul.f32 v56, v1;
	_ =	sdelay $0x1  }
0x378: {  	v2 =	vadd.f32 v3, v2;
	_ =	sdelay $0x1  }
0x379: {  	[tilespmem:s11+$0x60] =	vst v2  }
0x37a: {  	v2 =	vld [tilespmem:s15+$0xC70]  }
0x37b: {  	v57 =	vld [tilespmem:s5+$0xC70];
	_ =	sdelay $0x4  }
0x37c: {  	v2 =	vmul.f32 v2, v0;
	v3 =	vmul.f32 v57, v1;
	_ =	sdelay $0x1  }
0x37d: {  	v2 =	vadd.f32 v3, v2;
	_ =	sdelay $0x1  }
0x37e: {  	[tilespmem:s11+$0x70] =	vst v2  }
0x37f: {  	v2 =	vld [tilespmem:s15+$0x1000]  }
0x380: {  	v58 =	vld [tilespmem:s5+$0x1000];
	_ =	sdelay $0x4  }
0x381: {  	v2 =	vmul.f32 v2, v0;
	v3 =	vmul.f32 v58, v1;
	_ =	sdelay $0x1  }
0x382: {  	s3 =	sadd.s32 $0x10000, s7;
	v2 =	vadd.f32 v3, v2  }
0x383: {  	s16 =	sor.u32 s6, s3  }
0x384: {  	[tilespmem:s16+$0x0] =	vst v2  }
0x385: {  	v8 =	vld [tilespmem:s15+$0x1010]  }
0x386: {  	v9 =	vld [tilespmem:s5+$0x1010]  }
0x387: {  	v59 =	vld [tilespmem:s23+$0xFFFFFFFE]  }
0x388: {  	v60 =	vld [tilespmem:s22+$0xFFFFFFFE]  }
0x389: {  	v4 =	vld [tilespmem:s23+$0xFFFFFFFF];
	_ =	sdelay $0x1  }
0x38a: {  	v5 =	vld [tilespmem:s22+$0xFFFFFFFF]  }
0x38b: {  	(v2sf) =	vpush v59, $0x0  }
0x38c: {  	(v2sf) =	vpush v60, $0x0  }
0x38d: {  	(v2sf) =	vpush v4, $0x0  }
0x38e: {  	v61 =	vld [tilespmem:s23+$0x0]  }
0x38f: {  	v62 =	vld [tilespmem:s22+$0x0];
	(v2sf) =	vpush v5, $0x0;
	_ =	sdelay $0x3  }
0x390: {  	(v2sf) =	vpush v61, $0x0  }
0x391: {  	(v2sf) =	vpush v62, $0x0;
	_ =	sdelay $0x5  }
0x392: {  	s12 =	spop (v2sf)  }
0x393: {  	s17 =	spop (v2sf);
	s18 =	sshrl.u32 s12, $0x3  }
0x394: {  	s1 =	sshll.u32 s12, $0x7;
	s9 =	spop (v2sf);
	s4 =	smul.u32 $0x6000, s18  }
0x395: {  	s1 =	sand.u32 $0x380, s1;
	s8 =	sshrl.u32 s17, $0x3;
	s2 =	sshll.u32 s17, $0x7  }
0x396: {  	s10 =	spop (v2sf);
	s11 =	smul.u32 $0x6000, s8;
	s4 =	sshra.s32 s4, $0x2  }
0x397: {  	v2 =	vld.msk [tilespmem:s21+$0xFFFFFFFE ss:$0x0], $0xffff;
	s19 =	sand.u32 $0x380, s2;
	s8 =	sor.u32 s1, s4;
	s4 =	sshrl.u32 s9, $0x3  }
0x398: {  	v3 =	vld.msk [tilespmem:s20+$0xFFFFFFFE ss:$0x0], $0xffff;
	s12 =	sshll.u32 s9, $0x7;
	s18 =	sshrl.u32 s10, $0x3;
	s2 =	smul.u32 $0x6000, s4  }
0x399: {  	v6 =	vld.msk [tilespmem:s21+$0x0 ss:$0x0], $0xffff;
	s17 =	sand.u32 $0x380, s12;
	s11 =	sshra.s32 s11, $0x2;
	s4 =	smul.u32 $0x6000, s18  }
0x39a: {  	v7 =	vld.msk [tilespmem:s20+$0x0 ss:$0x0], $0xffff;
	s12 =	spop (v2sf);
	s9 =	sor.u32 s19, s11;
	s19 =	sshll.u32 s10, $0x7  }
0x39b: {  	v4 =	vld.msk [tilespmem:s21+$0xFFFFFFFF ss:$0x0], $0xffff;
	s2 =	sshra.s32 s2, $0x2;
	s11 =	sshra.s32 s4, $0x2;
	s4 =	spop (v2sf)  }
0x39c: {  	v5 =	vld.msk [tilespmem:s20+$0xFFFFFFFF ss:$0x0], $0xffff;
	s10 =	sor.u32 s17, s2;
	s2 =	sand.u32 $0x380, s19;
	s17 =	sshrl.u32 s12, $0x3  }
0x39d: {  	v10 =	vld [tilespmem:s8+$0x0];
	s18 =	sor.u32 s2, s11;
	s19 =	smul.u32 $0x6000, s17;
	s11 =	sshrl.u32 s4, $0x3  }
0x39e: {  	v11 =	vld [tilespmem:s9+$0x0];
	s12 =	sshll.u32 s12, $0x7;
	s2 =	smul.u32 $0x6000, s11  }
0x39f: {  	v12 =	vld [tilespmem:s10+$0x0];
	s4 =	sshll.u32 s4, $0x7;
	s11 =	sand.u32 $0x380, s12;
	s1 =	sshra.s32 s19, $0x2  }
0x3a0: {  	v13 =	vld [tilespmem:s18+$0x0];
	s17 =	sand.u32 $0x380, s4;
	s19 =	sor.u32 s11, s1;
	s2 =	sshra.s32 s2, $0x2  }
0x3a1: {  	v14 =	vld [tilespmem:s19+$0x0];
	s11 =	sor.u32 s17, s2  }
0x3a2: {  	v15 =	vld [tilespmem:s11+$0x0]  }
0x3a3: {  	v10 =	vmul.f32 v10, v2;
	v11 =	vmul.f32 v11, v3  }
0x3a4: {  	s2 =	sadd.s32 $0xFFFFFF00, s0  }
0x3a5: {  	v10 =	vadd.f32 v11, v10;
	s2 =	sand.u32 $0x280, s2;
	v63 =	vmul.f32 v12, v4;
	v16 =	vmul.f32 v13, v5  }
0x3a6: {  	s4 =	sadd.s32 $0xFFFFFF80, s0;
	s12 =	sor.u32 s2, s13  }
0x3a7: {  	s17 =	sand.u32 $0x300, s4;
	[tilespmem:s12+$0x0] =	vst v10;
	v17 =	vadd.f32 v16, v63;
	v18 =	vmul.f32 v14, v6;
	v19 =	vmul.f32 v15, v7  }
0x3a8: {  	s1 =	sor.u32 s17, s13;
	v20 =	vld [tilespmem:s8+$0x10]  }
0x3a9: {  	s4 =	sand.u32 $0x380, s0;
	v21 =	vld [tilespmem:s9+$0x10];
	[tilespmem:s1+$0x0] =	vst v17;
	v22 =	vadd.f32 v19, v18  }
0x3aa: {  	s13 =	sor.u32 s4, s13;
	v23 =	vld [tilespmem:s10+$0x10]  }
0x3ab: {  	v24 =	vld [tilespmem:s18+$0x10];
	[tilespmem:s13+$0x0] =	vst v22  }
0x3ac: {  	v10 =	vld [tilespmem:s19+$0x10]  }
0x3ad: {  	v25 =	vld [tilespmem:s11+$0x10]  }
0x3ae: {  	v13 =	vmul.f32 v20, v2;
	v14 =	vmul.f32 v21, v3;
	_ =	sdelay $0x1  }
0x3af: {  	v13 =	vadd.f32 v14, v13;
	v11 =	vmul.f32 v23, v4;
	v12 =	vmul.f32 v24, v5;
	_ =	sdelay $0x1  }
0x3b0: {  	[tilespmem:s12+$0x10] =	vst v13;
	v11 =	vadd.f32 v12, v11;
	v10 =	vmul.f32 v10, v6;
	v26 =	vmul.f32 v25, v7  }
0x3b1: {  	v13 =	vld [tilespmem:s8+$0x20]  }
0x3b2: {  	v27 =	vld [tilespmem:s9+$0x20];
	[tilespmem:s1+$0x10] =	vst v11;
	v10 =	vadd.f32 v26, v10  }
0x3b3: {  	v11 =	vld [tilespmem:s10+$0x20]  }
0x3b4: {  	v28 =	vld [tilespmem:s18+$0x20];
	[tilespmem:s13+$0x10] =	vst v10  }
0x3b5: {  	v10 =	vld [tilespmem:s19+$0x20]  }
0x3b6: {  	v29 =	vld [tilespmem:s11+$0x20]  }
0x3b7: {  	v13 =	vmul.f32 v13, v2;
	v14 =	vmul.f32 v27, v3;
	_ =	sdelay $0x1  }
0x3b8: {  	v13 =	vadd.f32 v14, v13;
	v11 =	vmul.f32 v11, v4;
	v12 =	vmul.f32 v28, v5;
	_ =	sdelay $0x1  }
0x3b9: {  	[tilespmem:s12+$0x20] =	vst v13;
	v11 =	vadd.f32 v12, v11;
	v10 =	vmul.f32 v10, v6;
	v30 =	vmul.f32 v29, v7  }
0x3ba: {  	v13 =	vld [tilespmem:s8+$0x30]  }
0x3bb: {  	v31 =	vld [tilespmem:s9+$0x30];
	[tilespmem:s1+$0x20] =	vst v11;
	v10 =	vadd.f32 v30, v10  }
0x3bc: {  	v11 =	vld [tilespmem:s10+$0x30]  }
0x3bd: {  	v32 =	vld [tilespmem:s18+$0x30];
	[tilespmem:s13+$0x20] =	vst v10  }
0x3be: {  	v10 =	vld [tilespmem:s19+$0x30]  }
0x3bf: {  	v33 =	vld [tilespmem:s11+$0x30]  }
0x3c0: {  	v13 =	vmul.f32 v13, v2;
	v14 =	vmul.f32 v31, v3;
	_ =	sdelay $0x1  }
0x3c1: {  	v13 =	vadd.f32 v14, v13;
	v11 =	vmul.f32 v11, v4;
	v12 =	vmul.f32 v32, v5;
	_ =	sdelay $0x1  }
0x3c2: {  	[tilespmem:s12+$0x30] =	vst v13;
	v11 =	vadd.f32 v12, v11;
	v10 =	vmul.f32 v10, v6;
	v34 =	vmul.f32 v33, v7  }
0x3c3: {  	v13 =	vld [tilespmem:s8+$0x40]  }
0x3c4: {  	v35 =	vld [tilespmem:s9+$0x40];
	[tilespmem:s1+$0x30] =	vst v11;
	v10 =	vadd.f32 v34, v10  }
0x3c5: {  	v11 =	vld [tilespmem:s10+$0x40]  }
0x3c6: {  	v36 =	vld [tilespmem:s18+$0x40];
	[tilespmem:s13+$0x30] =	vst v10  }
0x3c7: {  	v10 =	vld [tilespmem:s19+$0x40]  }
0x3c8: {  	v37 =	vld [tilespmem:s11+$0x40]  }
0x3c9: {  	v13 =	vmul.f32 v13, v2;
	v14 =	vmul.f32 v35, v3;
	_ =	sdelay $0x1  }
0x3ca: {  	v13 =	vadd.f32 v14, v13;
	v11 =	vmul.f32 v11, v4;
	v12 =	vmul.f32 v36, v5;
	_ =	sdelay $0x1  }
0x3cb: {  	[tilespmem:s12+$0x40] =	vst v13;
	v11 =	vadd.f32 v12, v11;
	v10 =	vmul.f32 v10, v6;
	v38 =	vmul.f32 v37, v7  }
0x3cc: {  	v13 =	vld [tilespmem:s8+$0x50]  }
0x3cd: {  	v39 =	vld [tilespmem:s9+$0x50];
	[tilespmem:s1+$0x40] =	vst v11;
	v10 =	vadd.f32 v38, v10  }
0x3ce: {  	v11 =	vld [tilespmem:s10+$0x50]  }
0x3cf: {  	v40 =	vld [tilespmem:s18+$0x50];
	[tilespmem:s13+$0x40] =	vst v10  }
0x3d0: {  	v10 =	vld [tilespmem:s19+$0x50]  }
0x3d1: {  	v41 =	vld [tilespmem:s11+$0x50]  }
0x3d2: {  	v13 =	vmul.f32 v13, v2;
	v14 =	vmul.f32 v39, v3;
	_ =	sdelay $0x1  }
0x3d3: {  	v13 =	vadd.f32 v14, v13;
	v11 =	vmul.f32 v11, v4;
	v12 =	vmul.f32 v40, v5;
	_ =	sdelay $0x1  }
0x3d4: {  	[tilespmem:s12+$0x50] =	vst v13;
	v11 =	vadd.f32 v12, v11;
	v10 =	vmul.f32 v10, v6;
	v42 =	vmul.f32 v41, v7  }
0x3d5: {  	v13 =	vld [tilespmem:s8+$0x60]  }
0x3d6: {  	v43 =	vld [tilespmem:s9+$0x60];
	[tilespmem:s1+$0x50] =	vst v11;
	v10 =	vadd.f32 v42, v10  }
0x3d7: {  	v11 =	vld [tilespmem:s10+$0x60]  }
0x3d8: {  	v44 =	vld [tilespmem:s18+$0x60];
	[tilespmem:s13+$0x50] =	vst v10  }
0x3d9: {  	v10 =	vld [tilespmem:s19+$0x60]  }
0x3da: {  	v45 =	vld [tilespmem:s11+$0x60]  }
0x3db: {  	v13 =	vmul.f32 v13, v2;
	v14 =	vmul.f32 v43, v3;
	_ =	sdelay $0x1  }
0x3dc: {  	v13 =	vadd.f32 v14, v13;
	v11 =	vmul.f32 v11, v4;
	v12 =	vmul.f32 v44, v5;
	_ =	sdelay $0x1  }
0x3dd: {  	[tilespmem:s12+$0x60] =	vst v13;
	v11 =	vadd.f32 v12, v11;
	v10 =	vmul.f32 v10, v6;
	v46 =	vmul.f32 v45, v7  }
0x3de: {  	v13 =	vld [tilespmem:s8+$0x70]  }
0x3df: {  	v47 =	vld [tilespmem:s9+$0x70];
	[tilespmem:s1+$0x60] =	vst v11;
	v10 =	vadd.f32 v46, v10  }
0x3e0: {  	v11 =	vld [tilespmem:s10+$0x70]  }
0x3e1: {  	v48 =	vld [tilespmem:s18+$0x70];
	[tilespmem:s13+$0x60] =	vst v10  }
0x3e2: {  	v10 =	vld [tilespmem:s19+$0x70]  }
0x3e3: {  	v49 =	vld [tilespmem:s11+$0x70]  }
0x3e4: {  	v13 =	vmul.f32 v13, v2;
	v14 =	vmul.f32 v47, v3;
	_ =	sdelay $0x1  }
0x3e5: {  	v13 =	vadd.f32 v14, v13;
	v11 =	vmul.f32 v11, v4;
	v12 =	vmul.f32 v48, v5;
	_ =	sdelay $0x1  }
0x3e6: {  	[tilespmem:s12+$0x70] =	vst v13;
	v11 =	vadd.f32 v12, v11;
	v10 =	vmul.f32 v10, v6;
	v50 =	vmul.f32 v49, v7  }
0x3e7: {  	v13 =	vld [tilespmem:s8+$0x400]  }
0x3e8: {  	v51 =	vld [tilespmem:s9+$0x400];
	[tilespmem:s1+$0x70] =	vst v11;
	v10 =	vadd.f32 v50, v10  }
0x3e9: {  	v11 =	vld [tilespmem:s10+$0x400]  }
0x3ea: {  	v52 =	vld [tilespmem:s18+$0x400];
	[tilespmem:s13+$0x70] =	vst v10  }
0x3eb: {  	v10 =	vld [tilespmem:s19+$0x400]  }
0x3ec: {  	v53 =	vld [tilespmem:s11+$0x400]  }
0x3ed: {  	v13 =	vmul.f32 v13, v2;
	v14 =	vmul.f32 v51, v3;
	_ =	sdelay $0x1  }
0x3ee: {  	v13 =	vadd.f32 v14, v13;
	v11 =	vmul.f32 v11, v4;
	v12 =	vmul.f32 v52, v5;
	_ =	sdelay $0x1  }
0x3ef: {  	[tilespmem:s12+$0x400] =	vst v13;
	v11 =	vadd.f32 v12, v11;
	v10 =	vmul.f32 v10, v6;
	v54 =	vmul.f32 v53, v7  }
0x3f0: {  	v13 =	vld [tilespmem:s8+$0x410]  }
0x3f1: {  	v55 =	vld [tilespmem:s9+$0x410];
	[tilespmem:s1+$0x400] =	vst v11;
	v10 =	vadd.f32 v54, v10  }
0x3f2: {  	v11 =	vld [tilespmem:s10+$0x410]  }
0x3f3: {  	v56 =	vld [tilespmem:s18+$0x410];
	[tilespmem:s13+$0x400] =	vst v10  }
0x3f4: {  	v10 =	vld [tilespmem:s19+$0x410]  }
0x3f5: {  	v57 =	vld [tilespmem:s11+$0x410]  }
0x3f6: {  	v13 =	vmul.f32 v13, v2;
	v14 =	vmul.f32 v55, v3;
	_ =	sdelay $0x1  }
0x3f7: {  	v13 =	vadd.f32 v14, v13;
	v11 =	vmul.f32 v11, v4;
	v12 =	vmul.f32 v56, v5;
	_ =	sdelay $0x1  }
0x3f8: {  	[tilespmem:s12+$0x410] =	vst v13;
	v11 =	vadd.f32 v12, v11;
	v10 =	vmul.f32 v10, v6;
	v58 =	vmul.f32 v57, v7  }
0x3f9: {  	v13 =	vld [tilespmem:s8+$0x420]  }
0x3fa: {  	v59 =	vld [tilespmem:s9+$0x420];
	[tilespmem:s1+$0x410] =	vst v11;
	v10 =	vadd.f32 v58, v10  }
0x3fb: {  	v11 =	vld [tilespmem:s10+$0x420]  }
0x3fc: {  	v60 =	vld [tilespmem:s18+$0x420];
	[tilespmem:s13+$0x410] =	vst v10  }
0x3fd: {  	v10 =	vld [tilespmem:s19+$0x420]  }
0x3fe: {  	v61 =	vld [tilespmem:s11+$0x420]  }
0x3ff: {  	v13 =	vmul.f32 v13, v2;
	v14 =	vmul.f32 v59, v3;
	_ =	sdelay $0x1  }
0x400: {  	v13 =	vadd.f32 v14, v13;
	v11 =	vmul.f32 v11, v4;
	v12 =	vmul.f32 v60, v5;
	_ =	sdelay $0x1  }
0x401: {  	[tilespmem:s12+$0x420] =	vst v13;
	v11 =	vadd.f32 v12, v11;
	v10 =	vmul.f32 v10, v6;
	v62 =	vmul.f32 v61, v7  }
0x402: {  	v13 =	vld [tilespmem:s8+$0x430]  }
0x403: {  	v63 =	vld [tilespmem:s9+$0x430];
	[tilespmem:s1+$0x420] =	vst v11;
	v10 =	vadd.f32 v62, v10  }
0x404: {  	v11 =	vld [tilespmem:s10+$0x430]  }
0x405: {  	v18 =	vld [tilespmem:s18+$0x430];
	[tilespmem:s13+$0x420] =	vst v10  }
0x406: {  	v10 =	vld [tilespmem:s19+$0x430]  }
0x407: {  	v19 =	vld [tilespmem:s11+$0x430]  }
0x408: {  	v13 =	vmul.f32 v13, v2;
	v14 =	vmul.f32 v63, v3;
	_ =	sdelay $0x1  }
0x409: {  	v13 =	vadd.f32 v14, v13;
	v11 =	vmul.f32 v11, v4;
	v12 =	vmul.f32 v18, v5;
	_ =	sdelay $0x1  }
0x40a: {  	[tilespmem:s12+$0x430] =	vst v13;
	v11 =	vadd.f32 v12, v11;
	v10 =	vmul.f32 v10, v6;
	v20 =	vmul.f32 v19, v7  }
0x40b: {  	v13 =	vld [tilespmem:s8+$0x440]  }
0x40c: {  	v21 =	vld [tilespmem:s9+$0x440];
	[tilespmem:s1+$0x430] =	vst v11;
	v10 =	vadd.f32 v20, v10  }
0x40d: {  	v11 =	vld [tilespmem:s10+$0x440]  }
0x40e: {  	v22 =	vld [tilespmem:s18+$0x440];
	[tilespmem:s13+$0x430] =	vst v10  }
0x40f: {  	v10 =	vld [tilespmem:s19+$0x440]  }
0x410: {  	v23 =	vld [tilespmem:s11+$0x440]  }
0x411: {  	v13 =	vmul.f32 v13, v2;
	v14 =	vmul.f32 v21, v3;
	_ =	sdelay $0x1  }
0x412: {  	v13 =	vadd.f32 v14, v13;
	v11 =	vmul.f32 v11, v4;
	v12 =	vmul.f32 v22, v5;
	_ =	sdelay $0x1  }
0x413: {  	[tilespmem:s12+$0x440] =	vst v13;
	v11 =	vadd.f32 v12, v11;
	v10 =	vmul.f32 v10, v6;
	v24 =	vmul.f32 v23, v7  }
0x414: {  	v13 =	vld [tilespmem:s8+$0x450]  }
0x415: {  	v25 =	vld [tilespmem:s9+$0x450];
	[tilespmem:s1+$0x440] =	vst v11;
	v10 =	vadd.f32 v24, v10  }
0x416: {  	v11 =	vld [tilespmem:s10+$0x450]  }
0x417: {  	v26 =	vld [tilespmem:s18+$0x450];
	[tilespmem:s13+$0x440] =	vst v10  }
0x418: {  	v10 =	vld [tilespmem:s19+$0x450]  }
0x419: {  	v27 =	vld [tilespmem:s11+$0x450]  }
0x41a: {  	v13 =	vmul.f32 v13, v2;
	v14 =	vmul.f32 v25, v3;
	_ =	sdelay $0x1  }
0x41b: {  	v13 =	vadd.f32 v14, v13;
	v11 =	vmul.f32 v11, v4;
	v12 =	vmul.f32 v26, v5;
	_ =	sdelay $0x1  }
0x41c: {  	[tilespmem:s12+$0x450] =	vst v13;
	v11 =	vadd.f32 v12, v11;
	v10 =	vmul.f32 v10, v6;
	v28 =	vmul.f32 v27, v7  }
0x41d: {  	v13 =	vld [tilespmem:s8+$0x460]  }
0x41e: {  	v29 =	vld [tilespmem:s9+$0x460];
	[tilespmem:s1+$0x450] =	vst v11;
	v10 =	vadd.f32 v28, v10  }
0x41f: {  	v11 =	vld [tilespmem:s10+$0x460]  }
0x420: {  	v30 =	vld [tilespmem:s18+$0x460];
	[tilespmem:s13+$0x450] =	vst v10  }
0x421: {  	v10 =	vld [tilespmem:s19+$0x460]  }
0x422: {  	v31 =	vld [tilespmem:s11+$0x460]  }
0x423: {  	v13 =	vmul.f32 v13, v2;
	v14 =	vmul.f32 v29, v3;
	_ =	sdelay $0x1  }
0x424: {  	v13 =	vadd.f32 v14, v13;
	v11 =	vmul.f32 v11, v4;
	v12 =	vmul.f32 v30, v5;
	_ =	sdelay $0x1  }
0x425: {  	[tilespmem:s12+$0x460] =	vst v13;
	v11 =	vadd.f32 v12, v11;
	v10 =	vmul.f32 v10, v6;
	v32 =	vmul.f32 v31, v7  }
0x426: {  	v13 =	vld [tilespmem:s8+$0x470]  }
0x427: {  	v33 =	vld [tilespmem:s9+$0x470];
	[tilespmem:s1+$0x460] =	vst v11;
	v10 =	vadd.f32 v32, v10  }
0x428: {  	v11 =	vld [tilespmem:s10+$0x470]  }
0x429: {  	v34 =	vld [tilespmem:s18+$0x470];
	[tilespmem:s13+$0x460] =	vst v10  }
0x42a: {  	v10 =	vld [tilespmem:s19+$0x470]  }
0x42b: {  	v35 =	vld [tilespmem:s11+$0x470]  }
0x42c: {  	v13 =	vmul.f32 v13, v2;
	v14 =	vmul.f32 v33, v3;
	_ =	sdelay $0x1  }
0x42d: {  	v13 =	vadd.f32 v14, v13;
	v11 =	vmul.f32 v11, v4;
	v12 =	vmul.f32 v34, v5;
	_ =	sdelay $0x1  }
0x42e: {  	[tilespmem:s12+$0x470] =	vst v13;
	v11 =	vadd.f32 v12, v11;
	v10 =	vmul.f32 v10, v6;
	v36 =	vmul.f32 v35, v7  }
0x42f: {  	v13 =	vld [tilespmem:s8+$0x800]  }
0x430: {  	v37 =	vld [tilespmem:s9+$0x800];
	[tilespmem:s1+$0x470] =	vst v11;
	v10 =	vadd.f32 v36, v10  }
0x431: {  	v11 =	vld [tilespmem:s10+$0x800]  }
0x432: {  	v38 =	vld [tilespmem:s18+$0x800];
	[tilespmem:s13+$0x470] =	vst v10  }
0x433: {  	v10 =	vld [tilespmem:s19+$0x800]  }
0x434: {  	v39 =	vld [tilespmem:s11+$0x800]  }
0x435: {  	v13 =	vmul.f32 v13, v2;
	v14 =	vmul.f32 v37, v3;
	_ =	sdelay $0x1  }
0x436: {  	v13 =	vadd.f32 v14, v13;
	v11 =	vmul.f32 v11, v4;
	v12 =	vmul.f32 v38, v5  }
0x437: {  	s12 =	sor.u32 s2, s14  }
0x438: {  	[tilespmem:s12+$0x0] =	vst v13;
	v11 =	vadd.f32 v12, v11;
	v10 =	vmul.f32 v10, v6;
	v40 =	vmul.f32 v39, v7  }
0x439: {  	s13 =	sor.u32 s17, s14;
	v13 =	vld [tilespmem:s8+$0x810]  }
0x43a: {  	v41 =	vld [tilespmem:s9+$0x810];
	[tilespmem:s13+$0x0] =	vst v11;
	v10 =	vadd.f32 v40, v10  }
0x43b: {  	s14 =	sor.u32 s4, s14;
	v11 =	vld [tilespmem:s10+$0x810]  }
0x43c: {  	v42 =	vld [tilespmem:s18+$0x810];
	[tilespmem:s14+$0x0] =	vst v10  }
0x43d: {  	v10 =	vld [tilespmem:s19+$0x810]  }
0x43e: {  	v43 =	vld [tilespmem:s11+$0x810]  }
0x43f: {  	v13 =	vmul.f32 v13, v2;
	v14 =	vmul.f32 v41, v3;
	_ =	sdelay $0x1  }
0x440: {  	v13 =	vadd.f32 v14, v13;
	v11 =	vmul.f32 v11, v4;
	v12 =	vmul.f32 v42, v5;
	_ =	sdelay $0x1  }
0x441: {  	[tilespmem:s12+$0x10] =	vst v13;
	v11 =	vadd.f32 v12, v11;
	v10 =	vmul.f32 v10, v6;
	v44 =	vmul.f32 v43, v7  }
0x442: {  	v13 =	vld [tilespmem:s8+$0x820]  }
0x443: {  	v45 =	vld [tilespmem:s9+$0x820];
	[tilespmem:s13+$0x10] =	vst v11;
	v10 =	vadd.f32 v44, v10  }
0x444: {  	v11 =	vld [tilespmem:s10+$0x820]  }
0x445: {  	v46 =	vld [tilespmem:s18+$0x820];
	[tilespmem:s14+$0x10] =	vst v10  }
0x446: {  	v10 =	vld [tilespmem:s19+$0x820]  }
0x447: {  	v47 =	vld [tilespmem:s11+$0x820]  }
0x448: {  	v13 =	vmul.f32 v13, v2;
	v14 =	vmul.f32 v45, v3;
	_ =	sdelay $0x1  }
0x449: {  	v13 =	vadd.f32 v14, v13;
	v11 =	vmul.f32 v11, v4;
	v12 =	vmul.f32 v46, v5;
	_ =	sdelay $0x1  }
0x44a: {  	[tilespmem:s12+$0x20] =	vst v13;
	v11 =	vadd.f32 v12, v11;
	v10 =	vmul.f32 v10, v6;
	v48 =	vmul.f32 v47, v7  }
0x44b: {  	v13 =	vld [tilespmem:s8+$0x830]  }
0x44c: {  	v49 =	vld [tilespmem:s9+$0x830];
	[tilespmem:s13+$0x20] =	vst v11;
	v10 =	vadd.f32 v48, v10  }
0x44d: {  	v11 =	vld [tilespmem:s10+$0x830]  }
0x44e: {  	v50 =	vld [tilespmem:s18+$0x830];
	[tilespmem:s14+$0x20] =	vst v10  }
0x44f: {  	v10 =	vld [tilespmem:s19+$0x830]  }
0x450: {  	v51 =	vld [tilespmem:s11+$0x830]  }
0x451: {  	v13 =	vmul.f32 v13, v2;
	v14 =	vmul.f32 v49, v3;
	_ =	sdelay $0x1  }
0x452: {  	v13 =	vadd.f32 v14, v13;
	v11 =	vmul.f32 v11, v4;
	v12 =	vmul.f32 v50, v5;
	_ =	sdelay $0x1  }
0x453: {  	[tilespmem:s12+$0x30] =	vst v13;
	v11 =	vadd.f32 v12, v11;
	v10 =	vmul.f32 v10, v6;
	v52 =	vmul.f32 v51, v7  }
0x454: {  	v13 =	vld [tilespmem:s8+$0x840]  }
0x455: {  	v53 =	vld [tilespmem:s9+$0x840];
	[tilespmem:s13+$0x30] =	vst v11;
	v10 =	vadd.f32 v52, v10  }
0x456: {  	v11 =	vld [tilespmem:s10+$0x840]  }
0x457: {  	v54 =	vld [tilespmem:s18+$0x840];
	[tilespmem:s14+$0x30] =	vst v10  }
0x458: {  	v10 =	vld [tilespmem:s19+$0x840]  }
0x459: {  	v55 =	vld [tilespmem:s11+$0x840]  }
0x45a: {  	v13 =	vmul.f32 v13, v2;
	v14 =	vmul.f32 v53, v3;
	_ =	sdelay $0x1  }
0x45b: {  	v13 =	vadd.f32 v14, v13;
	v11 =	vmul.f32 v11, v4;
	v12 =	vmul.f32 v54, v5;
	_ =	sdelay $0x1  }
0x45c: {  	[tilespmem:s12+$0x40] =	vst v13;
	v11 =	vadd.f32 v12, v11;
	v10 =	vmul.f32 v10, v6;
	v56 =	vmul.f32 v55, v7  }
0x45d: {  	v13 =	vld [tilespmem:s8+$0x850]  }
0x45e: {  	v57 =	vld [tilespmem:s9+$0x850];
	[tilespmem:s13+$0x40] =	vst v11;
	v10 =	vadd.f32 v56, v10  }
0x45f: {  	v11 =	vld [tilespmem:s10+$0x850]  }
0x460: {  	v58 =	vld [tilespmem:s18+$0x850];
	[tilespmem:s14+$0x40] =	vst v10  }
0x461: {  	v10 =	vld [tilespmem:s19+$0x850]  }
0x462: {  	v59 =	vld [tilespmem:s11+$0x850]  }
0x463: {  	v13 =	vmul.f32 v13, v2;
	v14 =	vmul.f32 v57, v3;
	_ =	sdelay $0x1  }
0x464: {  	v13 =	vadd.f32 v14, v13;
	v11 =	vmul.f32 v11, v4;
	v12 =	vmul.f32 v58, v5;
	_ =	sdelay $0x1  }
0x465: {  	[tilespmem:s12+$0x50] =	vst v13;
	v11 =	vadd.f32 v12, v11;
	v10 =	vmul.f32 v10, v6;
	v60 =	vmul.f32 v59, v7  }
0x466: {  	v13 =	vld [tilespmem:s8+$0x860]  }
0x467: {  	v61 =	vld [tilespmem:s9+$0x860];
	[tilespmem:s13+$0x50] =	vst v11;
	v10 =	vadd.f32 v60, v10  }
0x468: {  	v11 =	vld [tilespmem:s10+$0x860]  }
0x469: {  	v62 =	vld [tilespmem:s18+$0x860];
	[tilespmem:s14+$0x50] =	vst v10  }
0x46a: {  	v10 =	vld [tilespmem:s19+$0x860]  }
0x46b: {  	v63 =	vld [tilespmem:s11+$0x860]  }
0x46c: {  	v13 =	vmul.f32 v13, v2;
	v14 =	vmul.f32 v61, v3;
	_ =	sdelay $0x1  }
0x46d: {  	v13 =	vadd.f32 v14, v13;
	v11 =	vmul.f32 v11, v4;
	v12 =	vmul.f32 v62, v5;
	_ =	sdelay $0x1  }
0x46e: {  	[tilespmem:s12+$0x60] =	vst v13;
	v11 =	vadd.f32 v12, v11;
	v10 =	vmul.f32 v10, v6;
	v18 =	vmul.f32 v63, v7  }
0x46f: {  	v13 =	vld [tilespmem:s8+$0x870]  }
0x470: {  	v19 =	vld [tilespmem:s9+$0x870];
	[tilespmem:s13+$0x60] =	vst v11;
	v10 =	vadd.f32 v18, v10  }
0x471: {  	v11 =	vld [tilespmem:s10+$0x870]  }
0x472: {  	v20 =	vld [tilespmem:s18+$0x870];
	[tilespmem:s14+$0x60] =	vst v10  }
0x473: {  	v10 =	vld [tilespmem:s19+$0x870]  }
0x474: {  	v21 =	vld [tilespmem:s11+$0x870]  }
0x475: {  	v13 =	vmul.f32 v13, v2;
	v14 =	vmul.f32 v19, v3;
	_ =	sdelay $0x1  }
0x476: {  	v13 =	vadd.f32 v14, v13;
	v11 =	vmul.f32 v11, v4;
	v12 =	vmul.f32 v20, v5;
	_ =	sdelay $0x1  }
0x477: {  	[tilespmem:s12+$0x70] =	vst v13;
	v11 =	vadd.f32 v12, v11;
	v10 =	vmul.f32 v10, v6;
	v22 =	vmul.f32 v21, v7  }
0x478: {  	v13 =	vld [tilespmem:s8+$0xC00]  }
0x479: {  	v23 =	vld [tilespmem:s9+$0xC00];
	[tilespmem:s13+$0x70] =	vst v11;
	v10 =	vadd.f32 v22, v10  }
0x47a: {  	v11 =	vld [tilespmem:s10+$0xC00]  }
0x47b: {  	v24 =	vld [tilespmem:s18+$0xC00];
	[tilespmem:s14+$0x70] =	vst v10  }
0x47c: {  	v10 =	vld [tilespmem:s19+$0xC00]  }
0x47d: {  	v25 =	vld [tilespmem:s11+$0xC00]  }
0x47e: {  	v13 =	vmul.f32 v13, v2;
	v14 =	vmul.f32 v23, v3;
	_ =	sdelay $0x1  }
0x47f: {  	v13 =	vadd.f32 v14, v13;
	v11 =	vmul.f32 v11, v4;
	v12 =	vmul.f32 v24, v5  }
0x480: {  	s13 =	sor.u32 s2, s30  }
0x481: {  	[tilespmem:s13+$0x0] =	vst v13;
	v11 =	vadd.f32 v12, v11;
	v10 =	vmul.f32 v10, v6;
	v26 =	vmul.f32 v25, v7  }
0x482: {  	s14 =	sor.u32 s17, s30;
	v13 =	vld [tilespmem:s8+$0xC10]  }
0x483: {  	v27 =	vld [tilespmem:s9+$0xC10];
	[tilespmem:s14+$0x0] =	vst v11;
	v10 =	vadd.f32 v26, v10  }
0x484: {  	s30 =	sor.u32 s4, s30;
	v11 =	vld [tilespmem:s10+$0xC10]  }
0x485: {  	v28 =	vld [tilespmem:s18+$0xC10];
	[tilespmem:s30+$0x0] =	vst v10  }
0x486: {  	v10 =	vld [tilespmem:s19+$0xC10]  }
0x487: {  	v29 =	vld [tilespmem:s11+$0xC10]  }
0x488: {  	v13 =	vmul.f32 v13, v2;
	v14 =	vmul.f32 v27, v3;
	_ =	sdelay $0x1  }
0x489: {  	v13 =	vadd.f32 v14, v13;
	v11 =	vmul.f32 v11, v4;
	v12 =	vmul.f32 v28, v5;
	_ =	sdelay $0x1  }
0x48a: {  	[tilespmem:s13+$0x10] =	vst v13;
	v11 =	vadd.f32 v12, v11;
	v10 =	vmul.f32 v10, v6;
	v30 =	vmul.f32 v29, v7  }
0x48b: {  	v13 =	vld [tilespmem:s8+$0xC20]  }
0x48c: {  	v31 =	vld [tilespmem:s9+$0xC20];
	[tilespmem:s14+$0x10] =	vst v11;
	v10 =	vadd.f32 v30, v10  }
0x48d: {  	v11 =	vld [tilespmem:s10+$0xC20]  }
0x48e: {  	v32 =	vld [tilespmem:s18+$0xC20];
	[tilespmem:s30+$0x10] =	vst v10  }
0x48f: {  	v10 =	vld [tilespmem:s19+$0xC20]  }
0x490: {  	v33 =	vld [tilespmem:s11+$0xC20]  }
0x491: {  	v13 =	vmul.f32 v13, v2;
	v14 =	vmul.f32 v31, v3;
	_ =	sdelay $0x1  }
0x492: {  	v13 =	vadd.f32 v14, v13;
	v11 =	vmul.f32 v11, v4;
	v12 =	vmul.f32 v32, v5;
	_ =	sdelay $0x1  }
0x493: {  	[tilespmem:s13+$0x20] =	vst v13;
	v11 =	vadd.f32 v12, v11;
	v10 =	vmul.f32 v10, v6;
	v34 =	vmul.f32 v33, v7  }
0x494: {  	v13 =	vld [tilespmem:s8+$0xC30]  }
0x495: {  	v35 =	vld [tilespmem:s9+$0xC30];
	[tilespmem:s14+$0x20] =	vst v11;
	v10 =	vadd.f32 v34, v10  }
0x496: {  	v11 =	vld [tilespmem:s10+$0xC30]  }
0x497: {  	v36 =	vld [tilespmem:s18+$0xC30];
	[tilespmem:s30+$0x20] =	vst v10  }
0x498: {  	v10 =	vld [tilespmem:s19+$0xC30]  }
0x499: {  	v37 =	vld [tilespmem:s11+$0xC30]  }
0x49a: {  	v13 =	vmul.f32 v13, v2;
	v14 =	vmul.f32 v35, v3;
	_ =	sdelay $0x1  }
0x49b: {  	v13 =	vadd.f32 v14, v13;
	v11 =	vmul.f32 v11, v4;
	v12 =	vmul.f32 v36, v5;
	_ =	sdelay $0x1  }
0x49c: {  	[tilespmem:s13+$0x30] =	vst v13;
	v11 =	vadd.f32 v12, v11;
	v10 =	vmul.f32 v10, v6;
	v38 =	vmul.f32 v37, v7  }
0x49d: {  	v13 =	vld [tilespmem:s8+$0xC40]  }
0x49e: {  	v39 =	vld [tilespmem:s9+$0xC40];
	[tilespmem:s14+$0x30] =	vst v11;
	v10 =	vadd.f32 v38, v10  }
0x49f: {  	v11 =	vld [tilespmem:s10+$0xC40]  }
0x4a0: {  	v40 =	vld [tilespmem:s18+$0xC40];
	[tilespmem:s30+$0x30] =	vst v10  }
0x4a1: {  	v10 =	vld [tilespmem:s19+$0xC40]  }
0x4a2: {  	v41 =	vld [tilespmem:s11+$0xC40]  }
0x4a3: {  	v13 =	vmul.f32 v13, v2;
	v14 =	vmul.f32 v39, v3;
	_ =	sdelay $0x1  }
0x4a4: {  	v13 =	vadd.f32 v14, v13;
	v11 =	vmul.f32 v11, v4;
	v12 =	vmul.f32 v40, v5;
	_ =	sdelay $0x1  }
0x4a5: {  	[tilespmem:s13+$0x40] =	vst v13;
	v11 =	vadd.f32 v12, v11;
	v10 =	vmul.f32 v10, v6;
	v42 =	vmul.f32 v41, v7  }
0x4a6: {  	v13 =	vld [tilespmem:s8+$0xC50]  }
0x4a7: {  	v43 =	vld [tilespmem:s9+$0xC50];
	[tilespmem:s14+$0x40] =	vst v11;
	v10 =	vadd.f32 v42, v10  }
0x4a8: {  	v11 =	vld [tilespmem:s10+$0xC50]  }
0x4a9: {  	v44 =	vld [tilespmem:s18+$0xC50];
	[tilespmem:s30+$0x40] =	vst v10  }
0x4aa: {  	v10 =	vld [tilespmem:s19+$0xC50]  }
0x4ab: {  	v45 =	vld [tilespmem:s11+$0xC50]  }
0x4ac: {  	v13 =	vmul.f32 v13, v2;
	v14 =	vmul.f32 v43, v3;
	_ =	sdelay $0x1  }
0x4ad: {  	v13 =	vadd.f32 v14, v13;
	v11 =	vmul.f32 v11, v4;
	v12 =	vmul.f32 v44, v5;
	_ =	sdelay $0x1  }
0x4ae: {  	[tilespmem:s13+$0x50] =	vst v13;
	v11 =	vadd.f32 v12, v11;
	v10 =	vmul.f32 v10, v6;
	v46 =	vmul.f32 v45, v7  }
0x4af: {  	v13 =	vld [tilespmem:s8+$0xC60]  }
0x4b0: {  	v47 =	vld [tilespmem:s9+$0xC60];
	[tilespmem:s14+$0x50] =	vst v11;
	v10 =	vadd.f32 v46, v10  }
0x4b1: {  	v11 =	vld [tilespmem:s10+$0xC60]  }
0x4b2: {  	v48 =	vld [tilespmem:s18+$0xC60];
	[tilespmem:s30+$0x50] =	vst v10  }
0x4b3: {  	v10 =	vld [tilespmem:s19+$0xC60]  }
0x4b4: {  	v49 =	vld [tilespmem:s11+$0xC60]  }
0x4b5: {  	v13 =	vmul.f32 v13, v2;
	v14 =	vmul.f32 v47, v3;
	_ =	sdelay $0x1  }
0x4b6: {  	v13 =	vadd.f32 v14, v13;
	v11 =	vmul.f32 v11, v4;
	v12 =	vmul.f32 v48, v5;
	_ =	sdelay $0x1  }
0x4b7: {  	[tilespmem:s13+$0x60] =	vst v13;
	v11 =	vadd.f32 v12, v11;
	v10 =	vmul.f32 v10, v6;
	v50 =	vmul.f32 v49, v7  }
0x4b8: {  	v13 =	vld [tilespmem:s8+$0xC70]  }
0x4b9: {  	v51 =	vld [tilespmem:s9+$0xC70];
	[tilespmem:s14+$0x60] =	vst v11;
	v10 =	vadd.f32 v50, v10  }
0x4ba: {  	v11 =	vld [tilespmem:s10+$0xC70]  }
0x4bb: {  	v52 =	vld [tilespmem:s18+$0xC70];
	[tilespmem:s30+$0x60] =	vst v10  }
0x4bc: {  	v10 =	vld [tilespmem:s19+$0xC70]  }
0x4bd: {  	v53 =	vld [tilespmem:s11+$0xC70]  }
0x4be: {  	v13 =	vmul.f32 v13, v2;
	v14 =	vmul.f32 v51, v3;
	_ =	sdelay $0x1  }
0x4bf: {  	v13 =	vadd.f32 v14, v13;
	v11 =	vmul.f32 v11, v4;
	v12 =	vmul.f32 v52, v5;
	_ =	sdelay $0x1  }
0x4c0: {  	[tilespmem:s13+$0x70] =	vst v13;
	v11 =	vadd.f32 v12, v11;
	v10 =	vmul.f32 v10, v6;
	v54 =	vmul.f32 v53, v7  }
0x4c1: {  	v13 =	vld [tilespmem:s8+$0x1000]  }
0x4c2: {  	v55 =	vld [tilespmem:s9+$0x1000];
	[tilespmem:s14+$0x70] =	vst v11;
	v10 =	vadd.f32 v54, v10  }
0x4c3: {  	v11 =	vld [tilespmem:s10+$0x1000]  }
0x4c4: {  	v56 =	vld [tilespmem:s18+$0x1000];
	[tilespmem:s30+$0x70] =	vst v10  }
0x4c5: {  	v10 =	vld [tilespmem:s19+$0x1000]  }
0x4c6: {  	v57 =	vld [tilespmem:s11+$0x1000]  }
0x4c7: {  	v13 =	vmul.f32 v13, v2;
	v14 =	vmul.f32 v55, v3;
	_ =	sdelay $0x1  }
0x4c8: {  	v13 =	vadd.f32 v14, v13;
	v11 =	vmul.f32 v11, v4;
	v12 =	vmul.f32 v56, v5  }
0x4c9: {  	s13 =	sor.u32 s2, s3  }
0x4ca: {  	[tilespmem:s13+$0x0] =	vst v13;
	v11 =	vadd.f32 v12, v11;
	v10 =	vmul.f32 v10, v6;
	v58 =	vmul.f32 v57, v7  }
0x4cb: {  	s14 =	sor.u32 s17, s3;
	v13 =	vld [tilespmem:s8+$0x1010]  }
0x4cc: {  	v59 =	vld [tilespmem:s9+$0x1010];
	[tilespmem:s14+$0x0] =	vst v11;
	v10 =	vadd.f32 v58, v10  }
0x4cd: {  	s3 =	sor.u32 s4, s3;
	v11 =	vld [tilespmem:s10+$0x1010]  }
0x4ce: {  	v60 =	vld [tilespmem:s18+$0x1010];
	[tilespmem:s3+$0x0] =	vst v10  }
0x4cf: {  	v8 =	vmul.f32 v8, v0;
	v9 =	vmul.f32 v9, v1;
	v10 =	vld [tilespmem:s19+$0x1010]  }
0x4d0: {  	v61 =	vld [tilespmem:s11+$0x1010]  }
0x4d1: {  	v8 =	vadd.f32 v9, v8;
	v62 =	vmul.f32 v13, v2;
	v63 =	vmul.f32 v59, v3;
	_ =	sdelay $0x1  }
0x4d2: {  	[tilespmem:s16+$0x10] =	vst v8;
	v16 =	vadd.f32 v63, v62;
	v17 =	vmul.f32 v11, v4;
	v18 =	vmul.f32 v60, v5  }
0x4d3: {  	v19 =	vld [tilespmem:s15+$0x1020]  }
0x4d4: {  	v20 =	vld [tilespmem:s5+$0x1020];
	[tilespmem:s13+$0x10] =	vst v16;
	v21 =	vadd.f32 v18, v17;
	v22 =	vmul.f32 v10, v6;
	v23 =	vmul.f32 v61, v7  }
0x4d5: {  	v24 =	vld [tilespmem:s8+$0x1020]  }
0x4d6: {  	v25 =	vld [tilespmem:s9+$0x1020];
	[tilespmem:s14+$0x10] =	vst v21;
	v26 =	vadd.f32 v23, v22  }
0x4d7: {  	v27 =	vld [tilespmem:s10+$0x1020]  }
0x4d8: {  	v28 =	vld [tilespmem:s18+$0x1020];
	[tilespmem:s3+$0x10] =	vst v26  }
0x4d9: {  	v29 =	vmul.f32 v19, v0;
	v30 =	vmul.f32 v20, v1;
	v31 =	vld [tilespmem:s19+$0x1020]  }
0x4da: {  	v32 =	vld [tilespmem:s11+$0x1020]  }
0x4db: {  	v8 =	vadd.f32 v30, v29;
	v11 =	vmul.f32 v24, v2;
	v33 =	vmul.f32 v25, v3;
	_ =	sdelay $0x1  }
0x4dc: {  	[tilespmem:s16+$0x20] =	vst v8;
	v34 =	vadd.f32 v33, v11;
	v9 =	vmul.f32 v27, v4;
	v10 =	vmul.f32 v28, v5  }
0x4dd: {  	v35 =	vld [tilespmem:s15+$0x1030]  }
0x4de: {  	v36 =	vld [tilespmem:s5+$0x1030];
	[tilespmem:s13+$0x20] =	vst v34;
	v37 =	vadd.f32 v10, v9;
	v38 =	vmul.f32 v31, v6;
	v39 =	vmul.f32 v32, v7  }
0x4df: {  	v40 =	vld [tilespmem:s8+$0x1030]  }
0x4e0: {  	v41 =	vld [tilespmem:s9+$0x1030];
	[tilespmem:s14+$0x20] =	vst v37;
	v42 =	vadd.f32 v39, v38  }
0x4e1: {  	v43 =	vld [tilespmem:s10+$0x1030]  }
0x4e2: {  	v44 =	vld [tilespmem:s18+$0x1030];
	[tilespmem:s3+$0x20] =	vst v42  }
0x4e3: {  	v45 =	vmul.f32 v35, v0;
	v46 =	vmul.f32 v36, v1;
	v47 =	vld [tilespmem:s19+$0x1030]  }
0x4e4: {  	v48 =	vld [tilespmem:s11+$0x1030]  }
0x4e5: {  	v8 =	vadd.f32 v46, v45;
	v49 =	vmul.f32 v40, v2;
	v50 =	vmul.f32 v41, v3;
	_ =	sdelay $0x1  }
0x4e6: {  	[tilespmem:s16+$0x30] =	vst v8;
	v51 =	vadd.f32 v50, v49;
	v9 =	vmul.f32 v43, v4;
	v10 =	vmul.f32 v44, v5  }
0x4e7: {  	v52 =	vld [tilespmem:s15+$0x1040]  }
0x4e8: {  	v53 =	vld [tilespmem:s5+$0x1040];
	[tilespmem:s13+$0x30] =	vst v51;
	v54 =	vadd.f32 v10, v9;
	v55 =	vmul.f32 v47, v6;
	v56 =	vmul.f32 v48, v7  }
0x4e9: {  	v57 =	vld [tilespmem:s8+$0x1040]  }
0x4ea: {  	v58 =	vld [tilespmem:s9+$0x1040];
	[tilespmem:s14+$0x30] =	vst v54;
	v59 =	vadd.f32 v56, v55  }
0x4eb: {  	v60 =	vld [tilespmem:s10+$0x1040]  }
0x4ec: {  	v61 =	vld [tilespmem:s18+$0x1040];
	[tilespmem:s3+$0x30] =	vst v59  }
0x4ed: {  	v62 =	vmul.f32 v52, v0;
	v63 =	vmul.f32 v53, v1;
	v18 =	vld [tilespmem:s19+$0x1040]  }
0x4ee: {  	v19 =	vld [tilespmem:s11+$0x1040]  }
0x4ef: {  	v8 =	vadd.f32 v63, v62;
	v20 =	vmul.f32 v57, v2;
	v21 =	vmul.f32 v58, v3;
	_ =	sdelay $0x1  }
0x4f0: {  	[tilespmem:s16+$0x40] =	vst v8;
	v22 =	vadd.f32 v21, v20;
	v9 =	vmul.f32 v60, v4;
	v10 =	vmul.f32 v61, v5  }
0x4f1: {  	v23 =	vld [tilespmem:s15+$0x1050]  }
0x4f2: {  	v24 =	vld [tilespmem:s5+$0x1050];
	[tilespmem:s13+$0x40] =	vst v22;
	v25 =	vadd.f32 v10, v9;
	v26 =	vmul.f32 v18, v6;
	v27 =	vmul.f32 v19, v7  }
0x4f3: {  	v28 =	vld [tilespmem:s8+$0x1050]  }
0x4f4: {  	v29 =	vld [tilespmem:s9+$0x1050];
	[tilespmem:s14+$0x40] =	vst v25;
	v30 =	vadd.f32 v27, v26  }
0x4f5: {  	v31 =	vld [tilespmem:s10+$0x1050]  }
0x4f6: {  	v32 =	vld [tilespmem:s18+$0x1050];
	[tilespmem:s3+$0x40] =	vst v30  }
0x4f7: {  	v33 =	vmul.f32 v23, v0;
	v34 =	vmul.f32 v24, v1;
	v35 =	vld [tilespmem:s19+$0x1050]  }
0x4f8: {  	v36 =	vld [tilespmem:s11+$0x1050]  }
0x4f9: {  	v8 =	vadd.f32 v34, v33;
	v37 =	vmul.f32 v28, v2;
	v38 =	vmul.f32 v29, v3;
	_ =	sdelay $0x1  }
0x4fa: {  	[tilespmem:s16+$0x50] =	vst v8;
	v39 =	vadd.f32 v38, v37;
	v9 =	vmul.f32 v31, v4;
	v10 =	vmul.f32 v32, v5  }
0x4fb: {  	v40 =	vld [tilespmem:s15+$0x1060]  }
0x4fc: {  	v41 =	vld [tilespmem:s5+$0x1060];
	[tilespmem:s13+$0x50] =	vst v39;
	v42 =	vadd.f32 v10, v9;
	v43 =	vmul.f32 v35, v6;
	v44 =	vmul.f32 v36, v7  }
0x4fd: {  	v45 =	vld [tilespmem:s8+$0x1060]  }
0x4fe: {  	v46 =	vld [tilespmem:s9+$0x1060];
	[tilespmem:s14+$0x50] =	vst v42;
	v47 =	vadd.f32 v44, v43  }
0x4ff: {  	v48 =	vld [tilespmem:s10+$0x1060]  }
0x500: {  	v49 =	vld [tilespmem:s18+$0x1060];
	[tilespmem:s3+$0x50] =	vst v47  }
0x501: {  	v50 =	vmul.f32 v40, v0;
	v51 =	vmul.f32 v41, v1;
	v52 =	vld [tilespmem:s19+$0x1060]  }
0x502: {  	v53 =	vld [tilespmem:s11+$0x1060]  }
0x503: {  	v8 =	vadd.f32 v51, v50;
	v54 =	vmul.f32 v45, v2;
	v55 =	vmul.f32 v46, v3;
	_ =	sdelay $0x1  }
0x504: {  	[tilespmem:s16+$0x60] =	vst v8;
	v56 =	vadd.f32 v55, v54;
	v9 =	vmul.f32 v48, v4;
	v10 =	vmul.f32 v49, v5  }
0x505: {  	v57 =	vld [tilespmem:s15+$0x1070]  }
0x506: {  	v58 =	vld [tilespmem:s5+$0x1070];
	[tilespmem:s13+$0x60] =	vst v56;
	v59 =	vadd.f32 v10, v9;
	v60 =	vmul.f32 v52, v6;
	v61 =	vmul.f32 v53, v7  }
0x507: {  	v62 =	vld [tilespmem:s8+$0x1070]  }
0x508: {  	v63 =	vld [tilespmem:s9+$0x1070];
	[tilespmem:s14+$0x60] =	vst v59;
	v17 =	vadd.f32 v61, v60  }
0x509: {  	v18 =	vld [tilespmem:s10+$0x1070]  }
0x50a: {  	v19 =	vld [tilespmem:s18+$0x1070];
	[tilespmem:s3+$0x60] =	vst v17  }
0x50b: {  	v20 =	vmul.f32 v57, v0;
	v21 =	vmul.f32 v58, v1;
	v22 =	vld [tilespmem:s19+$0x1070]  }
0x50c: {  	v23 =	vld [tilespmem:s11+$0x1070]  }
0x50d: {  	v8 =	vadd.f32 v21, v20;
	v24 =	vmul.f32 v62, v2;
	v25 =	vmul.f32 v63, v3;
	_ =	sdelay $0x1  }
0x50e: {  	[tilespmem:s16+$0x70] =	vst v8;
	v26 =	vadd.f32 v25, v24;
	v9 =	vmul.f32 v18, v4;
	v10 =	vmul.f32 v19, v5  }
0x50f: {  	v27 =	vld [tilespmem:s15+$0x1400]  }
0x510: {  	v28 =	vld [tilespmem:s5+$0x1400];
	[tilespmem:s13+$0x70] =	vst v26;
	v9 =	vadd.f32 v10, v9;
	v29 =	vmul.f32 v22, v6;
	v30 =	vmul.f32 v23, v7  }
0x511: {  	v31 =	vld [tilespmem:s8+$0x1400]  }
0x512: {  	v32 =	vld [tilespmem:s9+$0x1400];
	[tilespmem:s14+$0x70] =	vst v9;
	v10 =	vadd.f32 v30, v29  }
0x513: {  	v33 =	vld [tilespmem:s10+$0x1400]  }
0x514: {  	v34 =	vld [tilespmem:s18+$0x1400];
	[tilespmem:s3+$0x70] =	vst v10  }
0x515: {  	v11 =	vmul.f32 v27, v0;
	v8 =	vmul.f32 v28, v1;
	v35 =	vld [tilespmem:s19+$0x1400]  }
0x516: {  	v36 =	vld [tilespmem:s11+$0x1400]  }
0x517: {  	s7 =	sadd.s32 $0x10400, s7;
	v8 =	vadd.f32 v8, v11;
	v37 =	vmul.f32 v31, v2;
	v9 =	vmul.f32 v32, v3  }
0x518: {  	s16 =	sor.u32 s6, s7  }
0x519: {  	[tilespmem:s16+$0x0] =	vst v8;
	v38 =	vadd.f32 v9, v37;
	v39 =	vmul.f32 v33, v4;
	v10 =	vmul.f32 v34, v5  }
0x51a: {  	s2 =	sor.u32 s2, s7;
	v40 =	vld [tilespmem:s15+$0x1410]  }
0x51b: {  	v41 =	vld [tilespmem:s5+$0x1410];
	[tilespmem:s2+$0x0] =	vst v38;
	v42 =	vadd.f32 v10, v39;
	v43 =	vmul.f32 v35, v6;
	v44 =	vmul.f32 v36, v7  }
0x51c: {  	s30 =	sor.u32 s17, s7;
	v45 =	vld [tilespmem:s8+$0x1410]  }
0x51d: {  	v46 =	vld [tilespmem:s9+$0x1410];
	[tilespmem:s30+$0x0] =	vst v42;
	v47 =	vadd.f32 v44, v43  }
0x51e: {  	s4 =	sor.u32 s4, s7;
	v48 =	vld [tilespmem:s10+$0x1410]  }
0x51f: {  	v49 =	vld [tilespmem:s18+$0x1410];
	[tilespmem:s4+$0x0] =	vst v47  }
0x520: {  	v50 =	vmul.f32 v40, v0;
	v51 =	vmul.f32 v41, v1;
	v52 =	vld [tilespmem:s19+$0x1410]  }
0x521: {  	v53 =	vld [tilespmem:s11+$0x1410]  }
0x522: {  	v8 =	vadd.f32 v51, v50;
	v54 =	vmul.f32 v45, v2;
	v55 =	vmul.f32 v46, v3;
	_ =	sdelay $0x1  }
0x523: {  	[tilespmem:s16+$0x10] =	vst v8;
	v56 =	vadd.f32 v55, v54;
	v9 =	vmul.f32 v48, v4;
	v10 =	vmul.f32 v49, v5  }
0x524: {  	v57 =	vld [tilespmem:s15+$0x1420]  }
0x525: {  	v58 =	vld [tilespmem:s5+$0x1420];
	[tilespmem:s2+$0x10] =	vst v56;
	v59 =	vadd.f32 v10, v9;
	v60 =	vmul.f32 v52, v6;
	v61 =	vmul.f32 v53, v7  }
0x526: {  	v62 =	vld [tilespmem:s8+$0x1420]  }
0x527: {  	v63 =	vld [tilespmem:s9+$0x1420];
	[tilespmem:s30+$0x10] =	vst v59;
	v17 =	vadd.f32 v61, v60  }
0x528: {  	v18 =	vld [tilespmem:s10+$0x1420]  }
0x529: {  	v19 =	vld [tilespmem:s18+$0x1420];
	[tilespmem:s4+$0x10] =	vst v17  }
0x52a: {  	v20 =	vmul.f32 v57, v0;
	v21 =	vmul.f32 v58, v1;
	v22 =	vld [tilespmem:s19+$0x1420]  }
0x52b: {  	v23 =	vld [tilespmem:s11+$0x1420]  }
0x52c: {  	v8 =	vadd.f32 v21, v20;
	v24 =	vmul.f32 v62, v2;
	v25 =	vmul.f32 v63, v3;
	_ =	sdelay $0x1  }
0x52d: {  	[tilespmem:s16+$0x20] =	vst v8;
	v26 =	vadd.f32 v25, v24;
	v9 =	vmul.f32 v18, v4;
	v10 =	vmul.f32 v19, v5  }
0x52e: {  	v27 =	vld [tilespmem:s15+$0x1430]  }
0x52f: {  	v28 =	vld [tilespmem:s5+$0x1430];
	[tilespmem:s2+$0x20] =	vst v26;
	v29 =	vadd.f32 v10, v9;
	v30 =	vmul.f32 v22, v6;
	v31 =	vmul.f32 v23, v7  }
0x530: {  	v32 =	vld [tilespmem:s8+$0x1430]  }
0x531: {  	v33 =	vld [tilespmem:s9+$0x1430];
	[tilespmem:s30+$0x20] =	vst v29;
	v34 =	vadd.f32 v31, v30  }
0x532: {  	v35 =	vld [tilespmem:s10+$0x1430]  }
0x533: {  	v36 =	vld [tilespmem:s18+$0x1430];
	[tilespmem:s4+$0x20] =	vst v34  }
0x534: {  	v37 =	vmul.f32 v27, v0;
	v38 =	vmul.f32 v28, v1;
	v39 =	vld [tilespmem:s19+$0x1430]  }
0x535: {  	v40 =	vld [tilespmem:s11+$0x1430]  }
0x536: {  	v8 =	vadd.f32 v38, v37;
	v41 =	vmul.f32 v32, v2;
	v42 =	vmul.f32 v33, v3;
	_ =	sdelay $0x1  }
0x537: {  	[tilespmem:s16+$0x30] =	vst v8;
	v43 =	vadd.f32 v42, v41;
	v9 =	vmul.f32 v35, v4;
	v10 =	vmul.f32 v36, v5  }
0x538: {  	v44 =	vld [tilespmem:s15+$0x1440]  }
0x539: {  	v45 =	vld [tilespmem:s5+$0x1440];
	[tilespmem:s2+$0x30] =	vst v43;
	v46 =	vadd.f32 v10, v9;
	v47 =	vmul.f32 v39, v6;
	v48 =	vmul.f32 v40, v7  }
0x53a: {  	v49 =	vld [tilespmem:s8+$0x1440]  }
0x53b: {  	v50 =	vld [tilespmem:s9+$0x1440];
	[tilespmem:s30+$0x30] =	vst v46;
	v51 =	vadd.f32 v48, v47  }
0x53c: {  	v52 =	vld [tilespmem:s10+$0x1440]  }
0x53d: {  	v53 =	vld [tilespmem:s18+$0x1440];
	[tilespmem:s4+$0x30] =	vst v51  }
0x53e: {  	v54 =	vmul.f32 v44, v0;
	v55 =	vmul.f32 v45, v1;
	v56 =	vld [tilespmem:s19+$0x1440]  }
0x53f: {  	v57 =	vld [tilespmem:s11+$0x1440]  }
0x540: {  	v8 =	vadd.f32 v55, v54;
	v58 =	vmul.f32 v49, v2;
	v59 =	vmul.f32 v50, v3;
	_ =	sdelay $0x1  }
0x541: {  	[tilespmem:s16+$0x40] =	vst v8;
	v60 =	vadd.f32 v59, v58;
	v9 =	vmul.f32 v52, v4;
	v10 =	vmul.f32 v53, v5  }
0x542: {  	v61 =	vld [tilespmem:s15+$0x1450]  }
0x543: {  	v62 =	vld [tilespmem:s5+$0x1450];
	[tilespmem:s2+$0x40] =	vst v60;
	v63 =	vadd.f32 v10, v9;
	v16 =	vmul.f32 v56, v6;
	v17 =	vmul.f32 v57, v7  }
0x544: {  	v18 =	vld [tilespmem:s8+$0x1450]  }
0x545: {  	v19 =	vld [tilespmem:s9+$0x1450];
	[tilespmem:s30+$0x40] =	vst v63;
	v20 =	vadd.f32 v17, v16  }
0x546: {  	v21 =	vld [tilespmem:s10+$0x1450]  }
0x547: {  	v22 =	vld [tilespmem:s18+$0x1450];
	[tilespmem:s4+$0x40] =	vst v20  }
0x548: {  	v24 =	vmul.f32 v62, v1;
	v23 =	vmul.f32 v61, v0;
	v25 =	vld [tilespmem:s19+$0x1450]  }
0x549: {  	v26 =	vld [tilespmem:s11+$0x1450]  }
0x54a: {  	v8 =	vadd.f32 v24, v23;
	v27 =	vmul.f32 v18, v2;
	v28 =	vmul.f32 v19, v3;
	_ =	sdelay $0x1  }
0x54b: {  	[tilespmem:s16+$0x50] =	vst v8;
	v29 =	vadd.f32 v28, v27;
	v9 =	vmul.f32 v21, v4;
	v10 =	vmul.f32 v22, v5  }
0x54c: {  	v30 =	vld [tilespmem:s15+$0x1460]  }
0x54d: {  	v31 =	vld [tilespmem:s5+$0x1460];
	[tilespmem:s2+$0x50] =	vst v29;
	v32 =	vadd.f32 v10, v9;
	v33 =	vmul.f32 v25, v6;
	v34 =	vmul.f32 v26, v7  }
0x54e: {  	v35 =	vld [tilespmem:s8+$0x1460]  }
0x54f: {  	v36 =	vld [tilespmem:s9+$0x1460];
	[tilespmem:s30+$0x50] =	vst v32;
	v37 =	vadd.f32 v34, v33  }
0x550: {  	v38 =	vld [tilespmem:s10+$0x1460]  }
0x551: {  	v39 =	vld [tilespmem:s18+$0x1460];
	[tilespmem:s4+$0x50] =	vst v37  }
0x552: {  	v40 =	vmul.f32 v30, v0;
	v41 =	vmul.f32 v31, v1;
	v42 =	vld [tilespmem:s19+$0x1460]  }
0x553: {  	v43 =	vld [tilespmem:s11+$0x1460]  }
0x554: {  	v8 =	vadd.f32 v41, v40;
	v44 =	vmul.f32 v35, v2;
	v45 =	vmul.f32 v36, v3;
	_ =	sdelay $0x1  }
0x555: {  	[tilespmem:s16+$0x60] =	vst v8;
	v46 =	vadd.f32 v45, v44;
	v9 =	vmul.f32 v38, v4;
	v10 =	vmul.f32 v39, v5  }
0x556: {  	v47 =	vld [tilespmem:s15+$0x1470]  }
0x557: {  	v48 =	vld [tilespmem:s5+$0x1470];
	[tilespmem:s2+$0x60] =	vst v46;
	v49 =	vadd.f32 v10, v9;
	v50 =	vmul.f32 v42, v6;
	v51 =	vmul.f32 v43, v7  }
0x558: {  	v52 =	vld [tilespmem:s8+$0x1470]  }
0x559: {  	v53 =	vld [tilespmem:s9+$0x1470];
	[tilespmem:s30+$0x60] =	vst v49;
	v54 =	vadd.f32 v51, v50  }
0x55a: {  	v55 =	vld [tilespmem:s10+$0x1470]  }
0x55b: {  	v56 =	vld [tilespmem:s18+$0x1470];
	[tilespmem:s4+$0x60] =	vst v54  }
0x55c: {  	v8 =	vld [tilespmem:s19+$0x1470]  }
0x55d: {  	v57 =	vld [tilespmem:s11+$0x1470];
	_ =	sdelay $0x1  }
0x55e: {  	v0 =	vmul.f32 v47, v0;
	v1 =	vmul.f32 v48, v1  }
0x55f: {  	v2 =	vmul.f32 v52, v2;
	v3 =	vmul.f32 v53, v3  }
0x560: {  	p0 =	slt.u32 s31, $0x3C;
	v0 =	vadd.f32 v1, v0;
	v58 =	vmul.f32 v55, v4;
	v59 =	vmul.f32 v56, v5  }
.Ltmp1:
0x561: {  	v2 =	vadd.f32 v3, v2;
	v60 =	vmul.f32 v8, v6;
	v61 =	vmul.f32 v57, v7;
	(pc) =	sbr.rel @p0 .LBB2_5-.Ltmp1, $4  }
0x562: {  	[tilespmem:s16+$0x70] =	vst v0;
	v62 =	vadd.f32 v59, v58  }
0x563: {  	[tilespmem:s2+$0x70] =	vst v2;
	v63 =	vadd.f32 v61, v60  }
0x564: {  	s22 =	sadd.s32 $0x4, s22;
	s23 =	sadd.s32 $0x4, s23;
	[tilespmem:s30+$0x70] =	vst v62  }
0x565: {  	s21 =	sadd.s32 $0x4, s21;
	s20 =	sadd.s32 $0x4, s20;
	s0 =	sadd.s32 $0x200, s0;
	[tilespmem:s4+$0x70] =	vst v63  }
0x566: {  	s0 =	rddreg [dreg:$0xf]  }
0x567: {  	s1 =	rddreg [dreg:$0x1]  }
0x568: {  	s20 =	rddreg [dreg:$0xb]  }
0x569: {  	s31 =	simm.s32 $0x0;
	s21 =	rddreg [dreg:$0xc]  }
0x56a: {  	s2 =	simm.s32 $0xF000;
	s29 =	sadd.s32 $0x1, s29;
	s22 =	rddreg [dreg:$0xd]  }
0x56b: {  	s23 =	rddreg [dreg:$0xe];
	s0 =	smul.u32 $0x1800, s0;
	p0 =	sne.s32 s29, $0x8  }
.Ltmp2:
0x56c: {  	s24 =	sadd.s32 $0x80, s24;
	s25 =	sadd.s32 $0x80, s25;
	(pc) =	sbr.rel @p0 .LBB2_2-.Ltmp2, $4  }
0x56d: {  	s26 =	sadd.s32 $0x80, s26;
	s28 =	sadd.s32 $0x80, s28;
	s0 =	sshrl.u32 s0, $0x3  }
0x56e: {  	s20 =	sadd.s32 $0x80, s20;
	s21 =	sadd.s32 $0x80, s21;
	s0 =	sadd.s32 s1, s0  }
0x56f: {  	s22 =	sadd.s32 $0x80, s22;
	s23 =	sadd.s32 $0x80, s23;
	s0 =	sadd.s32 $0x1800, s0  }
0x570: {  	[hbm4b:s0+s31] =	stream.linear.scatter [tilespmem:s2], [sflag:$0x1], $0xC000, $0x38;
	[tilespmem:$0x1C200] =	vst v63  }
0x571: {  	s1 =	simm.s32 $0x1  }
0x572: {  	_ =	swait.ge [sflag:s1], $0xC000  }
0x573: {  	[sflag:s1] =	ssyncset.done $0x0  }
0x574: {  	[sflag:s1] =	ssyncadd.s32 $0xFFFF4000  }
0x575: {  	_ =	swait.ge [sflag:s1], $0xC000  }
0x576: {  	s2 =	rddreg [dreg:$0xa]  }
0x577: {  	s0 =	rddreg [dreg:$0x9];
	s2 =	sadd.s32 $0x1, s2  }
0x578: {  	p0 =	sne.s32 s2, s0  }
.Ltmp3:
0x579: {  	_ = 	snop;
	(pc) =	sbr.rel @p0 .LBB2_1-.Ltmp3, $3  }
0x57a: {  	_ =	sdelay $0x1  }
0x57b: {  	[sflag:s1] =	ssyncset.done $0x0  }
0x57c: {  	[sflag:s1] =	ssyncadd.s32 $0xFFFF4000  }
0x57d: {  	_ =	sfence.sel $0x180000  }
0x57e: {  	[bflag:$0x0] =	sbarrier.arrive $0xFFFF  }
0x57f: {  	_ =	strace $0x90000047  }
0x580: {  	s0 =	stileid.u32;
	[bflag:$0x2] =	sbarrier.arrive $0xFFFF  }
0x581: {  	p0 =	sne.s32 s0, $0x0;
	s0 =	rddreg [dreg:$0x2]  }
0x582: {  	s0 =	sadd.s32 @!p0 $0x100000, s0  }
0x583: {  	[sflag:s0] =	ssyncadd.tile.s32 @!p0 $0x1;
	_ =	shalt  }
.Lfunc_end2:
_tile_overlayer_lowered:
.L_overlay_start_2:
0x584: {  	(tag) =	ssettag $0x2  }
0x585: {  	s0 =	rddreg [dreg:$0x0];
	s2 =	stileid.u32  }
0x586: {  	s1 =	rddreg [dreg:$0x1];
	p0 =	sne.s32 s2, $0x0  }
0x587: {  	s3 =	rddreg [dreg:$0x2];
	[bflag:$0x3] =	sbarrier.arrive $0xFFFF;
	s2 =	simm.s32 @!p0 $0x1C02  }
0x588: {  	[timem:s3], [sflag:s2] =	dma.local @!p0 [hbm:s0], s1  }
0x589: {  	s0 =	simm.s32 @!p0 $0x2  }
0x58a: {  	_ =	swait.ge @!p0 [sflag:s0], s1  }
0x58b: {  	s1 =	ssub.s32 @!p0 $0x0, s1;
	[sflag:s0] =	ssyncset.done @!p0 $0x0  }
0x58c: {  	[sflag:s0] =	ssyncadd.s32 @!p0 s1  }
0x58d: {  	[bflag:$0x3] =	sbarrier.arrive $0xFFFF  }
0x58e: {  	_ =	shalt  }

</sc_bundles>
